<compile_context>
chip_gen: v7x
topology: tpu7x:2x2x1
jax: 0.10.2.dev20260603
libtpu: 0.0.44.dev20260713+nightly
codegen_flags: <defaults>
</compile_context>

<pallas_src>
import functools
import jax
import jax.numpy as jnp
from jax import lax
from jax.experimental import pallas as pl
from jax.experimental.pallas import tpu as pltpu
from jax.experimental.pallas import tpu_sc as plsc

N = 10000
E = 320000
D = 128
H = 128
C = 40
G = 64

NC = 2
NS = 16
NW = NC * NS
EW = 128
NROWS = E // EW
CPW = NROWS // NW
NCH = CPW + 1
ZCH = 80
NZ = N // ZCH

RB = 2000
GRID = N // RB


@functools.cache
def _sc_kernels():
    mesh = plsc.VectorSubcoreMesh(core_axis_name="c", subcore_axis_name="s")

    deg_kernel = functools.partial(
        pl.kernel,
        out_type=jax.ShapeDtypeStruct((NC, N, H), jnp.float32),
        mesh=mesh,
        scratch_types=[
            pltpu.VMEM((NCH, 1, EW), jnp.int32),
            pltpu.VMEM((EW, H), jnp.float32),
            pltpu.VMEM((ZCH, H), jnp.float32),
            pltpu.VMEM_SHARED((N, H), jnp.float32),
            pltpu.SemaphoreType.DMA,
        ],
    )(_sc_degree_body)

    scat_kernel = functools.partial(
        pl.kernel,
        out_type=jax.ShapeDtypeStruct((NC, N, H), jnp.float32),
        mesh=mesh,
        scratch_types=[
            pltpu.VMEM((4 * EW,), jnp.int32),
            pltpu.VMEM((4 * EW,), jnp.int32),
            pltpu.VMEM((NCH, 1, EW), jnp.int32),
            pltpu.VMEM((EW, H), jnp.float32),
            pltpu.VMEM((EW, H), jnp.float32),
            pltpu.VMEM_SHARED((N, H), jnp.float32),
            pltpu.SemaphoreType.DMA,
            pltpu.SemaphoreType.DMA,
            pltpu.SemaphoreType.DMA,
            pltpu.SemaphoreType.DMA,
            pltpu.SemaphoreType.DMA,
            pltpu.SemaphoreType.DMA,
        ],
    )(_sc_scatter_body)

    return deg_kernel, scat_kernel


def _sc_degree_body(dst_hbm, out_hbm, didxb, ones_v, zbuf, dacc, sem0):
    cid = lax.axis_index("c")
    sid = lax.axis_index("s")
    wid = sid * NC + cid

    start = wid * CPW + jnp.minimum(wid, 4)
    ld = pltpu.async_copy(dst_hbm.at[pl.ds(start, CPW)],
                          didxb.at[pl.ds(0, CPW)], sem0)

    @pl.when(wid < 4)
    def _():
        pltpu.sync_copy(dst_hbm.at[start + CPW], didxb.at[CPW])

    @pl.loop(0, EW)
    def _(r):
        @pl.loop(0, H, step=16)
        def _(c):
            ones_v[r, pl.ds(c, 16)] = jnp.full((16,), 1.0, jnp.float32)

    @pl.loop(0, ZCH)
    def _(r):
        @pl.loop(0, H, step=16)
        def _(c):
            zbuf[r, pl.ds(c, 16)] = jnp.zeros((16,), jnp.float32)

    @pl.loop(sid, NZ, step=NS)
    def _(k):
        pltpu.sync_copy(zbuf, dacc.at[pl.ds(k * ZCH, ZCH)])

    ld.wait()
    plsc.subcore_barrier()

    @pl.loop(0, CPW)
    def _(k):
        pltpu.sync_copy(ones_v, dacc.at[didxb.at[k, 0]], add=True)

    @pl.when(wid < 4)
    def _():
        pltpu.sync_copy(ones_v, dacc.at[didxb.at[CPW, 0]], add=True)

    plsc.subcore_barrier()

    @pl.loop(sid, NZ, step=NS)
    def _(k):
        pltpu.sync_copy(dacc.at[pl.ds(k * ZCH, ZCH)],
                        out_hbm.at[cid, pl.ds(k * ZCH, ZCH)])


def _sc_scatter_body(y_hbm, src_hbm, dst_hbm, out_hbm, sbigA, sbigB,
                     didxb, rows0, rows1, acc,
                     semA, semB, semg0, semg1, semh0, semh1):
    cid = lax.axis_index("c")
    sid = lax.axis_index("s")
    wid = sid * NC + cid

    start = wid * CPW + jnp.minimum(wid, 4)
    nch = CPW + jnp.where(wid < 4, 1, 0)

    ldd = pltpu.async_copy(dst_hbm.at[pl.ds(start, CPW)],
                           didxb.at[pl.ds(0, CPW)], semg0)

    @pl.when(wid < 4)
    def _():
        pltpu.sync_copy(dst_hbm.at[start + CPW], didxb.at[CPW])

    @pl.loop(0, ZCH)
    def _(r):
        @pl.loop(0, H, step=16)
        def _(col):
            rows0[r, pl.ds(col, 16)] = jnp.zeros((16,), jnp.float32)

    @pl.loop(sid, NZ, step=NS)
    def _(k):
        pltpu.sync_copy(rows0.at[pl.ds(0, ZCH)],
                        acc.at[pl.ds(k * ZCH, ZCH)])

    ldd.wait()
    plsc.subcore_barrier()

    def idx4_load(c0, sbuf, sem):
        return pltpu.async_copy(src_hbm.at[pl.ds((start + c0) * EW, 4 * EW)],
                                sbuf, sem)

    def idx4_wait(sbuf, sem):
        pltpu.make_async_copy(src_hbm.at[pl.ds(0, 4 * EW)], sbuf, sem).wait()

    HEW = EW // 2

    def gather(sbuf, b, rows, sem, semh):
        ga = pltpu.async_copy(y_hbm.at[sbuf.at[pl.ds(b * EW, HEW)]],
                              rows.at[pl.ds(0, HEW)], sem)
        gb = pltpu.async_copy(y_hbm.at[sbuf.at[pl.ds(b * EW + HEW, HEW)]],
                              rows.at[pl.ds(HEW, HEW)], semh)
        return ga, gb

    def gather_dyn(sbuf, off, rows, sem):
        return pltpu.async_copy(y_hbm.at[sbuf.at[pl.ds(off * EW, EW)]],
                                rows, sem)

    def scatter_add(j, rows):
        pltpu.sync_copy(rows, acc.at[didxb.at[j, 0]], add=True)

    def process4(sbuf, j):
        g0a, g0b = gather(sbuf, 0, rows0, semg0, semh0)
        g1a, g1b = gather(sbuf, 1, rows1, semg1, semh1)
        g0a.wait()
        g0b.wait()
        scatter_add(j, rows0)
        g1a.wait()
        g1b.wait()
        g2a, g2b = gather(sbuf, 2, rows0, semg0, semh0)
        scatter_add(j + 1, rows1)
        g2a.wait()
        g2b.wait()
        g3a, g3b = gather(sbuf, 3, rows1, semg1, semh1)
        scatter_add(j + 2, rows0)
        g3a.wait()
        g3b.wait()
        scatter_add(j + 3, rows1)

    idx4_load(0, sbigA, semA)
    idx4_load(4, sbigB, semB)

    @pl.loop(0, CPW - 6, step=8)
    def _(j):
        idx4_wait(sbigA, semA)
        process4(sbigA, j)
        idx4_load(j + 8, sbigA, semA)
        idx4_wait(sbigB, semB)
        process4(sbigB, j + 4)
        idx4_load(jnp.minimum(j + 12, nch - 4), sbigB, semB)

    idx4_wait(sbigA, semA)
    process4(sbigA, CPW - 6)
    idx4_wait(sbigB, semB)
    off0 = (CPW - 2) - (nch - 4)
    tg0 = gather_dyn(sbigB, off0, rows0, semg0)
    tg1 = gather_dyn(sbigB, off0 + 1, rows1, semg1)
    tg0.wait()
    scatter_add(CPW - 2, rows0)
    tg1.wait()
    scatter_add(CPW - 1, rows1)

    @pl.when(wid < 4)
    def _():
        gather_dyn(sbigB, 3, rows0, semg0).wait()
        scatter_add(CPW, rows0)

    plsc.subcore_barrier()

    @pl.loop(sid, NZ, step=NS)
    def _(k):
        pltpu.sync_copy(acc.at[pl.ds(k * ZCH, ZCH)],
                        out_hbm.at[cid, pl.ds(k * ZCH, ZCH)])



def _mm_body(x_ref, w_ref, o_ref):
    o_ref[...] = jnp.dot(x_ref[...], w_ref[...],
                         preferred_element_type=jnp.float32)


def _tc_matmul(x, W):
    return pl.pallas_call(
        _mm_body,
        grid=(GRID,),
        in_specs=[pl.BlockSpec((RB, D), lambda i: (i, 0)),
                  pl.BlockSpec((D, H), lambda i: (0, 0))],
        out_specs=pl.BlockSpec((RB, H), lambda i: (i, 0)),
        out_shape=jax.ShapeDtypeStruct((N, H), jnp.float32),
    )(x, W)


def _prep_body(degt_ref, xw_ref, dis_ref, y_ref):
    deg = jnp.sum(degt_ref[0] + degt_ref[1], axis=-1, keepdims=True)
    deg = deg * (1.0 / H) + 1.0
    dis = lax.rsqrt(deg)
    dis_ref[...] = dis
    y_ref[...] = xw_ref[...] * dis


def _tc_prep(degt, xw):
    return pl.pallas_call(
        _prep_body,
        grid=(GRID,),
        in_specs=[pl.BlockSpec((NC, RB, H), lambda i: (0, i, 0)),
                  pl.BlockSpec((RB, H), lambda i: (i, 0))],
        out_specs=[pl.BlockSpec((RB, 1), lambda i: (i, 0)),
                   pl.BlockSpec((RB, H), lambda i: (i, 0))],
        out_shape=[jax.ShapeDtypeStruct((N, 1), jnp.float32),
                   jax.ShapeDtypeStruct((N, H), jnp.float32)],
    )(degt, xw)


def _ln_relu(t, g, be):
    m = jnp.mean(t, axis=-1, keepdims=True)
    cen = t - m
    v = jnp.mean(cen * cen, axis=-1, keepdims=True)
    h = cen * lax.rsqrt(v + 1e-5) * g + be
    return jnp.maximum(h, 0.0)


def _layer_body(acc_ref, y_ref, dis_ref, b_ref, g_ref, be_ref, w2_ref, y2_ref):
    dis = dis_ref[...]
    t = (acc_ref[0] + acc_ref[1] + y_ref[...]) * dis + b_ref[...]
    h = _ln_relu(t, g_ref[...], be_ref[...])
    y2_ref[...] = jnp.dot(h, w2_ref[...],
                          preferred_element_type=jnp.float32) * dis


def _tc_layer(acc, y, dis, b, g, be, W2):
    return pl.pallas_call(
        _layer_body,
        grid=(GRID,),
        in_specs=[pl.BlockSpec((NC, RB, H), lambda i: (0, i, 0)),
                  pl.BlockSpec((RB, H), lambda i: (i, 0)),
                  pl.BlockSpec((RB, 1), lambda i: (i, 0)),
                  pl.BlockSpec((1, H), lambda i: (0, 0)),
                  pl.BlockSpec((1, H), lambda i: (0, 0)),
                  pl.BlockSpec((1, H), lambda i: (0, 0)),
                  pl.BlockSpec((H, H), lambda i: (0, 0))],
        out_specs=pl.BlockSpec((RB, H), lambda i: (i, 0)),
        out_shape=jax.ShapeDtypeStruct((N, H), jnp.float32),
    )(acc, y, dis, b, g, be, W2)


def _final_body(acc_ref, y_ref, dis_ref, b_ref, g_ref, be_ref, bf_ref,
                wl_ref, bl_ref, o_ref, psum, pcnt):
    i = pl.program_id(0)

    @pl.when(i == 0)
    def _():
        psum[...] = jnp.zeros_like(psum)
        pcnt[...] = jnp.zeros_like(pcnt)

    dis = dis_ref[...]
    t = (acc_ref[0] + acc_ref[1] + y_ref[...]) * dis + b_ref[...]
    h = _ln_relu(t, g_ref[...], be_ref[...])

    gids = lax.broadcasted_iota(jnp.int32, (RB, G), 1)
    onehot = (bf_ref[...] == gids).astype(jnp.float32)
    psum[...] += lax.dot_general(onehot, h, (((0,), (0,)), ((), ())),
                                 preferred_element_type=jnp.float32)
    pcnt[...] += lax.dot_general(onehot, jnp.ones((RB, H), jnp.float32),
                                 (((0,), (0,)), ((), ())),
                                 preferred_element_type=jnp.float32)

    @pl.when(i == GRID - 1)
    def _():
        pooled = psum[...] / jnp.maximum(pcnt[...], 1.0)
        o_ref[...] = jnp.dot(pooled, wl_ref[...],
                             preferred_element_type=jnp.float32) + bl_ref[...]


def _tc_final(acc, y, dis, b, g, be, bf, Wl, bl):
    return pl.pallas_call(
        _final_body,
        grid=(GRID,),
        in_specs=[pl.BlockSpec((NC, RB, H), lambda i: (0, i, 0)),
                  pl.BlockSpec((RB, H), lambda i: (i, 0)),
                  pl.BlockSpec((RB, 1), lambda i: (i, 0)),
                  pl.BlockSpec((1, H), lambda i: (0, 0)),
                  pl.BlockSpec((1, H), lambda i: (0, 0)),
                  pl.BlockSpec((1, H), lambda i: (0, 0)),
                  pl.BlockSpec((RB, 1), lambda i: (i, 0)),
                  pl.BlockSpec((H, C), lambda i: (0, 0)),
                  pl.BlockSpec((1, C), lambda i: (0, 0))],
        out_specs=pl.BlockSpec((G, C), lambda i: (0, 0)),
        out_shape=jax.ShapeDtypeStruct((G, C), jnp.float32),
        scratch_shapes=[pltpu.VMEM((G, H), jnp.float32),
                        pltpu.VMEM((G, H), jnp.float32)],
    )(acc, y, dis, b, g, be, bf, Wl, bl)



def kernel(x, edge_index, batch, W1, b1, g1, be1, W2, b2, g2, be2, Wl, bl):
    src = edge_index[0]
    dst = edge_index[1].reshape(NROWS, 1, EW)
    bf = batch.reshape(N, 1)
    b1r, g1r, be1r = b1.reshape(1, H), g1.reshape(1, H), be1.reshape(1, H)
    b2r, g2r, be2r = b2.reshape(1, H), g2.reshape(1, H), be2.reshape(1, H)
    blr = bl.reshape(1, C)

    sc_degree, sc_scatter = _sc_kernels()

    degt = sc_degree(dst)
    xw1 = _tc_matmul(x, W1)
    dis, y1 = _tc_prep(degt, xw1)
    acc1 = sc_scatter(y1, src, dst)
    y2 = _tc_layer(acc1, y1, dis, b1r, g1r, be1r, W2)
    acc2 = sc_scatter(y2, src, dst)
    return _tc_final(acc2, y2, dis, b2r, g2r, be2r, bf, Wl, blr)

# --- scband reference (transcript-rebuilt; emitter-appended) ---
"""Pipeline reference for scband-gcn-15504831939241 (READ-ONLY COPY).

The authoritative reference and input builder live on the scoring server;
editing this copy changes nothing except your own understanding.
"""

import jax, jax.numpy as jnp
import numpy as np

N = 10000
E = 320000
D = 128
H = 128
C = 40
G = 64


def layer_norm(x, g, b):
    m = jnp.mean(x, axis=-1, keepdims=True)
    v = jnp.var(x, axis=-1, keepdims=True)
    return (x - m) / jnp.sqrt(v + 1e-5) * g + b


def gcn_conv(x, src, dst, W, b):
    n = x.shape[0]
    loop = jnp.arange(n, dtype=src.dtype)
    s = jnp.concatenate([src, loop])
    d = jnp.concatenate([dst, loop])
    deg = jnp.zeros((n,), x.dtype).at[d].add(1.0)
    dis = jnp.where(deg > 0, jax.lax.rsqrt(jnp.maximum(deg, 1e-12)), 0.0)
    norm = dis[s] * dis[d]
    xw = x @ W
    msg = xw[s] * norm[:, None]
    out = jnp.zeros((n, W.shape[1]), x.dtype).at[d].add(msg)
    return out + b


def setup_inputs(seed: int = 0) -> dict:
    key = jax.random.key(seed)
    ks = jax.random.split(key, 14)
    x = jax.random.normal(ks[0], (N, D), dtype=jnp.float32)
    edge_index = jax.random.randint(ks[1], (2, E), 0, N, dtype=jnp.int32)
    batch = jnp.sort(jax.random.randint(ks[2], (N,), 0, G, dtype=jnp.int32))
    W1 = jax.random.normal(ks[3], (D, H), dtype=jnp.float32) * 0.05
    b1 = jnp.zeros((H,), jnp.float32)
    g1 = jnp.ones((H,), jnp.float32)
    be1 = jnp.zeros((H,), jnp.float32)
    W2 = jax.random.normal(ks[4], (H, H), dtype=jnp.float32) * 0.05
    b2 = jnp.zeros((H,), jnp.float32)
    g2 = jnp.ones((H,), jnp.float32)
    be2 = jnp.zeros((H,), jnp.float32)
    Wl = jax.random.normal(ks[5], (H, C), dtype=jnp.float32) * 0.05
    bl = jnp.zeros((C,), jnp.float32)
    return {"x": x, "edge_index": edge_index, "batch": batch,
            "W1": W1, "b1": b1, "g1": g1, "be1": be1,
            "W2": W2, "b2": b2, "g2": g2, "be2": be2,
            "Wl": Wl, "bl": bl}


def reference(x, edge_index, batch, W1, b1, g1, be1, W2, b2, g2, be2, Wl, bl):
    src, dst = edge_index[0], edge_index[1]
    h = gcn_conv(x, src, dst, W1, b1)
    h = layer_norm(h, g1, be1)
    h = jax.nn.relu(h)
    # dropout is identity in eval mode
    h = gcn_conv(h, src, dst, W2, b2)
    h = layer_norm(h, g2, be2)
    h = jax.nn.relu(h)
    sums = jax.ops.segment_sum(h, batch, num_segments=G)
    cnt = jax.ops.segment_sum(jnp.ones((h.shape[0], 1), h.dtype), batch, num_segments=G)
    pooled = sums / jnp.maximum(cnt, 1.0)
    return pooled @ Wl + bl

if __name__ == "__main__":
    import jax
    _d = setup_inputs()
    print(jax.jit(kernel)(*tuple(_d.values())))

</pallas_src>

<mosaic_0001>
#map = affine_map<(d0, d1) -> (0, 0, 0)>
module attributes {stable_mosaic.version = 14 : i64} {
  func.func @_sc_degree_body(%arg0: i32, %arg1: i32, %arg2: memref<2500x1x128xi32, #tpu.memory_space<hbm>>, %arg3: memref<2x10000x128xf32, #tpu.memory_space<hbm>>, %arg4: memref<79x1x128xi32, #tpu.memory_space<vmem>>, %arg5: memref<128x128xf32, #tpu.memory_space<vmem>>, %arg6: memref<80x128xf32, #tpu.memory_space<vmem>>, %arg7: memref<10000x128xf32, #tpu.memory_space<vmem_shared>>, %arg8: memref<!tpu.dma_semaphore, #tpu.memory_space<semaphore_mem>>) attributes {dimension_semantics = [#tpu.dimension_semantics<core_parallel>, #tpu.dimension_semantics<subcore_parallel>], iteration_bounds = array<i64: 2, 16>, scalar_prefetch = 0 : i64, scratch_operands = 5 : i64, tpu.core_type = #tpu.core_type<sc_vector_subcore>, window_params = [{transform_indices = #map}, {transform_indices = #map}]} {
    %mul3A = arith.constant 2 : i32
    %mul3A_0 = arith.muli %arg1, %mul3A : i32
    %add3A = arith.addi %mul3A_0, %arg0 : i32
    %mul3A_1 = arith.constant 78 : i32
    %mul3A_2 = arith.muli %add3A, %mul3A_1 : i32
    %min3A = arith.constant 4 : i32
    %min3A_3 = arith.minsi %add3A, %min3A : i32
    %add3A_4 = arith.addi %mul3A_2, %min3A_3 : i32
    %dma_start3A = arith.constant 0 : i32
    %dma_start3A_5 = arith.constant 0 : i32
    %dma_start3A_6 = arith.constant 0 : i32
    %dma_start3A_7 = tpu.memref_slice %arg4[%dma_start3A, %dma_start3A_5, %dma_start3A_6] : memref<79x1x128xi32, #tpu.memory_space<vmem>> -> memref<78x1x128xi32, #tpu.memory_space<vmem>>
    %dma_start3A_8 = arith.constant 0 : i32
    %dma_start3A_9 = arith.constant 0 : i32
    %dma_start3A_10 = tpu.memref_slice %arg2[%add3A_4, %dma_start3A_8, %dma_start3A_9] : memref<2500x1x128xi32, #tpu.memory_space<hbm>> -> memref<78x1x128xi32, #tpu.memory_space<hbm>>
    %dma_start3A_11 = arith.constant 0 : i32
    %dma_start3A_12 = arith.constant 0 : i32
    %dma_start3A_13 = arith.constant 0 : i32
    %dma_start3A_14 = tpu.memref_slice %arg4[%dma_start3A_11, %dma_start3A_12, %dma_start3A_13] : memref<79x1x128xi32, #tpu.memory_space<vmem>> -> memref<78x1x128xi32, #tpu.memory_space<vmem>>
    %dma_start3A_15 = arith.constant 0 : i32
    %dma_start3A_16 = arith.constant 0 : i32
    %dma_start3A_17 = tpu.memref_slice %arg2[%add3A_4, %dma_start3A_15, %dma_start3A_16] : memref<2500x1x128xi32, #tpu.memory_space<hbm>> -> memref<78x1x128xi32, #tpu.memory_space<hbm>>
    tpu.enqueue_dma source(%dma_start3A_17 : memref<78x1x128xi32, #tpu.memory_space<hbm>>) target(%dma_start3A_14 : memref<78x1x128xi32, #tpu.memory_space<vmem>>) target_semaphore(%arg8 : memref<!tpu.dma_semaphore, #tpu.memory_space<semaphore_mem>>)
    %lt3A = arith.constant 4 : i32
    %lt3A_18 = arith.cmpi slt, %add3A, %lt3A : i32
    %convert_element_type3A = arith.extui %lt3A_18 : i1 to i32
    %cond3A = arith.constant 0 : i32
    %cond3A_19 = arith.cmpi ne, %convert_element_type3A, %cond3A : i32
    scf.if %cond3A_19 {
      %add3A_86 = arith.constant 78 : i32
      %add3A_87 = arith.addi %add3A_4, %add3A_86 : i32
      %run_scoped3A = arith.constant 78 : i32
      "tpu.region"() ({
        %run_scoped3A_88 = tpu.sem_alloc : memref<!tpu.dma_semaphore, #tpu.memory_space<semaphore_mem>>
        %dma_start3A_89 = arith.constant 0 : i32
        %dma_start3A_90 = arith.constant 0 : i32
        %dma_start3A_91 = tpu.memref_slice %arg4[%run_scoped3A, %dma_start3A_89, %dma_start3A_90] : memref<79x1x128xi32, #tpu.memory_space<vmem>> -> memref<1x1x128xi32, #tpu.memory_space<vmem>>
        %dma_start3A_92 = tpu.memref_squeeze %dma_start3A_91 : memref<1x1x128xi32, #tpu.memory_space<vmem>> -> memref<1x128xi32, #tpu.memory_space<vmem>>
        %dma_start3A_93 = arith.constant 0 : i32
        %dma_start3A_94 = arith.constant 0 : i32
        %dma_start3A_95 = tpu.memref_slice %arg2[%add3A_87, %dma_start3A_93, %dma_start3A_94] : memref<2500x1x128xi32, #tpu.memory_space<hbm>> -> memref<1x1x128xi32, #tpu.memory_space<hbm>>
        %dma_start3A_96 = tpu.memref_squeeze %dma_start3A_95 : memref<1x1x128xi32, #tpu.memory_space<hbm>> -> memref<1x128xi32, #tpu.memory_space<hbm>>
        %dma_start3A_97 = arith.constant 0 : i32
        %dma_start3A_98 = arith.constant 0 : i32
        %dma_start3A_99 = tpu.memref_slice %arg4[%run_scoped3A, %dma_start3A_97, %dma_start3A_98] : memref<79x1x128xi32, #tpu.memory_space<vmem>> -> memref<1x1x128xi32, #tpu.memory_space<vmem>>
        %dma_start3A_100 = tpu.memref_squeeze %dma_start3A_99 : memref<1x1x128xi32, #tpu.memory_space<vmem>> -> memref<1x128xi32, #tpu.memory_space<vmem>>
        %dma_start3A_101 = arith.constant 0 : i32
        %dma_start3A_102 = arith.constant 0 : i32
        %dma_start3A_103 = tpu.memref_slice %arg2[%add3A_87, %dma_start3A_101, %dma_start3A_102] : memref<2500x1x128xi32, #tpu.memory_space<hbm>> -> memref<1x1x128xi32, #tpu.memory_space<hbm>>
        %dma_start3A_104 = tpu.memref_squeeze %dma_start3A_103 : memref<1x1x128xi32, #tpu.memory_space<hbm>> -> memref<1x128xi32, #tpu.memory_space<hbm>>
        tpu.enqueue_dma source(%dma_start3A_104 : memref<1x128xi32, #tpu.memory_space<hbm>>) target(%dma_start3A_100 : memref<1x128xi32, #tpu.memory_space<vmem>>) target_semaphore(%run_scoped3A_88 : memref<!tpu.dma_semaphore, #tpu.memory_space<semaphore_mem>>)
        %dma_wait3A_105 = arith.constant 0 : i32
        %dma_wait3A_106 = arith.constant 0 : i32
        %dma_wait3A_107 = tpu.memref_slice %arg4[%run_scoped3A, %dma_wait3A_105, %dma_wait3A_106] : memref<79x1x128xi32, #tpu.memory_space<vmem>> -> memref<1x1x128xi32, #tpu.memory_space<vmem>>
        %dma_wait3A_108 = tpu.memref_squeeze %dma_wait3A_107 : memref<1x1x128xi32, #tpu.memory_space<vmem>> -> memref<1x128xi32, #tpu.memory_space<vmem>>
        %dma_wait3A_109 = arith.constant 0 : i32
        %dma_wait3A_110 = arith.constant 0 : i32
        %dma_wait3A_111 = tpu.memref_slice %arg2[%add3A_87, %dma_wait3A_109, %dma_wait3A_110] : memref<2500x1x128xi32, #tpu.memory_space<hbm>> -> memref<1x1x128xi32, #tpu.memory_space<hbm>>
        %dma_wait3A_112 = tpu.memref_squeeze %dma_wait3A_111 : memref<1x1x128xi32, #tpu.memory_space<hbm>> -> memref<1x128xi32, #tpu.memory_space<hbm>>
        %dma_wait3A_113 = arith.constant 0 : i32
        %dma_wait3A_114 = arith.constant 0 : i32
        %dma_wait3A_115 = tpu.memref_slice %arg4[%run_scoped3A, %dma_wait3A_113, %dma_wait3A_114] : memref<79x1x128xi32, #tpu.memory_space<vmem>> -> memref<1x1x128xi32, #tpu.memory_space<vmem>>
        %dma_wait3A_116 = tpu.memref_squeeze %dma_wait3A_115 : memref<1x1x128xi32, #tpu.memory_space<vmem>> -> memref<1x128xi32, #tpu.memory_space<vmem>>
        %dma_wait3A_117 = arith.constant 0 : i32
        %dma_wait3A_118 = arith.constant 0 : i32
        %dma_wait3A_119 = tpu.memref_slice %arg2[%add3A_87, %dma_wait3A_117, %dma_wait3A_118] : memref<2500x1x128xi32, #tpu.memory_space<hbm>> -> memref<1x1x128xi32, #tpu.memory_space<hbm>>
        %dma_wait3A_120 = tpu.memref_squeeze %dma_wait3A_119 : memref<1x1x128xi32, #tpu.memory_space<hbm>> -> memref<1x128xi32, #tpu.memory_space<hbm>>
        tpu.wait_dma2 semaphore(%run_scoped3A_88 : memref<!tpu.dma_semaphore, #tpu.memory_space<semaphore_mem>>) src(%dma_wait3A_120 : memref<1x128xi32, #tpu.memory_space<hbm>>) dst(%dma_wait3A_116 : memref<1x128xi32, #tpu.memory_space<vmem>>)
        tpu.yield
      }) : () -> ()
    } else {
    }
    %scan3A = arith.constant 0 : i32
    %scan3A_20 = arith.constant 128 : i32
    %scan3A_21 = arith.addi %scan3A, %scan3A_20 : i32
    %scan3A_22 = arith.constant 1 : i32
    scf.for %scan3A_86 = %scan3A to %scan3A_21 step %scan3A_22  : i32 {
      %mul3A_87 = arith.constant 1 : i32
      %mul3A_88 = arith.muli %scan3A_86, %mul3A_87 : i32
      %add3A_89 = arith.constant 0 : i32
      %add3A_90 = arith.addi %add3A_89, %mul3A_88 : i32
      %scan3A_91 = arith.constant 0 : i32
      %scan3A_92 = arith.constant 8 : i32
      %scan3A_93 = arith.addi %scan3A_91, %scan3A_92 : i32
      %scan3A_94 = arith.constant 1 : i32
      scf.for %scan3A_96 = %scan3A_91 to %scan3A_93 step %scan3A_94  : i32 {
        %mul3A_97 = arith.constant 16 : i32
        %mul3A_98 = arith.muli %scan3A_96, %mul3A_97 : i32
        %add3A_99 = arith.constant 0 : i32
        %add3A_100 = arith.addi %add3A_99, %mul3A_98 : i32
        %broadcast_in_dim3A = arith.constant 1.000000e+00 : f32
        %broadcast_in_dim3A_101 = vector.broadcast %broadcast_in_dim3A : f32 to vector<16xf32>
        %swap3A = arith.index_cast %add3A_90 : i32 to index
        %swap3A_102 = arith.index_cast %add3A_100 : i32 to index
        %swap3A_103 = tpu.vector_load %arg5[%swap3A, %swap3A_102] {strides = array<i32>} : memref<128x128xf32, #tpu.memory_space<vmem>>, vector<1x16xf32>,
        %swap3A_104 = vector.shape_cast %swap3A_103 : vector<1x16xf32> to vector<16xf32>
        %swap3A_105 = vector.shape_cast %broadcast_in_dim3A_101 : vector<16xf32> to vector<1x16xf32>
        tpu.vector_store %arg5[%swap3A, %swap3A_102], %swap3A_105 {strides = array<i32>} : memref<128x128xf32, #tpu.memory_space<vmem>>, vector<1x16xf32>,
      }
      %scan3A_95 = arith.constant 8 : i32
    }
    %scan3A_23 = arith.constant 128 : i32
    %scan3A_24 = arith.constant 0 : i32
    %scan3A_25 = arith.constant 80 : i32
    %scan3A_26 = arith.addi %scan3A_24, %scan3A_25 : i32
    %scan3A_27 = arith.constant 1 : i32
    scf.for %scan3A_86 = %scan3A_24 to %scan3A_26 step %scan3A_27  : i32 {
      %mul3A_87 = arith.constant 1 : i32
      %mul3A_88 = arith.muli %scan3A_86, %mul3A_87 : i32
      %add3A_89 = arith.constant 0 : i32
      %add3A_90 = arith.addi %add3A_89, %mul3A_88 : i32
      %scan3A_91 = arith.constant 0 : i32
      %scan3A_92 = arith.constant 8 : i32
      %scan3A_93 = arith.addi %scan3A_91, %scan3A_92 : i32
      %scan3A_94 = arith.constant 1 : i32
      scf.for %scan3A_96 = %scan3A_91 to %scan3A_93 step %scan3A_94  : i32 {
        %mul3A_97 = arith.constant 16 : i32
        %mul3A_98 = arith.muli %scan3A_96, %mul3A_97 : i32
        %add3A_99 = arith.constant 0 : i32
        %add3A_100 = arith.addi %add3A_99, %mul3A_98 : i32
        %broadcast_in_dim3A = arith.constant 0.000000e+00 : f32
        %broadcast_in_dim3A_101 = vector.broadcast %broadcast_in_dim3A : f32 to vector<16xf32>
        %swap3A = arith.index_cast %add3A_90 : i32 to index
        %swap3A_102 = arith.index_cast %add3A_100 : i32 to index
        %swap3A_103 = tpu.vector_load %arg6[%swap3A, %swap3A_102] {strides = array<i32>} : memref<80x128xf32, #tpu.memory_space<vmem>>, vector<1x16xf32>,
        %swap3A_104 = vector.shape_cast %swap3A_103 : vector<1x16xf32> to vector<16xf32>
        %swap3A_105 = vector.shape_cast %broadcast_in_dim3A_101 : vector<16xf32> to vector<1x16xf32>
        tpu.vector_store %arg6[%swap3A, %swap3A_102], %swap3A_105 {strides = array<i32>} : memref<80x128xf32, #tpu.memory_space<vmem>>, vector<1x16xf32>,
      }
      %scan3A_95 = arith.constant 8 : i32
    }
    %scan3A_28 = arith.constant 80 : i32
    %sub3A = arith.constant 125 : i32
    %sub3A_29 = arith.subi %sub3A, %arg1 : i32
    %sub3A_30 = arith.constant 16 : i32
    %sub3A_31 = arith.constant 1 : i32
    %sub3A_32 = arith.subi %sub3A_30, %sub3A_31 : i32
    %add3A_33 = arith.addi %sub3A_29, %sub3A_32 : i32
    %div3A = arith.constant 16 : i32
    %div3A_34 = arith.divsi %add3A_33, %div3A : i32
    %while3A = arith.constant 16 : i32
    %while3A_35 = arith.constant 0 : i32
    %while3A_36 = arith.subi %div3A_34, %while3A_35 : i32
    %while3A_37 = arith.addi %while3A_35, %while3A_36 : i32
    %while3A_38 = arith.constant 1 : i32
    %while3A_39 = arith.divsi %while3A_36, %while3A_38 : i32
    %while3A_40 = arith.muli %while3A_39, %while3A_38 : i32
    %while3A_41 = arith.addi %while3A_35, %while3A_40 : i32
    %while3A_42 = arith.constant 1 : i32
    scf.for %while3A_86 = %while3A_35 to %while3A_41 step %while3A_42  : i32 {
      %mul3A_87 = arith.muli %while3A_86, %while3A : i32
      %add3A_88 = arith.addi %arg1, %mul3A_87 : i32
      %mul3A_89 = arith.constant 80 : i32
      %mul3A_90 = arith.muli %add3A_88, %mul3A_89 : i32
      "tpu.region"() ({
        %run_scoped3A = tpu.sem_alloc : memref<!tpu.dma_semaphore, #tpu.memory_space<semaphore_mem>>
        %dma_start3A_91 = arith.constant 0 : i32
        %dma_start3A_92 = tpu.memref_slice %arg7[%mul3A_90, %dma_start3A_91] : memref<10000x128xf32, #tpu.memory_space<vmem_shared>> -> memref<80x128xf32, #tpu.memory_space<vmem_shared>>
        %dma_start3A_93 = arith.constant 0 : i32
        %dma_start3A_94 = tpu.memref_slice %arg7[%mul3A_90, %dma_start3A_93] : memref<10000x128xf32, #tpu.memory_space<vmem_shared>> -> memref<80x128xf32, #tpu.memory_space<vmem_shared>>
        tpu.enqueue_dma source(%arg6 : memref<80x128xf32, #tpu.memory_space<vmem>>) target(%dma_start3A_94 : memref<80x128xf32, #tpu.memory_space<vmem_shared>>) target_semaphore(%run_scoped3A : memref<!tpu.dma_semaphore, #tpu.memory_space<semaphore_mem>>)
        %dma_wait3A_95 = arith.constant 0 : i32
        %dma_wait3A_96 = tpu.memref_slice %arg7[%mul3A_90, %dma_wait3A_95] : memref<10000x128xf32, #tpu.memory_space<vmem_shared>> -> memref<80x128xf32, #tpu.memory_space<vmem_shared>>
        %dma_wait3A_97 = arith.constant 0 : i32
        %dma_wait3A_98 = tpu.memref_slice %arg7[%mul3A_90, %dma_wait3A_97] : memref<10000x128xf32, #tpu.memory_space<vmem_shared>> -> memref<80x128xf32, #tpu.memory_space<vmem_shared>>
        tpu.wait_dma2 semaphore(%run_scoped3A : memref<!tpu.dma_semaphore, #tpu.memory_space<semaphore_mem>>) src(%arg6 : memref<80x128xf32, #tpu.memory_space<vmem>>) dst(%dma_wait3A_98 : memref<80x128xf32, #tpu.memory_space<vmem_shared>>)
        tpu.yield
      }) : () -> ()
    }
    %while3A_43 = arith.constant 1 : i32
    scf.for %while3A_86 = %while3A_41 to %while3A_37 step %while3A_43  : i32 {
      %mul3A_87 = arith.muli %while3A_86, %while3A : i32
      %add3A_88 = arith.addi %arg1, %mul3A_87 : i32
      %mul3A_89 = arith.constant 80 : i32
      %mul3A_90 = arith.muli %add3A_88, %mul3A_89 : i32
      "tpu.region"() ({
        %run_scoped3A = tpu.sem_alloc : memref<!tpu.dma_semaphore, #tpu.memory_space<semaphore_mem>>
        %dma_start3A_91 = arith.constant 0 : i32
        %dma_start3A_92 = tpu.memref_slice %arg7[%mul3A_90, %dma_start3A_91] : memref<10000x128xf32, #tpu.memory_space<vmem_shared>> -> memref<80x128xf32, #tpu.memory_space<vmem_shared>>
        %dma_start3A_93 = arith.constant 0 : i32
        %dma_start3A_94 = tpu.memref_slice %arg7[%mul3A_90, %dma_start3A_93] : memref<10000x128xf32, #tpu.memory_space<vmem_shared>> -> memref<80x128xf32, #tpu.memory_space<vmem_shared>>
        tpu.enqueue_dma source(%arg6 : memref<80x128xf32, #tpu.memory_space<vmem>>) target(%dma_start3A_94 : memref<80x128xf32, #tpu.memory_space<vmem_shared>>) target_semaphore(%run_scoped3A : memref<!tpu.dma_semaphore, #tpu.memory_space<semaphore_mem>>)
        %dma_wait3A_95 = arith.constant 0 : i32
        %dma_wait3A_96 = tpu.memref_slice %arg7[%mul3A_90, %dma_wait3A_95] : memref<10000x128xf32, #tpu.memory_space<vmem_shared>> -> memref<80x128xf32, #tpu.memory_space<vmem_shared>>
        %dma_wait3A_97 = arith.constant 0 : i32
        %dma_wait3A_98 = tpu.memref_slice %arg7[%mul3A_90, %dma_wait3A_97] : memref<10000x128xf32, #tpu.memory_space<vmem_shared>> -> memref<80x128xf32, #tpu.memory_space<vmem_shared>>
        tpu.wait_dma2 semaphore(%run_scoped3A : memref<!tpu.dma_semaphore, #tpu.memory_space<semaphore_mem>>) src(%arg6 : memref<80x128xf32, #tpu.memory_space<vmem>>) dst(%dma_wait3A_98 : memref<80x128xf32, #tpu.memory_space<vmem_shared>>)
        tpu.yield
      }) : () -> ()
    }
    %dma_wait3A = arith.constant 0 : i32
    %dma_wait3A_44 = arith.constant 0 : i32
    %dma_wait3A_45 = arith.constant 0 : i32
    %dma_wait3A_46 = tpu.memref_slice %arg4[%dma_wait3A, %dma_wait3A_44, %dma_wait3A_45] : memref<79x1x128xi32, #tpu.memory_space<vmem>> -> memref<78x1x128xi32, #tpu.memory_space<vmem>>
    %dma_wait3A_47 = arith.constant 0 : i32
    %dma_wait3A_48 = arith.constant 0 : i32
    %dma_wait3A_49 = tpu.memref_slice %arg2[%add3A_4, %dma_wait3A_47, %dma_wait3A_48] : memref<2500x1x128xi32, #tpu.memory_space<hbm>> -> memref<78x1x128xi32, #tpu.memory_space<hbm>>
    %dma_wait3A_50 = arith.constant 0 : i32
    %dma_wait3A_51 = arith.constant 0 : i32
    %dma_wait3A_52 = arith.constant 0 : i32
    %dma_wait3A_53 = tpu.memref_slice %arg4[%dma_wait3A_50, %dma_wait3A_51, %dma_wait3A_52] : memref<79x1x128xi32, #tpu.memory_space<vmem>> -> memref<78x1x128xi32, #tpu.memory_space<vmem>>
    %dma_wait3A_54 = arith.constant 0 : i32
    %dma_wait3A_55 = arith.constant 0 : i32
    %dma_wait3A_56 = tpu.memref_slice %arg2[%add3A_4, %dma_wait3A_54, %dma_wait3A_55] : memref<2500x1x128xi32, #tpu.memory_space<hbm>> -> memref<78x1x128xi32, #tpu.memory_space<hbm>>
    tpu.wait_dma2 semaphore(%arg8 : memref<!tpu.dma_semaphore, #tpu.memory_space<semaphore_mem>>) src(%dma_wait3A_56 : memref<78x1x128xi32, #tpu.memory_space<hbm>>) dst(%dma_wait3A_53 : memref<78x1x128xi32, #tpu.memory_space<vmem>>)
    %barrier3A = arith.constant 0 : index
    tpu.barrier barrier_id(%barrier3A)
    %scan3A_57 = arith.constant 0 : i32
    %scan3A_58 = arith.constant 78 : i32
    %scan3A_59 = arith.addi %scan3A_57, %scan3A_58 : i32
    %scan3A_60 = arith.constant 1 : i32
    scf.for %scan3A_86 = %scan3A_57 to %scan3A_59 step %scan3A_60  : i32 {
      %mul3A_87 = arith.constant 1 : i32
      %mul3A_88 = arith.muli %scan3A_86, %mul3A_87 : i32
      %add3A_89 = arith.constant 0 : i32
      %add3A_90 = arith.addi %add3A_89, %mul3A_88 : i32
      %run_scoped3A = arith.constant 0 : i32
      "tpu.region"() ({
        %run_scoped3A_91 = tpu.sem_alloc : memref<!tpu.dma_semaphore, #tpu.memory_space<semaphore_mem>>
        %dma_start3A_92 = arith.constant 0 : i32
        %dma_start3A_93 = tpu.memref_slice %arg4[%add3A_90, %run_scoped3A, %dma_start3A_92] : memref<79x1x128xi32, #tpu.memory_space<vmem>> -> memref<1x1x128xi32, #tpu.memory_space<vmem>>
        %dma_start3A_94 = tpu.memref_squeeze %dma_start3A_93 : memref<1x1x128xi32, #tpu.memory_space<vmem>> -> memref<128xi32, #tpu.memory_space<vmem>>
        %dma_start3A_95 = arith.constant 0 : i32
        %dma_start3A_96 = arith.constant 0 : i32
        %dma_start3A_97 = tpu.memref_slice %arg7[%dma_start3A_95, %dma_start3A_96] : memref<10000x128xf32, #tpu.memory_space<vmem_shared>> -> memref<10000x128xf32, #tpu.memory_space<vmem_shared>>
        tpu.enqueue_indirect_dma source(%arg5 : memref<128x128xf32, #tpu.memory_space<vmem>>) target(%dma_start3A_97 : memref<10000x128xf32, #tpu.memory_space<vmem_shared>>) offsets(%dma_start3A_94 : memref<128xi32, #tpu.memory_space<vmem>>) semaphore(%run_scoped3A_91 : memref<!tpu.dma_semaphore, #tpu.memory_space<semaphore_mem>>) {add = true}
        %dma_wait3A_98 = arith.constant 0 : i32
        %dma_wait3A_99 = tpu.memref_slice %arg4[%add3A_90, %run_scoped3A, %dma_wait3A_98] : memref<79x1x128xi32, #tpu.memory_space<vmem>> -> memref<1x1x128xi32, #tpu.memory_space<vmem>>
        %dma_wait3A_100 = tpu.memref_squeeze %dma_wait3A_99 : memref<1x1x128xi32, #tpu.memory_space<vmem>> -> memref<128xi32, #tpu.memory_space<vmem>>
        %dma_wait3A_101 = arith.constant 0 : i32
        %dma_wait3A_102 = arith.constant 0 : i32
        %dma_wait3A_103 = tpu.memref_slice %arg7[%dma_wait3A_101, %dma_wait3A_102] : memref<10000x128xf32, #tpu.memory_space<vmem_shared>> -> memref<10000x128xf32, #tpu.memory_space<vmem_shared>>
        tpu.wait_indirect_dma semaphore(%run_scoped3A_91 : memref<!tpu.dma_semaphore, #tpu.memory_space<semaphore_mem>>) src(%arg5 : memref<128x128xf32, #tpu.memory_space<vmem>>) dst(%dma_wait3A_103 : memref<10000x128xf32, #tpu.memory_space<vmem_shared>>)
        tpu.yield
      }) : () -> ()
    }
    %scan3A_61 = arith.constant 78 : i32
    %lt3A_62 = arith.constant 4 : i32
    %lt3A_63 = arith.cmpi slt, %add3A, %lt3A_62 : i32
    %convert_element_type3A_64 = arith.extui %lt3A_63 : i1 to i32
    %cond3A_65 = arith.constant 0 : i32
    %cond3A_66 = arith.cmpi ne, %convert_element_type3A_64, %cond3A_65 : i32
    scf.if %cond3A_66 {
      %run_scoped3A = arith.constant 78 : i32
      %run_scoped3A_86 = arith.constant 0 : i32
      "tpu.region"() ({
        %run_scoped3A_87 = tpu.sem_alloc : memref<!tpu.dma_semaphore, #tpu.memory_space<semaphore_mem>>
        %dma_start3A_88 = arith.constant 0 : i32
        %dma_start3A_89 = tpu.memref_slice %arg4[%run_scoped3A, %run_scoped3A_86, %dma_start3A_88] : memref<79x1x128xi32, #tpu.memory_space<vmem>> -> memref<1x1x128xi32, #tpu.memory_space<vmem>>
        %dma_start3A_90 = tpu.memref_squeeze %dma_start3A_89 : memref<1x1x128xi32, #tpu.memory_space<vmem>> -> memref<128xi32, #tpu.memory_space<vmem>>
        %dma_start3A_91 = arith.constant 0 : i32
        %dma_start3A_92 = arith.constant 0 : i32
        %dma_start3A_93 = tpu.memref_slice %arg7[%dma_start3A_91, %dma_start3A_92] : memref<10000x128xf32, #tpu.memory_space<vmem_shared>> -> memref<10000x128xf32, #tpu.memory_space<vmem_shared>>
        tpu.enqueue_indirect_dma source(%arg5 : memref<128x128xf32, #tpu.memory_space<vmem>>) target(%dma_start3A_93 : memref<10000x128xf32, #tpu.memory_space<vmem_shared>>) offsets(%dma_start3A_90 : memref<128xi32, #tpu.memory_space<vmem>>) semaphore(%run_scoped3A_87 : memref<!tpu.dma_semaphore, #tpu.memory_space<semaphore_mem>>) {add = true}
        %dma_wait3A_94 = arith.constant 0 : i32
        %dma_wait3A_95 = tpu.memref_slice %arg4[%run_scoped3A, %run_scoped3A_86, %dma_wait3A_94] : memref<79x1x128xi32, #tpu.memory_space<vmem>> -> memref<1x1x128xi32, #tpu.memory_space<vmem>>
        %dma_wait3A_96 = tpu.memref_squeeze %dma_wait3A_95 : memref<1x1x128xi32, #tpu.memory_space<vmem>> -> memref<128xi32, #tpu.memory_space<vmem>>
        %dma_wait3A_97 = arith.constant 0 : i32
        %dma_wait3A_98 = arith.constant 0 : i32
        %dma_wait3A_99 = tpu.memref_slice %arg7[%dma_wait3A_97, %dma_wait3A_98] : memref<10000x128xf32, #tpu.memory_space<vmem_shared>> -> memref<10000x128xf32, #tpu.memory_space<vmem_shared>>
        tpu.wait_indirect_dma semaphore(%run_scoped3A_87 : memref<!tpu.dma_semaphore, #tpu.memory_space<semaphore_mem>>) src(%arg5 : memref<128x128xf32, #tpu.memory_space<vmem>>) dst(%dma_wait3A_99 : memref<10000x128xf32, #tpu.memory_space<vmem_shared>>)
        tpu.yield
      }) : () -> ()
    } else {
    }
    %barrier3A_67 = arith.constant 0 : index
    tpu.barrier barrier_id(%barrier3A_67)
    %sub3A_68 = arith.constant 125 : i32
    %sub3A_69 = arith.subi %sub3A_68, %arg1 : i32
    %sub3A_70 = arith.constant 16 : i32
    %sub3A_71 = arith.constant 1 : i32
    %sub3A_72 = arith.subi %sub3A_70, %sub3A_71 : i32
    %add3A_73 = arith.addi %sub3A_69, %sub3A_72 : i32
    %div3A_74 = arith.constant 16 : i32
    %div3A_75 = arith.divsi %add3A_73, %div3A_74 : i32
    %while3A_76 = arith.constant 16 : i32
    %while3A_77 = arith.constant 0 : i32
    %while3A_78 = arith.subi %div3A_75, %while3A_77 : i32
    %while3A_79 = arith.addi %while3A_77, %while3A_78 : i32
    %while3A_80 = arith.constant 1 : i32
    %while3A_81 = arith.divsi %while3A_78, %while3A_80 : i32
    %while3A_82 = arith.muli %while3A_81, %while3A_80 : i32
    %while3A_83 = arith.addi %while3A_77, %while3A_82 : i32
    %while3A_84 = arith.constant 1 : i32
    scf.for %while3A_86 = %while3A_77 to %while3A_83 step %while3A_84  : i32 {
      %mul3A_87 = arith.muli %while3A_86, %while3A_76 : i32
      %add3A_88 = arith.addi %arg1, %mul3A_87 : i32
      %mul3A_89 = arith.constant 80 : i32
      %mul3A_90 = arith.muli %add3A_88, %mul3A_89 : i32
      %mul3A_91 = arith.constant 80 : i32
      %mul3A_92 = arith.muli %add3A_88, %mul3A_91 : i32
      "tpu.region"() ({
        %run_scoped3A = tpu.sem_alloc : memref<!tpu.dma_semaphore, #tpu.memory_space<semaphore_mem>>
        %dma_start3A_93 = arith.constant 0 : i32
        %dma_start3A_94 = tpu.memref_slice %arg3[%arg0, %mul3A_92, %dma_start3A_93] : memref<2x10000x128xf32, #tpu.memory_space<hbm>> -> memref<1x80x128xf32, #tpu.memory_space<hbm>>
        %dma_start3A_95 = tpu.memref_squeeze %dma_start3A_94 : memref<1x80x128xf32, #tpu.memory_space<hbm>> -> memref<80x128xf32, #tpu.memory_space<hbm>>
        %dma_start3A_96 = arith.constant 0 : i32
        %dma_start3A_97 = tpu.memref_slice %arg7[%mul3A_90, %dma_start3A_96] : memref<10000x128xf32, #tpu.memory_space<vmem_shared>> -> memref<80x128xf32, #tpu.memory_space<vmem_shared>>
        tpu.enqueue_dma source(%dma_start3A_97 : memref<80x128xf32, #tpu.memory_space<vmem_shared>>) target(%dma_start3A_95 : memref<80x128xf32, #tpu.memory_space<hbm>>) target_semaphore(%run_scoped3A : memref<!tpu.dma_semaphore, #tpu.memory_space<semaphore_mem>>)
        %dma_wait3A_98 = arith.constant 0 : i32
        %dma_wait3A_99 = tpu.memref_slice %arg3[%arg0, %mul3A_92, %dma_wait3A_98] : memref<2x10000x128xf32, #tpu.memory_space<hbm>> -> memref<1x80x128xf32, #tpu.memory_space<hbm>>
        %dma_wait3A_100 = tpu.memref_squeeze %dma_wait3A_99 : memref<1x80x128xf32, #tpu.memory_space<hbm>> -> memref<80x128xf32, #tpu.memory_space<hbm>>
        %dma_wait3A_101 = arith.constant 0 : i32
        %dma_wait3A_102 = tpu.memref_slice %arg7[%mul3A_90, %dma_wait3A_101] : memref<10000x128xf32, #tpu.memory_space<vmem_shared>> -> memref<80x128xf32, #tpu.memory_space<vmem_shared>>
        tpu.wait_dma2 semaphore(%run_scoped3A : memref<!tpu.dma_semaphore, #tpu.memory_space<semaphore_mem>>) src(%dma_wait3A_102 : memref<80x128xf32, #tpu.memory_space<vmem_shared>>) dst(%dma_wait3A_100 : memref<80x128xf32, #tpu.memory_space<hbm>>)
        tpu.yield
      }) : () -> ()
    }
    %while3A_85 = arith.constant 1 : i32
    scf.for %while3A_86 = %while3A_83 to %while3A_79 step %while3A_85  : i32 {
      %mul3A_87 = arith.muli %while3A_86, %while3A_76 : i32
      %add3A_88 = arith.addi %arg1, %mul3A_87 : i32
      %mul3A_89 = arith.constant 80 : i32
      %mul3A_90 = arith.muli %add3A_88, %mul3A_89 : i32
      %mul3A_91 = arith.constant 80 : i32
      %mul3A_92 = arith.muli %add3A_88, %mul3A_91 : i32
      "tpu.region"() ({
        %run_scoped3A = tpu.sem_alloc : memref<!tpu.dma_semaphore, #tpu.memory_space<semaphore_mem>>
        %dma_start3A_93 = arith.constant 0 : i32
        %dma_start3A_94 = tpu.memref_slice %arg3[%arg0, %mul3A_92, %dma_start3A_93] : memref<2x10000x128xf32, #tpu.memory_space<hbm>> -> memref<1x80x128xf32, #tpu.memory_space<hbm>>
        %dma_start3A_95 = tpu.memref_squeeze %dma_start3A_94 : memref<1x80x128xf32, #tpu.memory_space<hbm>> -> memref<80x128xf32, #tpu.memory_space<hbm>>
        %dma_start3A_96 = arith.constant 0 : i32
        %dma_start3A_97 = tpu.memref_slice %arg7[%mul3A_90, %dma_start3A_96] : memref<10000x128xf32, #tpu.memory_space<vmem_shared>> -> memref<80x128xf32, #tpu.memory_space<vmem_shared>>
        tpu.enqueue_dma source(%dma_start3A_97 : memref<80x128xf32, #tpu.memory_space<vmem_shared>>) target(%dma_start3A_95 : memref<80x128xf32, #tpu.memory_space<hbm>>) target_semaphore(%run_scoped3A : memref<!tpu.dma_semaphore, #tpu.memory_space<semaphore_mem>>)
        %dma_wait3A_98 = arith.constant 0 : i32
        %dma_wait3A_99 = tpu.memref_slice %arg3[%arg0, %mul3A_92, %dma_wait3A_98] : memref<2x10000x128xf32, #tpu.memory_space<hbm>> -> memref<1x80x128xf32, #tpu.memory_space<hbm>>
        %dma_wait3A_100 = tpu.memref_squeeze %dma_wait3A_99 : memref<1x80x128xf32, #tpu.memory_space<hbm>> -> memref<80x128xf32, #tpu.memory_space<hbm>>
        %dma_wait3A_101 = arith.constant 0 : i32
        %dma_wait3A_102 = tpu.memref_slice %arg7[%mul3A_90, %dma_wait3A_101] : memref<10000x128xf32, #tpu.memory_space<vmem_shared>> -> memref<80x128xf32, #tpu.memory_space<vmem_shared>>
        tpu.wait_dma2 semaphore(%run_scoped3A : memref<!tpu.dma_semaphore, #tpu.memory_space<semaphore_mem>>) src(%dma_wait3A_102 : memref<80x128xf32, #tpu.memory_space<vmem_shared>>) dst(%dma_wait3A_100 : memref<80x128xf32, #tpu.memory_space<hbm>>)
        tpu.yield
      }) : () -> ()
    }
    return
  }
}

#map = affine_map<(d0, d1) -> (0, 0)>
#map1 = affine_map<(d0, d1) -> (0)>
#map2 = affine_map<(d0, d1) -> (0, 0, 0)>
module attributes {stable_mosaic.version = 14 : i64} {
  func.func @_sc_scatter_body(%arg0: i32, %arg1: i32, %arg2: memref<10000x128xf32, #tpu.memory_space<hbm>>, %arg3: memref<320000xi32, #tpu.memory_space<hbm>>, %arg4: memref<2500x1x128xi32, #tpu.memory_space<hbm>>, %arg5: memref<2x10000x128xf32, #tpu.memory_space<hbm>>, %arg6: memref<512xi32, #tpu.memory_space<vmem>>, %arg7: memref<512xi32, #tpu.memory_space<vmem>>, %arg8: memref<79x1x128xi32, #tpu.memory_space<vmem>>, %arg9: memref<128x128xf32, #tpu.memory_space<vmem>>, %arg10: memref<128x128xf32, #tpu.memory_space<vmem>>, %arg11: memref<10000x128xf32, #tpu.memory_space<vmem_shared>>, %arg12: memref<!tpu.dma_semaphore, #tpu.memory_space<semaphore_mem>>, %arg13: memref<!tpu.dma_semaphore, #tpu.memory_space<semaphore_mem>>, %arg14: memref<!tpu.dma_semaphore, #tpu.memory_space<semaphore_mem>>, %arg15: memref<!tpu.dma_semaphore, #tpu.memory_space<semaphore_mem>>, %arg16: memref<!tpu.dma_semaphore, #tpu.memory_space<semaphore_mem>>, %arg17: memref<!tpu.dma_semaphore, #tpu.memory_space<semaphore_mem>>) attributes {dimension_semantics = [#tpu.dimension_semantics<core_parallel>, #tpu.dimension_semantics<subcore_parallel>], iteration_bounds = array<i64: 2, 16>, scalar_prefetch = 0 : i64, scratch_operands = 12 : i64, tpu.core_type = #tpu.core_type<sc_vector_subcore>, window_params = [{transform_indices = #map}, {transform_indices = #map1}, {transform_indices = #map2}, {transform_indices = #map2}]} {
    %mul3A = arith.constant 2 : i32
    %mul3A_0 = arith.muli %arg1, %mul3A : i32
    %add3A = arith.addi %mul3A_0, %arg0 : i32
    %mul3A_1 = arith.constant 78 : i32
    %mul3A_2 = arith.muli %add3A, %mul3A_1 : i32
    %min3A = arith.constant 4 : i32
    %min3A_3 = arith.minsi %add3A, %min3A : i32
    %add3A_4 = arith.addi %mul3A_2, %min3A_3 : i32
    %lt3A = arith.constant 4 : i32
    %lt3A_5 = arith.cmpi slt, %add3A, %lt3A : i32
    %jit3A = arith.constant 1 : i32
    %jit3A_6 = arith.constant 0 : i32
    %select_n3A = arith.select %lt3A_5, %jit3A, %jit3A_6 : i32
    %add3A_7 = arith.constant 78 : i32
    %add3A_8 = arith.addi %add3A_7, %select_n3A : i32
    %dma_start3A = arith.constant 0 : i32
    %dma_start3A_9 = arith.constant 0 : i32
    %dma_start3A_10 = arith.constant 0 : i32
    %dma_start3A_11 = tpu.memref_slice %arg8[%dma_start3A, %dma_start3A_9, %dma_start3A_10] : memref<79x1x128xi32, #tpu.memory_space<vmem>> -> memref<78x1x128xi32, #tpu.memory_space<vmem>>
    %dma_start3A_12 = arith.constant 0 : i32
    %dma_start3A_13 = arith.constant 0 : i32
    %dma_start3A_14 = tpu.memref_slice %arg4[%add3A_4, %dma_start3A_12, %dma_start3A_13] : memref<2500x1x128xi32, #tpu.memory_space<hbm>> -> memref<78x1x128xi32, #tpu.memory_space<hbm>>
    %dma_start3A_15 = arith.constant 0 : i32
    %dma_start3A_16 = arith.constant 0 : i32
    %dma_start3A_17 = arith.constant 0 : i32
    %dma_start3A_18 = tpu.memref_slice %arg8[%dma_start3A_15, %dma_start3A_16, %dma_start3A_17] : memref<79x1x128xi32, #tpu.memory_space<vmem>> -> memref<78x1x128xi32, #tpu.memory_space<vmem>>
    %dma_start3A_19 = arith.constant 0 : i32
    %dma_start3A_20 = arith.constant 0 : i32
    %dma_start3A_21 = tpu.memref_slice %arg4[%add3A_4, %dma_start3A_19, %dma_start3A_20] : memref<2500x1x128xi32, #tpu.memory_space<hbm>> -> memref<78x1x128xi32, #tpu.memory_space<hbm>>
    tpu.enqueue_dma source(%dma_start3A_21 : memref<78x1x128xi32, #tpu.memory_space<hbm>>) target(%dma_start3A_18 : memref<78x1x128xi32, #tpu.memory_space<vmem>>) target_semaphore(%arg14 : memref<!tpu.dma_semaphore, #tpu.memory_space<semaphore_mem>>)
    %lt3A_22 = arith.constant 4 : i32
    %lt3A_23 = arith.cmpi slt, %add3A, %lt3A_22 : i32
    %convert_element_type3A = arith.extui %lt3A_23 : i1 to i32
    %cond3A = arith.constant 0 : i32
    %cond3A_24 = arith.cmpi ne, %convert_element_type3A, %cond3A : i32
    scf.if %cond3A_24 {
      %add3A_271 = arith.constant 78 : i32
      %add3A_272 = arith.addi %add3A_4, %add3A_271 : i32
      %run_scoped3A_273 = arith.constant 78 : i32
      "tpu.region"() ({
        %run_scoped3A_274 = tpu.sem_alloc : memref<!tpu.dma_semaphore, #tpu.memory_space<semaphore_mem>>
        %dma_start3A_275 = arith.constant 0 : i32
        %dma_start3A_276 = arith.constant 0 : i32
        %dma_start3A_277 = tpu.memref_slice %arg8[%run_scoped3A_273, %dma_start3A_275, %dma_start3A_276] : memref<79x1x128xi32, #tpu.memory_space<vmem>> -> memref<1x1x128xi32, #tpu.memory_space<vmem>>
        %dma_start3A_278 = tpu.memref_squeeze %dma_start3A_277 : memref<1x1x128xi32, #tpu.memory_space<vmem>> -> memref<1x128xi32, #tpu.memory_space<vmem>>
        %dma_start3A_279 = arith.constant 0 : i32
        %dma_start3A_280 = arith.constant 0 : i32
        %dma_start3A_281 = tpu.memref_slice %arg4[%add3A_272, %dma_start3A_279, %dma_start3A_280] : memref<2500x1x128xi32, #tpu.memory_space<hbm>> -> memref<1x1x128xi32, #tpu.memory_space<hbm>>
        %dma_start3A_282 = tpu.memref_squeeze %dma_start3A_281 : memref<1x1x128xi32, #tpu.memory_space<hbm>> -> memref<1x128xi32, #tpu.memory_space<hbm>>
        %dma_start3A_283 = arith.constant 0 : i32
        %dma_start3A_284 = arith.constant 0 : i32
        %dma_start3A_285 = tpu.memref_slice %arg8[%run_scoped3A_273, %dma_start3A_283, %dma_start3A_284] : memref<79x1x128xi32, #tpu.memory_space<vmem>> -> memref<1x1x128xi32, #tpu.memory_space<vmem>>
        %dma_start3A_286 = tpu.memref_squeeze %dma_start3A_285 : memref<1x1x128xi32, #tpu.memory_space<vmem>> -> memref<1x128xi32, #tpu.memory_space<vmem>>
        %dma_start3A_287 = arith.constant 0 : i32
        %dma_start3A_288 = arith.constant 0 : i32
        %dma_start3A_289 = tpu.memref_slice %arg4[%add3A_272, %dma_start3A_287, %dma_start3A_288] : memref<2500x1x128xi32, #tpu.memory_space<hbm>> -> memref<1x1x128xi32, #tpu.memory_space<hbm>>
        %dma_start3A_290 = tpu.memref_squeeze %dma_start3A_289 : memref<1x1x128xi32, #tpu.memory_space<hbm>> -> memref<1x128xi32, #tpu.memory_space<hbm>>
        tpu.enqueue_dma source(%dma_start3A_290 : memref<1x128xi32, #tpu.memory_space<hbm>>) target(%dma_start3A_286 : memref<1x128xi32, #tpu.memory_space<vmem>>) target_semaphore(%run_scoped3A_274 : memref<!tpu.dma_semaphore, #tpu.memory_space<semaphore_mem>>)
        %dma_wait3A_291 = arith.constant 0 : i32
        %dma_wait3A_292 = arith.constant 0 : i32
        %dma_wait3A_293 = tpu.memref_slice %arg8[%run_scoped3A_273, %dma_wait3A_291, %dma_wait3A_292] : memref<79x1x128xi32, #tpu.memory_space<vmem>> -> memref<1x1x128xi32, #tpu.memory_space<vmem>>
        %dma_wait3A_294 = tpu.memref_squeeze %dma_wait3A_293 : memref<1x1x128xi32, #tpu.memory_space<vmem>> -> memref<1x128xi32, #tpu.memory_space<vmem>>
        %dma_wait3A_295 = arith.constant 0 : i32
        %dma_wait3A_296 = arith.constant 0 : i32
        %dma_wait3A_297 = tpu.memref_slice %arg4[%add3A_272, %dma_wait3A_295, %dma_wait3A_296] : memref<2500x1x128xi32, #tpu.memory_space<hbm>> -> memref<1x1x128xi32, #tpu.memory_space<hbm>>
        %dma_wait3A_298 = tpu.memref_squeeze %dma_wait3A_297 : memref<1x1x128xi32, #tpu.memory_space<hbm>> -> memref<1x128xi32, #tpu.memory_space<hbm>>
        %dma_wait3A_299 = arith.constant 0 : i32
        %dma_wait3A_300 = arith.constant 0 : i32
        %dma_wait3A_301 = tpu.memref_slice %arg8[%run_scoped3A_273, %dma_wait3A_299, %dma_wait3A_300] : memref<79x1x128xi32, #tpu.memory_space<vmem>> -> memref<1x1x128xi32, #tpu.memory_space<vmem>>
        %dma_wait3A_302 = tpu.memref_squeeze %dma_wait3A_301 : memref<1x1x128xi32, #tpu.memory_space<vmem>> -> memref<1x128xi32, #tpu.memory_space<vmem>>
        %dma_wait3A_303 = arith.constant 0 : i32
        %dma_wait3A_304 = arith.constant 0 : i32
        %dma_wait3A_305 = tpu.memref_slice %arg4[%add3A_272, %dma_wait3A_303, %dma_wait3A_304] : memref<2500x1x128xi32, #tpu.memory_space<hbm>> -> memref<1x1x128xi32, #tpu.memory_space<hbm>>
        %dma_wait3A_306 = tpu.memref_squeeze %dma_wait3A_305 : memref<1x1x128xi32, #tpu.memory_space<hbm>> -> memref<1x128xi32, #tpu.memory_space<hbm>>
        tpu.wait_dma2 semaphore(%run_scoped3A_274 : memref<!tpu.dma_semaphore, #tpu.memory_space<semaphore_mem>>) src(%dma_wait3A_306 : memref<1x128xi32, #tpu.memory_space<hbm>>) dst(%dma_wait3A_302 : memref<1x128xi32, #tpu.memory_space<vmem>>)
        tpu.yield
      }) : () -> ()
    } else {
    }
    %scan3A = arith.constant 0 : i32
    %scan3A_25 = arith.constant 80 : i32
    %scan3A_26 = arith.addi %scan3A, %scan3A_25 : i32
    %scan3A_27 = arith.constant 1 : i32
    scf.for %scan3A_271 = %scan3A to %scan3A_26 step %scan3A_27  : i32 {
      %mul3A_272 = arith.constant 1 : i32
      %mul3A_273 = arith.muli %scan3A_271, %mul3A_272 : i32
      %add3A_274 = arith.constant 0 : i32
      %add3A_275 = arith.addi %add3A_274, %mul3A_273 : i32
      %scan3A_276 = arith.constant 0 : i32
      %scan3A_277 = arith.constant 8 : i32
      %scan3A_278 = arith.addi %scan3A_276, %scan3A_277 : i32
      %scan3A_279 = arith.constant 1 : i32
      scf.for %scan3A_281 = %scan3A_276 to %scan3A_278 step %scan3A_279  : i32 {
        %mul3A_282 = arith.constant 16 : i32
        %mul3A_283 = arith.muli %scan3A_281, %mul3A_282 : i32
        %add3A_284 = arith.constant 0 : i32
        %add3A_285 = arith.addi %add3A_284, %mul3A_283 : i32
        %broadcast_in_dim3A = arith.constant 0.000000e+00 : f32
        %broadcast_in_dim3A_286 = vector.broadcast %broadcast_in_dim3A : f32 to vector<16xf32>
        %swap3A = arith.index_cast %add3A_275 : i32 to index
        %swap3A_287 = arith.index_cast %add3A_285 : i32 to index
        %swap3A_288 = tpu.vector_load %arg9[%swap3A, %swap3A_287] {strides = array<i32>} : memref<128x128xf32, #tpu.memory_space<vmem>>, vector<1x16xf32>,
        %swap3A_289 = vector.shape_cast %swap3A_288 : vector<1x16xf32> to vector<16xf32>
        %swap3A_290 = vector.shape_cast %broadcast_in_dim3A_286 : vector<16xf32> to vector<1x16xf32>
        tpu.vector_store %arg9[%swap3A, %swap3A_287], %swap3A_290 {strides = array<i32>} : memref<128x128xf32, #tpu.memory_space<vmem>>, vector<1x16xf32>,
      }
      %scan3A_280 = arith.constant 8 : i32
    }
    %scan3A_28 = arith.constant 80 : i32
    %sub3A = arith.constant 125 : i32
    %sub3A_29 = arith.subi %sub3A, %arg1 : i32
    %sub3A_30 = arith.constant 16 : i32
    %sub3A_31 = arith.constant 1 : i32
    %sub3A_32 = arith.subi %sub3A_30, %sub3A_31 : i32
    %add3A_33 = arith.addi %sub3A_29, %sub3A_32 : i32
    %div3A = arith.constant 16 : i32
    %div3A_34 = arith.divsi %add3A_33, %div3A : i32
    %while3A = arith.constant 16 : i32
    %while3A_35 = arith.constant 0 : i32
    %while3A_36 = arith.subi %div3A_34, %while3A_35 : i32
    %while3A_37 = arith.addi %while3A_35, %while3A_36 : i32
    %while3A_38 = arith.constant 1 : i32
    %while3A_39 = arith.divsi %while3A_36, %while3A_38 : i32
    %while3A_40 = arith.muli %while3A_39, %while3A_38 : i32
    %while3A_41 = arith.addi %while3A_35, %while3A_40 : i32
    %while3A_42 = arith.constant 1 : i32
    scf.for %while3A_271 = %while3A_35 to %while3A_41 step %while3A_42  : i32 {
      %mul3A_272 = arith.muli %while3A_271, %while3A : i32
      %add3A_273 = arith.addi %arg1, %mul3A_272 : i32
      %mul3A_274 = arith.constant 80 : i32
      %mul3A_275 = arith.muli %add3A_273, %mul3A_274 : i32
      "tpu.region"() ({
        %run_scoped3A_276 = tpu.sem_alloc : memref<!tpu.dma_semaphore, #tpu.memory_space<semaphore_mem>>
        %dma_start3A_277 = arith.constant 0 : i32
        %dma_start3A_278 = arith.constant 0 : i32
        %dma_start3A_279 = tpu.memref_slice %arg9[%dma_start3A_277, %dma_start3A_278] : memref<128x128xf32, #tpu.memory_space<vmem>> -> memref<80x128xf32, #tpu.memory_space<vmem>>
        %dma_start3A_280 = arith.constant 0 : i32
        %dma_start3A_281 = tpu.memref_slice %arg11[%mul3A_275, %dma_start3A_280] : memref<10000x128xf32, #tpu.memory_space<vmem_shared>> -> memref<80x128xf32, #tpu.memory_space<vmem_shared>>
        %dma_start3A_282 = arith.constant 0 : i32
        %dma_start3A_283 = tpu.memref_slice %arg11[%mul3A_275, %dma_start3A_282] : memref<10000x128xf32, #tpu.memory_space<vmem_shared>> -> memref<80x128xf32, #tpu.memory_space<vmem_shared>>
        %dma_start3A_284 = arith.constant 0 : i32
        %dma_start3A_285 = arith.constant 0 : i32
        %dma_start3A_286 = tpu.memref_slice %arg9[%dma_start3A_284, %dma_start3A_285] : memref<128x128xf32, #tpu.memory_space<vmem>> -> memref<80x128xf32, #tpu.memory_space<vmem>>
        tpu.enqueue_dma source(%dma_start3A_286 : memref<80x128xf32, #tpu.memory_space<vmem>>) target(%dma_start3A_283 : memref<80x128xf32, #tpu.memory_space<vmem_shared>>) target_semaphore(%run_scoped3A_276 : memref<!tpu.dma_semaphore, #tpu.memory_space<semaphore_mem>>)
        %dma_wait3A_287 = arith.constant 0 : i32
        %dma_wait3A_288 = arith.constant 0 : i32
        %dma_wait3A_289 = tpu.memref_slice %arg9[%dma_wait3A_287, %dma_wait3A_288] : memref<128x128xf32, #tpu.memory_space<vmem>> -> memref<80x128xf32, #tpu.memory_space<vmem>>
        %dma_wait3A_290 = arith.constant 0 : i32
        %dma_wait3A_291 = tpu.memref_slice %arg11[%mul3A_275, %dma_wait3A_290] : memref<10000x128xf32, #tpu.memory_space<vmem_shared>> -> memref<80x128xf32, #tpu.memory_space<vmem_shared>>
        %dma_wait3A_292 = arith.constant 0 : i32
        %dma_wait3A_293 = tpu.memref_slice %arg11[%mul3A_275, %dma_wait3A_292] : memref<10000x128xf32, #tpu.memory_space<vmem_shared>> -> memref<80x128xf32, #tpu.memory_space<vmem_shared>>
        %dma_wait3A_294 = arith.constant 0 : i32
        %dma_wait3A_295 = arith.constant 0 : i32
        %dma_wait3A_296 = tpu.memref_slice %arg9[%dma_wait3A_294, %dma_wait3A_295] : memref<128x128xf32, #tpu.memory_space<vmem>> -> memref<80x128xf32, #tpu.memory_space<vmem>>
        tpu.wait_dma2 semaphore(%run_scoped3A_276 : memref<!tpu.dma_semaphore, #tpu.memory_space<semaphore_mem>>) src(%dma_wait3A_296 : memref<80x128xf32, #tpu.memory_space<vmem>>) dst(%dma_wait3A_293 : memref<80x128xf32, #tpu.memory_space<vmem_shared>>)
        tpu.yield
      }) : () -> ()
    }
    %while3A_43 = arith.constant 1 : i32
    scf.for %while3A_271 = %while3A_41 to %while3A_37 step %while3A_43  : i32 {
      %mul3A_272 = arith.muli %while3A_271, %while3A : i32
      %add3A_273 = arith.addi %arg1, %mul3A_272 : i32
      %mul3A_274 = arith.constant 80 : i32
      %mul3A_275 = arith.muli %add3A_273, %mul3A_274 : i32
      "tpu.region"() ({
        %run_scoped3A_276 = tpu.sem_alloc : memref<!tpu.dma_semaphore, #tpu.memory_space<semaphore_mem>>
        %dma_start3A_277 = arith.constant 0 : i32
        %dma_start3A_278 = arith.constant 0 : i32
        %dma_start3A_279 = tpu.memref_slice %arg9[%dma_start3A_277, %dma_start3A_278] : memref<128x128xf32, #tpu.memory_space<vmem>> -> memref<80x128xf32, #tpu.memory_space<vmem>>
        %dma_start3A_280 = arith.constant 0 : i32
        %dma_start3A_281 = tpu.memref_slice %arg11[%mul3A_275, %dma_start3A_280] : memref<10000x128xf32, #tpu.memory_space<vmem_shared>> -> memref<80x128xf32, #tpu.memory_space<vmem_shared>>
        %dma_start3A_282 = arith.constant 0 : i32
        %dma_start3A_283 = tpu.memref_slice %arg11[%mul3A_275, %dma_start3A_282] : memref<10000x128xf32, #tpu.memory_space<vmem_shared>> -> memref<80x128xf32, #tpu.memory_space<vmem_shared>>
        %dma_start3A_284 = arith.constant 0 : i32
        %dma_start3A_285 = arith.constant 0 : i32
        %dma_start3A_286 = tpu.memref_slice %arg9[%dma_start3A_284, %dma_start3A_285] : memref<128x128xf32, #tpu.memory_space<vmem>> -> memref<80x128xf32, #tpu.memory_space<vmem>>
        tpu.enqueue_dma source(%dma_start3A_286 : memref<80x128xf32, #tpu.memory_space<vmem>>) target(%dma_start3A_283 : memref<80x128xf32, #tpu.memory_space<vmem_shared>>) target_semaphore(%run_scoped3A_276 : memref<!tpu.dma_semaphore, #tpu.memory_space<semaphore_mem>>)
        %dma_wait3A_287 = arith.constant 0 : i32
        %dma_wait3A_288 = arith.constant 0 : i32
        %dma_wait3A_289 = tpu.memref_slice %arg9[%dma_wait3A_287, %dma_wait3A_288] : memref<128x128xf32, #tpu.memory_space<vmem>> -> memref<80x128xf32, #tpu.memory_space<vmem>>
        %dma_wait3A_290 = arith.constant 0 : i32
        %dma_wait3A_291 = tpu.memref_slice %arg11[%mul3A_275, %dma_wait3A_290] : memref<10000x128xf32, #tpu.memory_space<vmem_shared>> -> memref<80x128xf32, #tpu.memory_space<vmem_shared>>
        %dma_wait3A_292 = arith.constant 0 : i32
        %dma_wait3A_293 = tpu.memref_slice %arg11[%mul3A_275, %dma_wait3A_292] : memref<10000x128xf32, #tpu.memory_space<vmem_shared>> -> memref<80x128xf32, #tpu.memory_space<vmem_shared>>
        %dma_wait3A_294 = arith.constant 0 : i32
        %dma_wait3A_295 = arith.constant 0 : i32
        %dma_wait3A_296 = tpu.memref_slice %arg9[%dma_wait3A_294, %dma_wait3A_295] : memref<128x128xf32, #tpu.memory_space<vmem>> -> memref<80x128xf32, #tpu.memory_space<vmem>>
        tpu.wait_dma2 semaphore(%run_scoped3A_276 : memref<!tpu.dma_semaphore, #tpu.memory_space<semaphore_mem>>) src(%dma_wait3A_296 : memref<80x128xf32, #tpu.memory_space<vmem>>) dst(%dma_wait3A_293 : memref<80x128xf32, #tpu.memory_space<vmem_shared>>)
        tpu.yield
      }) : () -> ()
    }
    %dma_wait3A = arith.constant 0 : i32
    %dma_wait3A_44 = arith.constant 0 : i32
    %dma_wait3A_45 = arith.constant 0 : i32
    %dma_wait3A_46 = tpu.memref_slice %arg8[%dma_wait3A, %dma_wait3A_44, %dma_wait3A_45] : memref<79x1x128xi32, #tpu.memory_space<vmem>> -> memref<78x1x128xi32, #tpu.memory_space<vmem>>
    %dma_wait3A_47 = arith.constant 0 : i32
    %dma_wait3A_48 = arith.constant 0 : i32
    %dma_wait3A_49 = tpu.memref_slice %arg4[%add3A_4, %dma_wait3A_47, %dma_wait3A_48] : memref<2500x1x128xi32, #tpu.memory_space<hbm>> -> memref<78x1x128xi32, #tpu.memory_space<hbm>>
    %dma_wait3A_50 = arith.constant 0 : i32
    %dma_wait3A_51 = arith.constant 0 : i32
    %dma_wait3A_52 = arith.constant 0 : i32
    %dma_wait3A_53 = tpu.memref_slice %arg8[%dma_wait3A_50, %dma_wait3A_51, %dma_wait3A_52] : memref<79x1x128xi32, #tpu.memory_space<vmem>> -> memref<78x1x128xi32, #tpu.memory_space<vmem>>
    %dma_wait3A_54 = arith.constant 0 : i32
    %dma_wait3A_55 = arith.constant 0 : i32
    %dma_wait3A_56 = tpu.memref_slice %arg4[%add3A_4, %dma_wait3A_54, %dma_wait3A_55] : memref<2500x1x128xi32, #tpu.memory_space<hbm>> -> memref<78x1x128xi32, #tpu.memory_space<hbm>>
    tpu.wait_dma2 semaphore(%arg14 : memref<!tpu.dma_semaphore, #tpu.memory_space<semaphore_mem>>) src(%dma_wait3A_56 : memref<78x1x128xi32, #tpu.memory_space<hbm>>) dst(%dma_wait3A_53 : memref<78x1x128xi32, #tpu.memory_space<vmem>>)
    %barrier3A = arith.constant 0 : index
    tpu.barrier barrier_id(%barrier3A)
    %add3A_57 = arith.constant 0 : i32
    %add3A_58 = arith.addi %add3A_4, %add3A_57 : i32
    %mul3A_59 = arith.constant 128 : i32
    %mul3A_60 = arith.muli %add3A_58, %mul3A_59 : i32
    %dma_start3A_61 = tpu.memref_slice %arg3[%mul3A_60] : memref<320000xi32, #tpu.memory_space<hbm>> -> memref<512xi32, #tpu.memory_space<hbm>>
    %dma_start3A_62 = tpu.memref_slice %arg3[%mul3A_60] : memref<320000xi32, #tpu.memory_space<hbm>> -> memref<512xi32, #tpu.memory_space<hbm>>
    tpu.enqueue_dma source(%dma_start3A_62 : memref<512xi32, #tpu.memory_space<hbm>>) target(%arg6 : memref<512xi32, #tpu.memory_space<vmem>>) target_semaphore(%arg12 : memref<!tpu.dma_semaphore, #tpu.memory_space<semaphore_mem>>)
    %add3A_63 = arith.constant 4 : i32
    %add3A_64 = arith.addi %add3A_4, %add3A_63 : i32
    %mul3A_65 = arith.constant 128 : i32
    %mul3A_66 = arith.muli %add3A_64, %mul3A_65 : i32
    %dma_start3A_67 = tpu.memref_slice %arg3[%mul3A_66] : memref<320000xi32, #tpu.memory_space<hbm>> -> memref<512xi32, #tpu.memory_space<hbm>>
    %dma_start3A_68 = tpu.memref_slice %arg3[%mul3A_66] : memref<320000xi32, #tpu.memory_space<hbm>> -> memref<512xi32, #tpu.memory_space<hbm>>
    tpu.enqueue_dma source(%dma_start3A_68 : memref<512xi32, #tpu.memory_space<hbm>>) target(%arg7 : memref<512xi32, #tpu.memory_space<vmem>>) target_semaphore(%arg13 : memref<!tpu.dma_semaphore, #tpu.memory_space<semaphore_mem>>)
    %scan3A_69 = arith.constant 0 : i32
    %scan3A_70 = arith.constant 9 : i32
    %scan3A_71 = arith.addi %scan3A_69, %scan3A_70 : i32
    %scan3A_72 = arith.constant 1 : i32
    scf.for %scan3A_271 = %scan3A_69 to %scan3A_71 step %scan3A_72  : i32 {
      %mul3A_272 = arith.constant 8 : i32
      %mul3A_273 = arith.muli %scan3A_271, %mul3A_272 : i32
      %add3A_274 = arith.constant 0 : i32
      %add3A_275 = arith.addi %add3A_274, %mul3A_273 : i32
      %dma_wait3A_276 = arith.constant 0 : i32
      %dma_wait3A_277 = tpu.memref_slice %arg3[%dma_wait3A_276] : memref<320000xi32, #tpu.memory_space<hbm>> -> memref<512xi32, #tpu.memory_space<hbm>>
      %dma_wait3A_278 = arith.constant 0 : i32
      %dma_wait3A_279 = tpu.memref_slice %arg3[%dma_wait3A_278] : memref<320000xi32, #tpu.memory_space<hbm>> -> memref<512xi32, #tpu.memory_space<hbm>>
      tpu.wait_dma2 semaphore(%arg12 : memref<!tpu.dma_semaphore, #tpu.memory_space<semaphore_mem>>) src(%dma_wait3A_279 : memref<512xi32, #tpu.memory_space<hbm>>) dst(%arg6 : memref<512xi32, #tpu.memory_space<vmem>>)
      %dma_start3A_280 = arith.constant 0 : i32
      %dma_start3A_281 = arith.constant 0 : i32
      %dma_start3A_282 = tpu.memref_slice %arg9[%dma_start3A_280, %dma_start3A_281] : memref<128x128xf32, #tpu.memory_space<vmem>> -> memref<64x128xf32, #tpu.memory_space<vmem>>
      %dma_start3A_283 = arith.constant 0 : i32
      %dma_start3A_284 = tpu.memref_slice %arg6[%dma_start3A_283] : memref<512xi32, #tpu.memory_space<vmem>> -> memref<64xi32, #tpu.memory_space<vmem>>
      %dma_start3A_285 = arith.constant 0 : i32
      %dma_start3A_286 = arith.constant 0 : i32
      %dma_start3A_287 = tpu.memref_slice %arg2[%dma_start3A_285, %dma_start3A_286] : memref<10000x128xf32, #tpu.memory_space<hbm>> -> memref<10000x128xf32, #tpu.memory_space<hbm>>
      tpu.enqueue_indirect_dma source(%dma_start3A_287 : memref<10000x128xf32, #tpu.memory_space<hbm>>) target(%dma_start3A_282 : memref<64x128xf32, #tpu.memory_space<vmem>>) offsets(%dma_start3A_284 : memref<64xi32, #tpu.memory_space<vmem>>) semaphore(%arg14 : memref<!tpu.dma_semaphore, #tpu.memory_space<semaphore_mem>>)
      %dma_start3A_288 = arith.constant 64 : i32
      %dma_start3A_289 = arith.constant 0 : i32
      %dma_start3A_290 = tpu.memref_slice %arg9[%dma_start3A_288, %dma_start3A_289] : memref<128x128xf32, #tpu.memory_space<vmem>> -> memref<64x128xf32, #tpu.memory_space<vmem>>
      %dma_start3A_291 = arith.constant 64 : i32
      %dma_start3A_292 = tpu.memref_slice %arg6[%dma_start3A_291] : memref<512xi32, #tpu.memory_space<vmem>> -> memref<64xi32, #tpu.memory_space<vmem>>
      %dma_start3A_293 = arith.constant 0 : i32
      %dma_start3A_294 = arith.constant 0 : i32
      %dma_start3A_295 = tpu.memref_slice %arg2[%dma_start3A_293, %dma_start3A_294] : memref<10000x128xf32, #tpu.memory_space<hbm>> -> memref<10000x128xf32, #tpu.memory_space<hbm>>
      tpu.enqueue_indirect_dma source(%dma_start3A_295 : memref<10000x128xf32, #tpu.memory_space<hbm>>) target(%dma_start3A_290 : memref<64x128xf32, #tpu.memory_space<vmem>>) offsets(%dma_start3A_292 : memref<64xi32, #tpu.memory_space<vmem>>) semaphore(%arg16 : memref<!tpu.dma_semaphore, #tpu.memory_space<semaphore_mem>>)
      %dma_start3A_296 = arith.constant 0 : i32
      %dma_start3A_297 = arith.constant 0 : i32
      %dma_start3A_298 = tpu.memref_slice %arg10[%dma_start3A_296, %dma_start3A_297] : memref<128x128xf32, #tpu.memory_space<vmem>> -> memref<64x128xf32, #tpu.memory_space<vmem>>
      %dma_start3A_299 = arith.constant 128 : i32
      %dma_start3A_300 = tpu.memref_slice %arg6[%dma_start3A_299] : memref<512xi32, #tpu.memory_space<vmem>> -> memref<64xi32, #tpu.memory_space<vmem>>
      %dma_start3A_301 = arith.constant 0 : i32
      %dma_start3A_302 = arith.constant 0 : i32
      %dma_start3A_303 = tpu.memref_slice %arg2[%dma_start3A_301, %dma_start3A_302] : memref<10000x128xf32, #tpu.memory_space<hbm>> -> memref<10000x128xf32, #tpu.memory_space<hbm>>
      tpu.enqueue_indirect_dma source(%dma_start3A_303 : memref<10000x128xf32, #tpu.memory_space<hbm>>) target(%dma_start3A_298 : memref<64x128xf32, #tpu.memory_space<vmem>>) offsets(%dma_start3A_300 : memref<64xi32, #tpu.memory_space<vmem>>) semaphore(%arg15 : memref<!tpu.dma_semaphore, #tpu.memory_space<semaphore_mem>>)
      %dma_start3A_304 = arith.constant 64 : i32
      %dma_start3A_305 = arith.constant 0 : i32
      %dma_start3A_306 = tpu.memref_slice %arg10[%dma_start3A_304, %dma_start3A_305] : memref<128x128xf32, #tpu.memory_space<vmem>> -> memref<64x128xf32, #tpu.memory_space<vmem>>
      %dma_start3A_307 = arith.constant 192 : i32
      %dma_start3A_308 = tpu.memref_slice %arg6[%dma_start3A_307] : memref<512xi32, #tpu.memory_space<vmem>> -> memref<64xi32, #tpu.memory_space<vmem>>
      %dma_start3A_309 = arith.constant 0 : i32
      %dma_start3A_310 = arith.constant 0 : i32
      %dma_start3A_311 = tpu.memref_slice %arg2[%dma_start3A_309, %dma_start3A_310] : memref<10000x128xf32, #tpu.memory_space<hbm>> -> memref<10000x128xf32, #tpu.memory_space<hbm>>
      tpu.enqueue_indirect_dma source(%dma_start3A_311 : memref<10000x128xf32, #tpu.memory_space<hbm>>) target(%dma_start3A_306 : memref<64x128xf32, #tpu.memory_space<vmem>>) offsets(%dma_start3A_308 : memref<64xi32, #tpu.memory_space<vmem>>) semaphore(%arg17 : memref<!tpu.dma_semaphore, #tpu.memory_space<semaphore_mem>>)
      %dma_wait3A_312 = arith.constant 0 : i32
      %dma_wait3A_313 = arith.constant 0 : i32
      %dma_wait3A_314 = tpu.memref_slice %arg9[%dma_wait3A_312, %dma_wait3A_313] : memref<128x128xf32, #tpu.memory_space<vmem>> -> memref<64x128xf32, #tpu.memory_space<vmem>>
      %dma_wait3A_315 = arith.constant 0 : i32
      %dma_wait3A_316 = tpu.memref_slice %arg6[%dma_wait3A_315] : memref<512xi32, #tpu.memory_space<vmem>> -> memref<64xi32, #tpu.memory_space<vmem>>
      %dma_wait3A_317 = arith.constant 0 : i32
      %dma_wait3A_318 = arith.constant 0 : i32
      %dma_wait3A_319 = tpu.memref_slice %arg2[%dma_wait3A_317, %dma_wait3A_318] : memref<10000x128xf32, #tpu.memory_space<hbm>> -> memref<10000x128xf32, #tpu.memory_space<hbm>>
      tpu.wait_indirect_dma semaphore(%arg14 : memref<!tpu.dma_semaphore, #tpu.memory_space<semaphore_mem>>) src(%dma_wait3A_319 : memref<10000x128xf32, #tpu.memory_space<hbm>>) dst(%dma_wait3A_314 : memref<64x128xf32, #tpu.memory_space<vmem>>)
      %dma_wait3A_320 = arith.constant 64 : i32
      %dma_wait3A_321 = arith.constant 0 : i32
      %dma_wait3A_322 = tpu.memref_slice %arg9[%dma_wait3A_320, %dma_wait3A_321] : memref<128x128xf32, #tpu.memory_space<vmem>> -> memref<64x128xf32, #tpu.memory_space<vmem>>
      %dma_wait3A_323 = arith.constant 64 : i32
      %dma_wait3A_324 = tpu.memref_slice %arg6[%dma_wait3A_323] : memref<512xi32, #tpu.memory_space<vmem>> -> memref<64xi32, #tpu.memory_space<vmem>>
      %dma_wait3A_325 = arith.constant 0 : i32
      %dma_wait3A_326 = arith.constant 0 : i32
      %dma_wait3A_327 = tpu.memref_slice %arg2[%dma_wait3A_325, %dma_wait3A_326] : memref<10000x128xf32, #tpu.memory_space<hbm>> -> memref<10000x128xf32, #tpu.memory_space<hbm>>
      tpu.wait_indirect_dma semaphore(%arg16 : memref<!tpu.dma_semaphore, #tpu.memory_space<semaphore_mem>>) src(%dma_wait3A_327 : memref<10000x128xf32, #tpu.memory_space<hbm>>) dst(%dma_wait3A_322 : memref<64x128xf32, #tpu.memory_space<vmem>>)
      %run_scoped3A_328 = arith.constant 0 : i32
      "tpu.region"() ({
        %run_scoped3A_579 = tpu.sem_alloc : memref<!tpu.dma_semaphore, #tpu.memory_space<semaphore_mem>>
        %dma_start3A_580 = arith.constant 0 : i32
        %dma_start3A_581 = tpu.memref_slice %arg8[%add3A_275, %run_scoped3A_328, %dma_start3A_580] : memref<79x1x128xi32, #tpu.memory_space<vmem>> -> memref<1x1x128xi32, #tpu.memory_space<vmem>>
        %dma_start3A_582 = tpu.memref_squeeze %dma_start3A_581 : memref<1x1x128xi32, #tpu.memory_space<vmem>> -> memref<128xi32, #tpu.memory_space<vmem>>
        %dma_start3A_583 = arith.constant 0 : i32
        %dma_start3A_584 = arith.constant 0 : i32
        %dma_start3A_585 = tpu.memref_slice %arg11[%dma_start3A_583, %dma_start3A_584] : memref<10000x128xf32, #tpu.memory_space<vmem_shared>> -> memref<10000x128xf32, #tpu.memory_space<vmem_shared>>
        tpu.enqueue_indirect_dma source(%arg9 : memref<128x128xf32, #tpu.memory_space<vmem>>) target(%dma_start3A_585 : memref<10000x128xf32, #tpu.memory_space<vmem_shared>>) offsets(%dma_start3A_582 : memref<128xi32, #tpu.memory_space<vmem>>) semaphore(%run_scoped3A_579 : memref<!tpu.dma_semaphore, #tpu.memory_space<semaphore_mem>>) {add = true}
        %dma_wait3A_586 = arith.constant 0 : i32
        %dma_wait3A_587 = tpu.memref_slice %arg8[%add3A_275, %run_scoped3A_328, %dma_wait3A_586] : memref<79x1x128xi32, #tpu.memory_space<vmem>> -> memref<1x1x128xi32, #tpu.memory_space<vmem>>
        %dma_wait3A_588 = tpu.memref_squeeze %dma_wait3A_587 : memref<1x1x128xi32, #tpu.memory_space<vmem>> -> memref<128xi32, #tpu.memory_space<vmem>>
        %dma_wait3A_589 = arith.constant 0 : i32
        %dma_wait3A_590 = arith.constant 0 : i32
        %dma_wait3A_591 = tpu.memref_slice %arg11[%dma_wait3A_589, %dma_wait3A_590] : memref<10000x128xf32, #tpu.memory_space<vmem_shared>> -> memref<10000x128xf32, #tpu.memory_space<vmem_shared>>
        tpu.wait_indirect_dma semaphore(%run_scoped3A_579 : memref<!tpu.dma_semaphore, #tpu.memory_space<semaphore_mem>>) src(%arg9 : memref<128x128xf32, #tpu.memory_space<vmem>>) dst(%dma_wait3A_591 : memref<10000x128xf32, #tpu.memory_space<vmem_shared>>)
        tpu.yield
      }) : () -> ()
      %dma_wait3A_329 = arith.constant 0 : i32
      %dma_wait3A_330 = arith.constant 0 : i32
      %dma_wait3A_331 = tpu.memref_slice %arg10[%dma_wait3A_329, %dma_wait3A_330] : memref<128x128xf32, #tpu.memory_space<vmem>> -> memref<64x128xf32, #tpu.memory_space<vmem>>
      %dma_wait3A_332 = arith.constant 128 : i32
      %dma_wait3A_333 = tpu.memref_slice %arg6[%dma_wait3A_332] : memref<512xi32, #tpu.memory_space<vmem>> -> memref<64xi32, #tpu.memory_space<vmem>>
      %dma_wait3A_334 = arith.constant 0 : i32
      %dma_wait3A_335 = arith.constant 0 : i32
      %dma_wait3A_336 = tpu.memref_slice %arg2[%dma_wait3A_334, %dma_wait3A_335] : memref<10000x128xf32, #tpu.memory_space<hbm>> -> memref<10000x128xf32, #tpu.memory_space<hbm>>
      tpu.wait_indirect_dma semaphore(%arg15 : memref<!tpu.dma_semaphore, #tpu.memory_space<semaphore_mem>>) src(%dma_wait3A_336 : memref<10000x128xf32, #tpu.memory_space<hbm>>) dst(%dma_wait3A_331 : memref<64x128xf32, #tpu.memory_space<vmem>>)
      %dma_wait3A_337 = arith.constant 64 : i32
      %dma_wait3A_338 = arith.constant 0 : i32
      %dma_wait3A_339 = tpu.memref_slice %arg10[%dma_wait3A_337, %dma_wait3A_338] : memref<128x128xf32, #tpu.memory_space<vmem>> -> memref<64x128xf32, #tpu.memory_space<vmem>>
      %dma_wait3A_340 = arith.constant 192 : i32
      %dma_wait3A_341 = tpu.memref_slice %arg6[%dma_wait3A_340] : memref<512xi32, #tpu.memory_space<vmem>> -> memref<64xi32, #tpu.memory_space<vmem>>
      %dma_wait3A_342 = arith.constant 0 : i32
      %dma_wait3A_343 = arith.constant 0 : i32
      %dma_wait3A_344 = tpu.memref_slice %arg2[%dma_wait3A_342, %dma_wait3A_343] : memref<10000x128xf32, #tpu.memory_space<hbm>> -> memref<10000x128xf32, #tpu.memory_space<hbm>>
      tpu.wait_indirect_dma semaphore(%arg17 : memref<!tpu.dma_semaphore, #tpu.memory_space<semaphore_mem>>) src(%dma_wait3A_344 : memref<10000x128xf32, #tpu.memory_space<hbm>>) dst(%dma_wait3A_339 : memref<64x128xf32, #tpu.memory_space<vmem>>)
      %dma_start3A_345 = arith.constant 0 : i32
      %dma_start3A_346 = arith.constant 0 : i32
      %dma_start3A_347 = tpu.memref_slice %arg9[%dma_start3A_345, %dma_start3A_346] : memref<128x128xf32, #tpu.memory_space<vmem>> -> memref<64x128xf32, #tpu.memory_space<vmem>>
      %dma_start3A_348 = arith.constant 256 : i32
      %dma_start3A_349 = tpu.memref_slice %arg6[%dma_start3A_348] : memref<512xi32, #tpu.memory_space<vmem>> -> memref<64xi32, #tpu.memory_space<vmem>>
      %dma_start3A_350 = arith.constant 0 : i32
      %dma_start3A_351 = arith.constant 0 : i32
      %dma_start3A_352 = tpu.memref_slice %arg2[%dma_start3A_350, %dma_start3A_351] : memref<10000x128xf32, #tpu.memory_space<hbm>> -> memref<10000x128xf32, #tpu.memory_space<hbm>>
      tpu.enqueue_indirect_dma source(%dma_start3A_352 : memref<10000x128xf32, #tpu.memory_space<hbm>>) target(%dma_start3A_347 : memref<64x128xf32, #tpu.memory_space<vmem>>) offsets(%dma_start3A_349 : memref<64xi32, #tpu.memory_space<vmem>>) semaphore(%arg14 : memref<!tpu.dma_semaphore, #tpu.memory_space<semaphore_mem>>)
      %dma_start3A_353 = arith.constant 64 : i32
      %dma_start3A_354 = arith.constant 0 : i32
      %dma_start3A_355 = tpu.memref_slice %arg9[%dma_start3A_353, %dma_start3A_354] : memref<128x128xf32, #tpu.memory_space<vmem>> -> memref<64x128xf32, #tpu.memory_space<vmem>>
      %dma_start3A_356 = arith.constant 320 : i32
      %dma_start3A_357 = tpu.memref_slice %arg6[%dma_start3A_356] : memref<512xi32, #tpu.memory_space<vmem>> -> memref<64xi32, #tpu.memory_space<vmem>>
      %dma_start3A_358 = arith.constant 0 : i32
      %dma_start3A_359 = arith.constant 0 : i32
      %dma_start3A_360 = tpu.memref_slice %arg2[%dma_start3A_358, %dma_start3A_359] : memref<10000x128xf32, #tpu.memory_space<hbm>> -> memref<10000x128xf32, #tpu.memory_space<hbm>>
      tpu.enqueue_indirect_dma source(%dma_start3A_360 : memref<10000x128xf32, #tpu.memory_space<hbm>>) target(%dma_start3A_355 : memref<64x128xf32, #tpu.memory_space<vmem>>) offsets(%dma_start3A_357 : memref<64xi32, #tpu.memory_space<vmem>>) semaphore(%arg16 : memref<!tpu.dma_semaphore, #tpu.memory_space<semaphore_mem>>)
      %add3A_361 = arith.constant 1 : i32
      %add3A_362 = arith.addi %add3A_275, %add3A_361 : i32
      %run_scoped3A_363 = arith.constant 0 : i32
      "tpu.region"() ({
        %run_scoped3A_579 = tpu.sem_alloc : memref<!tpu.dma_semaphore, #tpu.memory_space<semaphore_mem>>
        %dma_start3A_580 = arith.constant 0 : i32
        %dma_start3A_581 = tpu.memref_slice %arg8[%add3A_362, %run_scoped3A_363, %dma_start3A_580] : memref<79x1x128xi32, #tpu.memory_space<vmem>> -> memref<1x1x128xi32, #tpu.memory_space<vmem>>
        %dma_start3A_582 = tpu.memref_squeeze %dma_start3A_581 : memref<1x1x128xi32, #tpu.memory_space<vmem>> -> memref<128xi32, #tpu.memory_space<vmem>>
        %dma_start3A_583 = arith.constant 0 : i32
        %dma_start3A_584 = arith.constant 0 : i32
        %dma_start3A_585 = tpu.memref_slice %arg11[%dma_start3A_583, %dma_start3A_584] : memref<10000x128xf32, #tpu.memory_space<vmem_shared>> -> memref<10000x128xf32, #tpu.memory_space<vmem_shared>>
        tpu.enqueue_indirect_dma source(%arg10 : memref<128x128xf32, #tpu.memory_space<vmem>>) target(%dma_start3A_585 : memref<10000x128xf32, #tpu.memory_space<vmem_shared>>) offsets(%dma_start3A_582 : memref<128xi32, #tpu.memory_space<vmem>>) semaphore(%run_scoped3A_579 : memref<!tpu.dma_semaphore, #tpu.memory_space<semaphore_mem>>) {add = true}
        %dma_wait3A_586 = arith.constant 0 : i32
        %dma_wait3A_587 = tpu.memref_slice %arg8[%add3A_362, %run_scoped3A_363, %dma_wait3A_586] : memref<79x1x128xi32, #tpu.memory_space<vmem>> -> memref<1x1x128xi32, #tpu.memory_space<vmem>>
        %dma_wait3A_588 = tpu.memref_squeeze %dma_wait3A_587 : memref<1x1x128xi32, #tpu.memory_space<vmem>> -> memref<128xi32, #tpu.memory_space<vmem>>
        %dma_wait3A_589 = arith.constant 0 : i32
        %dma_wait3A_590 = arith.constant 0 : i32
        %dma_wait3A_591 = tpu.memref_slice %arg11[%dma_wait3A_589, %dma_wait3A_590] : memref<10000x128xf32, #tpu.memory_space<vmem_shared>> -> memref<10000x128xf32, #tpu.memory_space<vmem_shared>>
        tpu.wait_indirect_dma semaphore(%run_scoped3A_579 : memref<!tpu.dma_semaphore, #tpu.memory_space<semaphore_mem>>) src(%arg10 : memref<128x128xf32, #tpu.memory_space<vmem>>) dst(%dma_wait3A_591 : memref<10000x128xf32, #tpu.memory_space<vmem_shared>>)
        tpu.yield
      }) : () -> ()
      %dma_wait3A_364 = arith.constant 0 : i32
      %dma_wait3A_365 = arith.constant 0 : i32
      %dma_wait3A_366 = tpu.memref_slice %arg9[%dma_wait3A_364, %dma_wait3A_365] : memref<128x128xf32, #tpu.memory_space<vmem>> -> memref<64x128xf32, #tpu.memory_space<vmem>>
      %dma_wait3A_367 = arith.constant 256 : i32
      %dma_wait3A_368 = tpu.memref_slice %arg6[%dma_wait3A_367] : memref<512xi32, #tpu.memory_space<vmem>> -> memref<64xi32, #tpu.memory_space<vmem>>
      %dma_wait3A_369 = arith.constant 0 : i32
      %dma_wait3A_370 = arith.constant 0 : i32
      %dma_wait3A_371 = tpu.memref_slice %arg2[%dma_wait3A_369, %dma_wait3A_370] : memref<10000x128xf32, #tpu.memory_space<hbm>> -> memref<10000x128xf32, #tpu.memory_space<hbm>>
      tpu.wait_indirect_dma semaphore(%arg14 : memref<!tpu.dma_semaphore, #tpu.memory_space<semaphore_mem>>) src(%dma_wait3A_371 : memref<10000x128xf32, #tpu.memory_space<hbm>>) dst(%dma_wait3A_366 : memref<64x128xf32, #tpu.memory_space<vmem>>)
      %dma_wait3A_372 = arith.constant 64 : i32
      %dma_wait3A_373 = arith.constant 0 : i32
      %dma_wait3A_374 = tpu.memref_slice %arg9[%dma_wait3A_372, %dma_wait3A_373] : memref<128x128xf32, #tpu.memory_space<vmem>> -> memref<64x128xf32, #tpu.memory_space<vmem>>
      %dma_wait3A_375 = arith.constant 320 : i32
      %dma_wait3A_376 = tpu.memref_slice %arg6[%dma_wait3A_375] : memref<512xi32, #tpu.memory_space<vmem>> -> memref<64xi32, #tpu.memory_space<vmem>>
      %dma_wait3A_377 = arith.constant 0 : i32
      %dma_wait3A_378 = arith.constant 0 : i32
      %dma_wait3A_379 = tpu.memref_slice %arg2[%dma_wait3A_377, %dma_wait3A_378] : memref<10000x128xf32, #tpu.memory_space<hbm>> -> memref<10000x128xf32, #tpu.memory_space<hbm>>
      tpu.wait_indirect_dma semaphore(%arg16 : memref<!tpu.dma_semaphore, #tpu.memory_space<semaphore_mem>>) src(%dma_wait3A_379 : memref<10000x128xf32, #tpu.memory_space<hbm>>) dst(%dma_wait3A_374 : memref<64x128xf32, #tpu.memory_space<vmem>>)
      %dma_start3A_380 = arith.constant 0 : i32
      %dma_start3A_381 = arith.constant 0 : i32
      %dma_start3A_382 = tpu.memref_slice %arg10[%dma_start3A_380, %dma_start3A_381] : memref<128x128xf32, #tpu.memory_space<vmem>> -> memref<64x128xf32, #tpu.memory_space<vmem>>
      %dma_start3A_383 = arith.constant 384 : i32
      %dma_start3A_384 = tpu.memref_slice %arg6[%dma_start3A_383] : memref<512xi32, #tpu.memory_space<vmem>> -> memref<64xi32, #tpu.memory_space<vmem>>
      %dma_start3A_385 = arith.constant 0 : i32
      %dma_start3A_386 = arith.constant 0 : i32
      %dma_start3A_387 = tpu.memref_slice %arg2[%dma_start3A_385, %dma_start3A_386] : memref<10000x128xf32, #tpu.memory_space<hbm>> -> memref<10000x128xf32, #tpu.memory_space<hbm>>
      tpu.enqueue_indirect_dma source(%dma_start3A_387 : memref<10000x128xf32, #tpu.memory_space<hbm>>) target(%dma_start3A_382 : memref<64x128xf32, #tpu.memory_space<vmem>>) offsets(%dma_start3A_384 : memref<64xi32, #tpu.memory_space<vmem>>) semaphore(%arg15 : memref<!tpu.dma_semaphore, #tpu.memory_space<semaphore_mem>>)
      %dma_start3A_388 = arith.constant 64 : i32
      %dma_start3A_389 = arith.constant 0 : i32
      %dma_start3A_390 = tpu.memref_slice %arg10[%dma_start3A_388, %dma_start3A_389] : memref<128x128xf32, #tpu.memory_space<vmem>> -> memref<64x128xf32, #tpu.memory_space<vmem>>
      %dma_start3A_391 = arith.constant 448 : i32
      %dma_start3A_392 = tpu.memref_slice %arg6[%dma_start3A_391] : memref<512xi32, #tpu.memory_space<vmem>> -> memref<64xi32, #tpu.memory_space<vmem>>
      %dma_start3A_393 = arith.constant 0 : i32
      %dma_start3A_394 = arith.constant 0 : i32
      %dma_start3A_395 = tpu.memref_slice %arg2[%dma_start3A_393, %dma_start3A_394] : memref<10000x128xf32, #tpu.memory_space<hbm>> -> memref<10000x128xf32, #tpu.memory_space<hbm>>
      tpu.enqueue_indirect_dma source(%dma_start3A_395 : memref<10000x128xf32, #tpu.memory_space<hbm>>) target(%dma_start3A_390 : memref<64x128xf32, #tpu.memory_space<vmem>>) offsets(%dma_start3A_392 : memref<64xi32, #tpu.memory_space<vmem>>) semaphore(%arg17 : memref<!tpu.dma_semaphore, #tpu.memory_space<semaphore_mem>>)
      %add3A_396 = arith.constant 2 : i32
      %add3A_397 = arith.addi %add3A_275, %add3A_396 : i32
      %run_scoped3A_398 = arith.constant 0 : i32
      "tpu.region"() ({
        %run_scoped3A_579 = tpu.sem_alloc : memref<!tpu.dma_semaphore, #tpu.memory_space<semaphore_mem>>
        %dma_start3A_580 = arith.constant 0 : i32
        %dma_start3A_581 = tpu.memref_slice %arg8[%add3A_397, %run_scoped3A_398, %dma_start3A_580] : memref<79x1x128xi32, #tpu.memory_space<vmem>> -> memref<1x1x128xi32, #tpu.memory_space<vmem>>
        %dma_start3A_582 = tpu.memref_squeeze %dma_start3A_581 : memref<1x1x128xi32, #tpu.memory_space<vmem>> -> memref<128xi32, #tpu.memory_space<vmem>>
        %dma_start3A_583 = arith.constant 0 : i32
        %dma_start3A_584 = arith.constant 0 : i32
        %dma_start3A_585 = tpu.memref_slice %arg11[%dma_start3A_583, %dma_start3A_584] : memref<10000x128xf32, #tpu.memory_space<vmem_shared>> -> memref<10000x128xf32, #tpu.memory_space<vmem_shared>>
        tpu.enqueue_indirect_dma source(%arg9 : memref<128x128xf32, #tpu.memory_space<vmem>>) target(%dma_start3A_585 : memref<10000x128xf32, #tpu.memory_space<vmem_shared>>) offsets(%dma_start3A_582 : memref<128xi32, #tpu.memory_space<vmem>>) semaphore(%run_scoped3A_579 : memref<!tpu.dma_semaphore, #tpu.memory_space<semaphore_mem>>) {add = true}
        %dma_wait3A_586 = arith.constant 0 : i32
        %dma_wait3A_587 = tpu.memref_slice %arg8[%add3A_397, %run_scoped3A_398, %dma_wait3A_586] : memref<79x1x128xi32, #tpu.memory_space<vmem>> -> memref<1x1x128xi32, #tpu.memory_space<vmem>>
        %dma_wait3A_588 = tpu.memref_squeeze %dma_wait3A_587 : memref<1x1x128xi32, #tpu.memory_space<vmem>> -> memref<128xi32, #tpu.memory_space<vmem>>
        %dma_wait3A_589 = arith.constant 0 : i32
        %dma_wait3A_590 = arith.constant 0 : i32
        %dma_wait3A_591 = tpu.memref_slice %arg11[%dma_wait3A_589, %dma_wait3A_590] : memref<10000x128xf32, #tpu.memory_space<vmem_shared>> -> memref<10000x128xf32, #tpu.memory_space<vmem_shared>>
        tpu.wait_indirect_dma semaphore(%run_scoped3A_579 : memref<!tpu.dma_semaphore, #tpu.memory_space<semaphore_mem>>) src(%arg9 : memref<128x128xf32, #tpu.memory_space<vmem>>) dst(%dma_wait3A_591 : memref<10000x128xf32, #tpu.memory_space<vmem_shared>>)
        tpu.yield
      }) : () -> ()
      %dma_wait3A_399 = arith.constant 0 : i32
      %dma_wait3A_400 = arith.constant 0 : i32
      %dma_wait3A_401 = tpu.memref_slice %arg10[%dma_wait3A_399, %dma_wait3A_400] : memref<128x128xf32, #tpu.memory_space<vmem>> -> memref<64x128xf32, #tpu.memory_space<vmem>>
      %dma_wait3A_402 = arith.constant 384 : i32
      %dma_wait3A_403 = tpu.memref_slice %arg6[%dma_wait3A_402] : memref<512xi32, #tpu.memory_space<vmem>> -> memref<64xi32, #tpu.memory_space<vmem>>
      %dma_wait3A_404 = arith.constant 0 : i32
      %dma_wait3A_405 = arith.constant 0 : i32
      %dma_wait3A_406 = tpu.memref_slice %arg2[%dma_wait3A_404, %dma_wait3A_405] : memref<10000x128xf32, #tpu.memory_space<hbm>> -> memref<10000x128xf32, #tpu.memory_space<hbm>>
      tpu.wait_indirect_dma semaphore(%arg15 : memref<!tpu.dma_semaphore, #tpu.memory_space<semaphore_mem>>) src(%dma_wait3A_406 : memref<10000x128xf32, #tpu.memory_space<hbm>>) dst(%dma_wait3A_401 : memref<64x128xf32, #tpu.memory_space<vmem>>)
      %dma_wait3A_407 = arith.constant 64 : i32
      %dma_wait3A_408 = arith.constant 0 : i32
      %dma_wait3A_409 = tpu.memref_slice %arg10[%dma_wait3A_407, %dma_wait3A_408] : memref<128x128xf32, #tpu.memory_space<vmem>> -> memref<64x128xf32, #tpu.memory_space<vmem>>
      %dma_wait3A_410 = arith.constant 448 : i32
      %dma_wait3A_411 = tpu.memref_slice %arg6[%dma_wait3A_410] : memref<512xi32, #tpu.memory_space<vmem>> -> memref<64xi32, #tpu.memory_space<vmem>>
      %dma_wait3A_412 = arith.constant 0 : i32
      %dma_wait3A_413 = arith.constant 0 : i32
      %dma_wait3A_414 = tpu.memref_slice %arg2[%dma_wait3A_412, %dma_wait3A_413] : memref<10000x128xf32, #tpu.memory_space<hbm>> -> memref<10000x128xf32, #tpu.memory_space<hbm>>
      tpu.wait_indirect_dma semaphore(%arg17 : memref<!tpu.dma_semaphore, #tpu.memory_space<semaphore_mem>>) src(%dma_wait3A_414 : memref<10000x128xf32, #tpu.memory_space<hbm>>) dst(%dma_wait3A_409 : memref<64x128xf32, #tpu.memory_space<vmem>>)
      %add3A_415 = arith.constant 3 : i32
      %add3A_416 = arith.addi %add3A_275, %add3A_415 : i32
      %run_scoped3A_417 = arith.constant 0 : i32
      "tpu.region"() ({
        %run_scoped3A_579 = tpu.sem_alloc : memref<!tpu.dma_semaphore, #tpu.memory_space<semaphore_mem>>
        %dma_start3A_580 = arith.constant 0 : i32
        %dma_start3A_581 = tpu.memref_slice %arg8[%add3A_416, %run_scoped3A_417, %dma_start3A_580] : memref<79x1x128xi32, #tpu.memory_space<vmem>> -> memref<1x1x128xi32, #tpu.memory_space<vmem>>
        %dma_start3A_582 = tpu.memref_squeeze %dma_start3A_581 : memref<1x1x128xi32, #tpu.memory_space<vmem>> -> memref<128xi32, #tpu.memory_space<vmem>>
        %dma_start3A_583 = arith.constant 0 : i32
        %dma_start3A_584 = arith.constant 0 : i32
        %dma_start3A_585 = tpu.memref_slice %arg11[%dma_start3A_583, %dma_start3A_584] : memref<10000x128xf32, #tpu.memory_space<vmem_shared>> -> memref<10000x128xf32, #tpu.memory_space<vmem_shared>>
        tpu.enqueue_indirect_dma source(%arg10 : memref<128x128xf32, #tpu.memory_space<vmem>>) target(%dma_start3A_585 : memref<10000x128xf32, #tpu.memory_space<vmem_shared>>) offsets(%dma_start3A_582 : memref<128xi32, #tpu.memory_space<vmem>>) semaphore(%run_scoped3A_579 : memref<!tpu.dma_semaphore, #tpu.memory_space<semaphore_mem>>) {add = true}
        %dma_wait3A_586 = arith.constant 0 : i32
        %dma_wait3A_587 = tpu.memref_slice %arg8[%add3A_416, %run_scoped3A_417, %dma_wait3A_586] : memref<79x1x128xi32, #tpu.memory_space<vmem>> -> memref<1x1x128xi32, #tpu.memory_space<vmem>>
        %dma_wait3A_588 = tpu.memref_squeeze %dma_wait3A_587 : memref<1x1x128xi32, #tpu.memory_space<vmem>> -> memref<128xi32, #tpu.memory_space<vmem>>
        %dma_wait3A_589 = arith.constant 0 : i32
        %dma_wait3A_590 = arith.constant 0 : i32
        %dma_wait3A_591 = tpu.memref_slice %arg11[%dma_wait3A_589, %dma_wait3A_590] : memref<10000x128xf32, #tpu.memory_space<vmem_shared>> -> memref<10000x128xf32, #tpu.memory_space<vmem_shared>>
        tpu.wait_indirect_dma semaphore(%run_scoped3A_579 : memref<!tpu.dma_semaphore, #tpu.memory_space<semaphore_mem>>) src(%arg10 : memref<128x128xf32, #tpu.memory_space<vmem>>) dst(%dma_wait3A_591 : memref<10000x128xf32, #tpu.memory_space<vmem_shared>>)
        tpu.yield
      }) : () -> ()
      %add3A_418 = arith.constant 8 : i32
      %add3A_419 = arith.addi %add3A_275, %add3A_418 : i32
      %add3A_420 = arith.addi %add3A_4, %add3A_419 : i32
      %mul3A_421 = arith.constant 128 : i32
      %mul3A_422 = arith.muli %add3A_420, %mul3A_421 : i32
      %dma_start3A_423 = tpu.memref_slice %arg3[%mul3A_422] : memref<320000xi32, #tpu.memory_space<hbm>> -> memref<512xi32, #tpu.memory_space<hbm>>
      %dma_start3A_424 = tpu.memref_slice %arg3[%mul3A_422] : memref<320000xi32, #tpu.memory_space<hbm>> -> memref<512xi32, #tpu.memory_space<hbm>>
      tpu.enqueue_dma source(%dma_start3A_424 : memref<512xi32, #tpu.memory_space<hbm>>) target(%arg6 : memref<512xi32, #tpu.memory_space<vmem>>) target_semaphore(%arg12 : memref<!tpu.dma_semaphore, #tpu.memory_space<semaphore_mem>>)
      %dma_wait3A_425 = arith.constant 0 : i32
      %dma_wait3A_426 = tpu.memref_slice %arg3[%dma_wait3A_425] : memref<320000xi32, #tpu.memory_space<hbm>> -> memref<512xi32, #tpu.memory_space<hbm>>
      %dma_wait3A_427 = arith.constant 0 : i32
      %dma_wait3A_428 = tpu.memref_slice %arg3[%dma_wait3A_427] : memref<320000xi32, #tpu.memory_space<hbm>> -> memref<512xi32, #tpu.memory_space<hbm>>
      tpu.wait_dma2 semaphore(%arg13 : memref<!tpu.dma_semaphore, #tpu.memory_space<semaphore_mem>>) src(%dma_wait3A_428 : memref<512xi32, #tpu.memory_space<hbm>>) dst(%arg7 : memref<512xi32, #tpu.memory_space<vmem>>)
      %add3A_429 = arith.constant 4 : i32
      %add3A_430 = arith.addi %add3A_275, %add3A_429 : i32
      %dma_start3A_431 = arith.constant 0 : i32
      %dma_start3A_432 = arith.constant 0 : i32
      %dma_start3A_433 = tpu.memref_slice %arg9[%dma_start3A_431, %dma_start3A_432] : memref<128x128xf32, #tpu.memory_space<vmem>> -> memref<64x128xf32, #tpu.memory_space<vmem>>
      %dma_start3A_434 = arith.constant 0 : i32
      %dma_start3A_435 = tpu.memref_slice %arg7[%dma_start3A_434] : memref<512xi32, #tpu.memory_space<vmem>> -> memref<64xi32, #tpu.memory_space<vmem>>
      %dma_start3A_436 = arith.constant 0 : i32
      %dma_start3A_437 = arith.constant 0 : i32
      %dma_start3A_438 = tpu.memref_slice %arg2[%dma_start3A_436, %dma_start3A_437] : memref<10000x128xf32, #tpu.memory_space<hbm>> -> memref<10000x128xf32, #tpu.memory_space<hbm>>
      tpu.enqueue_indirect_dma source(%dma_start3A_438 : memref<10000x128xf32, #tpu.memory_space<hbm>>) target(%dma_start3A_433 : memref<64x128xf32, #tpu.memory_space<vmem>>) offsets(%dma_start3A_435 : memref<64xi32, #tpu.memory_space<vmem>>) semaphore(%arg14 : memref<!tpu.dma_semaphore, #tpu.memory_space<semaphore_mem>>)
      %dma_start3A_439 = arith.constant 64 : i32
      %dma_start3A_440 = arith.constant 0 : i32
      %dma_start3A_441 = tpu.memref_slice %arg9[%dma_start3A_439, %dma_start3A_440] : memref<128x128xf32, #tpu.memory_space<vmem>> -> memref<64x128xf32, #tpu.memory_space<vmem>>
      %dma_start3A_442 = arith.constant 64 : i32
      %dma_start3A_443 = tpu.memref_slice %arg7[%dma_start3A_442] : memref<512xi32, #tpu.memory_space<vmem>> -> memref<64xi32, #tpu.memory_space<vmem>>
      %dma_start3A_444 = arith.constant 0 : i32
      %dma_start3A_445 = arith.constant 0 : i32
      %dma_start3A_446 = tpu.memref_slice %arg2[%dma_start3A_444, %dma_start3A_445] : memref<10000x128xf32, #tpu.memory_space<hbm>> -> memref<10000x128xf32, #tpu.memory_space<hbm>>
      tpu.enqueue_indirect_dma source(%dma_start3A_446 : memref<10000x128xf32, #tpu.memory_space<hbm>>) target(%dma_start3A_441 : memref<64x128xf32, #tpu.memory_space<vmem>>) offsets(%dma_start3A_443 : memref<64xi32, #tpu.memory_space<vmem>>) semaphore(%arg16 : memref<!tpu.dma_semaphore, #tpu.memory_space<semaphore_mem>>)
      %dma_start3A_447 = arith.constant 0 : i32
      %dma_start3A_448 = arith.constant 0 : i32
      %dma_start3A_449 = tpu.memref_slice %arg10[%dma_start3A_447, %dma_start3A_448] : memref<128x128xf32, #tpu.memory_space<vmem>> -> memref<64x128xf32, #tpu.memory_space<vmem>>
      %dma_start3A_450 = arith.constant 128 : i32
      %dma_start3A_451 = tpu.memref_slice %arg7[%dma_start3A_450] : memref<512xi32, #tpu.memory_space<vmem>> -> memref<64xi32, #tpu.memory_space<vmem>>
      %dma_start3A_452 = arith.constant 0 : i32
      %dma_start3A_453 = arith.constant 0 : i32
      %dma_start3A_454 = tpu.memref_slice %arg2[%dma_start3A_452, %dma_start3A_453] : memref<10000x128xf32, #tpu.memory_space<hbm>> -> memref<10000x128xf32, #tpu.memory_space<hbm>>
      tpu.enqueue_indirect_dma source(%dma_start3A_454 : memref<10000x128xf32, #tpu.memory_space<hbm>>) target(%dma_start3A_449 : memref<64x128xf32, #tpu.memory_space<vmem>>) offsets(%dma_start3A_451 : memref<64xi32, #tpu.memory_space<vmem>>) semaphore(%arg15 : memref<!tpu.dma_semaphore, #tpu.memory_space<semaphore_mem>>)
      %dma_start3A_455 = arith.constant 64 : i32
      %dma_start3A_456 = arith.constant 0 : i32
      %dma_start3A_457 = tpu.memref_slice %arg10[%dma_start3A_455, %dma_start3A_456] : memref<128x128xf32, #tpu.memory_space<vmem>> -> memref<64x128xf32, #tpu.memory_space<vmem>>
      %dma_start3A_458 = arith.constant 192 : i32
      %dma_start3A_459 = tpu.memref_slice %arg7[%dma_start3A_458] : memref<512xi32, #tpu.memory_space<vmem>> -> memref<64xi32, #tpu.memory_space<vmem>>
      %dma_start3A_460 = arith.constant 0 : i32
      %dma_start3A_461 = arith.constant 0 : i32
      %dma_start3A_462 = tpu.memref_slice %arg2[%dma_start3A_460, %dma_start3A_461] : memref<10000x128xf32, #tpu.memory_space<hbm>> -> memref<10000x128xf32, #tpu.memory_space<hbm>>
      tpu.enqueue_indirect_dma source(%dma_start3A_462 : memref<10000x128xf32, #tpu.memory_space<hbm>>) target(%dma_start3A_457 : memref<64x128xf32, #tpu.memory_space<vmem>>) offsets(%dma_start3A_459 : memref<64xi32, #tpu.memory_space<vmem>>) semaphore(%arg17 : memref<!tpu.dma_semaphore, #tpu.memory_space<semaphore_mem>>)
      %dma_wait3A_463 = arith.constant 0 : i32
      %dma_wait3A_464 = arith.constant 0 : i32
      %dma_wait3A_465 = tpu.memref_slice %arg9[%dma_wait3A_463, %dma_wait3A_464] : memref<128x128xf32, #tpu.memory_space<vmem>> -> memref<64x128xf32, #tpu.memory_space<vmem>>
      %dma_wait3A_466 = arith.constant 0 : i32
      %dma_wait3A_467 = tpu.memref_slice %arg7[%dma_wait3A_466] : memref<512xi32, #tpu.memory_space<vmem>> -> memref<64xi32, #tpu.memory_space<vmem>>
      %dma_wait3A_468 = arith.constant 0 : i32
      %dma_wait3A_469 = arith.constant 0 : i32
      %dma_wait3A_470 = tpu.memref_slice %arg2[%dma_wait3A_468, %dma_wait3A_469] : memref<10000x128xf32, #tpu.memory_space<hbm>> -> memref<10000x128xf32, #tpu.memory_space<hbm>>
      tpu.wait_indirect_dma semaphore(%arg14 : memref<!tpu.dma_semaphore, #tpu.memory_space<semaphore_mem>>) src(%dma_wait3A_470 : memref<10000x128xf32, #tpu.memory_space<hbm>>) dst(%dma_wait3A_465 : memref<64x128xf32, #tpu.memory_space<vmem>>)
      %dma_wait3A_471 = arith.constant 64 : i32
      %dma_wait3A_472 = arith.constant 0 : i32
      %dma_wait3A_473 = tpu.memref_slice %arg9[%dma_wait3A_471, %dma_wait3A_472] : memref<128x128xf32, #tpu.memory_space<vmem>> -> memref<64x128xf32, #tpu.memory_space<vmem>>
      %dma_wait3A_474 = arith.constant 64 : i32
      %dma_wait3A_475 = tpu.memref_slice %arg7[%dma_wait3A_474] : memref<512xi32, #tpu.memory_space<vmem>> -> memref<64xi32, #tpu.memory_space<vmem>>
      %dma_wait3A_476 = arith.constant 0 : i32
      %dma_wait3A_477 = arith.constant 0 : i32
      %dma_wait3A_478 = tpu.memref_slice %arg2[%dma_wait3A_476, %dma_wait3A_477] : memref<10000x128xf32, #tpu.memory_space<hbm>> -> memref<10000x128xf32, #tpu.memory_space<hbm>>
      tpu.wait_indirect_dma semaphore(%arg16 : memref<!tpu.dma_semaphore, #tpu.memory_space<semaphore_mem>>) src(%dma_wait3A_478 : memref<10000x128xf32, #tpu.memory_space<hbm>>) dst(%dma_wait3A_473 : memref<64x128xf32, #tpu.memory_space<vmem>>)
      %run_scoped3A_479 = arith.constant 0 : i32
      "tpu.region"() ({
        %run_scoped3A_579 = tpu.sem_alloc : memref<!tpu.dma_semaphore, #tpu.memory_space<semaphore_mem>>
        %dma_start3A_580 = arith.constant 0 : i32
        %dma_start3A_581 = tpu.memref_slice %arg8[%add3A_430, %run_scoped3A_479, %dma_start3A_580] : memref<79x1x128xi32, #tpu.memory_space<vmem>> -> memref<1x1x128xi32, #tpu.memory_space<vmem>>
        %dma_start3A_582 = tpu.memref_squeeze %dma_start3A_581 : memref<1x1x128xi32, #tpu.memory_space<vmem>> -> memref<128xi32, #tpu.memory_space<vmem>>
        %dma_start3A_583 = arith.constant 0 : i32
        %dma_start3A_584 = arith.constant 0 : i32
        %dma_start3A_585 = tpu.memref_slice %arg11[%dma_start3A_583, %dma_start3A_584] : memref<10000x128xf32, #tpu.memory_space<vmem_shared>> -> memref<10000x128xf32, #tpu.memory_space<vmem_shared>>
        tpu.enqueue_indirect_dma source(%arg9 : memref<128x128xf32, #tpu.memory_space<vmem>>) target(%dma_start3A_585 : memref<10000x128xf32, #tpu.memory_space<vmem_shared>>) offsets(%dma_start3A_582 : memref<128xi32, #tpu.memory_space<vmem>>) semaphore(%run_scoped3A_579 : memref<!tpu.dma_semaphore, #tpu.memory_space<semaphore_mem>>) {add = true}
        %dma_wait3A_586 = arith.constant 0 : i32
        %dma_wait3A_587 = tpu.memref_slice %arg8[%add3A_430, %run_scoped3A_479, %dma_wait3A_586] : memref<79x1x128xi32, #tpu.memory_space<vmem>> -> memref<1x1x128xi32, #tpu.memory_space<vmem>>
        %dma_wait3A_588 = tpu.memref_squeeze %dma_wait3A_587 : memref<1x1x128xi32, #tpu.memory_space<vmem>> -> memref<128xi32, #tpu.memory_space<vmem>>
        %dma_wait3A_589 = arith.constant 0 : i32
        %dma_wait3A_590 = arith.constant 0 : i32
        %dma_wait3A_591 = tpu.memref_slice %arg11[%dma_wait3A_589, %dma_wait3A_590] : memref<10000x128xf32, #tpu.memory_space<vmem_shared>> -> memref<10000x128xf32, #tpu.memory_space<vmem_shared>>
        tpu.wait_indirect_dma semaphore(%run_scoped3A_579 : memref<!tpu.dma_semaphore, #tpu.memory_space<semaphore_mem>>) src(%arg9 : memref<128x128xf32, #tpu.memory_space<vmem>>) dst(%dma_wait3A_591 : memref<10000x128xf32, #tpu.memory_space<vmem_shared>>)
        tpu.yield
      }) : () -> ()
      %dma_wait3A_480 = arith.constant 0 : i32
      %dma_wait3A_481 = arith.constant 0 : i32
      %dma_wait3A_482 = tpu.memref_slice %arg10[%dma_wait3A_480, %dma_wait3A_481] : memref<128x128xf32, #tpu.memory_space<vmem>> -> memref<64x128xf32, #tpu.memory_space<vmem>>
      %dma_wait3A_483 = arith.constant 128 : i32
      %dma_wait3A_484 = tpu.memref_slice %arg7[%dma_wait3A_483] : memref<512xi32, #tpu.memory_space<vmem>> -> memref<64xi32, #tpu.memory_space<vmem>>
      %dma_wait3A_485 = arith.constant 0 : i32
      %dma_wait3A_486 = arith.constant 0 : i32
      %dma_wait3A_487 = tpu.memref_slice %arg2[%dma_wait3A_485, %dma_wait3A_486] : memref<10000x128xf32, #tpu.memory_space<hbm>> -> memref<10000x128xf32, #tpu.memory_space<hbm>>
      tpu.wait_indirect_dma semaphore(%arg15 : memref<!tpu.dma_semaphore, #tpu.memory_space<semaphore_mem>>) src(%dma_wait3A_487 : memref<10000x128xf32, #tpu.memory_space<hbm>>) dst(%dma_wait3A_482 : memref<64x128xf32, #tpu.memory_space<vmem>>)
      %dma_wait3A_488 = arith.constant 64 : i32
      %dma_wait3A_489 = arith.constant 0 : i32
      %dma_wait3A_490 = tpu.memref_slice %arg10[%dma_wait3A_488, %dma_wait3A_489] : memref<128x128xf32, #tpu.memory_space<vmem>> -> memref<64x128xf32, #tpu.memory_space<vmem>>
      %dma_wait3A_491 = arith.constant 192 : i32
      %dma_wait3A_492 = tpu.memref_slice %arg7[%dma_wait3A_491] : memref<512xi32, #tpu.memory_space<vmem>> -> memref<64xi32, #tpu.memory_space<vmem>>
      %dma_wait3A_493 = arith.constant 0 : i32
      %dma_wait3A_494 = arith.constant 0 : i32
      %dma_wait3A_495 = tpu.memref_slice %arg2[%dma_wait3A_493, %dma_wait3A_494] : memref<10000x128xf32, #tpu.memory_space<hbm>> -> memref<10000x128xf32, #tpu.memory_space<hbm>>
      tpu.wait_indirect_dma semaphore(%arg17 : memref<!tpu.dma_semaphore, #tpu.memory_space<semaphore_mem>>) src(%dma_wait3A_495 : memref<10000x128xf32, #tpu.memory_space<hbm>>) dst(%dma_wait3A_490 : memref<64x128xf32, #tpu.memory_space<vmem>>)
      %dma_start3A_496 = arith.constant 0 : i32
      %dma_start3A_497 = arith.constant 0 : i32
      %dma_start3A_498 = tpu.memref_slice %arg9[%dma_start3A_496, %dma_start3A_497] : memref<128x128xf32, #tpu.memory_space<vmem>> -> memref<64x128xf32, #tpu.memory_space<vmem>>
      %dma_start3A_499 = arith.constant 256 : i32
      %dma_start3A_500 = tpu.memref_slice %arg7[%dma_start3A_499] : memref<512xi32, #tpu.memory_space<vmem>> -> memref<64xi32, #tpu.memory_space<vmem>>
      %dma_start3A_501 = arith.constant 0 : i32
      %dma_start3A_502 = arith.constant 0 : i32
      %dma_start3A_503 = tpu.memref_slice %arg2[%dma_start3A_501, %dma_start3A_502] : memref<10000x128xf32, #tpu.memory_space<hbm>> -> memref<10000x128xf32, #tpu.memory_space<hbm>>
      tpu.enqueue_indirect_dma source(%dma_start3A_503 : memref<10000x128xf32, #tpu.memory_space<hbm>>) target(%dma_start3A_498 : memref<64x128xf32, #tpu.memory_space<vmem>>) offsets(%dma_start3A_500 : memref<64xi32, #tpu.memory_space<vmem>>) semaphore(%arg14 : memref<!tpu.dma_semaphore, #tpu.memory_space<semaphore_mem>>)
      %dma_start3A_504 = arith.constant 64 : i32
      %dma_start3A_505 = arith.constant 0 : i32
      %dma_start3A_506 = tpu.memref_slice %arg9[%dma_start3A_504, %dma_start3A_505] : memref<128x128xf32, #tpu.memory_space<vmem>> -> memref<64x128xf32, #tpu.memory_space<vmem>>
      %dma_start3A_507 = arith.constant 320 : i32
      %dma_start3A_508 = tpu.memref_slice %arg7[%dma_start3A_507] : memref<512xi32, #tpu.memory_space<vmem>> -> memref<64xi32, #tpu.memory_space<vmem>>
      %dma_start3A_509 = arith.constant 0 : i32
      %dma_start3A_510 = arith.constant 0 : i32
      %dma_start3A_511 = tpu.memref_slice %arg2[%dma_start3A_509, %dma_start3A_510] : memref<10000x128xf32, #tpu.memory_space<hbm>> -> memref<10000x128xf32, #tpu.memory_space<hbm>>
      tpu.enqueue_indirect_dma source(%dma_start3A_511 : memref<10000x128xf32, #tpu.memory_space<hbm>>) target(%dma_start3A_506 : memref<64x128xf32, #tpu.memory_space<vmem>>) offsets(%dma_start3A_508 : memref<64xi32, #tpu.memory_space<vmem>>) semaphore(%arg16 : memref<!tpu.dma_semaphore, #tpu.memory_space<semaphore_mem>>)
      %add3A_512 = arith.constant 1 : i32
      %add3A_513 = arith.addi %add3A_430, %add3A_512 : i32
      %run_scoped3A_514 = arith.constant 0 : i32
      "tpu.region"() ({
        %run_scoped3A_579 = tpu.sem_alloc : memref<!tpu.dma_semaphore, #tpu.memory_space<semaphore_mem>>
        %dma_start3A_580 = arith.constant 0 : i32
        %dma_start3A_581 = tpu.memref_slice %arg8[%add3A_513, %run_scoped3A_514, %dma_start3A_580] : memref<79x1x128xi32, #tpu.memory_space<vmem>> -> memref<1x1x128xi32, #tpu.memory_space<vmem>>
        %dma_start3A_582 = tpu.memref_squeeze %dma_start3A_581 : memref<1x1x128xi32, #tpu.memory_space<vmem>> -> memref<128xi32, #tpu.memory_space<vmem>>
        %dma_start3A_583 = arith.constant 0 : i32
        %dma_start3A_584 = arith.constant 0 : i32
        %dma_start3A_585 = tpu.memref_slice %arg11[%dma_start3A_583, %dma_start3A_584] : memref<10000x128xf32, #tpu.memory_space<vmem_shared>> -> memref<10000x128xf32, #tpu.memory_space<vmem_shared>>
        tpu.enqueue_indirect_dma source(%arg10 : memref<128x128xf32, #tpu.memory_space<vmem>>) target(%dma_start3A_585 : memref<10000x128xf32, #tpu.memory_space<vmem_shared>>) offsets(%dma_start3A_582 : memref<128xi32, #tpu.memory_space<vmem>>) semaphore(%run_scoped3A_579 : memref<!tpu.dma_semaphore, #tpu.memory_space<semaphore_mem>>) {add = true}
        %dma_wait3A_586 = arith.constant 0 : i32
        %dma_wait3A_587 = tpu.memref_slice %arg8[%add3A_513, %run_scoped3A_514, %dma_wait3A_586] : memref<79x1x128xi32, #tpu.memory_space<vmem>> -> memref<1x1x128xi32, #tpu.memory_space<vmem>>
        %dma_wait3A_588 = tpu.memref_squeeze %dma_wait3A_587 : memref<1x1x128xi32, #tpu.memory_space<vmem>> -> memref<128xi32, #tpu.memory_space<vmem>>
        %dma_wait3A_589 = arith.constant 0 : i32
        %dma_wait3A_590 = arith.constant 0 : i32
        %dma_wait3A_591 = tpu.memref_slice %arg11[%dma_wait3A_589, %dma_wait3A_590] : memref<10000x128xf32, #tpu.memory_space<vmem_shared>> -> memref<10000x128xf32, #tpu.memory_space<vmem_shared>>
        tpu.wait_indirect_dma semaphore(%run_scoped3A_579 : memref<!tpu.dma_semaphore, #tpu.memory_space<semaphore_mem>>) src(%arg10 : memref<128x128xf32, #tpu.memory_space<vmem>>) dst(%dma_wait3A_591 : memref<10000x128xf32, #tpu.memory_space<vmem_shared>>)
        tpu.yield
      }) : () -> ()
      %dma_wait3A_515 = arith.constant 0 : i32
      %dma_wait3A_516 = arith.constant 0 : i32
      %dma_wait3A_517 = tpu.memref_slice %arg9[%dma_wait3A_515, %dma_wait3A_516] : memref<128x128xf32, #tpu.memory_space<vmem>> -> memref<64x128xf32, #tpu.memory_space<vmem>>
      %dma_wait3A_518 = arith.constant 256 : i32
      %dma_wait3A_519 = tpu.memref_slice %arg7[%dma_wait3A_518] : memref<512xi32, #tpu.memory_space<vmem>> -> memref<64xi32, #tpu.memory_space<vmem>>
      %dma_wait3A_520 = arith.constant 0 : i32
      %dma_wait3A_521 = arith.constant 0 : i32
      %dma_wait3A_522 = tpu.memref_slice %arg2[%dma_wait3A_520, %dma_wait3A_521] : memref<10000x128xf32, #tpu.memory_space<hbm>> -> memref<10000x128xf32, #tpu.memory_space<hbm>>
      tpu.wait_indirect_dma semaphore(%arg14 : memref<!tpu.dma_semaphore, #tpu.memory_space<semaphore_mem>>) src(%dma_wait3A_522 : memref<10000x128xf32, #tpu.memory_space<hbm>>) dst(%dma_wait3A_517 : memref<64x128xf32, #tpu.memory_space<vmem>>)
      %dma_wait3A_523 = arith.constant 64 : i32
      %dma_wait3A_524 = arith.constant 0 : i32
      %dma_wait3A_525 = tpu.memref_slice %arg9[%dma_wait3A_523, %dma_wait3A_524] : memref<128x128xf32, #tpu.memory_space<vmem>> -> memref<64x128xf32, #tpu.memory_space<vmem>>
      %dma_wait3A_526 = arith.constant 320 : i32
      %dma_wait3A_527 = tpu.memref_slice %arg7[%dma_wait3A_526] : memref<512xi32, #tpu.memory_space<vmem>> -> memref<64xi32, #tpu.memory_space<vmem>>
      %dma_wait3A_528 = arith.constant 0 : i32
      %dma_wait3A_529 = arith.constant 0 : i32
      %dma_wait3A_530 = tpu.memref_slice %arg2[%dma_wait3A_528, %dma_wait3A_529] : memref<10000x128xf32, #tpu.memory_space<hbm>> -> memref<10000x128xf32, #tpu.memory_space<hbm>>
      tpu.wait_indirect_dma semaphore(%arg16 : memref<!tpu.dma_semaphore, #tpu.memory_space<semaphore_mem>>) src(%dma_wait3A_530 : memref<10000x128xf32, #tpu.memory_space<hbm>>) dst(%dma_wait3A_525 : memref<64x128xf32, #tpu.memory_space<vmem>>)
      %dma_start3A_531 = arith.constant 0 : i32
      %dma_start3A_532 = arith.constant 0 : i32
      %dma_start3A_533 = tpu.memref_slice %arg10[%dma_start3A_531, %dma_start3A_532] : memref<128x128xf32, #tpu.memory_space<vmem>> -> memref<64x128xf32, #tpu.memory_space<vmem>>
      %dma_start3A_534 = arith.constant 384 : i32
      %dma_start3A_535 = tpu.memref_slice %arg7[%dma_start3A_534] : memref<512xi32, #tpu.memory_space<vmem>> -> memref<64xi32, #tpu.memory_space<vmem>>
      %dma_start3A_536 = arith.constant 0 : i32
      %dma_start3A_537 = arith.constant 0 : i32
      %dma_start3A_538 = tpu.memref_slice %arg2[%dma_start3A_536, %dma_start3A_537] : memref<10000x128xf32, #tpu.memory_space<hbm>> -> memref<10000x128xf32, #tpu.memory_space<hbm>>
      tpu.enqueue_indirect_dma source(%dma_start3A_538 : memref<10000x128xf32, #tpu.memory_space<hbm>>) target(%dma_start3A_533 : memref<64x128xf32, #tpu.memory_space<vmem>>) offsets(%dma_start3A_535 : memref<64xi32, #tpu.memory_space<vmem>>) semaphore(%arg15 : memref<!tpu.dma_semaphore, #tpu.memory_space<semaphore_mem>>)
      %dma_start3A_539 = arith.constant 64 : i32
      %dma_start3A_540 = arith.constant 0 : i32
      %dma_start3A_541 = tpu.memref_slice %arg10[%dma_start3A_539, %dma_start3A_540] : memref<128x128xf32, #tpu.memory_space<vmem>> -> memref<64x128xf32, #tpu.memory_space<vmem>>
      %dma_start3A_542 = arith.constant 448 : i32
      %dma_start3A_543 = tpu.memref_slice %arg7[%dma_start3A_542] : memref<512xi32, #tpu.memory_space<vmem>> -> memref<64xi32, #tpu.memory_space<vmem>>
      %dma_start3A_544 = arith.constant 0 : i32
      %dma_start3A_545 = arith.constant 0 : i32
      %dma_start3A_546 = tpu.memref_slice %arg2[%dma_start3A_544, %dma_start3A_545] : memref<10000x128xf32, #tpu.memory_space<hbm>> -> memref<10000x128xf32, #tpu.memory_space<hbm>>
      tpu.enqueue_indirect_dma source(%dma_start3A_546 : memref<10000x128xf32, #tpu.memory_space<hbm>>) target(%dma_start3A_541 : memref<64x128xf32, #tpu.memory_space<vmem>>) offsets(%dma_start3A_543 : memref<64xi32, #tpu.memory_space<vmem>>) semaphore(%arg17 : memref<!tpu.dma_semaphore, #tpu.memory_space<semaphore_mem>>)
      %add3A_547 = arith.constant 2 : i32
      %add3A_548 = arith.addi %add3A_430, %add3A_547 : i32
      %run_scoped3A_549 = arith.constant 0 : i32
      "tpu.region"() ({
        %run_scoped3A_579 = tpu.sem_alloc : memref<!tpu.dma_semaphore, #tpu.memory_space<semaphore_mem>>
        %dma_start3A_580 = arith.constant 0 : i32
        %dma_start3A_581 = tpu.memref_slice %arg8[%add3A_548, %run_scoped3A_549, %dma_start3A_580] : memref<79x1x128xi32, #tpu.memory_space<vmem>> -> memref<1x1x128xi32, #tpu.memory_space<vmem>>
        %dma_start3A_582 = tpu.memref_squeeze %dma_start3A_581 : memref<1x1x128xi32, #tpu.memory_space<vmem>> -> memref<128xi32, #tpu.memory_space<vmem>>
        %dma_start3A_583 = arith.constant 0 : i32
        %dma_start3A_584 = arith.constant 0 : i32
        %dma_start3A_585 = tpu.memref_slice %arg11[%dma_start3A_583, %dma_start3A_584] : memref<10000x128xf32, #tpu.memory_space<vmem_shared>> -> memref<10000x128xf32, #tpu.memory_space<vmem_shared>>
        tpu.enqueue_indirect_dma source(%arg9 : memref<128x128xf32, #tpu.memory_space<vmem>>) target(%dma_start3A_585 : memref<10000x128xf32, #tpu.memory_space<vmem_shared>>) offsets(%dma_start3A_582 : memref<128xi32, #tpu.memory_space<vmem>>) semaphore(%run_scoped3A_579 : memref<!tpu.dma_semaphore, #tpu.memory_space<semaphore_mem>>) {add = true}
        %dma_wait3A_586 = arith.constant 0 : i32
        %dma_wait3A_587 = tpu.memref_slice %arg8[%add3A_548, %run_scoped3A_549, %dma_wait3A_586] : memref<79x1x128xi32, #tpu.memory_space<vmem>> -> memref<1x1x128xi32, #tpu.memory_space<vmem>>
        %dma_wait3A_588 = tpu.memref_squeeze %dma_wait3A_587 : memref<1x1x128xi32, #tpu.memory_space<vmem>> -> memref<128xi32, #tpu.memory_space<vmem>>
        %dma_wait3A_589 = arith.constant 0 : i32
        %dma_wait3A_590 = arith.constant 0 : i32
        %dma_wait3A_591 = tpu.memref_slice %arg11[%dma_wait3A_589, %dma_wait3A_590] : memref<10000x128xf32, #tpu.memory_space<vmem_shared>> -> memref<10000x128xf32, #tpu.memory_space<vmem_shared>>
        tpu.wait_indirect_dma semaphore(%run_scoped3A_579 : memref<!tpu.dma_semaphore, #tpu.memory_space<semaphore_mem>>) src(%arg9 : memref<128x128xf32, #tpu.memory_space<vmem>>) dst(%dma_wait3A_591 : memref<10000x128xf32, #tpu.memory_space<vmem_shared>>)
        tpu.yield
      }) : () -> ()
      %dma_wait3A_550 = arith.constant 0 : i32
      %dma_wait3A_551 = arith.constant 0 : i32
      %dma_wait3A_552 = tpu.memref_slice %arg10[%dma_wait3A_550, %dma_wait3A_551] : memref<128x128xf32, #tpu.memory_space<vmem>> -> memref<64x128xf32, #tpu.memory_space<vmem>>
      %dma_wait3A_553 = arith.constant 384 : i32
      %dma_wait3A_554 = tpu.memref_slice %arg7[%dma_wait3A_553] : memref<512xi32, #tpu.memory_space<vmem>> -> memref<64xi32, #tpu.memory_space<vmem>>
      %dma_wait3A_555 = arith.constant 0 : i32
      %dma_wait3A_556 = arith.constant 0 : i32
      %dma_wait3A_557 = tpu.memref_slice %arg2[%dma_wait3A_555, %dma_wait3A_556] : memref<10000x128xf32, #tpu.memory_space<hbm>> -> memref<10000x128xf32, #tpu.memory_space<hbm>>
      tpu.wait_indirect_dma semaphore(%arg15 : memref<!tpu.dma_semaphore, #tpu.memory_space<semaphore_mem>>) src(%dma_wait3A_557 : memref<10000x128xf32, #tpu.memory_space<hbm>>) dst(%dma_wait3A_552 : memref<64x128xf32, #tpu.memory_space<vmem>>)
      %dma_wait3A_558 = arith.constant 64 : i32
      %dma_wait3A_559 = arith.constant 0 : i32
      %dma_wait3A_560 = tpu.memref_slice %arg10[%dma_wait3A_558, %dma_wait3A_559] : memref<128x128xf32, #tpu.memory_space<vmem>> -> memref<64x128xf32, #tpu.memory_space<vmem>>
      %dma_wait3A_561 = arith.constant 448 : i32
      %dma_wait3A_562 = tpu.memref_slice %arg7[%dma_wait3A_561] : memref<512xi32, #tpu.memory_space<vmem>> -> memref<64xi32, #tpu.memory_space<vmem>>
      %dma_wait3A_563 = arith.constant 0 : i32
      %dma_wait3A_564 = arith.constant 0 : i32
      %dma_wait3A_565 = tpu.memref_slice %arg2[%dma_wait3A_563, %dma_wait3A_564] : memref<10000x128xf32, #tpu.memory_space<hbm>> -> memref<10000x128xf32, #tpu.memory_space<hbm>>
      tpu.wait_indirect_dma semaphore(%arg17 : memref<!tpu.dma_semaphore, #tpu.memory_space<semaphore_mem>>) src(%dma_wait3A_565 : memref<10000x128xf32, #tpu.memory_space<hbm>>) dst(%dma_wait3A_560 : memref<64x128xf32, #tpu.memory_space<vmem>>)
      %add3A_566 = arith.constant 3 : i32
      %add3A_567 = arith.addi %add3A_430, %add3A_566 : i32
      %run_scoped3A_568 = arith.constant 0 : i32
      "tpu.region"() ({
        %run_scoped3A_579 = tpu.sem_alloc : memref<!tpu.dma_semaphore, #tpu.memory_space<semaphore_mem>>
        %dma_start3A_580 = arith.constant 0 : i32
        %dma_start3A_581 = tpu.memref_slice %arg8[%add3A_567, %run_scoped3A_568, %dma_start3A_580] : memref<79x1x128xi32, #tpu.memory_space<vmem>> -> memref<1x1x128xi32, #tpu.memory_space<vmem>>
        %dma_start3A_582 = tpu.memref_squeeze %dma_start3A_581 : memref<1x1x128xi32, #tpu.memory_space<vmem>> -> memref<128xi32, #tpu.memory_space<vmem>>
        %dma_start3A_583 = arith.constant 0 : i32
        %dma_start3A_584 = arith.constant 0 : i32
        %dma_start3A_585 = tpu.memref_slice %arg11[%dma_start3A_583, %dma_start3A_584] : memref<10000x128xf32, #tpu.memory_space<vmem_shared>> -> memref<10000x128xf32, #tpu.memory_space<vmem_shared>>
        tpu.enqueue_indirect_dma source(%arg10 : memref<128x128xf32, #tpu.memory_space<vmem>>) target(%dma_start3A_585 : memref<10000x128xf32, #tpu.memory_space<vmem_shared>>) offsets(%dma_start3A_582 : memref<128xi32, #tpu.memory_space<vmem>>) semaphore(%run_scoped3A_579 : memref<!tpu.dma_semaphore, #tpu.memory_space<semaphore_mem>>) {add = true}
        %dma_wait3A_586 = arith.constant 0 : i32
        %dma_wait3A_587 = tpu.memref_slice %arg8[%add3A_567, %run_scoped3A_568, %dma_wait3A_586] : memref<79x1x128xi32, #tpu.memory_space<vmem>> -> memref<1x1x128xi32, #tpu.memory_space<vmem>>
        %dma_wait3A_588 = tpu.memref_squeeze %dma_wait3A_587 : memref<1x1x128xi32, #tpu.memory_space<vmem>> -> memref<128xi32, #tpu.memory_space<vmem>>
        %dma_wait3A_589 = arith.constant 0 : i32
        %dma_wait3A_590 = arith.constant 0 : i32
        %dma_wait3A_591 = tpu.memref_slice %arg11[%dma_wait3A_589, %dma_wait3A_590] : memref<10000x128xf32, #tpu.memory_space<vmem_shared>> -> memref<10000x128xf32, #tpu.memory_space<vmem_shared>>
        tpu.wait_indirect_dma semaphore(%run_scoped3A_579 : memref<!tpu.dma_semaphore, #tpu.memory_space<semaphore_mem>>) src(%arg10 : memref<128x128xf32, #tpu.memory_space<vmem>>) dst(%dma_wait3A_591 : memref<10000x128xf32, #tpu.memory_space<vmem_shared>>)
        tpu.yield
      }) : () -> ()
      %add3A_569 = arith.constant 12 : i32
      %add3A_570 = arith.addi %add3A_275, %add3A_569 : i32
      %sub3A_571 = arith.constant 4 : i32
      %sub3A_572 = arith.subi %add3A_8, %sub3A_571 : i32
      %min3A_573 = arith.minsi %add3A_570, %sub3A_572 : i32
      %add3A_574 = arith.addi %add3A_4, %min3A_573 : i32
      %mul3A_575 = arith.constant 128 : i32
      %mul3A_576 = arith.muli %add3A_574, %mul3A_575 : i32
      %dma_start3A_577 = tpu.memref_slice %arg3[%mul3A_576] : memref<320000xi32, #tpu.memory_space<hbm>> -> memref<512xi32, #tpu.memory_space<hbm>>
      %dma_start3A_578 = tpu.memref_slice %arg3[%mul3A_576] : memref<320000xi32, #tpu.memory_space<hbm>> -> memref<512xi32, #tpu.memory_space<hbm>>
      tpu.enqueue_dma source(%dma_start3A_578 : memref<512xi32, #tpu.memory_space<hbm>>) target(%arg7 : memref<512xi32, #tpu.memory_space<vmem>>) target_semaphore(%arg13 : memref<!tpu.dma_semaphore, #tpu.memory_space<semaphore_mem>>)
    }
    %scan3A_73 = arith.constant 9 : i32
    %dma_wait3A_74 = arith.constant 0 : i32
    %dma_wait3A_75 = tpu.memref_slice %arg3[%dma_wait3A_74] : memref<320000xi32, #tpu.memory_space<hbm>> -> memref<512xi32, #tpu.memory_space<hbm>>
    %dma_wait3A_76 = arith.constant 0 : i32
    %dma_wait3A_77 = tpu.memref_slice %arg3[%dma_wait3A_76] : memref<320000xi32, #tpu.memory_space<hbm>> -> memref<512xi32, #tpu.memory_space<hbm>>
    tpu.wait_dma2 semaphore(%arg12 : memref<!tpu.dma_semaphore, #tpu.memory_space<semaphore_mem>>) src(%dma_wait3A_77 : memref<512xi32, #tpu.memory_space<hbm>>) dst(%arg6 : memref<512xi32, #tpu.memory_space<vmem>>)
    %dma_start3A_78 = arith.constant 0 : i32
    %dma_start3A_79 = arith.constant 0 : i32
    %dma_start3A_80 = tpu.memref_slice %arg9[%dma_start3A_78, %dma_start3A_79] : memref<128x128xf32, #tpu.memory_space<vmem>> -> memref<64x128xf32, #tpu.memory_space<vmem>>
    %dma_start3A_81 = arith.constant 0 : i32
    %dma_start3A_82 = tpu.memref_slice %arg6[%dma_start3A_81] : memref<512xi32, #tpu.memory_space<vmem>> -> memref<64xi32, #tpu.memory_space<vmem>>
    %dma_start3A_83 = arith.constant 0 : i32
    %dma_start3A_84 = arith.constant 0 : i32
    %dma_start3A_85 = tpu.memref_slice %arg2[%dma_start3A_83, %dma_start3A_84] : memref<10000x128xf32, #tpu.memory_space<hbm>> -> memref<10000x128xf32, #tpu.memory_space<hbm>>
    tpu.enqueue_indirect_dma source(%dma_start3A_85 : memref<10000x128xf32, #tpu.memory_space<hbm>>) target(%dma_start3A_80 : memref<64x128xf32, #tpu.memory_space<vmem>>) offsets(%dma_start3A_82 : memref<64xi32, #tpu.memory_space<vmem>>) semaphore(%arg14 : memref<!tpu.dma_semaphore, #tpu.memory_space<semaphore_mem>>)
    %dma_start3A_86 = arith.constant 64 : i32
    %dma_start3A_87 = arith.constant 0 : i32
    %dma_start3A_88 = tpu.memref_slice %arg9[%dma_start3A_86, %dma_start3A_87] : memref<128x128xf32, #tpu.memory_space<vmem>> -> memref<64x128xf32, #tpu.memory_space<vmem>>
    %dma_start3A_89 = arith.constant 64 : i32
    %dma_start3A_90 = tpu.memref_slice %arg6[%dma_start3A_89] : memref<512xi32, #tpu.memory_space<vmem>> -> memref<64xi32, #tpu.memory_space<vmem>>
    %dma_start3A_91 = arith.constant 0 : i32
    %dma_start3A_92 = arith.constant 0 : i32
    %dma_start3A_93 = tpu.memref_slice %arg2[%dma_start3A_91, %dma_start3A_92] : memref<10000x128xf32, #tpu.memory_space<hbm>> -> memref<10000x128xf32, #tpu.memory_space<hbm>>
    tpu.enqueue_indirect_dma source(%dma_start3A_93 : memref<10000x128xf32, #tpu.memory_space<hbm>>) target(%dma_start3A_88 : memref<64x128xf32, #tpu.memory_space<vmem>>) offsets(%dma_start3A_90 : memref<64xi32, #tpu.memory_space<vmem>>) semaphore(%arg16 : memref<!tpu.dma_semaphore, #tpu.memory_space<semaphore_mem>>)
    %dma_start3A_94 = arith.constant 0 : i32
    %dma_start3A_95 = arith.constant 0 : i32
    %dma_start3A_96 = tpu.memref_slice %arg10[%dma_start3A_94, %dma_start3A_95] : memref<128x128xf32, #tpu.memory_space<vmem>> -> memref<64x128xf32, #tpu.memory_space<vmem>>
    %dma_start3A_97 = arith.constant 128 : i32
    %dma_start3A_98 = tpu.memref_slice %arg6[%dma_start3A_97] : memref<512xi32, #tpu.memory_space<vmem>> -> memref<64xi32, #tpu.memory_space<vmem>>
    %dma_start3A_99 = arith.constant 0 : i32
    %dma_start3A_100 = arith.constant 0 : i32
    %dma_start3A_101 = tpu.memref_slice %arg2[%dma_start3A_99, %dma_start3A_100] : memref<10000x128xf32, #tpu.memory_space<hbm>> -> memref<10000x128xf32, #tpu.memory_space<hbm>>
    tpu.enqueue_indirect_dma source(%dma_start3A_101 : memref<10000x128xf32, #tpu.memory_space<hbm>>) target(%dma_start3A_96 : memref<64x128xf32, #tpu.memory_space<vmem>>) offsets(%dma_start3A_98 : memref<64xi32, #tpu.memory_space<vmem>>) semaphore(%arg15 : memref<!tpu.dma_semaphore, #tpu.memory_space<semaphore_mem>>)
    %dma_start3A_102 = arith.constant 64 : i32
    %dma_start3A_103 = arith.constant 0 : i32
    %dma_start3A_104 = tpu.memref_slice %arg10[%dma_start3A_102, %dma_start3A_103] : memref<128x128xf32, #tpu.memory_space<vmem>> -> memref<64x128xf32, #tpu.memory_space<vmem>>
    %dma_start3A_105 = arith.constant 192 : i32
    %dma_start3A_106 = tpu.memref_slice %arg6[%dma_start3A_105] : memref<512xi32, #tpu.memory_space<vmem>> -> memref<64xi32, #tpu.memory_space<vmem>>
    %dma_start3A_107 = arith.constant 0 : i32
    %dma_start3A_108 = arith.constant 0 : i32
    %dma_start3A_109 = tpu.memref_slice %arg2[%dma_start3A_107, %dma_start3A_108] : memref<10000x128xf32, #tpu.memory_space<hbm>> -> memref<10000x128xf32, #tpu.memory_space<hbm>>
    tpu.enqueue_indirect_dma source(%dma_start3A_109 : memref<10000x128xf32, #tpu.memory_space<hbm>>) target(%dma_start3A_104 : memref<64x128xf32, #tpu.memory_space<vmem>>) offsets(%dma_start3A_106 : memref<64xi32, #tpu.memory_space<vmem>>) semaphore(%arg17 : memref<!tpu.dma_semaphore, #tpu.memory_space<semaphore_mem>>)
    %dma_wait3A_110 = arith.constant 0 : i32
    %dma_wait3A_111 = arith.constant 0 : i32
    %dma_wait3A_112 = tpu.memref_slice %arg9[%dma_wait3A_110, %dma_wait3A_111] : memref<128x128xf32, #tpu.memory_space<vmem>> -> memref<64x128xf32, #tpu.memory_space<vmem>>
    %dma_wait3A_113 = arith.constant 0 : i32
    %dma_wait3A_114 = tpu.memref_slice %arg6[%dma_wait3A_113] : memref<512xi32, #tpu.memory_space<vmem>> -> memref<64xi32, #tpu.memory_space<vmem>>
    %dma_wait3A_115 = arith.constant 0 : i32
    %dma_wait3A_116 = arith.constant 0 : i32
    %dma_wait3A_117 = tpu.memref_slice %arg2[%dma_wait3A_115, %dma_wait3A_116] : memref<10000x128xf32, #tpu.memory_space<hbm>> -> memref<10000x128xf32, #tpu.memory_space<hbm>>
    tpu.wait_indirect_dma semaphore(%arg14 : memref<!tpu.dma_semaphore, #tpu.memory_space<semaphore_mem>>) src(%dma_wait3A_117 : memref<10000x128xf32, #tpu.memory_space<hbm>>) dst(%dma_wait3A_112 : memref<64x128xf32, #tpu.memory_space<vmem>>)
    %dma_wait3A_118 = arith.constant 64 : i32
    %dma_wait3A_119 = arith.constant 0 : i32
    %dma_wait3A_120 = tpu.memref_slice %arg9[%dma_wait3A_118, %dma_wait3A_119] : memref<128x128xf32, #tpu.memory_space<vmem>> -> memref<64x128xf32, #tpu.memory_space<vmem>>
    %dma_wait3A_121 = arith.constant 64 : i32
    %dma_wait3A_122 = tpu.memref_slice %arg6[%dma_wait3A_121] : memref<512xi32, #tpu.memory_space<vmem>> -> memref<64xi32, #tpu.memory_space<vmem>>
    %dma_wait3A_123 = arith.constant 0 : i32
    %dma_wait3A_124 = arith.constant 0 : i32
    %dma_wait3A_125 = tpu.memref_slice %arg2[%dma_wait3A_123, %dma_wait3A_124] : memref<10000x128xf32, #tpu.memory_space<hbm>> -> memref<10000x128xf32, #tpu.memory_space<hbm>>
    tpu.wait_indirect_dma semaphore(%arg16 : memref<!tpu.dma_semaphore, #tpu.memory_space<semaphore_mem>>) src(%dma_wait3A_125 : memref<10000x128xf32, #tpu.memory_space<hbm>>) dst(%dma_wait3A_120 : memref<64x128xf32, #tpu.memory_space<vmem>>)
    %run_scoped3A = arith.constant 72 : i32
    %run_scoped3A_126 = arith.constant 0 : i32
    "tpu.region"() ({
      %run_scoped3A_271 = tpu.sem_alloc : memref<!tpu.dma_semaphore, #tpu.memory_space<semaphore_mem>>
      %dma_start3A_272 = arith.constant 0 : i32
      %dma_start3A_273 = tpu.memref_slice %arg8[%run_scoped3A, %run_scoped3A_126, %dma_start3A_272] : memref<79x1x128xi32, #tpu.memory_space<vmem>> -> memref<1x1x128xi32, #tpu.memory_space<vmem>>
      %dma_start3A_274 = tpu.memref_squeeze %dma_start3A_273 : memref<1x1x128xi32, #tpu.memory_space<vmem>> -> memref<128xi32, #tpu.memory_space<vmem>>
      %dma_start3A_275 = arith.constant 0 : i32
      %dma_start3A_276 = arith.constant 0 : i32
      %dma_start3A_277 = tpu.memref_slice %arg11[%dma_start3A_275, %dma_start3A_276] : memref<10000x128xf32, #tpu.memory_space<vmem_shared>> -> memref<10000x128xf32, #tpu.memory_space<vmem_shared>>
      tpu.enqueue_indirect_dma source(%arg9 : memref<128x128xf32, #tpu.memory_space<vmem>>) target(%dma_start3A_277 : memref<10000x128xf32, #tpu.memory_space<vmem_shared>>) offsets(%dma_start3A_274 : memref<128xi32, #tpu.memory_space<vmem>>) semaphore(%run_scoped3A_271 : memref<!tpu.dma_semaphore, #tpu.memory_space<semaphore_mem>>) {add = true}
      %dma_wait3A_278 = arith.constant 0 : i32
      %dma_wait3A_279 = tpu.memref_slice %arg8[%run_scoped3A, %run_scoped3A_126, %dma_wait3A_278] : memref<79x1x128xi32, #tpu.memory_space<vmem>> -> memref<1x1x128xi32, #tpu.memory_space<vmem>>
      %dma_wait3A_280 = tpu.memref_squeeze %dma_wait3A_279 : memref<1x1x128xi32, #tpu.memory_space<vmem>> -> memref<128xi32, #tpu.memory_space<vmem>>
      %dma_wait3A_281 = arith.constant 0 : i32
      %dma_wait3A_282 = arith.constant 0 : i32
      %dma_wait3A_283 = tpu.memref_slice %arg11[%dma_wait3A_281, %dma_wait3A_282] : memref<10000x128xf32, #tpu.memory_space<vmem_shared>> -> memref<10000x128xf32, #tpu.memory_space<vmem_shared>>
      tpu.wait_indirect_dma semaphore(%run_scoped3A_271 : memref<!tpu.dma_semaphore, #tpu.memory_space<semaphore_mem>>) src(%arg9 : memref<128x128xf32, #tpu.memory_space<vmem>>) dst(%dma_wait3A_283 : memref<10000x128xf32, #tpu.memory_space<vmem_shared>>)
      tpu.yield
    }) : () -> ()
    %dma_wait3A_127 = arith.constant 0 : i32
    %dma_wait3A_128 = arith.constant 0 : i32
    %dma_wait3A_129 = tpu.memref_slice %arg10[%dma_wait3A_127, %dma_wait3A_128] : memref<128x128xf32, #tpu.memory_space<vmem>> -> memref<64x128xf32, #tpu.memory_space<vmem>>
    %dma_wait3A_130 = arith.constant 128 : i32
    %dma_wait3A_131 = tpu.memref_slice %arg6[%dma_wait3A_130] : memref<512xi32, #tpu.memory_space<vmem>> -> memref<64xi32, #tpu.memory_space<vmem>>
    %dma_wait3A_132 = arith.constant 0 : i32
    %dma_wait3A_133 = arith.constant 0 : i32
    %dma_wait3A_134 = tpu.memref_slice %arg2[%dma_wait3A_132, %dma_wait3A_133] : memref<10000x128xf32, #tpu.memory_space<hbm>> -> memref<10000x128xf32, #tpu.memory_space<hbm>>
    tpu.wait_indirect_dma semaphore(%arg15 : memref<!tpu.dma_semaphore, #tpu.memory_space<semaphore_mem>>) src(%dma_wait3A_134 : memref<10000x128xf32, #tpu.memory_space<hbm>>) dst(%dma_wait3A_129 : memref<64x128xf32, #tpu.memory_space<vmem>>)
    %dma_wait3A_135 = arith.constant 64 : i32
    %dma_wait3A_136 = arith.constant 0 : i32
    %dma_wait3A_137 = tpu.memref_slice %arg10[%dma_wait3A_135, %dma_wait3A_136] : memref<128x128xf32, #tpu.memory_space<vmem>> -> memref<64x128xf32, #tpu.memory_space<vmem>>
    %dma_wait3A_138 = arith.constant 192 : i32
    %dma_wait3A_139 = tpu.memref_slice %arg6[%dma_wait3A_138] : memref<512xi32, #tpu.memory_space<vmem>> -> memref<64xi32, #tpu.memory_space<vmem>>
    %dma_wait3A_140 = arith.constant 0 : i32
    %dma_wait3A_141 = arith.constant 0 : i32
    %dma_wait3A_142 = tpu.memref_slice %arg2[%dma_wait3A_140, %dma_wait3A_141] : memref<10000x128xf32, #tpu.memory_space<hbm>> -> memref<10000x128xf32, #tpu.memory_space<hbm>>
    tpu.wait_indirect_dma semaphore(%arg17 : memref<!tpu.dma_semaphore, #tpu.memory_space<semaphore_mem>>) src(%dma_wait3A_142 : memref<10000x128xf32, #tpu.memory_space<hbm>>) dst(%dma_wait3A_137 : memref<64x128xf32, #tpu.memory_space<vmem>>)
    %dma_start3A_143 = arith.constant 0 : i32
    %dma_start3A_144 = arith.constant 0 : i32
    %dma_start3A_145 = tpu.memref_slice %arg9[%dma_start3A_143, %dma_start3A_144] : memref<128x128xf32, #tpu.memory_space<vmem>> -> memref<64x128xf32, #tpu.memory_space<vmem>>
    %dma_start3A_146 = arith.constant 256 : i32
    %dma_start3A_147 = tpu.memref_slice %arg6[%dma_start3A_146] : memref<512xi32, #tpu.memory_space<vmem>> -> memref<64xi32, #tpu.memory_space<vmem>>
    %dma_start3A_148 = arith.constant 0 : i32
    %dma_start3A_149 = arith.constant 0 : i32
    %dma_start3A_150 = tpu.memref_slice %arg2[%dma_start3A_148, %dma_start3A_149] : memref<10000x128xf32, #tpu.memory_space<hbm>> -> memref<10000x128xf32, #tpu.memory_space<hbm>>
    tpu.enqueue_indirect_dma source(%dma_start3A_150 : memref<10000x128xf32, #tpu.memory_space<hbm>>) target(%dma_start3A_145 : memref<64x128xf32, #tpu.memory_space<vmem>>) offsets(%dma_start3A_147 : memref<64xi32, #tpu.memory_space<vmem>>) semaphore(%arg14 : memref<!tpu.dma_semaphore, #tpu.memory_space<semaphore_mem>>)
    %dma_start3A_151 = arith.constant 64 : i32
    %dma_start3A_152 = arith.constant 0 : i32
    %dma_start3A_153 = tpu.memref_slice %arg9[%dma_start3A_151, %dma_start3A_152] : memref<128x128xf32, #tpu.memory_space<vmem>> -> memref<64x128xf32, #tpu.memory_space<vmem>>
    %dma_start3A_154 = arith.constant 320 : i32
    %dma_start3A_155 = tpu.memref_slice %arg6[%dma_start3A_154] : memref<512xi32, #tpu.memory_space<vmem>> -> memref<64xi32, #tpu.memory_space<vmem>>
    %dma_start3A_156 = arith.constant 0 : i32
    %dma_start3A_157 = arith.constant 0 : i32
    %dma_start3A_158 = tpu.memref_slice %arg2[%dma_start3A_156, %dma_start3A_157] : memref<10000x128xf32, #tpu.memory_space<hbm>> -> memref<10000x128xf32, #tpu.memory_space<hbm>>
    tpu.enqueue_indirect_dma source(%dma_start3A_158 : memref<10000x128xf32, #tpu.memory_space<hbm>>) target(%dma_start3A_153 : memref<64x128xf32, #tpu.memory_space<vmem>>) offsets(%dma_start3A_155 : memref<64xi32, #tpu.memory_space<vmem>>) semaphore(%arg16 : memref<!tpu.dma_semaphore, #tpu.memory_space<semaphore_mem>>)
    %run_scoped3A_159 = arith.constant 73 : i32
    %run_scoped3A_160 = arith.constant 0 : i32
    "tpu.region"() ({
      %run_scoped3A_271 = tpu.sem_alloc : memref<!tpu.dma_semaphore, #tpu.memory_space<semaphore_mem>>
      %dma_start3A_272 = arith.constant 0 : i32
      %dma_start3A_273 = tpu.memref_slice %arg8[%run_scoped3A_159, %run_scoped3A_160, %dma_start3A_272] : memref<79x1x128xi32, #tpu.memory_space<vmem>> -> memref<1x1x128xi32, #tpu.memory_space<vmem>>
      %dma_start3A_274 = tpu.memref_squeeze %dma_start3A_273 : memref<1x1x128xi32, #tpu.memory_space<vmem>> -> memref<128xi32, #tpu.memory_space<vmem>>
      %dma_start3A_275 = arith.constant 0 : i32
      %dma_start3A_276 = arith.constant 0 : i32
      %dma_start3A_277 = tpu.memref_slice %arg11[%dma_start3A_275, %dma_start3A_276] : memref<10000x128xf32, #tpu.memory_space<vmem_shared>> -> memref<10000x128xf32, #tpu.memory_space<vmem_shared>>
      tpu.enqueue_indirect_dma source(%arg10 : memref<128x128xf32, #tpu.memory_space<vmem>>) target(%dma_start3A_277 : memref<10000x128xf32, #tpu.memory_space<vmem_shared>>) offsets(%dma_start3A_274 : memref<128xi32, #tpu.memory_space<vmem>>) semaphore(%run_scoped3A_271 : memref<!tpu.dma_semaphore, #tpu.memory_space<semaphore_mem>>) {add = true}
      %dma_wait3A_278 = arith.constant 0 : i32
      %dma_wait3A_279 = tpu.memref_slice %arg8[%run_scoped3A_159, %run_scoped3A_160, %dma_wait3A_278] : memref<79x1x128xi32, #tpu.memory_space<vmem>> -> memref<1x1x128xi32, #tpu.memory_space<vmem>>
      %dma_wait3A_280 = tpu.memref_squeeze %dma_wait3A_279 : memref<1x1x128xi32, #tpu.memory_space<vmem>> -> memref<128xi32, #tpu.memory_space<vmem>>
      %dma_wait3A_281 = arith.constant 0 : i32
      %dma_wait3A_282 = arith.constant 0 : i32
      %dma_wait3A_283 = tpu.memref_slice %arg11[%dma_wait3A_281, %dma_wait3A_282] : memref<10000x128xf32, #tpu.memory_space<vmem_shared>> -> memref<10000x128xf32, #tpu.memory_space<vmem_shared>>
      tpu.wait_indirect_dma semaphore(%run_scoped3A_271 : memref<!tpu.dma_semaphore, #tpu.memory_space<semaphore_mem>>) src(%arg10 : memref<128x128xf32, #tpu.memory_space<vmem>>) dst(%dma_wait3A_283 : memref<10000x128xf32, #tpu.memory_space<vmem_shared>>)
      tpu.yield
    }) : () -> ()
    %dma_wait3A_161 = arith.constant 0 : i32
    %dma_wait3A_162 = arith.constant 0 : i32
    %dma_wait3A_163 = tpu.memref_slice %arg9[%dma_wait3A_161, %dma_wait3A_162] : memref<128x128xf32, #tpu.memory_space<vmem>> -> memref<64x128xf32, #tpu.memory_space<vmem>>
    %dma_wait3A_164 = arith.constant 256 : i32
    %dma_wait3A_165 = tpu.memref_slice %arg6[%dma_wait3A_164] : memref<512xi32, #tpu.memory_space<vmem>> -> memref<64xi32, #tpu.memory_space<vmem>>
    %dma_wait3A_166 = arith.constant 0 : i32
    %dma_wait3A_167 = arith.constant 0 : i32
    %dma_wait3A_168 = tpu.memref_slice %arg2[%dma_wait3A_166, %dma_wait3A_167] : memref<10000x128xf32, #tpu.memory_space<hbm>> -> memref<10000x128xf32, #tpu.memory_space<hbm>>
    tpu.wait_indirect_dma semaphore(%arg14 : memref<!tpu.dma_semaphore, #tpu.memory_space<semaphore_mem>>) src(%dma_wait3A_168 : memref<10000x128xf32, #tpu.memory_space<hbm>>) dst(%dma_wait3A_163 : memref<64x128xf32, #tpu.memory_space<vmem>>)
    %dma_wait3A_169 = arith.constant 64 : i32
    %dma_wait3A_170 = arith.constant 0 : i32
    %dma_wait3A_171 = tpu.memref_slice %arg9[%dma_wait3A_169, %dma_wait3A_170] : memref<128x128xf32, #tpu.memory_space<vmem>> -> memref<64x128xf32, #tpu.memory_space<vmem>>
    %dma_wait3A_172 = arith.constant 320 : i32
    %dma_wait3A_173 = tpu.memref_slice %arg6[%dma_wait3A_172] : memref<512xi32, #tpu.memory_space<vmem>> -> memref<64xi32, #tpu.memory_space<vmem>>
    %dma_wait3A_174 = arith.constant 0 : i32
    %dma_wait3A_175 = arith.constant 0 : i32
    %dma_wait3A_176 = tpu.memref_slice %arg2[%dma_wait3A_174, %dma_wait3A_175] : memref<10000x128xf32, #tpu.memory_space<hbm>> -> memref<10000x128xf32, #tpu.memory_space<hbm>>
    tpu.wait_indirect_dma semaphore(%arg16 : memref<!tpu.dma_semaphore, #tpu.memory_space<semaphore_mem>>) src(%dma_wait3A_176 : memref<10000x128xf32, #tpu.memory_space<hbm>>) dst(%dma_wait3A_171 : memref<64x128xf32, #tpu.memory_space<vmem>>)
    %dma_start3A_177 = arith.constant 0 : i32
    %dma_start3A_178 = arith.constant 0 : i32
    %dma_start3A_179 = tpu.memref_slice %arg10[%dma_start3A_177, %dma_start3A_178] : memref<128x128xf32, #tpu.memory_space<vmem>> -> memref<64x128xf32, #tpu.memory_space<vmem>>
    %dma_start3A_180 = arith.constant 384 : i32
    %dma_start3A_181 = tpu.memref_slice %arg6[%dma_start3A_180] : memref<512xi32, #tpu.memory_space<vmem>> -> memref<64xi32, #tpu.memory_space<vmem>>
    %dma_start3A_182 = arith.constant 0 : i32
    %dma_start3A_183 = arith.constant 0 : i32
    %dma_start3A_184 = tpu.memref_slice %arg2[%dma_start3A_182, %dma_start3A_183] : memref<10000x128xf32, #tpu.memory_space<hbm>> -> memref<10000x128xf32, #tpu.memory_space<hbm>>
    tpu.enqueue_indirect_dma source(%dma_start3A_184 : memref<10000x128xf32, #tpu.memory_space<hbm>>) target(%dma_start3A_179 : memref<64x128xf32, #tpu.memory_space<vmem>>) offsets(%dma_start3A_181 : memref<64xi32, #tpu.memory_space<vmem>>) semaphore(%arg15 : memref<!tpu.dma_semaphore, #tpu.memory_space<semaphore_mem>>)
    %dma_start3A_185 = arith.constant 64 : i32
    %dma_start3A_186 = arith.constant 0 : i32
    %dma_start3A_187 = tpu.memref_slice %arg10[%dma_start3A_185, %dma_start3A_186] : memref<128x128xf32, #tpu.memory_space<vmem>> -> memref<64x128xf32, #tpu.memory_space<vmem>>
    %dma_start3A_188 = arith.constant 448 : i32
    %dma_start3A_189 = tpu.memref_slice %arg6[%dma_start3A_188] : memref<512xi32, #tpu.memory_space<vmem>> -> memref<64xi32, #tpu.memory_space<vmem>>
    %dma_start3A_190 = arith.constant 0 : i32
    %dma_start3A_191 = arith.constant 0 : i32
    %dma_start3A_192 = tpu.memref_slice %arg2[%dma_start3A_190, %dma_start3A_191] : memref<10000x128xf32, #tpu.memory_space<hbm>> -> memref<10000x128xf32, #tpu.memory_space<hbm>>
    tpu.enqueue_indirect_dma source(%dma_start3A_192 : memref<10000x128xf32, #tpu.memory_space<hbm>>) target(%dma_start3A_187 : memref<64x128xf32, #tpu.memory_space<vmem>>) offsets(%dma_start3A_189 : memref<64xi32, #tpu.memory_space<vmem>>) semaphore(%arg17 : memref<!tpu.dma_semaphore, #tpu.memory_space<semaphore_mem>>)
    %run_scoped3A_193 = arith.constant 74 : i32
    %run_scoped3A_194 = arith.constant 0 : i32
    "tpu.region"() ({
      %run_scoped3A_271 = tpu.sem_alloc : memref<!tpu.dma_semaphore, #tpu.memory_space<semaphore_mem>>
      %dma_start3A_272 = arith.constant 0 : i32
      %dma_start3A_273 = tpu.memref_slice %arg8[%run_scoped3A_193, %run_scoped3A_194, %dma_start3A_272] : memref<79x1x128xi32, #tpu.memory_space<vmem>> -> memref<1x1x128xi32, #tpu.memory_space<vmem>>
      %dma_start3A_274 = tpu.memref_squeeze %dma_start3A_273 : memref<1x1x128xi32, #tpu.memory_space<vmem>> -> memref<128xi32, #tpu.memory_space<vmem>>
      %dma_start3A_275 = arith.constant 0 : i32
      %dma_start3A_276 = arith.constant 0 : i32
      %dma_start3A_277 = tpu.memref_slice %arg11[%dma_start3A_275, %dma_start3A_276] : memref<10000x128xf32, #tpu.memory_space<vmem_shared>> -> memref<10000x128xf32, #tpu.memory_space<vmem_shared>>
      tpu.enqueue_indirect_dma source(%arg9 : memref<128x128xf32, #tpu.memory_space<vmem>>) target(%dma_start3A_277 : memref<10000x128xf32, #tpu.memory_space<vmem_shared>>) offsets(%dma_start3A_274 : memref<128xi32, #tpu.memory_space<vmem>>) semaphore(%run_scoped3A_271 : memref<!tpu.dma_semaphore, #tpu.memory_space<semaphore_mem>>) {add = true}
      %dma_wait3A_278 = arith.constant 0 : i32
      %dma_wait3A_279 = tpu.memref_slice %arg8[%run_scoped3A_193, %run_scoped3A_194, %dma_wait3A_278] : memref<79x1x128xi32, #tpu.memory_space<vmem>> -> memref<1x1x128xi32, #tpu.memory_space<vmem>>
      %dma_wait3A_280 = tpu.memref_squeeze %dma_wait3A_279 : memref<1x1x128xi32, #tpu.memory_space<vmem>> -> memref<128xi32, #tpu.memory_space<vmem>>
      %dma_wait3A_281 = arith.constant 0 : i32
      %dma_wait3A_282 = arith.constant 0 : i32
      %dma_wait3A_283 = tpu.memref_slice %arg11[%dma_wait3A_281, %dma_wait3A_282] : memref<10000x128xf32, #tpu.memory_space<vmem_shared>> -> memref<10000x128xf32, #tpu.memory_space<vmem_shared>>
      tpu.wait_indirect_dma semaphore(%run_scoped3A_271 : memref<!tpu.dma_semaphore, #tpu.memory_space<semaphore_mem>>) src(%arg9 : memref<128x128xf32, #tpu.memory_space<vmem>>) dst(%dma_wait3A_283 : memref<10000x128xf32, #tpu.memory_space<vmem_shared>>)
      tpu.yield
    }) : () -> ()
    %dma_wait3A_195 = arith.constant 0 : i32
    %dma_wait3A_196 = arith.constant 0 : i32
    %dma_wait3A_197 = tpu.memref_slice %arg10[%dma_wait3A_195, %dma_wait3A_196] : memref<128x128xf32, #tpu.memory_space<vmem>> -> memref<64x128xf32, #tpu.memory_space<vmem>>
    %dma_wait3A_198 = arith.constant 384 : i32
    %dma_wait3A_199 = tpu.memref_slice %arg6[%dma_wait3A_198] : memref<512xi32, #tpu.memory_space<vmem>> -> memref<64xi32, #tpu.memory_space<vmem>>
    %dma_wait3A_200 = arith.constant 0 : i32
    %dma_wait3A_201 = arith.constant 0 : i32
    %dma_wait3A_202 = tpu.memref_slice %arg2[%dma_wait3A_200, %dma_wait3A_201] : memref<10000x128xf32, #tpu.memory_space<hbm>> -> memref<10000x128xf32, #tpu.memory_space<hbm>>
    tpu.wait_indirect_dma semaphore(%arg15 : memref<!tpu.dma_semaphore, #tpu.memory_space<semaphore_mem>>) src(%dma_wait3A_202 : memref<10000x128xf32, #tpu.memory_space<hbm>>) dst(%dma_wait3A_197 : memref<64x128xf32, #tpu.memory_space<vmem>>)
    %dma_wait3A_203 = arith.constant 64 : i32
    %dma_wait3A_204 = arith.constant 0 : i32
    %dma_wait3A_205 = tpu.memref_slice %arg10[%dma_wait3A_203, %dma_wait3A_204] : memref<128x128xf32, #tpu.memory_space<vmem>> -> memref<64x128xf32, #tpu.memory_space<vmem>>
    %dma_wait3A_206 = arith.constant 448 : i32
    %dma_wait3A_207 = tpu.memref_slice %arg6[%dma_wait3A_206] : memref<512xi32, #tpu.memory_space<vmem>> -> memref<64xi32, #tpu.memory_space<vmem>>
    %dma_wait3A_208 = arith.constant 0 : i32
    %dma_wait3A_209 = arith.constant 0 : i32
    %dma_wait3A_210 = tpu.memref_slice %arg2[%dma_wait3A_208, %dma_wait3A_209] : memref<10000x128xf32, #tpu.memory_space<hbm>> -> memref<10000x128xf32, #tpu.memory_space<hbm>>
    tpu.wait_indirect_dma semaphore(%arg17 : memref<!tpu.dma_semaphore, #tpu.memory_space<semaphore_mem>>) src(%dma_wait3A_210 : memref<10000x128xf32, #tpu.memory_space<hbm>>) dst(%dma_wait3A_205 : memref<64x128xf32, #tpu.memory_space<vmem>>)
    %run_scoped3A_211 = arith.constant 75 : i32
    %run_scoped3A_212 = arith.constant 0 : i32
    "tpu.region"() ({
      %run_scoped3A_271 = tpu.sem_alloc : memref<!tpu.dma_semaphore, #tpu.memory_space<semaphore_mem>>
      %dma_start3A_272 = arith.constant 0 : i32
      %dma_start3A_273 = tpu.memref_slice %arg8[%run_scoped3A_211, %run_scoped3A_212, %dma_start3A_272] : memref<79x1x128xi32, #tpu.memory_space<vmem>> -> memref<1x1x128xi32, #tpu.memory_space<vmem>>
      %dma_start3A_274 = tpu.memref_squeeze %dma_start3A_273 : memref<1x1x128xi32, #tpu.memory_space<vmem>> -> memref<128xi32, #tpu.memory_space<vmem>>
      %dma_start3A_275 = arith.constant 0 : i32
      %dma_start3A_276 = arith.constant 0 : i32
      %dma_start3A_277 = tpu.memref_slice %arg11[%dma_start3A_275, %dma_start3A_276] : memref<10000x128xf32, #tpu.memory_space<vmem_shared>> -> memref<10000x128xf32, #tpu.memory_space<vmem_shared>>
      tpu.enqueue_indirect_dma source(%arg10 : memref<128x128xf32, #tpu.memory_space<vmem>>) target(%dma_start3A_277 : memref<10000x128xf32, #tpu.memory_space<vmem_shared>>) offsets(%dma_start3A_274 : memref<128xi32, #tpu.memory_space<vmem>>) semaphore(%run_scoped3A_271 : memref<!tpu.dma_semaphore, #tpu.memory_space<semaphore_mem>>) {add = true}
      %dma_wait3A_278 = arith.constant 0 : i32
      %dma_wait3A_279 = tpu.memref_slice %arg8[%run_scoped3A_211, %run_scoped3A_212, %dma_wait3A_278] : memref<79x1x128xi32, #tpu.memory_space<vmem>> -> memref<1x1x128xi32, #tpu.memory_space<vmem>>
      %dma_wait3A_280 = tpu.memref_squeeze %dma_wait3A_279 : memref<1x1x128xi32, #tpu.memory_space<vmem>> -> memref<128xi32, #tpu.memory_space<vmem>>
      %dma_wait3A_281 = arith.constant 0 : i32
      %dma_wait3A_282 = arith.constant 0 : i32
      %dma_wait3A_283 = tpu.memref_slice %arg11[%dma_wait3A_281, %dma_wait3A_282] : memref<10000x128xf32, #tpu.memory_space<vmem_shared>> -> memref<10000x128xf32, #tpu.memory_space<vmem_shared>>
      tpu.wait_indirect_dma semaphore(%run_scoped3A_271 : memref<!tpu.dma_semaphore, #tpu.memory_space<semaphore_mem>>) src(%arg10 : memref<128x128xf32, #tpu.memory_space<vmem>>) dst(%dma_wait3A_283 : memref<10000x128xf32, #tpu.memory_space<vmem_shared>>)
      tpu.yield
    }) : () -> ()
    %dma_wait3A_213 = arith.constant 0 : i32
    %dma_wait3A_214 = tpu.memref_slice %arg3[%dma_wait3A_213] : memref<320000xi32, #tpu.memory_space<hbm>> -> memref<512xi32, #tpu.memory_space<hbm>>
    %dma_wait3A_215 = arith.constant 0 : i32
    %dma_wait3A_216 = tpu.memref_slice %arg3[%dma_wait3A_215] : memref<320000xi32, #tpu.memory_space<hbm>> -> memref<512xi32, #tpu.memory_space<hbm>>
    tpu.wait_dma2 semaphore(%arg13 : memref<!tpu.dma_semaphore, #tpu.memory_space<semaphore_mem>>) src(%dma_wait3A_216 : memref<512xi32, #tpu.memory_space<hbm>>) dst(%arg7 : memref<512xi32, #tpu.memory_space<vmem>>)
    %sub3A_217 = arith.constant 4 : i32
    %sub3A_218 = arith.subi %add3A_8, %sub3A_217 : i32
    %sub3A_219 = arith.constant 76 : i32
    %sub3A_220 = arith.subi %sub3A_219, %sub3A_218 : i32
    %mul3A_221 = arith.constant 128 : i32
    %mul3A_222 = arith.muli %sub3A_220, %mul3A_221 : i32
    %dma_start3A_223 = tpu.memref_slice %arg7[%mul3A_222] : memref<512xi32, #tpu.memory_space<vmem>> -> memref<128xi32, #tpu.memory_space<vmem>>
    %dma_start3A_224 = arith.constant 0 : i32
    %dma_start3A_225 = arith.constant 0 : i32
    %dma_start3A_226 = tpu.memref_slice %arg2[%dma_start3A_224, %dma_start3A_225] : memref<10000x128xf32, #tpu.memory_space<hbm>> -> memref<10000x128xf32, #tpu.memory_space<hbm>>
    tpu.enqueue_indirect_dma source(%dma_start3A_226 : memref<10000x128xf32, #tpu.memory_space<hbm>>) target(%arg9 : memref<128x128xf32, #tpu.memory_space<vmem>>) offsets(%dma_start3A_223 : memref<128xi32, #tpu.memory_space<vmem>>) semaphore(%arg14 : memref<!tpu.dma_semaphore, #tpu.memory_space<semaphore_mem>>)
    %add3A_227 = arith.constant 1 : i32
    %add3A_228 = arith.addi %sub3A_220, %add3A_227 : i32
    %mul3A_229 = arith.constant 128 : i32
    %mul3A_230 = arith.muli %add3A_228, %mul3A_229 : i32
    %dma_start3A_231 = tpu.memref_slice %arg7[%mul3A_230] : memref<512xi32, #tpu.memory_space<vmem>> -> memref<128xi32, #tpu.memory_space<vmem>>
    %dma_start3A_232 = arith.constant 0 : i32
    %dma_start3A_233 = arith.constant 0 : i32
    %dma_start3A_234 = tpu.memref_slice %arg2[%dma_start3A_232, %dma_start3A_233] : memref<10000x128xf32, #tpu.memory_space<hbm>> -> memref<10000x128xf32, #tpu.memory_space<hbm>>
    tpu.enqueue_indirect_dma source(%dma_start3A_234 : memref<10000x128xf32, #tpu.memory_space<hbm>>) target(%arg10 : memref<128x128xf32, #tpu.memory_space<vmem>>) offsets(%dma_start3A_231 : memref<128xi32, #tpu.memory_space<vmem>>) semaphore(%arg15 : memref<!tpu.dma_semaphore, #tpu.memory_space<semaphore_mem>>)
    %dma_wait3A_235 = tpu.memref_slice %arg7[%mul3A_222] : memref<512xi32, #tpu.memory_space<vmem>> -> memref<128xi32, #tpu.memory_space<vmem>>
    %dma_wait3A_236 = arith.constant 0 : i32
    %dma_wait3A_237 = arith.constant 0 : i32
    %dma_wait3A_238 = tpu.memref_slice %arg2[%dma_wait3A_236, %dma_wait3A_237] : memref<10000x128xf32, #tpu.memory_space<hbm>> -> memref<10000x128xf32, #tpu.memory_space<hbm>>
    tpu.wait_indirect_dma semaphore(%arg14 : memref<!tpu.dma_semaphore, #tpu.memory_space<semaphore_mem>>) src(%dma_wait3A_238 : memref<10000x128xf32, #tpu.memory_space<hbm>>) dst(%arg9 : memref<128x128xf32, #tpu.memory_space<vmem>>)
    %run_scoped3A_239 = arith.constant 76 : i32
    %run_scoped3A_240 = arith.constant 0 : i32
    "tpu.region"() ({
      %run_scoped3A_271 = tpu.sem_alloc : memref<!tpu.dma_semaphore, #tpu.memory_space<semaphore_mem>>
      %dma_start3A_272 = arith.constant 0 : i32
      %dma_start3A_273 = tpu.memref_slice %arg8[%run_scoped3A_239, %run_scoped3A_240, %dma_start3A_272] : memref<79x1x128xi32, #tpu.memory_space<vmem>> -> memref<1x1x128xi32, #tpu.memory_space<vmem>>
      %dma_start3A_274 = tpu.memref_squeeze %dma_start3A_273 : memref<1x1x128xi32, #tpu.memory_space<vmem>> -> memref<128xi32, #tpu.memory_space<vmem>>
      %dma_start3A_275 = arith.constant 0 : i32
      %dma_start3A_276 = arith.constant 0 : i32
      %dma_start3A_277 = tpu.memref_slice %arg11[%dma_start3A_275, %dma_start3A_276] : memref<10000x128xf32, #tpu.memory_space<vmem_shared>> -> memref<10000x128xf32, #tpu.memory_space<vmem_shared>>
      tpu.enqueue_indirect_dma source(%arg9 : memref<128x128xf32, #tpu.memory_space<vmem>>) target(%dma_start3A_277 : memref<10000x128xf32, #tpu.memory_space<vmem_shared>>) offsets(%dma_start3A_274 : memref<128xi32, #tpu.memory_space<vmem>>) semaphore(%run_scoped3A_271 : memref<!tpu.dma_semaphore, #tpu.memory_space<semaphore_mem>>) {add = true}
      %dma_wait3A_278 = arith.constant 0 : i32
      %dma_wait3A_279 = tpu.memref_slice %arg8[%run_scoped3A_239, %run_scoped3A_240, %dma_wait3A_278] : memref<79x1x128xi32, #tpu.memory_space<vmem>> -> memref<1x1x128xi32, #tpu.memory_space<vmem>>
      %dma_wait3A_280 = tpu.memref_squeeze %dma_wait3A_279 : memref<1x1x128xi32, #tpu.memory_space<vmem>> -> memref<128xi32, #tpu.memory_space<vmem>>
      %dma_wait3A_281 = arith.constant 0 : i32
      %dma_wait3A_282 = arith.constant 0 : i32
      %dma_wait3A_283 = tpu.memref_slice %arg11[%dma_wait3A_281, %dma_wait3A_282] : memref<10000x128xf32, #tpu.memory_space<vmem_shared>> -> memref<10000x128xf32, #tpu.memory_space<vmem_shared>>
      tpu.wait_indirect_dma semaphore(%run_scoped3A_271 : memref<!tpu.dma_semaphore, #tpu.memory_space<semaphore_mem>>) src(%arg9 : memref<128x128xf32, #tpu.memory_space<vmem>>) dst(%dma_wait3A_283 : memref<10000x128xf32, #tpu.memory_space<vmem_shared>>)
      tpu.yield
    }) : () -> ()
    %dma_wait3A_241 = tpu.memref_slice %arg7[%mul3A_230] : memref<512xi32, #tpu.memory_space<vmem>> -> memref<128xi32, #tpu.memory_space<vmem>>
    %dma_wait3A_242 = arith.constant 0 : i32
    %dma_wait3A_243 = arith.constant 0 : i32
    %dma_wait3A_244 = tpu.memref_slice %arg2[%dma_wait3A_242, %dma_wait3A_243] : memref<10000x128xf32, #tpu.memory_space<hbm>> -> memref<10000x128xf32, #tpu.memory_space<hbm>>
    tpu.wait_indirect_dma semaphore(%arg15 : memref<!tpu.dma_semaphore, #tpu.memory_space<semaphore_mem>>) src(%dma_wait3A_244 : memref<10000x128xf32, #tpu.memory_space<hbm>>) dst(%arg10 : memref<128x128xf32, #tpu.memory_space<vmem>>)
    %run_scoped3A_245 = arith.constant 77 : i32
    %run_scoped3A_246 = arith.constant 0 : i32
    "tpu.region"() ({
      %run_scoped3A_271 = tpu.sem_alloc : memref<!tpu.dma_semaphore, #tpu.memory_space<semaphore_mem>>
      %dma_start3A_272 = arith.constant 0 : i32
      %dma_start3A_273 = tpu.memref_slice %arg8[%run_scoped3A_245, %run_scoped3A_246, %dma_start3A_272] : memref<79x1x128xi32, #tpu.memory_space<vmem>> -> memref<1x1x128xi32, #tpu.memory_space<vmem>>
      %dma_start3A_274 = tpu.memref_squeeze %dma_start3A_273 : memref<1x1x128xi32, #tpu.memory_space<vmem>> -> memref<128xi32, #tpu.memory_space<vmem>>
      %dma_start3A_275 = arith.constant 0 : i32
      %dma_start3A_276 = arith.constant 0 : i32
      %dma_start3A_277 = tpu.memref_slice %arg11[%dma_start3A_275, %dma_start3A_276] : memref<10000x128xf32, #tpu.memory_space<vmem_shared>> -> memref<10000x128xf32, #tpu.memory_space<vmem_shared>>
      tpu.enqueue_indirect_dma source(%arg10 : memref<128x128xf32, #tpu.memory_space<vmem>>) target(%dma_start3A_277 : memref<10000x128xf32, #tpu.memory_space<vmem_shared>>) offsets(%dma_start3A_274 : memref<128xi32, #tpu.memory_space<vmem>>) semaphore(%run_scoped3A_271 : memref<!tpu.dma_semaphore, #tpu.memory_space<semaphore_mem>>) {add = true}
      %dma_wait3A_278 = arith.constant 0 : i32
      %dma_wait3A_279 = tpu.memref_slice %arg8[%run_scoped3A_245, %run_scoped3A_246, %dma_wait3A_278] : memref<79x1x128xi32, #tpu.memory_space<vmem>> -> memref<1x1x128xi32, #tpu.memory_space<vmem>>
      %dma_wait3A_280 = tpu.memref_squeeze %dma_wait3A_279 : memref<1x1x128xi32, #tpu.memory_space<vmem>> -> memref<128xi32, #tpu.memory_space<vmem>>
      %dma_wait3A_281 = arith.constant 0 : i32
      %dma_wait3A_282 = arith.constant 0 : i32
      %dma_wait3A_283 = tpu.memref_slice %arg11[%dma_wait3A_281, %dma_wait3A_282] : memref<10000x128xf32, #tpu.memory_space<vmem_shared>> -> memref<10000x128xf32, #tpu.memory_space<vmem_shared>>
      tpu.wait_indirect_dma semaphore(%run_scoped3A_271 : memref<!tpu.dma_semaphore, #tpu.memory_space<semaphore_mem>>) src(%arg10 : memref<128x128xf32, #tpu.memory_space<vmem>>) dst(%dma_wait3A_283 : memref<10000x128xf32, #tpu.memory_space<vmem_shared>>)
      tpu.yield
    }) : () -> ()
    %lt3A_247 = arith.constant 4 : i32
    %lt3A_248 = arith.cmpi slt, %add3A, %lt3A_247 : i32
    %convert_element_type3A_249 = arith.extui %lt3A_248 : i1 to i32
    %cond3A_250 = arith.constant 0 : i32
    %cond3A_251 = arith.cmpi ne, %convert_element_type3A_249, %cond3A_250 : i32
    scf.if %cond3A_251 {
      %dma_start3A_271 = arith.constant 384 : i32
      %dma_start3A_272 = tpu.memref_slice %arg7[%dma_start3A_271] : memref<512xi32, #tpu.memory_space<vmem>> -> memref<128xi32, #tpu.memory_space<vmem>>
      %dma_start3A_273 = arith.constant 0 : i32
      %dma_start3A_274 = arith.constant 0 : i32
      %dma_start3A_275 = tpu.memref_slice %arg2[%dma_start3A_273, %dma_start3A_274] : memref<10000x128xf32, #tpu.memory_space<hbm>> -> memref<10000x128xf32, #tpu.memory_space<hbm>>
      tpu.enqueue_indirect_dma source(%dma_start3A_275 : memref<10000x128xf32, #tpu.memory_space<hbm>>) target(%arg9 : memref<128x128xf32, #tpu.memory_space<vmem>>) offsets(%dma_start3A_272 : memref<128xi32, #tpu.memory_space<vmem>>) semaphore(%arg14 : memref<!tpu.dma_semaphore, #tpu.memory_space<semaphore_mem>>)
      %dma_wait3A_276 = arith.constant 384 : i32
      %dma_wait3A_277 = tpu.memref_slice %arg7[%dma_wait3A_276] : memref<512xi32, #tpu.memory_space<vmem>> -> memref<128xi32, #tpu.memory_space<vmem>>
      %dma_wait3A_278 = arith.constant 0 : i32
      %dma_wait3A_279 = arith.constant 0 : i32
      %dma_wait3A_280 = tpu.memref_slice %arg2[%dma_wait3A_278, %dma_wait3A_279] : memref<10000x128xf32, #tpu.memory_space<hbm>> -> memref<10000x128xf32, #tpu.memory_space<hbm>>
      tpu.wait_indirect_dma semaphore(%arg14 : memref<!tpu.dma_semaphore, #tpu.memory_space<semaphore_mem>>) src(%dma_wait3A_280 : memref<10000x128xf32, #tpu.memory_space<hbm>>) dst(%arg9 : memref<128x128xf32, #tpu.memory_space<vmem>>)
      %run_scoped3A_281 = arith.constant 78 : i32
      %run_scoped3A_282 = arith.constant 0 : i32
      "tpu.region"() ({
        %run_scoped3A_283 = tpu.sem_alloc : memref<!tpu.dma_semaphore, #tpu.memory_space<semaphore_mem>>
        %dma_start3A_284 = arith.constant 0 : i32
        %dma_start3A_285 = tpu.memref_slice %arg8[%run_scoped3A_281, %run_scoped3A_282, %dma_start3A_284] : memref<79x1x128xi32, #tpu.memory_space<vmem>> -> memref<1x1x128xi32, #tpu.memory_space<vmem>>
        %dma_start3A_286 = tpu.memref_squeeze %dma_start3A_285 : memref<1x1x128xi32, #tpu.memory_space<vmem>> -> memref<128xi32, #tpu.memory_space<vmem>>
        %dma_start3A_287 = arith.constant 0 : i32
        %dma_start3A_288 = arith.constant 0 : i32
        %dma_start3A_289 = tpu.memref_slice %arg11[%dma_start3A_287, %dma_start3A_288] : memref<10000x128xf32, #tpu.memory_space<vmem_shared>> -> memref<10000x128xf32, #tpu.memory_space<vmem_shared>>
        tpu.enqueue_indirect_dma source(%arg9 : memref<128x128xf32, #tpu.memory_space<vmem>>) target(%dma_start3A_289 : memref<10000x128xf32, #tpu.memory_space<vmem_shared>>) offsets(%dma_start3A_286 : memref<128xi32, #tpu.memory_space<vmem>>) semaphore(%run_scoped3A_283 : memref<!tpu.dma_semaphore, #tpu.memory_space<semaphore_mem>>) {add = true}
        %dma_wait3A_290 = arith.constant 0 : i32
        %dma_wait3A_291 = tpu.memref_slice %arg8[%run_scoped3A_281, %run_scoped3A_282, %dma_wait3A_290] : memref<79x1x128xi32, #tpu.memory_space<vmem>> -> memref<1x1x128xi32, #tpu.memory_space<vmem>>
        %dma_wait3A_292 = tpu.memref_squeeze %dma_wait3A_291 : memref<1x1x128xi32, #tpu.memory_space<vmem>> -> memref<128xi32, #tpu.memory_space<vmem>>
        %dma_wait3A_293 = arith.constant 0 : i32
        %dma_wait3A_294 = arith.constant 0 : i32
        %dma_wait3A_295 = tpu.memref_slice %arg11[%dma_wait3A_293, %dma_wait3A_294] : memref<10000x128xf32, #tpu.memory_space<vmem_shared>> -> memref<10000x128xf32, #tpu.memory_space<vmem_shared>>
        tpu.wait_indirect_dma semaphore(%run_scoped3A_283 : memref<!tpu.dma_semaphore, #tpu.memory_space<semaphore_mem>>) src(%arg9 : memref<128x128xf32, #tpu.memory_space<vmem>>) dst(%dma_wait3A_295 : memref<10000x128xf32, #tpu.memory_space<vmem_shared>>)
        tpu.yield
      }) : () -> ()
    } else {
    }
    %barrier3A_252 = arith.constant 0 : index
    tpu.barrier barrier_id(%barrier3A_252)
    %sub3A_253 = arith.constant 125 : i32
    %sub3A_254 = arith.subi %sub3A_253, %arg1 : i32
    %sub3A_255 = arith.constant 16 : i32
    %sub3A_256 = arith.constant 1 : i32
    %sub3A_257 = arith.subi %sub3A_255, %sub3A_256 : i32
    %add3A_258 = arith.addi %sub3A_254, %sub3A_257 : i32
    %div3A_259 = arith.constant 16 : i32
    %div3A_260 = arith.divsi %add3A_258, %div3A_259 : i32
    %while3A_261 = arith.constant 16 : i32
    %while3A_262 = arith.constant 0 : i32
    %while3A_263 = arith.subi %div3A_260, %while3A_262 : i32
    %while3A_264 = arith.addi %while3A_262, %while3A_263 : i32
    %while3A_265 = arith.constant 1 : i32
    %while3A_266 = arith.divsi %while3A_263, %while3A_265 : i32
    %while3A_267 = arith.muli %while3A_266, %while3A_265 : i32
    %while3A_268 = arith.addi %while3A_262, %while3A_267 : i32
    %while3A_269 = arith.constant 1 : i32
    scf.for %while3A_271 = %while3A_262 to %while3A_268 step %while3A_269  : i32 {
      %mul3A_272 = arith.muli %while3A_271, %while3A_261 : i32
      %add3A_273 = arith.addi %arg1, %mul3A_272 : i32
      %mul3A_274 = arith.constant 80 : i32
      %mul3A_275 = arith.muli %add3A_273, %mul3A_274 : i32
      %mul3A_276 = arith.constant 80 : i32
      %mul3A_277 = arith.muli %add3A_273, %mul3A_276 : i32
      "tpu.region"() ({
        %run_scoped3A_278 = tpu.sem_alloc : memref<!tpu.dma_semaphore, #tpu.memory_space<semaphore_mem>>
        %dma_start3A_279 = arith.constant 0 : i32
        %dma_start3A_280 = tpu.memref_slice %arg5[%arg0, %mul3A_277, %dma_start3A_279] : memref<2x10000x128xf32, #tpu.memory_space<hbm>> -> memref<1x80x128xf32, #tpu.memory_space<hbm>>
        %dma_start3A_281 = tpu.memref_squeeze %dma_start3A_280 : memref<1x80x128xf32, #tpu.memory_space<hbm>> -> memref<80x128xf32, #tpu.memory_space<hbm>>
        %dma_start3A_282 = arith.constant 0 : i32
        %dma_start3A_283 = tpu.memref_slice %arg11[%mul3A_275, %dma_start3A_282] : memref<10000x128xf32, #tpu.memory_space<vmem_shared>> -> memref<80x128xf32, #tpu.memory_space<vmem_shared>>
        tpu.enqueue_dma source(%dma_start3A_283 : memref<80x128xf32, #tpu.memory_space<vmem_shared>>) target(%dma_start3A_281 : memref<80x128xf32, #tpu.memory_space<hbm>>) target_semaphore(%run_scoped3A_278 : memref<!tpu.dma_semaphore, #tpu.memory_space<semaphore_mem>>)
        %dma_wait3A_284 = arith.constant 0 : i32
        %dma_wait3A_285 = tpu.memref_slice %arg5[%arg0, %mul3A_277, %dma_wait3A_284] : memref<2x10000x128xf32, #tpu.memory_space<hbm>> -> memref<1x80x128xf32, #tpu.memory_space<hbm>>
        %dma_wait3A_286 = tpu.memref_squeeze %dma_wait3A_285 : memref<1x80x128xf32, #tpu.memory_space<hbm>> -> memref<80x128xf32, #tpu.memory_space<hbm>>
        %dma_wait3A_287 = arith.constant 0 : i32
        %dma_wait3A_288 = tpu.memref_slice %arg11[%mul3A_275, %dma_wait3A_287] : memref<10000x128xf32, #tpu.memory_space<vmem_shared>> -> memref<80x128xf32, #tpu.memory_space<vmem_shared>>
        tpu.wait_dma2 semaphore(%run_scoped3A_278 : memref<!tpu.dma_semaphore, #tpu.memory_space<semaphore_mem>>) src(%dma_wait3A_288 : memref<80x128xf32, #tpu.memory_space<vmem_shared>>) dst(%dma_wait3A_286 : memref<80x128xf32, #tpu.memory_space<hbm>>)
        tpu.yield
      }) : () -> ()
    }
    %while3A_270 = arith.constant 1 : i32
    scf.for %while3A_271 = %while3A_268 to %while3A_264 step %while3A_270  : i32 {
      %mul3A_272 = arith.muli %while3A_271, %while3A_261 : i32
      %add3A_273 = arith.addi %arg1, %mul3A_272 : i32
      %mul3A_274 = arith.constant 80 : i32
      %mul3A_275 = arith.muli %add3A_273, %mul3A_274 : i32
      %mul3A_276 = arith.constant 80 : i32
      %mul3A_277 = arith.muli %add3A_273, %mul3A_276 : i32
      "tpu.region"() ({
        %run_scoped3A_278 = tpu.sem_alloc : memref<!tpu.dma_semaphore, #tpu.memory_space<semaphore_mem>>
        %dma_start3A_279 = arith.constant 0 : i32
        %dma_start3A_280 = tpu.memref_slice %arg5[%arg0, %mul3A_277, %dma_start3A_279] : memref<2x10000x128xf32, #tpu.memory_space<hbm>> -> memref<1x80x128xf32, #tpu.memory_space<hbm>>
        %dma_start3A_281 = tpu.memref_squeeze %dma_start3A_280 : memref<1x80x128xf32, #tpu.memory_space<hbm>> -> memref<80x128xf32, #tpu.memory_space<hbm>>
        %dma_start3A_282 = arith.constant 0 : i32
        %dma_start3A_283 = tpu.memref_slice %arg11[%mul3A_275, %dma_start3A_282] : memref<10000x128xf32, #tpu.memory_space<vmem_shared>> -> memref<80x128xf32, #tpu.memory_space<vmem_shared>>
        tpu.enqueue_dma source(%dma_start3A_283 : memref<80x128xf32, #tpu.memory_space<vmem_shared>>) target(%dma_start3A_281 : memref<80x128xf32, #tpu.memory_space<hbm>>) target_semaphore(%run_scoped3A_278 : memref<!tpu.dma_semaphore, #tpu.memory_space<semaphore_mem>>)
        %dma_wait3A_284 = arith.constant 0 : i32
        %dma_wait3A_285 = tpu.memref_slice %arg5[%arg0, %mul3A_277, %dma_wait3A_284] : memref<2x10000x128xf32, #tpu.memory_space<hbm>> -> memref<1x80x128xf32, #tpu.memory_space<hbm>>
        %dma_wait3A_286 = tpu.memref_squeeze %dma_wait3A_285 : memref<1x80x128xf32, #tpu.memory_space<hbm>> -> memref<80x128xf32, #tpu.memory_space<hbm>>
        %dma_wait3A_287 = arith.constant 0 : i32
        %dma_wait3A_288 = tpu.memref_slice %arg11[%mul3A_275, %dma_wait3A_287] : memref<10000x128xf32, #tpu.memory_space<vmem_shared>> -> memref<80x128xf32, #tpu.memory_space<vmem_shared>>
        tpu.wait_dma2 semaphore(%run_scoped3A_278 : memref<!tpu.dma_semaphore, #tpu.memory_space<semaphore_mem>>) src(%dma_wait3A_288 : memref<80x128xf32, #tpu.memory_space<vmem_shared>>) dst(%dma_wait3A_286 : memref<80x128xf32, #tpu.memory_space<hbm>>)
        tpu.yield
      }) : () -> ()
    }
    return
  }
}

#map = affine_map<(d0, d1) -> (0, 0)>
#map1 = affine_map<(d0, d1) -> (0)>
#map2 = affine_map<(d0, d1) -> (0, 0, 0)>
module attributes {stable_mosaic.version = 14 : i64} {
  func.func @_sc_scatter_body(%arg0: i32, %arg1: i32, %arg2: memref<10000x128xf32, #tpu.memory_space<hbm>>, %arg3: memref<320000xi32, #tpu.memory_space<hbm>>, %arg4: memref<2500x1x128xi32, #tpu.memory_space<hbm>>, %arg5: memref<2x10000x128xf32, #tpu.memory_space<hbm>>, %arg6: memref<512xi32, #tpu.memory_space<vmem>>, %arg7: memref<512xi32, #tpu.memory_space<vmem>>, %arg8: memref<79x1x128xi32, #tpu.memory_space<vmem>>, %arg9: memref<128x128xf32, #tpu.memory_space<vmem>>, %arg10: memref<128x128xf32, #tpu.memory_space<vmem>>, %arg11: memref<10000x128xf32, #tpu.memory_space<vmem_shared>>, %arg12: memref<!tpu.dma_semaphore, #tpu.memory_space<semaphore_mem>>, %arg13: memref<!tpu.dma_semaphore, #tpu.memory_space<semaphore_mem>>, %arg14: memref<!tpu.dma_semaphore, #tpu.memory_space<semaphore_mem>>, %arg15: memref<!tpu.dma_semaphore, #tpu.memory_space<semaphore_mem>>, %arg16: memref<!tpu.dma_semaphore, #tpu.memory_space<semaphore_mem>>, %arg17: memref<!tpu.dma_semaphore, #tpu.memory_space<semaphore_mem>>) attributes {dimension_semantics = [#tpu.dimension_semantics<core_parallel>, #tpu.dimension_semantics<subcore_parallel>], iteration_bounds = array<i64: 2, 16>, scalar_prefetch = 0 : i64, scratch_operands = 12 : i64, tpu.core_type = #tpu.core_type<sc_vector_subcore>, window_params = [{transform_indices = #map}, {transform_indices = #map1}, {transform_indices = #map2}, {transform_indices = #map2}]} {
    %mul3A = arith.constant 2 : i32
    %mul3A_0 = arith.muli %arg1, %mul3A : i32
    %add3A = arith.addi %mul3A_0, %arg0 : i32
    %mul3A_1 = arith.constant 78 : i32
    %mul3A_2 = arith.muli %add3A, %mul3A_1 : i32
    %min3A = arith.constant 4 : i32
    %min3A_3 = arith.minsi %add3A, %min3A : i32
    %add3A_4 = arith.addi %mul3A_2, %min3A_3 : i32
    %lt3A = arith.constant 4 : i32
    %lt3A_5 = arith.cmpi slt, %add3A, %lt3A : i32
    %jit3A = arith.constant 1 : i32
    %jit3A_6 = arith.constant 0 : i32
    %select_n3A = arith.select %lt3A_5, %jit3A, %jit3A_6 : i32
    %add3A_7 = arith.constant 78 : i32
    %add3A_8 = arith.addi %add3A_7, %select_n3A : i32
    %dma_start3A = arith.constant 0 : i32
    %dma_start3A_9 = arith.constant 0 : i32
    %dma_start3A_10 = arith.constant 0 : i32
    %dma_start3A_11 = tpu.memref_slice %arg8[%dma_start3A, %dma_start3A_9, %dma_start3A_10] : memref<79x1x128xi32, #tpu.memory_space<vmem>> -> memref<78x1x128xi32, #tpu.memory_space<vmem>>
    %dma_start3A_12 = arith.constant 0 : i32
    %dma_start3A_13 = arith.constant 0 : i32
    %dma_start3A_14 = tpu.memref_slice %arg4[%add3A_4, %dma_start3A_12, %dma_start3A_13] : memref<2500x1x128xi32, #tpu.memory_space<hbm>> -> memref<78x1x128xi32, #tpu.memory_space<hbm>>
    %dma_start3A_15 = arith.constant 0 : i32
    %dma_start3A_16 = arith.constant 0 : i32
    %dma_start3A_17 = arith.constant 0 : i32
    %dma_start3A_18 = tpu.memref_slice %arg8[%dma_start3A_15, %dma_start3A_16, %dma_start3A_17] : memref<79x1x128xi32, #tpu.memory_space<vmem>> -> memref<78x1x128xi32, #tpu.memory_space<vmem>>
    %dma_start3A_19 = arith.constant 0 : i32
    %dma_start3A_20 = arith.constant 0 : i32
    %dma_start3A_21 = tpu.memref_slice %arg4[%add3A_4, %dma_start3A_19, %dma_start3A_20] : memref<2500x1x128xi32, #tpu.memory_space<hbm>> -> memref<78x1x128xi32, #tpu.memory_space<hbm>>
    tpu.enqueue_dma source(%dma_start3A_21 : memref<78x1x128xi32, #tpu.memory_space<hbm>>) target(%dma_start3A_18 : memref<78x1x128xi32, #tpu.memory_space<vmem>>) target_semaphore(%arg14 : memref<!tpu.dma_semaphore, #tpu.memory_space<semaphore_mem>>)
    %lt3A_22 = arith.constant 4 : i32
    %lt3A_23 = arith.cmpi slt, %add3A, %lt3A_22 : i32
    %convert_element_type3A = arith.extui %lt3A_23 : i1 to i32
    %cond3A = arith.constant 0 : i32
    %cond3A_24 = arith.cmpi ne, %convert_element_type3A, %cond3A : i32
    scf.if %cond3A_24 {
      %add3A_271 = arith.constant 78 : i32
      %add3A_272 = arith.addi %add3A_4, %add3A_271 : i32
      %run_scoped3A_273 = arith.constant 78 : i32
      "tpu.region"() ({
        %run_scoped3A_274 = tpu.sem_alloc : memref<!tpu.dma_semaphore, #tpu.memory_space<semaphore_mem>>
        %dma_start3A_275 = arith.constant 0 : i32
        %dma_start3A_276 = arith.constant 0 : i32
        %dma_start3A_277 = tpu.memref_slice %arg8[%run_scoped3A_273, %dma_start3A_275, %dma_start3A_276] : memref<79x1x128xi32, #tpu.memory_space<vmem>> -> memref<1x1x128xi32, #tpu.memory_space<vmem>>
        %dma_start3A_278 = tpu.memref_squeeze %dma_start3A_277 : memref<1x1x128xi32, #tpu.memory_space<vmem>> -> memref<1x128xi32, #tpu.memory_space<vmem>>
        %dma_start3A_279 = arith.constant 0 : i32
        %dma_start3A_280 = arith.constant 0 : i32
        %dma_start3A_281 = tpu.memref_slice %arg4[%add3A_272, %dma_start3A_279, %dma_start3A_280] : memref<2500x1x128xi32, #tpu.memory_space<hbm>> -> memref<1x1x128xi32, #tpu.memory_space<hbm>>
        %dma_start3A_282 = tpu.memref_squeeze %dma_start3A_281 : memref<1x1x128xi32, #tpu.memory_space<hbm>> -> memref<1x128xi32, #tpu.memory_space<hbm>>
        %dma_start3A_283 = arith.constant 0 : i32
        %dma_start3A_284 = arith.constant 0 : i32
        %dma_start3A_285 = tpu.memref_slice %arg8[%run_scoped3A_273, %dma_start3A_283, %dma_start3A_284] : memref<79x1x128xi32, #tpu.memory_space<vmem>> -> memref<1x1x128xi32, #tpu.memory_space<vmem>>
        %dma_start3A_286 = tpu.memref_squeeze %dma_start3A_285 : memref<1x1x128xi32, #tpu.memory_space<vmem>> -> memref<1x128xi32, #tpu.memory_space<vmem>>
        %dma_start3A_287 = arith.constant 0 : i32
        %dma_start3A_288 = arith.constant 0 : i32
        %dma_start3A_289 = tpu.memref_slice %arg4[%add3A_272, %dma_start3A_287, %dma_start3A_288] : memref<2500x1x128xi32, #tpu.memory_space<hbm>> -> memref<1x1x128xi32, #tpu.memory_space<hbm>>
        %dma_start3A_290 = tpu.memref_squeeze %dma_start3A_289 : memref<1x1x128xi32, #tpu.memory_space<hbm>> -> memref<1x128xi32, #tpu.memory_space<hbm>>
        tpu.enqueue_dma source(%dma_start3A_290 : memref<1x128xi32, #tpu.memory_space<hbm>>) target(%dma_start3A_286 : memref<1x128xi32, #tpu.memory_space<vmem>>) target_semaphore(%run_scoped3A_274 : memref<!tpu.dma_semaphore, #tpu.memory_space<semaphore_mem>>)
        %dma_wait3A_291 = arith.constant 0 : i32
        %dma_wait3A_292 = arith.constant 0 : i32
        %dma_wait3A_293 = tpu.memref_slice %arg8[%run_scoped3A_273, %dma_wait3A_291, %dma_wait3A_292] : memref<79x1x128xi32, #tpu.memory_space<vmem>> -> memref<1x1x128xi32, #tpu.memory_space<vmem>>
        %dma_wait3A_294 = tpu.memref_squeeze %dma_wait3A_293 : memref<1x1x128xi32, #tpu.memory_space<vmem>> -> memref<1x128xi32, #tpu.memory_space<vmem>>
        %dma_wait3A_295 = arith.constant 0 : i32
        %dma_wait3A_296 = arith.constant 0 : i32
        %dma_wait3A_297 = tpu.memref_slice %arg4[%add3A_272, %dma_wait3A_295, %dma_wait3A_296] : memref<2500x1x128xi32, #tpu.memory_space<hbm>> -> memref<1x1x128xi32, #tpu.memory_space<hbm>>
        %dma_wait3A_298 = tpu.memref_squeeze %dma_wait3A_297 : memref<1x1x128xi32, #tpu.memory_space<hbm>> -> memref<1x128xi32, #tpu.memory_space<hbm>>
        %dma_wait3A_299 = arith.constant 0 : i32
        %dma_wait3A_300 = arith.constant 0 : i32
        %dma_wait3A_301 = tpu.memref_slice %arg8[%run_scoped3A_273, %dma_wait3A_299, %dma_wait3A_300] : memref<79x1x128xi32, #tpu.memory_space<vmem>> -> memref<1x1x128xi32, #tpu.memory_space<vmem>>
        %dma_wait3A_302 = tpu.memref_squeeze %dma_wait3A_301 : memref<1x1x128xi32, #tpu.memory_space<vmem>> -> memref<1x128xi32, #tpu.memory_space<vmem>>
        %dma_wait3A_303 = arith.constant 0 : i32
        %dma_wait3A_304 = arith.constant 0 : i32
        %dma_wait3A_305 = tpu.memref_slice %arg4[%add3A_272, %dma_wait3A_303, %dma_wait3A_304] : memref<2500x1x128xi32, #tpu.memory_space<hbm>> -> memref<1x1x128xi32, #tpu.memory_space<hbm>>
        %dma_wait3A_306 = tpu.memref_squeeze %dma_wait3A_305 : memref<1x1x128xi32, #tpu.memory_space<hbm>> -> memref<1x128xi32, #tpu.memory_space<hbm>>
        tpu.wait_dma2 semaphore(%run_scoped3A_274 : memref<!tpu.dma_semaphore, #tpu.memory_space<semaphore_mem>>) src(%dma_wait3A_306 : memref<1x128xi32, #tpu.memory_space<hbm>>) dst(%dma_wait3A_302 : memref<1x128xi32, #tpu.memory_space<vmem>>)
        tpu.yield
      }) : () -> ()
    } else {
    }
    %scan3A = arith.constant 0 : i32
    %scan3A_25 = arith.constant 80 : i32
    %scan3A_26 = arith.addi %scan3A, %scan3A_25 : i32
    %scan3A_27 = arith.constant 1 : i32
    scf.for %scan3A_271 = %scan3A to %scan3A_26 step %scan3A_27  : i32 {
      %mul3A_272 = arith.constant 1 : i32
      %mul3A_273 = arith.muli %scan3A_271, %mul3A_272 : i32
      %add3A_274 = arith.constant 0 : i32
      %add3A_275 = arith.addi %add3A_274, %mul3A_273 : i32
      %scan3A_276 = arith.constant 0 : i32
      %scan3A_277 = arith.constant 8 : i32
      %scan3A_278 = arith.addi %scan3A_276, %scan3A_277 : i32
      %scan3A_279 = arith.constant 1 : i32
      scf.for %scan3A_281 = %scan3A_276 to %scan3A_278 step %scan3A_279  : i32 {
        %mul3A_282 = arith.constant 16 : i32
        %mul3A_283 = arith.muli %scan3A_281, %mul3A_282 : i32
        %add3A_284 = arith.constant 0 : i32
        %add3A_285 = arith.addi %add3A_284, %mul3A_283 : i32
        %broadcast_in_dim3A = arith.constant 0.000000e+00 : f32
        %broadcast_in_dim3A_286 = vector.broadcast %broadcast_in_dim3A : f32 to vector<16xf32>
        %swap3A = arith.index_cast %add3A_275 : i32 to index
        %swap3A_287 = arith.index_cast %add3A_285 : i32 to index
        %swap3A_288 = tpu.vector_load %arg9[%swap3A, %swap3A_287] {strides = array<i32>} : memref<128x128xf32, #tpu.memory_space<vmem>>, vector<1x16xf32>,
        %swap3A_289 = vector.shape_cast %swap3A_288 : vector<1x16xf32> to vector<16xf32>
        %swap3A_290 = vector.shape_cast %broadcast_in_dim3A_286 : vector<16xf32> to vector<1x16xf32>
        tpu.vector_store %arg9[%swap3A, %swap3A_287], %swap3A_290 {strides = array<i32>} : memref<128x128xf32, #tpu.memory_space<vmem>>, vector<1x16xf32>,
      }
      %scan3A_280 = arith.constant 8 : i32
    }
    %scan3A_28 = arith.constant 80 : i32
    %sub3A = arith.constant 125 : i32
    %sub3A_29 = arith.subi %sub3A, %arg1 : i32
    %sub3A_30 = arith.constant 16 : i32
    %sub3A_31 = arith.constant 1 : i32
    %sub3A_32 = arith.subi %sub3A_30, %sub3A_31 : i32
    %add3A_33 = arith.addi %sub3A_29, %sub3A_32 : i32
    %div3A = arith.constant 16 : i32
    %div3A_34 = arith.divsi %add3A_33, %div3A : i32
    %while3A = arith.constant 16 : i32
    %while3A_35 = arith.constant 0 : i32
    %while3A_36 = arith.subi %div3A_34, %while3A_35 : i32
    %while3A_37 = arith.addi %while3A_35, %while3A_36 : i32
    %while3A_38 = arith.constant 1 : i32
    %while3A_39 = arith.divsi %while3A_36, %while3A_38 : i32
    %while3A_40 = arith.muli %while3A_39, %while3A_38 : i32
    %while3A_41 = arith.addi %while3A_35, %while3A_40 : i32
    %while3A_42 = arith.constant 1 : i32
    scf.for %while3A_271 = %while3A_35 to %while3A_41 step %while3A_42  : i32 {
      %mul3A_272 = arith.muli %while3A_271, %while3A : i32
      %add3A_273 = arith.addi %arg1, %mul3A_272 : i32
      %mul3A_274 = arith.constant 80 : i32
      %mul3A_275 = arith.muli %add3A_273, %mul3A_274 : i32
      "tpu.region"() ({
        %run_scoped3A_276 = tpu.sem_alloc : memref<!tpu.dma_semaphore, #tpu.memory_space<semaphore_mem>>
        %dma_start3A_277 = arith.constant 0 : i32
        %dma_start3A_278 = arith.constant 0 : i32
        %dma_start3A_279 = tpu.memref_slice %arg9[%dma_start3A_277, %dma_start3A_278] : memref<128x128xf32, #tpu.memory_space<vmem>> -> memref<80x128xf32, #tpu.memory_space<vmem>>
        %dma_start3A_280 = arith.constant 0 : i32
        %dma_start3A_281 = tpu.memref_slice %arg11[%mul3A_275, %dma_start3A_280] : memref<10000x128xf32, #tpu.memory_space<vmem_shared>> -> memref<80x128xf32, #tpu.memory_space<vmem_shared>>
        %dma_start3A_282 = arith.constant 0 : i32
        %dma_start3A_283 = tpu.memref_slice %arg11[%mul3A_275, %dma_start3A_282] : memref<10000x128xf32, #tpu.memory_space<vmem_shared>> -> memref<80x128xf32, #tpu.memory_space<vmem_shared>>
        %dma_start3A_284 = arith.constant 0 : i32
        %dma_start3A_285 = arith.constant 0 : i32
        %dma_start3A_286 = tpu.memref_slice %arg9[%dma_start3A_284, %dma_start3A_285] : memref<128x128xf32, #tpu.memory_space<vmem>> -> memref<80x128xf32, #tpu.memory_space<vmem>>
        tpu.enqueue_dma source(%dma_start3A_286 : memref<80x128xf32, #tpu.memory_space<vmem>>) target(%dma_start3A_283 : memref<80x128xf32, #tpu.memory_space<vmem_shared>>) target_semaphore(%run_scoped3A_276 : memref<!tpu.dma_semaphore, #tpu.memory_space<semaphore_mem>>)
        %dma_wait3A_287 = arith.constant 0 : i32
        %dma_wait3A_288 = arith.constant 0 : i32
        %dma_wait3A_289 = tpu.memref_slice %arg9[%dma_wait3A_287, %dma_wait3A_288] : memref<128x128xf32, #tpu.memory_space<vmem>> -> memref<80x128xf32, #tpu.memory_space<vmem>>
        %dma_wait3A_290 = arith.constant 0 : i32
        %dma_wait3A_291 = tpu.memref_slice %arg11[%mul3A_275, %dma_wait3A_290] : memref<10000x128xf32, #tpu.memory_space<vmem_shared>> -> memref<80x128xf32, #tpu.memory_space<vmem_shared>>
        %dma_wait3A_292 = arith.constant 0 : i32
        %dma_wait3A_293 = tpu.memref_slice %arg11[%mul3A_275, %dma_wait3A_292] : memref<10000x128xf32, #tpu.memory_space<vmem_shared>> -> memref<80x128xf32, #tpu.memory_space<vmem_shared>>
        %dma_wait3A_294 = arith.constant 0 : i32
        %dma_wait3A_295 = arith.constant 0 : i32
        %dma_wait3A_296 = tpu.memref_slice %arg9[%dma_wait3A_294, %dma_wait3A_295] : memref<128x128xf32, #tpu.memory_space<vmem>> -> memref<80x128xf32, #tpu.memory_space<vmem>>
        tpu.wait_dma2 semaphore(%run_scoped3A_276 : memref<!tpu.dma_semaphore, #tpu.memory_space<semaphore_mem>>) src(%dma_wait3A_296 : memref<80x128xf32, #tpu.memory_space<vmem>>) dst(%dma_wait3A_293 : memref<80x128xf32, #tpu.memory_space<vmem_shared>>)
        tpu.yield
      }) : () -> ()
    }
    %while3A_43 = arith.constant 1 : i32
    scf.for %while3A_271 = %while3A_41 to %while3A_37 step %while3A_43  : i32 {
      %mul3A_272 = arith.muli %while3A_271, %while3A : i32
      %add3A_273 = arith.addi %arg1, %mul3A_272 : i32
      %mul3A_274 = arith.constant 80 : i32
      %mul3A_275 = arith.muli %add3A_273, %mul3A_274 : i32
      "tpu.region"() ({
        %run_scoped3A_276 = tpu.sem_alloc : memref<!tpu.dma_semaphore, #tpu.memory_space<semaphore_mem>>
        %dma_start3A_277 = arith.constant 0 : i32
        %dma_start3A_278 = arith.constant 0 : i32
        %dma_start3A_279 = tpu.memref_slice %arg9[%dma_start3A_277, %dma_start3A_278] : memref<128x128xf32, #tpu.memory_space<vmem>> -> memref<80x128xf32, #tpu.memory_space<vmem>>
        %dma_start3A_280 = arith.constant 0 : i32
        %dma_start3A_281 = tpu.memref_slice %arg11[%mul3A_275, %dma_start3A_280] : memref<10000x128xf32, #tpu.memory_space<vmem_shared>> -> memref<80x128xf32, #tpu.memory_space<vmem_shared>>
        %dma_start3A_282 = arith.constant 0 : i32
        %dma_start3A_283 = tpu.memref_slice %arg11[%mul3A_275, %dma_start3A_282] : memref<10000x128xf32, #tpu.memory_space<vmem_shared>> -> memref<80x128xf32, #tpu.memory_space<vmem_shared>>
        %dma_start3A_284 = arith.constant 0 : i32
        %dma_start3A_285 = arith.constant 0 : i32
        %dma_start3A_286 = tpu.memref_slice %arg9[%dma_start3A_284, %dma_start3A_285] : memref<128x128xf32, #tpu.memory_space<vmem>> -> memref<80x128xf32, #tpu.memory_space<vmem>>
        tpu.enqueue_dma source(%dma_start3A_286 : memref<80x128xf32, #tpu.memory_space<vmem>>) target(%dma_start3A_283 : memref<80x128xf32, #tpu.memory_space<vmem_shared>>) target_semaphore(%run_scoped3A_276 : memref<!tpu.dma_semaphore, #tpu.memory_space<semaphore_mem>>)
        %dma_wait3A_287 = arith.constant 0 : i32
        %dma_wait3A_288 = arith.constant 0 : i32
        %dma_wait3A_289 = tpu.memref_slice %arg9[%dma_wait3A_287, %dma_wait3A_288] : memref<128x128xf32, #tpu.memory_space<vmem>> -> memref<80x128xf32, #tpu.memory_space<vmem>>
        %dma_wait3A_290 = arith.constant 0 : i32
        %dma_wait3A_291 = tpu.memref_slice %arg11[%mul3A_275, %dma_wait3A_290] : memref<10000x128xf32, #tpu.memory_space<vmem_shared>> -> memref<80x128xf32, #tpu.memory_space<vmem_shared>>
        %dma_wait3A_292 = arith.constant 0 : i32
        %dma_wait3A_293 = tpu.memref_slice %arg11[%mul3A_275, %dma_wait3A_292] : memref<10000x128xf32, #tpu.memory_space<vmem_shared>> -> memref<80x128xf32, #tpu.memory_space<vmem_shared>>
        %dma_wait3A_294 = arith.constant 0 : i32
        %dma_wait3A_295 = arith.constant 0 : i32
        %dma_wait3A_296 = tpu.memref_slice %arg9[%dma_wait3A_294, %dma_wait3A_295] : memref<128x128xf32, #tpu.memory_space<vmem>> -> memref<80x128xf32, #tpu.memory_space<vmem>>
        tpu.wait_dma2 semaphore(%run_scoped3A_276 : memref<!tpu.dma_semaphore, #tpu.memory_space<semaphore_mem>>) src(%dma_wait3A_296 : memref<80x128xf32, #tpu.memory_space<vmem>>) dst(%dma_wait3A_293 : memref<80x128xf32, #tpu.memory_space<vmem_shared>>)
        tpu.yield
      }) : () -> ()
    }
    %dma_wait3A = arith.constant 0 : i32
    %dma_wait3A_44 = arith.constant 0 : i32
    %dma_wait3A_45 = arith.constant 0 : i32
    %dma_wait3A_46 = tpu.memref_slice %arg8[%dma_wait3A, %dma_wait3A_44, %dma_wait3A_45] : memref<79x1x128xi32, #tpu.memory_space<vmem>> -> memref<78x1x128xi32, #tpu.memory_space<vmem>>
    %dma_wait3A_47 = arith.constant 0 : i32
    %dma_wait3A_48 = arith.constant 0 : i32
    %dma_wait3A_49 = tpu.memref_slice %arg4[%add3A_4, %dma_wait3A_47, %dma_wait3A_48] : memref<2500x1x128xi32, #tpu.memory_space<hbm>> -> memref<78x1x128xi32, #tpu.memory_space<hbm>>
    %dma_wait3A_50 = arith.constant 0 : i32
    %dma_wait3A_51 = arith.constant 0 : i32
    %dma_wait3A_52 = arith.constant 0 : i32
    %dma_wait3A_53 = tpu.memref_slice %arg8[%dma_wait3A_50, %dma_wait3A_51, %dma_wait3A_52] : memref<79x1x128xi32, #tpu.memory_space<vmem>> -> memref<78x1x128xi32, #tpu.memory_space<vmem>>
    %dma_wait3A_54 = arith.constant 0 : i32
    %dma_wait3A_55 = arith.constant 0 : i32
    %dma_wait3A_56 = tpu.memref_slice %arg4[%add3A_4, %dma_wait3A_54, %dma_wait3A_55] : memref<2500x1x128xi32, #tpu.memory_space<hbm>> -> memref<78x1x128xi32, #tpu.memory_space<hbm>>
    tpu.wait_dma2 semaphore(%arg14 : memref<!tpu.dma_semaphore, #tpu.memory_space<semaphore_mem>>) src(%dma_wait3A_56 : memref<78x1x128xi32, #tpu.memory_space<hbm>>) dst(%dma_wait3A_53 : memref<78x1x128xi32, #tpu.memory_space<vmem>>)
    %barrier3A = arith.constant 0 : index
    tpu.barrier barrier_id(%barrier3A)
    %add3A_57 = arith.constant 0 : i32
    %add3A_58 = arith.addi %add3A_4, %add3A_57 : i32
    %mul3A_59 = arith.constant 128 : i32
    %mul3A_60 = arith.muli %add3A_58, %mul3A_59 : i32
    %dma_start3A_61 = tpu.memref_slice %arg3[%mul3A_60] : memref<320000xi32, #tpu.memory_space<hbm>> -> memref<512xi32, #tpu.memory_space<hbm>>
    %dma_start3A_62 = tpu.memref_slice %arg3[%mul3A_60] : memref<320000xi32, #tpu.memory_space<hbm>> -> memref<512xi32, #tpu.memory_space<hbm>>
    tpu.enqueue_dma source(%dma_start3A_62 : memref<512xi32, #tpu.memory_space<hbm>>) target(%arg6 : memref<512xi32, #tpu.memory_space<vmem>>) target_semaphore(%arg12 : memref<!tpu.dma_semaphore, #tpu.memory_space<semaphore_mem>>)
    %add3A_63 = arith.constant 4 : i32
    %add3A_64 = arith.addi %add3A_4, %add3A_63 : i32
    %mul3A_65 = arith.constant 128 : i32
    %mul3A_66 = arith.muli %add3A_64, %mul3A_65 : i32
    %dma_start3A_67 = tpu.memref_slice %arg3[%mul3A_66] : memref<320000xi32, #tpu.memory_space<hbm>> -> memref<512xi32, #tpu.memory_space<hbm>>
    %dma_start3A_68 = tpu.memref_slice %arg3[%mul3A_66] : memref<320000xi32, #tpu.memory_space<hbm>> -> memref<512xi32, #tpu.memory_space<hbm>>
    tpu.enqueue_dma source(%dma_start3A_68 : memref<512xi32, #tpu.memory_space<hbm>>) target(%arg7 : memref<512xi32, #tpu.memory_space<vmem>>) target_semaphore(%arg13 : memref<!tpu.dma_semaphore, #tpu.memory_space<semaphore_mem>>)
    %scan3A_69 = arith.constant 0 : i32
    %scan3A_70 = arith.constant 9 : i32
    %scan3A_71 = arith.addi %scan3A_69, %scan3A_70 : i32
    %scan3A_72 = arith.constant 1 : i32
    scf.for %scan3A_271 = %scan3A_69 to %scan3A_71 step %scan3A_72  : i32 {
      %mul3A_272 = arith.constant 8 : i32
      %mul3A_273 = arith.muli %scan3A_271, %mul3A_272 : i32
      %add3A_274 = arith.constant 0 : i32
      %add3A_275 = arith.addi %add3A_274, %mul3A_273 : i32
      %dma_wait3A_276 = arith.constant 0 : i32
      %dma_wait3A_277 = tpu.memref_slice %arg3[%dma_wait3A_276] : memref<320000xi32, #tpu.memory_space<hbm>> -> memref<512xi32, #tpu.memory_space<hbm>>
      %dma_wait3A_278 = arith.constant 0 : i32
      %dma_wait3A_279 = tpu.memref_slice %arg3[%dma_wait3A_278] : memref<320000xi32, #tpu.memory_space<hbm>> -> memref<512xi32, #tpu.memory_space<hbm>>
      tpu.wait_dma2 semaphore(%arg12 : memref<!tpu.dma_semaphore, #tpu.memory_space<semaphore_mem>>) src(%dma_wait3A_279 : memref<512xi32, #tpu.memory_space<hbm>>) dst(%arg6 : memref<512xi32, #tpu.memory_space<vmem>>)
      %dma_start3A_280 = arith.constant 0 : i32
      %dma_start3A_281 = arith.constant 0 : i32
      %dma_start3A_282 = tpu.memref_slice %arg9[%dma_start3A_280, %dma_start3A_281] : memref<128x128xf32, #tpu.memory_space<vmem>> -> memref<64x128xf32, #tpu.memory_space<vmem>>
      %dma_start3A_283 = arith.constant 0 : i32
      %dma_start3A_284 = tpu.memref_slice %arg6[%dma_start3A_283] : memref<512xi32, #tpu.memory_space<vmem>> -> memref<64xi32, #tpu.memory_space<vmem>>
      %dma_start3A_285 = arith.constant 0 : i32
      %dma_start3A_286 = arith.constant 0 : i32
      %dma_start3A_287 = tpu.memref_slice %arg2[%dma_start3A_285, %dma_start3A_286] : memref<10000x128xf32, #tpu.memory_space<hbm>> -> memref<10000x128xf32, #tpu.memory_space<hbm>>
      tpu.enqueue_indirect_dma source(%dma_start3A_287 : memref<10000x128xf32, #tpu.memory_space<hbm>>) target(%dma_start3A_282 : memref<64x128xf32, #tpu.memory_space<vmem>>) offsets(%dma_start3A_284 : memref<64xi32, #tpu.memory_space<vmem>>) semaphore(%arg14 : memref<!tpu.dma_semaphore, #tpu.memory_space<semaphore_mem>>)
      %dma_start3A_288 = arith.constant 64 : i32
      %dma_start3A_289 = arith.constant 0 : i32
      %dma_start3A_290 = tpu.memref_slice %arg9[%dma_start3A_288, %dma_start3A_289] : memref<128x128xf32, #tpu.memory_space<vmem>> -> memref<64x128xf32, #tpu.memory_space<vmem>>
      %dma_start3A_291 = arith.constant 64 : i32
      %dma_start3A_292 = tpu.memref_slice %arg6[%dma_start3A_291] : memref<512xi32, #tpu.memory_space<vmem>> -> memref<64xi32, #tpu.memory_space<vmem>>
      %dma_start3A_293 = arith.constant 0 : i32
      %dma_start3A_294 = arith.constant 0 : i32
      %dma_start3A_295 = tpu.memref_slice %arg2[%dma_start3A_293, %dma_start3A_294] : memref<10000x128xf32, #tpu.memory_space<hbm>> -> memref<10000x128xf32, #tpu.memory_space<hbm>>
      tpu.enqueue_indirect_dma source(%dma_start3A_295 : memref<10000x128xf32, #tpu.memory_space<hbm>>) target(%dma_start3A_290 : memref<64x128xf32, #tpu.memory_space<vmem>>) offsets(%dma_start3A_292 : memref<64xi32, #tpu.memory_space<vmem>>) semaphore(%arg16 : memref<!tpu.dma_semaphore, #tpu.memory_space<semaphore_mem>>)
      %dma_start3A_296 = arith.constant 0 : i32
      %dma_start3A_297 = arith.constant 0 : i32
      %dma_start3A_298 = tpu.memref_slice %arg10[%dma_start3A_296, %dma_start3A_297] : memref<128x128xf32, #tpu.memory_space<vmem>> -> memref<64x128xf32, #tpu.memory_space<vmem>>
      %dma_start3A_299 = arith.constant 128 : i32
      %dma_start3A_300 = tpu.memref_slice %arg6[%dma_start3A_299] : memref<512xi32, #tpu.memory_space<vmem>> -> memref<64xi32, #tpu.memory_space<vmem>>
      %dma_start3A_301 = arith.constant 0 : i32
      %dma_start3A_302 = arith.constant 0 : i32
      %dma_start3A_303 = tpu.memref_slice %arg2[%dma_start3A_301, %dma_start3A_302] : memref<10000x128xf32, #tpu.memory_space<hbm>> -> memref<10000x128xf32, #tpu.memory_space<hbm>>
      tpu.enqueue_indirect_dma source(%dma_start3A_303 : memref<10000x128xf32, #tpu.memory_space<hbm>>) target(%dma_start3A_298 : memref<64x128xf32, #tpu.memory_space<vmem>>) offsets(%dma_start3A_300 : memref<64xi32, #tpu.memory_space<vmem>>) semaphore(%arg15 : memref<!tpu.dma_semaphore, #tpu.memory_space<semaphore_mem>>)
      %dma_start3A_304 = arith.constant 64 : i32
      %dma_start3A_305 = arith.constant 0 : i32
      %dma_start3A_306 = tpu.memref_slice %arg10[%dma_start3A_304, %dma_start3A_305] : memref<128x128xf32, #tpu.memory_space<vmem>> -> memref<64x128xf32, #tpu.memory_space<vmem>>
      %dma_start3A_307 = arith.constant 192 : i32
      %dma_start3A_308 = tpu.memref_slice %arg6[%dma_start3A_307] : memref<512xi32, #tpu.memory_space<vmem>> -> memref<64xi32, #tpu.memory_space<vmem>>
      %dma_start3A_309 = arith.constant 0 : i32
      %dma_start3A_310 = arith.constant 0 : i32
      %dma_start3A_311 = tpu.memref_slice %arg2[%dma_start3A_309, %dma_start3A_310] : memref<10000x128xf32, #tpu.memory_space<hbm>> -> memref<10000x128xf32, #tpu.memory_space<hbm>>
      tpu.enqueue_indirect_dma source(%dma_start3A_311 : memref<10000x128xf32, #tpu.memory_space<hbm>>) target(%dma_start3A_306 : memref<64x128xf32, #tpu.memory_space<vmem>>) offsets(%dma_start3A_308 : memref<64xi32, #tpu.memory_space<vmem>>) semaphore(%arg17 : memref<!tpu.dma_semaphore, #tpu.memory_space<semaphore_mem>>)
      %dma_wait3A_312 = arith.constant 0 : i32
      %dma_wait3A_313 = arith.constant 0 : i32
      %dma_wait3A_314 = tpu.memref_slice %arg9[%dma_wait3A_312, %dma_wait3A_313] : memref<128x128xf32, #tpu.memory_space<vmem>> -> memref<64x128xf32, #tpu.memory_space<vmem>>
      %dma_wait3A_315 = arith.constant 0 : i32
      %dma_wait3A_316 = tpu.memref_slice %arg6[%dma_wait3A_315] : memref<512xi32, #tpu.memory_space<vmem>> -> memref<64xi32, #tpu.memory_space<vmem>>
      %dma_wait3A_317 = arith.constant 0 : i32
      %dma_wait3A_318 = arith.constant 0 : i32
      %dma_wait3A_319 = tpu.memref_slice %arg2[%dma_wait3A_317, %dma_wait3A_318] : memref<10000x128xf32, #tpu.memory_space<hbm>> -> memref<10000x128xf32, #tpu.memory_space<hbm>>
      tpu.wait_indirect_dma semaphore(%arg14 : memref<!tpu.dma_semaphore, #tpu.memory_space<semaphore_mem>>) src(%dma_wait3A_319 : memref<10000x128xf32, #tpu.memory_space<hbm>>) dst(%dma_wait3A_314 : memref<64x128xf32, #tpu.memory_space<vmem>>)
      %dma_wait3A_320 = arith.constant 64 : i32
      %dma_wait3A_321 = arith.constant 0 : i32
      %dma_wait3A_322 = tpu.memref_slice %arg9[%dma_wait3A_320, %dma_wait3A_321] : memref<128x128xf32, #tpu.memory_space<vmem>> -> memref<64x128xf32, #tpu.memory_space<vmem>>
      %dma_wait3A_323 = arith.constant 64 : i32
      %dma_wait3A_324 = tpu.memref_slice %arg6[%dma_wait3A_323] : memref<512xi32, #tpu.memory_space<vmem>> -> memref<64xi32, #tpu.memory_space<vmem>>
      %dma_wait3A_325 = arith.constant 0 : i32
      %dma_wait3A_326 = arith.constant 0 : i32
      %dma_wait3A_327 = tpu.memref_slice %arg2[%dma_wait3A_325, %dma_wait3A_326] : memref<10000x128xf32, #tpu.memory_space<hbm>> -> memref<10000x128xf32, #tpu.memory_space<hbm>>
      tpu.wait_indirect_dma semaphore(%arg16 : memref<!tpu.dma_semaphore, #tpu.memory_space<semaphore_mem>>) src(%dma_wait3A_327 : memref<10000x128xf32, #tpu.memory_space<hbm>>) dst(%dma_wait3A_322 : memref<64x128xf32, #tpu.memory_space<vmem>>)
      %run_scoped3A_328 = arith.constant 0 : i32
      "tpu.region"() ({
        %run_scoped3A_579 = tpu.sem_alloc : memref<!tpu.dma_semaphore, #tpu.memory_space<semaphore_mem>>
        %dma_start3A_580 = arith.constant 0 : i32
        %dma_start3A_581 = tpu.memref_slice %arg8[%add3A_275, %run_scoped3A_328, %dma_start3A_580] : memref<79x1x128xi32, #tpu.memory_space<vmem>> -> memref<1x1x128xi32, #tpu.memory_space<vmem>>
        %dma_start3A_582 = tpu.memref_squeeze %dma_start3A_581 : memref<1x1x128xi32, #tpu.memory_space<vmem>> -> memref<128xi32, #tpu.memory_space<vmem>>
        %dma_start3A_583 = arith.constant 0 : i32
        %dma_start3A_584 = arith.constant 0 : i32
        %dma_start3A_585 = tpu.memref_slice %arg11[%dma_start3A_583, %dma_start3A_584] : memref<10000x128xf32, #tpu.memory_space<vmem_shared>> -> memref<10000x128xf32, #tpu.memory_space<vmem_shared>>
        tpu.enqueue_indirect_dma source(%arg9 : memref<128x128xf32, #tpu.memory_space<vmem>>) target(%dma_start3A_585 : memref<10000x128xf32, #tpu.memory_space<vmem_shared>>) offsets(%dma_start3A_582 : memref<128xi32, #tpu.memory_space<vmem>>) semaphore(%run_scoped3A_579 : memref<!tpu.dma_semaphore, #tpu.memory_space<semaphore_mem>>) {add = true}
        %dma_wait3A_586 = arith.constant 0 : i32
        %dma_wait3A_587 = tpu.memref_slice %arg8[%add3A_275, %run_scoped3A_328, %dma_wait3A_586] : memref<79x1x128xi32, #tpu.memory_space<vmem>> -> memref<1x1x128xi32, #tpu.memory_space<vmem>>
        %dma_wait3A_588 = tpu.memref_squeeze %dma_wait3A_587 : memref<1x1x128xi32, #tpu.memory_space<vmem>> -> memref<128xi32, #tpu.memory_space<vmem>>
        %dma_wait3A_589 = arith.constant 0 : i32
        %dma_wait3A_590 = arith.constant 0 : i32
        %dma_wait3A_591 = tpu.memref_slice %arg11[%dma_wait3A_589, %dma_wait3A_590] : memref<10000x128xf32, #tpu.memory_space<vmem_shared>> -> memref<10000x128xf32, #tpu.memory_space<vmem_shared>>
        tpu.wait_indirect_dma semaphore(%run_scoped3A_579 : memref<!tpu.dma_semaphore, #tpu.memory_space<semaphore_mem>>) src(%arg9 : memref<128x128xf32, #tpu.memory_space<vmem>>) dst(%dma_wait3A_591 : memref<10000x128xf32, #tpu.memory_space<vmem_shared>>)
        tpu.yield
      }) : () -> ()
      %dma_wait3A_329 = arith.constant 0 : i32
      %dma_wait3A_330 = arith.constant 0 : i32
      %dma_wait3A_331 = tpu.memref_slice %arg10[%dma_wait3A_329, %dma_wait3A_330] : memref<128x128xf32, #tpu.memory_space<vmem>> -> memref<64x128xf32, #tpu.memory_space<vmem>>
      %dma_wait3A_332 = arith.constant 128 : i32
      %dma_wait3A_333 = tpu.memref_slice %arg6[%dma_wait3A_332] : memref<512xi32, #tpu.memory_space<vmem>> -> memref<64xi32, #tpu.memory_space<vmem>>
      %dma_wait3A_334 = arith.constant 0 : i32
      %dma_wait3A_335 = arith.constant 0 : i32
      %dma_wait3A_336 = tpu.memref_slice %arg2[%dma_wait3A_334, %dma_wait3A_335] : memref<10000x128xf32, #tpu.memory_space<hbm>> -> memref<10000x128xf32, #tpu.memory_space<hbm>>
      tpu.wait_indirect_dma semaphore(%arg15 : memref<!tpu.dma_semaphore, #tpu.memory_space<semaphore_mem>>) src(%dma_wait3A_336 : memref<10000x128xf32, #tpu.memory_space<hbm>>) dst(%dma_wait3A_331 : memref<64x128xf32, #tpu.memory_space<vmem>>)
      %dma_wait3A_337 = arith.constant 64 : i32
      %dma_wait3A_338 = arith.constant 0 : i32
      %dma_wait3A_339 = tpu.memref_slice %arg10[%dma_wait3A_337, %dma_wait3A_338] : memref<128x128xf32, #tpu.memory_space<vmem>> -> memref<64x128xf32, #tpu.memory_space<vmem>>
      %dma_wait3A_340 = arith.constant 192 : i32
      %dma_wait3A_341 = tpu.memref_slice %arg6[%dma_wait3A_340] : memref<512xi32, #tpu.memory_space<vmem>> -> memref<64xi32, #tpu.memory_space<vmem>>
      %dma_wait3A_342 = arith.constant 0 : i32
      %dma_wait3A_343 = arith.constant 0 : i32
      %dma_wait3A_344 = tpu.memref_slice %arg2[%dma_wait3A_342, %dma_wait3A_343] : memref<10000x128xf32, #tpu.memory_space<hbm>> -> memref<10000x128xf32, #tpu.memory_space<hbm>>
      tpu.wait_indirect_dma semaphore(%arg17 : memref<!tpu.dma_semaphore, #tpu.memory_space<semaphore_mem>>) src(%dma_wait3A_344 : memref<10000x128xf32, #tpu.memory_space<hbm>>) dst(%dma_wait3A_339 : memref<64x128xf32, #tpu.memory_space<vmem>>)
      %dma_start3A_345 = arith.constant 0 : i32
      %dma_start3A_346 = arith.constant 0 : i32
      %dma_start3A_347 = tpu.memref_slice %arg9[%dma_start3A_345, %dma_start3A_346] : memref<128x128xf32, #tpu.memory_space<vmem>> -> memref<64x128xf32, #tpu.memory_space<vmem>>
      %dma_start3A_348 = arith.constant 256 : i32
      %dma_start3A_349 = tpu.memref_slice %arg6[%dma_start3A_348] : memref<512xi32, #tpu.memory_space<vmem>> -> memref<64xi32, #tpu.memory_space<vmem>>
      %dma_start3A_350 = arith.constant 0 : i32
      %dma_start3A_351 = arith.constant 0 : i32
      %dma_start3A_352 = tpu.memref_slice %arg2[%dma_start3A_350, %dma_start3A_351] : memref<10000x128xf32, #tpu.memory_space<hbm>> -> memref<10000x128xf32, #tpu.memory_space<hbm>>
      tpu.enqueue_indirect_dma source(%dma_start3A_352 : memref<10000x128xf32, #tpu.memory_space<hbm>>) target(%dma_start3A_347 : memref<64x128xf32, #tpu.memory_space<vmem>>) offsets(%dma_start3A_349 : memref<64xi32, #tpu.memory_space<vmem>>) semaphore(%arg14 : memref<!tpu.dma_semaphore, #tpu.memory_space<semaphore_mem>>)
      %dma_start3A_353 = arith.constant 64 : i32
      %dma_start3A_354 = arith.constant 0 : i32
      %dma_start3A_355 = tpu.memref_slice %arg9[%dma_start3A_353, %dma_start3A_354] : memref<128x128xf32, #tpu.memory_space<vmem>> -> memref<64x128xf32, #tpu.memory_space<vmem>>
      %dma_start3A_356 = arith.constant 320 : i32
      %dma_start3A_357 = tpu.memref_slice %arg6[%dma_start3A_356] : memref<512xi32, #tpu.memory_space<vmem>> -> memref<64xi32, #tpu.memory_space<vmem>>
      %dma_start3A_358 = arith.constant 0 : i32
      %dma_start3A_359 = arith.constant 0 : i32
      %dma_start3A_360 = tpu.memref_slice %arg2[%dma_start3A_358, %dma_start3A_359] : memref<10000x128xf32, #tpu.memory_space<hbm>> -> memref<10000x128xf32, #tpu.memory_space<hbm>>
      tpu.enqueue_indirect_dma source(%dma_start3A_360 : memref<10000x128xf32, #tpu.memory_space<hbm>>) target(%dma_start3A_355 : memref<64x128xf32, #tpu.memory_space<vmem>>) offsets(%dma_start3A_357 : memref<64xi32, #tpu.memory_space<vmem>>) semaphore(%arg16 : memref<!tpu.dma_semaphore, #tpu.memory_space<semaphore_mem>>)
      %add3A_361 = arith.constant 1 : i32
      %add3A_362 = arith.addi %add3A_275, %add3A_361 : i32
      %run_scoped3A_363 = arith.constant 0 : i32
      "tpu.region"() ({
        %run_scoped3A_579 = tpu.sem_alloc : memref<!tpu.dma_semaphore, #tpu.memory_space<semaphore_mem>>
        %dma_start3A_580 = arith.constant 0 : i32
        %dma_start3A_581 = tpu.memref_slice %arg8[%add3A_362, %run_scoped3A_363, %dma_start3A_580] : memref<79x1x128xi32, #tpu.memory_space<vmem>> -> memref<1x1x128xi32, #tpu.memory_space<vmem>>
        %dma_start3A_582 = tpu.memref_squeeze %dma_start3A_581 : memref<1x1x128xi32, #tpu.memory_space<vmem>> -> memref<128xi32, #tpu.memory_space<vmem>>
        %dma_start3A_583 = arith.constant 0 : i32
        %dma_start3A_584 = arith.constant 0 : i32
        %dma_start3A_585 = tpu.memref_slice %arg11[%dma_start3A_583, %dma_start3A_584] : memref<10000x128xf32, #tpu.memory_space<vmem_shared>> -> memref<10000x128xf32, #tpu.memory_space<vmem_shared>>
        tpu.enqueue_indirect_dma source(%arg10 : memref<128x128xf32, #tpu.memory_space<vmem>>) target(%dma_start3A_585 : memref<10000x128xf32, #tpu.memory_space<vmem_shared>>) offsets(%dma_start3A_582 : memref<128xi32, #tpu.memory_space<vmem>>) semaphore(%run_scoped3A_579 : memref<!tpu.dma_semaphore, #tpu.memory_space<semaphore_mem>>) {add = true}
        %dma_wait3A_586 = arith.constant 0 : i32
        %dma_wait3A_587 = tpu.memref_slice %arg8[%add3A_362, %run_scoped3A_363, %dma_wait3A_586] : memref<79x1x128xi32, #tpu.memory_space<vmem>> -> memref<1x1x128xi32, #tpu.memory_space<vmem>>
        %dma_wait3A_588 = tpu.memref_squeeze %dma_wait3A_587 : memref<1x1x128xi32, #tpu.memory_space<vmem>> -> memref<128xi32, #tpu.memory_space<vmem>>
        %dma_wait3A_589 = arith.constant 0 : i32
        %dma_wait3A_590 = arith.constant 0 : i32
        %dma_wait3A_591 = tpu.memref_slice %arg11[%dma_wait3A_589, %dma_wait3A_590] : memref<10000x128xf32, #tpu.memory_space<vmem_shared>> -> memref<10000x128xf32, #tpu.memory_space<vmem_shared>>
        tpu.wait_indirect_dma semaphore(%run_scoped3A_579 : memref<!tpu.dma_semaphore, #tpu.memory_space<semaphore_mem>>) src(%arg10 : memref<128x128xf32, #tpu.memory_space<vmem>>) dst(%dma_wait3A_591 : memref<10000x128xf32, #tpu.memory_space<vmem_shared>>)
        tpu.yield
      }) : () -> ()
      %dma_wait3A_364 = arith.constant 0 : i32
      %dma_wait3A_365 = arith.constant 0 : i32
      %dma_wait3A_366 = tpu.memref_slice %arg9[%dma_wait3A_364, %dma_wait3A_365] : memref<128x128xf32, #tpu.memory_space<vmem>> -> memref<64x128xf32, #tpu.memory_space<vmem>>
      %dma_wait3A_367 = arith.constant 256 : i32
      %dma_wait3A_368 = tpu.memref_slice %arg6[%dma_wait3A_367] : memref<512xi32, #tpu.memory_space<vmem>> -> memref<64xi32, #tpu.memory_space<vmem>>
      %dma_wait3A_369 = arith.constant 0 : i32
      %dma_wait3A_370 = arith.constant 0 : i32
      %dma_wait3A_371 = tpu.memref_slice %arg2[%dma_wait3A_369, %dma_wait3A_370] : memref<10000x128xf32, #tpu.memory_space<hbm>> -> memref<10000x128xf32, #tpu.memory_space<hbm>>
      tpu.wait_indirect_dma semaphore(%arg14 : memref<!tpu.dma_semaphore, #tpu.memory_space<semaphore_mem>>) src(%dma_wait3A_371 : memref<10000x128xf32, #tpu.memory_space<hbm>>) dst(%dma_wait3A_366 : memref<64x128xf32, #tpu.memory_space<vmem>>)
      %dma_wait3A_372 = arith.constant 64 : i32
      %dma_wait3A_373 = arith.constant 0 : i32
      %dma_wait3A_374 = tpu.memref_slice %arg9[%dma_wait3A_372, %dma_wait3A_373] : memref<128x128xf32, #tpu.memory_space<vmem>> -> memref<64x128xf32, #tpu.memory_space<vmem>>
      %dma_wait3A_375 = arith.constant 320 : i32
      %dma_wait3A_376 = tpu.memref_slice %arg6[%dma_wait3A_375] : memref<512xi32, #tpu.memory_space<vmem>> -> memref<64xi32, #tpu.memory_space<vmem>>
      %dma_wait3A_377 = arith.constant 0 : i32
      %dma_wait3A_378 = arith.constant 0 : i32
      %dma_wait3A_379 = tpu.memref_slice %arg2[%dma_wait3A_377, %dma_wait3A_378] : memref<10000x128xf32, #tpu.memory_space<hbm>> -> memref<10000x128xf32, #tpu.memory_space<hbm>>
      tpu.wait_indirect_dma semaphore(%arg16 : memref<!tpu.dma_semaphore, #tpu.memory_space<semaphore_mem>>) src(%dma_wait3A_379 : memref<10000x128xf32, #tpu.memory_space<hbm>>) dst(%dma_wait3A_374 : memref<64x128xf32, #tpu.memory_space<vmem>>)
      %dma_start3A_380 = arith.constant 0 : i32
      %dma_start3A_381 = arith.constant 0 : i32
      %dma_start3A_382 = tpu.memref_slice %arg10[%dma_start3A_380, %dma_start3A_381] : memref<128x128xf32, #tpu.memory_space<vmem>> -> memref<64x128xf32, #tpu.memory_space<vmem>>
      %dma_start3A_383 = arith.constant 384 : i32
      %dma_start3A_384 = tpu.memref_slice %arg6[%dma_start3A_383] : memref<512xi32, #tpu.memory_space<vmem>> -> memref<64xi32, #tpu.memory_space<vmem>>
      %dma_start3A_385 = arith.constant 0 : i32
      %dma_start3A_386 = arith.constant 0 : i32
      %dma_start3A_387 = tpu.memref_slice %arg2[%dma_start3A_385, %dma_start3A_386] : memref<10000x128xf32, #tpu.memory_space<hbm>> -> memref<10000x128xf32, #tpu.memory_space<hbm>>
      tpu.enqueue_indirect_dma source(%dma_start3A_387 : memref<10000x128xf32, #tpu.memory_space<hbm>>) target(%dma_start3A_382 : memref<64x128xf32, #tpu.memory_space<vmem>>) offsets(%dma_start3A_384 : memref<64xi32, #tpu.memory_space<vmem>>) semaphore(%arg15 : memref<!tpu.dma_semaphore, #tpu.memory_space<semaphore_mem>>)
      %dma_start3A_388 = arith.constant 64 : i32
      %dma_start3A_389 = arith.constant 0 : i32
      %dma_start3A_390 = tpu.memref_slice %arg10[%dma_start3A_388, %dma_start3A_389] : memref<128x128xf32, #tpu.memory_space<vmem>> -> memref<64x128xf32, #tpu.memory_space<vmem>>
      %dma_start3A_391 = arith.constant 448 : i32
      %dma_start3A_392 = tpu.memref_slice %arg6[%dma_start3A_391] : memref<512xi32, #tpu.memory_space<vmem>> -> memref<64xi32, #tpu.memory_space<vmem>>
      %dma_start3A_393 = arith.constant 0 : i32
      %dma_start3A_394 = arith.constant 0 : i32
      %dma_start3A_395 = tpu.memref_slice %arg2[%dma_start3A_393, %dma_start3A_394] : memref<10000x128xf32, #tpu.memory_space<hbm>> -> memref<10000x128xf32, #tpu.memory_space<hbm>>
      tpu.enqueue_indirect_dma source(%dma_start3A_395 : memref<10000x128xf32, #tpu.memory_space<hbm>>) target(%dma_start3A_390 : memref<64x128xf32, #tpu.memory_space<vmem>>) offsets(%dma_start3A_392 : memref<64xi32, #tpu.memory_space<vmem>>) semaphore(%arg17 : memref<!tpu.dma_semaphore, #tpu.memory_space<semaphore_mem>>)
      %add3A_396 = arith.constant 2 : i32
      %add3A_397 = arith.addi %add3A_275, %add3A_396 : i32
      %run_scoped3A_398 = arith.constant 0 : i32
      "tpu.region"() ({
        %run_scoped3A_579 = tpu.sem_alloc : memref<!tpu.dma_semaphore, #tpu.memory_space<semaphore_mem>>
        %dma_start3A_580 = arith.constant 0 : i32
        %dma_start3A_581 = tpu.memref_slice %arg8[%add3A_397, %run_scoped3A_398, %dma_start3A_580] : memref<79x1x128xi32, #tpu.memory_space<vmem>> -> memref<1x1x128xi32, #tpu.memory_space<vmem>>
        %dma_start3A_582 = tpu.memref_squeeze %dma_start3A_581 : memref<1x1x128xi32, #tpu.memory_space<vmem>> -> memref<128xi32, #tpu.memory_space<vmem>>
        %dma_start3A_583 = arith.constant 0 : i32
        %dma_start3A_584 = arith.constant 0 : i32
        %dma_start3A_585 = tpu.memref_slice %arg11[%dma_start3A_583, %dma_start3A_584] : memref<10000x128xf32, #tpu.memory_space<vmem_shared>> -> memref<10000x128xf32, #tpu.memory_space<vmem_shared>>
        tpu.enqueue_indirect_dma source(%arg9 : memref<128x128xf32, #tpu.memory_space<vmem>>) target(%dma_start3A_585 : memref<10000x128xf32, #tpu.memory_space<vmem_shared>>) offsets(%dma_start3A_582 : memref<128xi32, #tpu.memory_space<vmem>>) semaphore(%run_scoped3A_579 : memref<!tpu.dma_semaphore, #tpu.memory_space<semaphore_mem>>) {add = true}
        %dma_wait3A_586 = arith.constant 0 : i32
        %dma_wait3A_587 = tpu.memref_slice %arg8[%add3A_397, %run_scoped3A_398, %dma_wait3A_586] : memref<79x1x128xi32, #tpu.memory_space<vmem>> -> memref<1x1x128xi32, #tpu.memory_space<vmem>>
        %dma_wait3A_588 = tpu.memref_squeeze %dma_wait3A_587 : memref<1x1x128xi32, #tpu.memory_space<vmem>> -> memref<128xi32, #tpu.memory_space<vmem>>
        %dma_wait3A_589 = arith.constant 0 : i32
        %dma_wait3A_590 = arith.constant 0 : i32
        %dma_wait3A_591 = tpu.memref_slice %arg11[%dma_wait3A_589, %dma_wait3A_590] : memref<10000x128xf32, #tpu.memory_space<vmem_shared>> -> memref<10000x128xf32, #tpu.memory_space<vmem_shared>>
        tpu.wait_indirect_dma semaphore(%run_scoped3A_579 : memref<!tpu.dma_semaphore, #tpu.memory_space<semaphore_mem>>) src(%arg9 : memref<128x128xf32, #tpu.memory_space<vmem>>) dst(%dma_wait3A_591 : memref<10000x128xf32, #tpu.memory_space<vmem_shared>>)
        tpu.yield
      }) : () -> ()
      %dma_wait3A_399 = arith.constant 0 : i32
      %dma_wait3A_400 = arith.constant 0 : i32
      %dma_wait3A_401 = tpu.memref_slice %arg10[%dma_wait3A_399, %dma_wait3A_400] : memref<128x128xf32, #tpu.memory_space<vmem>> -> memref<64x128xf32, #tpu.memory_space<vmem>>
      %dma_wait3A_402 = arith.constant 384 : i32
      %dma_wait3A_403 = tpu.memref_slice %arg6[%dma_wait3A_402] : memref<512xi32, #tpu.memory_space<vmem>> -> memref<64xi32, #tpu.memory_space<vmem>>
      %dma_wait3A_404 = arith.constant 0 : i32
      %dma_wait3A_405 = arith.constant 0 : i32
      %dma_wait3A_406 = tpu.memref_slice %arg2[%dma_wait3A_404, %dma_wait3A_405] : memref<10000x128xf32, #tpu.memory_space<hbm>> -> memref<10000x128xf32, #tpu.memory_space<hbm>>
      tpu.wait_indirect_dma semaphore(%arg15 : memref<!tpu.dma_semaphore, #tpu.memory_space<semaphore_mem>>) src(%dma_wait3A_406 : memref<10000x128xf32, #tpu.memory_space<hbm>>) dst(%dma_wait3A_401 : memref<64x128xf32, #tpu.memory_space<vmem>>)
      %dma_wait3A_407 = arith.constant 64 : i32
      %dma_wait3A_408 = arith.constant 0 : i32
      %dma_wait3A_409 = tpu.memref_slice %arg10[%dma_wait3A_407, %dma_wait3A_408] : memref<128x128xf32, #tpu.memory_space<vmem>> -> memref<64x128xf32, #tpu.memory_space<vmem>>
      %dma_wait3A_410 = arith.constant 448 : i32
      %dma_wait3A_411 = tpu.memref_slice %arg6[%dma_wait3A_410] : memref<512xi32, #tpu.memory_space<vmem>> -> memref<64xi32, #tpu.memory_space<vmem>>
      %dma_wait3A_412 = arith.constant 0 : i32
      %dma_wait3A_413 = arith.constant 0 : i32
      %dma_wait3A_414 = tpu.memref_slice %arg2[%dma_wait3A_412, %dma_wait3A_413] : memref<10000x128xf32, #tpu.memory_space<hbm>> -> memref<10000x128xf32, #tpu.memory_space<hbm>>
      tpu.wait_indirect_dma semaphore(%arg17 : memref<!tpu.dma_semaphore, #tpu.memory_space<semaphore_mem>>) src(%dma_wait3A_414 : memref<10000x128xf32, #tpu.memory_space<hbm>>) dst(%dma_wait3A_409 : memref<64x128xf32, #tpu.memory_space<vmem>>)
      %add3A_415 = arith.constant 3 : i32
      %add3A_416 = arith.addi %add3A_275, %add3A_415 : i32
      %run_scoped3A_417 = arith.constant 0 : i32
      "tpu.region"() ({
        %run_scoped3A_579 = tpu.sem_alloc : memref<!tpu.dma_semaphore, #tpu.memory_space<semaphore_mem>>
        %dma_start3A_580 = arith.constant 0 : i32
        %dma_start3A_581 = tpu.memref_slice %arg8[%add3A_416, %run_scoped3A_417, %dma_start3A_580] : memref<79x1x128xi32, #tpu.memory_space<vmem>> -> memref<1x1x128xi32, #tpu.memory_space<vmem>>
        %dma_start3A_582 = tpu.memref_squeeze %dma_start3A_581 : memref<1x1x128xi32, #tpu.memory_space<vmem>> -> memref<128xi32, #tpu.memory_space<vmem>>
        %dma_start3A_583 = arith.constant 0 : i32
        %dma_start3A_584 = arith.constant 0 : i32
        %dma_start3A_585 = tpu.memref_slice %arg11[%dma_start3A_583, %dma_start3A_584] : memref<10000x128xf32, #tpu.memory_space<vmem_shared>> -> memref<10000x128xf32, #tpu.memory_space<vmem_shared>>
        tpu.enqueue_indirect_dma source(%arg10 : memref<128x128xf32, #tpu.memory_space<vmem>>) target(%dma_start3A_585 : memref<10000x128xf32, #tpu.memory_space<vmem_shared>>) offsets(%dma_start3A_582 : memref<128xi32, #tpu.memory_space<vmem>>) semaphore(%run_scoped3A_579 : memref<!tpu.dma_semaphore, #tpu.memory_space<semaphore_mem>>) {add = true}
        %dma_wait3A_586 = arith.constant 0 : i32
        %dma_wait3A_587 = tpu.memref_slice %arg8[%add3A_416, %run_scoped3A_417, %dma_wait3A_586] : memref<79x1x128xi32, #tpu.memory_space<vmem>> -> memref<1x1x128xi32, #tpu.memory_space<vmem>>
        %dma_wait3A_588 = tpu.memref_squeeze %dma_wait3A_587 : memref<1x1x128xi32, #tpu.memory_space<vmem>> -> memref<128xi32, #tpu.memory_space<vmem>>
        %dma_wait3A_589 = arith.constant 0 : i32
        %dma_wait3A_590 = arith.constant 0 : i32
        %dma_wait3A_591 = tpu.memref_slice %arg11[%dma_wait3A_589, %dma_wait3A_590] : memref<10000x128xf32, #tpu.memory_space<vmem_shared>> -> memref<10000x128xf32, #tpu.memory_space<vmem_shared>>
        tpu.wait_indirect_dma semaphore(%run_scoped3A_579 : memref<!tpu.dma_semaphore, #tpu.memory_space<semaphore_mem>>) src(%arg10 : memref<128x128xf32, #tpu.memory_space<vmem>>) dst(%dma_wait3A_591 : memref<10000x128xf32, #tpu.memory_space<vmem_shared>>)
        tpu.yield
      }) : () -> ()
      %add3A_418 = arith.constant 8 : i32
      %add3A_419 = arith.addi %add3A_275, %add3A_418 : i32
      %add3A_420 = arith.addi %add3A_4, %add3A_419 : i32
      %mul3A_421 = arith.constant 128 : i32
      %mul3A_422 = arith.muli %add3A_420, %mul3A_421 : i32
      %dma_start3A_423 = tpu.memref_slice %arg3[%mul3A_422] : memref<320000xi32, #tpu.memory_space<hbm>> -> memref<512xi32, #tpu.memory_space<hbm>>
      %dma_start3A_424 = tpu.memref_slice %arg3[%mul3A_422] : memref<320000xi32, #tpu.memory_space<hbm>> -> memref<512xi32, #tpu.memory_space<hbm>>
      tpu.enqueue_dma source(%dma_start3A_424 : memref<512xi32, #tpu.memory_space<hbm>>) target(%arg6 : memref<512xi32, #tpu.memory_space<vmem>>) target_semaphore(%arg12 : memref<!tpu.dma_semaphore, #tpu.memory_space<semaphore_mem>>)
      %dma_wait3A_425 = arith.constant 0 : i32
      %dma_wait3A_426 = tpu.memref_slice %arg3[%dma_wait3A_425] : memref<320000xi32, #tpu.memory_space<hbm>> -> memref<512xi32, #tpu.memory_space<hbm>>
      %dma_wait3A_427 = arith.constant 0 : i32
      %dma_wait3A_428 = tpu.memref_slice %arg3[%dma_wait3A_427] : memref<320000xi32, #tpu.memory_space<hbm>> -> memref<512xi32, #tpu.memory_space<hbm>>
      tpu.wait_dma2 semaphore(%arg13 : memref<!tpu.dma_semaphore, #tpu.memory_space<semaphore_mem>>) src(%dma_wait3A_428 : memref<512xi32, #tpu.memory_space<hbm>>) dst(%arg7 : memref<512xi32, #tpu.memory_space<vmem>>)
      %add3A_429 = arith.constant 4 : i32
      %add3A_430 = arith.addi %add3A_275, %add3A_429 : i32
      %dma_start3A_431 = arith.constant 0 : i32
      %dma_start3A_432 = arith.constant 0 : i32
      %dma_start3A_433 = tpu.memref_slice %arg9[%dma_start3A_431, %dma_start3A_432] : memref<128x128xf32, #tpu.memory_space<vmem>> -> memref<64x128xf32, #tpu.memory_space<vmem>>
      %dma_start3A_434 = arith.constant 0 : i32
      %dma_start3A_435 = tpu.memref_slice %arg7[%dma_start3A_434] : memref<512xi32, #tpu.memory_space<vmem>> -> memref<64xi32, #tpu.memory_space<vmem>>
      %dma_start3A_436 = arith.constant 0 : i32
      %dma_start3A_437 = arith.constant 0 : i32
      %dma_start3A_438 = tpu.memref_slice %arg2[%dma_start3A_436, %dma_start3A_437] : memref<10000x128xf32, #tpu.memory_space<hbm>> -> memref<10000x128xf32, #tpu.memory_space<hbm>>
      tpu.enqueue_indirect_dma source(%dma_start3A_438 : memref<10000x128xf32, #tpu.memory_space<hbm>>) target(%dma_start3A_433 : memref<64x128xf32, #tpu.memory_space<vmem>>) offsets(%dma_start3A_435 : memref<64xi32, #tpu.memory_space<vmem>>) semaphore(%arg14 : memref<!tpu.dma_semaphore, #tpu.memory_space<semaphore_mem>>)
      %dma_start3A_439 = arith.constant 64 : i32
      %dma_start3A_440 = arith.constant 0 : i32
      %dma_start3A_441 = tpu.memref_slice %arg9[%dma_start3A_439, %dma_start3A_440] : memref<128x128xf32, #tpu.memory_space<vmem>> -> memref<64x128xf32, #tpu.memory_space<vmem>>
      %dma_start3A_442 = arith.constant 64 : i32
      %dma_start3A_443 = tpu.memref_slice %arg7[%dma_start3A_442] : memref<512xi32, #tpu.memory_space<vmem>> -> memref<64xi32, #tpu.memory_space<vmem>>
      %dma_start3A_444 = arith.constant 0 : i32
      %dma_start3A_445 = arith.constant 0 : i32
      %dma_start3A_446 = tpu.memref_slice %arg2[%dma_start3A_444, %dma_start3A_445] : memref<10000x128xf32, #tpu.memory_space<hbm>> -> memref<10000x128xf32, #tpu.memory_space<hbm>>
      tpu.enqueue_indirect_dma source(%dma_start3A_446 : memref<10000x128xf32, #tpu.memory_space<hbm>>) target(%dma_start3A_441 : memref<64x128xf32, #tpu.memory_space<vmem>>) offsets(%dma_start3A_443 : memref<64xi32, #tpu.memory_space<vmem>>) semaphore(%arg16 : memref<!tpu.dma_semaphore, #tpu.memory_space<semaphore_mem>>)
      %dma_start3A_447 = arith.constant 0 : i32
      %dma_start3A_448 = arith.constant 0 : i32
      %dma_start3A_449 = tpu.memref_slice %arg10[%dma_start3A_447, %dma_start3A_448] : memref<128x128xf32, #tpu.memory_space<vmem>> -> memref<64x128xf32, #tpu.memory_space<vmem>>
      %dma_start3A_450 = arith.constant 128 : i32
      %dma_start3A_451 = tpu.memref_slice %arg7[%dma_start3A_450] : memref<512xi32, #tpu.memory_space<vmem>> -> memref<64xi32, #tpu.memory_space<vmem>>
      %dma_start3A_452 = arith.constant 0 : i32
      %dma_start3A_453 = arith.constant 0 : i32
      %dma_start3A_454 = tpu.memref_slice %arg2[%dma_start3A_452, %dma_start3A_453] : memref<10000x128xf32, #tpu.memory_space<hbm>> -> memref<10000x128xf32, #tpu.memory_space<hbm>>
      tpu.enqueue_indirect_dma source(%dma_start3A_454 : memref<10000x128xf32, #tpu.memory_space<hbm>>) target(%dma_start3A_449 : memref<64x128xf32, #tpu.memory_space<vmem>>) offsets(%dma_start3A_451 : memref<64xi32, #tpu.memory_space<vmem>>) semaphore(%arg15 : memref<!tpu.dma_semaphore, #tpu.memory_space<semaphore_mem>>)
      %dma_start3A_455 = arith.constant 64 : i32
      %dma_start3A_456 = arith.constant 0 : i32
      %dma_start3A_457 = tpu.memref_slice %arg10[%dma_start3A_455, %dma_start3A_456] : memref<128x128xf32, #tpu.memory_space<vmem>> -> memref<64x128xf32, #tpu.memory_space<vmem>>
      %dma_start3A_458 = arith.constant 192 : i32
      %dma_start3A_459 = tpu.memref_slice %arg7[%dma_start3A_458] : memref<512xi32, #tpu.memory_space<vmem>> -> memref<64xi32, #tpu.memory_space<vmem>>
      %dma_start3A_460 = arith.constant 0 : i32
      %dma_start3A_461 = arith.constant 0 : i32
      %dma_start3A_462 = tpu.memref_slice %arg2[%dma_start3A_460, %dma_start3A_461] : memref<10000x128xf32, #tpu.memory_space<hbm>> -> memref<10000x128xf32, #tpu.memory_space<hbm>>
      tpu.enqueue_indirect_dma source(%dma_start3A_462 : memref<10000x128xf32, #tpu.memory_space<hbm>>) target(%dma_start3A_457 : memref<64x128xf32, #tpu.memory_space<vmem>>) offsets(%dma_start3A_459 : memref<64xi32, #tpu.memory_space<vmem>>) semaphore(%arg17 : memref<!tpu.dma_semaphore, #tpu.memory_space<semaphore_mem>>)
      %dma_wait3A_463 = arith.constant 0 : i32
      %dma_wait3A_464 = arith.constant 0 : i32
      %dma_wait3A_465 = tpu.memref_slice %arg9[%dma_wait3A_463, %dma_wait3A_464] : memref<128x128xf32, #tpu.memory_space<vmem>> -> memref<64x128xf32, #tpu.memory_space<vmem>>
      %dma_wait3A_466 = arith.constant 0 : i32
      %dma_wait3A_467 = tpu.memref_slice %arg7[%dma_wait3A_466] : memref<512xi32, #tpu.memory_space<vmem>> -> memref<64xi32, #tpu.memory_space<vmem>>
      %dma_wait3A_468 = arith.constant 0 : i32
      %dma_wait3A_469 = arith.constant 0 : i32
      %dma_wait3A_470 = tpu.memref_slice %arg2[%dma_wait3A_468, %dma_wait3A_469] : memref<10000x128xf32, #tpu.memory_space<hbm>> -> memref<10000x128xf32, #tpu.memory_space<hbm>>
      tpu.wait_indirect_dma semaphore(%arg14 : memref<!tpu.dma_semaphore, #tpu.memory_space<semaphore_mem>>) src(%dma_wait3A_470 : memref<10000x128xf32, #tpu.memory_space<hbm>>) dst(%dma_wait3A_465 : memref<64x128xf32, #tpu.memory_space<vmem>>)
      %dma_wait3A_471 = arith.constant 64 : i32
      %dma_wait3A_472 = arith.constant 0 : i32
      %dma_wait3A_473 = tpu.memref_slice %arg9[%dma_wait3A_471, %dma_wait3A_472] : memref<128x128xf32, #tpu.memory_space<vmem>> -> memref<64x128xf32, #tpu.memory_space<vmem>>
      %dma_wait3A_474 = arith.constant 64 : i32
      %dma_wait3A_475 = tpu.memref_slice %arg7[%dma_wait3A_474] : memref<512xi32, #tpu.memory_space<vmem>> -> memref<64xi32, #tpu.memory_space<vmem>>
      %dma_wait3A_476 = arith.constant 0 : i32
      %dma_wait3A_477 = arith.constant 0 : i32
      %dma_wait3A_478 = tpu.memref_slice %arg2[%dma_wait3A_476, %dma_wait3A_477] : memref<10000x128xf32, #tpu.memory_space<hbm>> -> memref<10000x128xf32, #tpu.memory_space<hbm>>
      tpu.wait_indirect_dma semaphore(%arg16 : memref<!tpu.dma_semaphore, #tpu.memory_space<semaphore_mem>>) src(%dma_wait3A_478 : memref<10000x128xf32, #tpu.memory_space<hbm>>) dst(%dma_wait3A_473 : memref<64x128xf32, #tpu.memory_space<vmem>>)
      %run_scoped3A_479 = arith.constant 0 : i32
      "tpu.region"() ({
        %run_scoped3A_579 = tpu.sem_alloc : memref<!tpu.dma_semaphore, #tpu.memory_space<semaphore_mem>>
        %dma_start3A_580 = arith.constant 0 : i32
        %dma_start3A_581 = tpu.memref_slice %arg8[%add3A_430, %run_scoped3A_479, %dma_start3A_580] : memref<79x1x128xi32, #tpu.memory_space<vmem>> -> memref<1x1x128xi32, #tpu.memory_space<vmem>>
        %dma_start3A_582 = tpu.memref_squeeze %dma_start3A_581 : memref<1x1x128xi32, #tpu.memory_space<vmem>> -> memref<128xi32, #tpu.memory_space<vmem>>
        %dma_start3A_583 = arith.constant 0 : i32
        %dma_start3A_584 = arith.constant 0 : i32
        %dma_start3A_585 = tpu.memref_slice %arg11[%dma_start3A_583, %dma_start3A_584] : memref<10000x128xf32, #tpu.memory_space<vmem_shared>> -> memref<10000x128xf32, #tpu.memory_space<vmem_shared>>
        tpu.enqueue_indirect_dma source(%arg9 : memref<128x128xf32, #tpu.memory_space<vmem>>) target(%dma_start3A_585 : memref<10000x128xf32, #tpu.memory_space<vmem_shared>>) offsets(%dma_start3A_582 : memref<128xi32, #tpu.memory_space<vmem>>) semaphore(%run_scoped3A_579 : memref<!tpu.dma_semaphore, #tpu.memory_space<semaphore_mem>>) {add = true}
        %dma_wait3A_586 = arith.constant 0 : i32
        %dma_wait3A_587 = tpu.memref_slice %arg8[%add3A_430, %run_scoped3A_479, %dma_wait3A_586] : memref<79x1x128xi32, #tpu.memory_space<vmem>> -> memref<1x1x128xi32, #tpu.memory_space<vmem>>
        %dma_wait3A_588 = tpu.memref_squeeze %dma_wait3A_587 : memref<1x1x128xi32, #tpu.memory_space<vmem>> -> memref<128xi32, #tpu.memory_space<vmem>>
        %dma_wait3A_589 = arith.constant 0 : i32
        %dma_wait3A_590 = arith.constant 0 : i32
        %dma_wait3A_591 = tpu.memref_slice %arg11[%dma_wait3A_589, %dma_wait3A_590] : memref<10000x128xf32, #tpu.memory_space<vmem_shared>> -> memref<10000x128xf32, #tpu.memory_space<vmem_shared>>
        tpu.wait_indirect_dma semaphore(%run_scoped3A_579 : memref<!tpu.dma_semaphore, #tpu.memory_space<semaphore_mem>>) src(%arg9 : memref<128x128xf32, #tpu.memory_space<vmem>>) dst(%dma_wait3A_591 : memref<10000x128xf32, #tpu.memory_space<vmem_shared>>)
        tpu.yield
      }) : () -> ()
      %dma_wait3A_480 = arith.constant 0 : i32
      %dma_wait3A_481 = arith.constant 0 : i32
      %dma_wait3A_482 = tpu.memref_slice %arg10[%dma_wait3A_480, %dma_wait3A_481] : memref<128x128xf32, #tpu.memory_space<vmem>> -> memref<64x128xf32, #tpu.memory_space<vmem>>
      %dma_wait3A_483 = arith.constant 128 : i32
      %dma_wait3A_484 = tpu.memref_slice %arg7[%dma_wait3A_483] : memref<512xi32, #tpu.memory_space<vmem>> -> memref<64xi32, #tpu.memory_space<vmem>>
      %dma_wait3A_485 = arith.constant 0 : i32
      %dma_wait3A_486 = arith.constant 0 : i32
      %dma_wait3A_487 = tpu.memref_slice %arg2[%dma_wait3A_485, %dma_wait3A_486] : memref<10000x128xf32, #tpu.memory_space<hbm>> -> memref<10000x128xf32, #tpu.memory_space<hbm>>
      tpu.wait_indirect_dma semaphore(%arg15 : memref<!tpu.dma_semaphore, #tpu.memory_space<semaphore_mem>>) src(%dma_wait3A_487 : memref<10000x128xf32, #tpu.memory_space<hbm>>) dst(%dma_wait3A_482 : memref<64x128xf32, #tpu.memory_space<vmem>>)
      %dma_wait3A_488 = arith.constant 64 : i32
      %dma_wait3A_489 = arith.constant 0 : i32
      %dma_wait3A_490 = tpu.memref_slice %arg10[%dma_wait3A_488, %dma_wait3A_489] : memref<128x128xf32, #tpu.memory_space<vmem>> -> memref<64x128xf32, #tpu.memory_space<vmem>>
      %dma_wait3A_491 = arith.constant 192 : i32
      %dma_wait3A_492 = tpu.memref_slice %arg7[%dma_wait3A_491] : memref<512xi32, #tpu.memory_space<vmem>> -> memref<64xi32, #tpu.memory_space<vmem>>
      %dma_wait3A_493 = arith.constant 0 : i32
      %dma_wait3A_494 = arith.constant 0 : i32
      %dma_wait3A_495 = tpu.memref_slice %arg2[%dma_wait3A_493, %dma_wait3A_494] : memref<10000x128xf32, #tpu.memory_space<hbm>> -> memref<10000x128xf32, #tpu.memory_space<hbm>>
      tpu.wait_indirect_dma semaphore(%arg17 : memref<!tpu.dma_semaphore, #tpu.memory_space<semaphore_mem>>) src(%dma_wait3A_495 : memref<10000x128xf32, #tpu.memory_space<hbm>>) dst(%dma_wait3A_490 : memref<64x128xf32, #tpu.memory_space<vmem>>)
      %dma_start3A_496 = arith.constant 0 : i32
      %dma_start3A_497 = arith.constant 0 : i32
      %dma_start3A_498 = tpu.memref_slice %arg9[%dma_start3A_496, %dma_start3A_497] : memref<128x128xf32, #tpu.memory_space<vmem>> -> memref<64x128xf32, #tpu.memory_space<vmem>>
      %dma_start3A_499 = arith.constant 256 : i32
      %dma_start3A_500 = tpu.memref_slice %arg7[%dma_start3A_499] : memref<512xi32, #tpu.memory_space<vmem>> -> memref<64xi32, #tpu.memory_space<vmem>>
      %dma_start3A_501 = arith.constant 0 : i32
      %dma_start3A_502 = arith.constant 0 : i32
      %dma_start3A_503 = tpu.memref_slice %arg2[%dma_start3A_501, %dma_start3A_502] : memref<10000x128xf32, #tpu.memory_space<hbm>> -> memref<10000x128xf32, #tpu.memory_space<hbm>>
      tpu.enqueue_indirect_dma source(%dma_start3A_503 : memref<10000x128xf32, #tpu.memory_space<hbm>>) target(%dma_start3A_498 : memref<64x128xf32, #tpu.memory_space<vmem>>) offsets(%dma_start3A_500 : memref<64xi32, #tpu.memory_space<vmem>>) semaphore(%arg14 : memref<!tpu.dma_semaphore, #tpu.memory_space<semaphore_mem>>)
      %dma_start3A_504 = arith.constant 64 : i32
      %dma_start3A_505 = arith.constant 0 : i32
      %dma_start3A_506 = tpu.memref_slice %arg9[%dma_start3A_504, %dma_start3A_505] : memref<128x128xf32, #tpu.memory_space<vmem>> -> memref<64x128xf32, #tpu.memory_space<vmem>>
      %dma_start3A_507 = arith.constant 320 : i32
      %dma_start3A_508 = tpu.memref_slice %arg7[%dma_start3A_507] : memref<512xi32, #tpu.memory_space<vmem>> -> memref<64xi32, #tpu.memory_space<vmem>>
      %dma_start3A_509 = arith.constant 0 : i32
      %dma_start3A_510 = arith.constant 0 : i32
      %dma_start3A_511 = tpu.memref_slice %arg2[%dma_start3A_509, %dma_start3A_510] : memref<10000x128xf32, #tpu.memory_space<hbm>> -> memref<10000x128xf32, #tpu.memory_space<hbm>>
      tpu.enqueue_indirect_dma source(%dma_start3A_511 : memref<10000x128xf32, #tpu.memory_space<hbm>>) target(%dma_start3A_506 : memref<64x128xf32, #tpu.memory_space<vmem>>) offsets(%dma_start3A_508 : memref<64xi32, #tpu.memory_space<vmem>>) semaphore(%arg16 : memref<!tpu.dma_semaphore, #tpu.memory_space<semaphore_mem>>)
      %add3A_512 = arith.constant 1 : i32
      %add3A_513 = arith.addi %add3A_430, %add3A_512 : i32
      %run_scoped3A_514 = arith.constant 0 : i32
      "tpu.region"() ({
        %run_scoped3A_579 = tpu.sem_alloc : memref<!tpu.dma_semaphore, #tpu.memory_space<semaphore_mem>>
        %dma_start3A_580 = arith.constant 0 : i32
        %dma_start3A_581 = tpu.memref_slice %arg8[%add3A_513, %run_scoped3A_514, %dma_start3A_580] : memref<79x1x128xi32, #tpu.memory_space<vmem>> -> memref<1x1x128xi32, #tpu.memory_space<vmem>>
        %dma_start3A_582 = tpu.memref_squeeze %dma_start3A_581 : memref<1x1x128xi32, #tpu.memory_space<vmem>> -> memref<128xi32, #tpu.memory_space<vmem>>
        %dma_start3A_583 = arith.constant 0 : i32
        %dma_start3A_584 = arith.constant 0 : i32
        %dma_start3A_585 = tpu.memref_slice %arg11[%dma_start3A_583, %dma_start3A_584] : memref<10000x128xf32, #tpu.memory_space<vmem_shared>> -> memref<10000x128xf32, #tpu.memory_space<vmem_shared>>
        tpu.enqueue_indirect_dma source(%arg10 : memref<128x128xf32, #tpu.memory_space<vmem>>) target(%dma_start3A_585 : memref<10000x128xf32, #tpu.memory_space<vmem_shared>>) offsets(%dma_start3A_582 : memref<128xi32, #tpu.memory_space<vmem>>) semaphore(%run_scoped3A_579 : memref<!tpu.dma_semaphore, #tpu.memory_space<semaphore_mem>>) {add = true}
        %dma_wait3A_586 = arith.constant 0 : i32
        %dma_wait3A_587 = tpu.memref_slice %arg8[%add3A_513, %run_scoped3A_514, %dma_wait3A_586] : memref<79x1x128xi32, #tpu.memory_space<vmem>> -> memref<1x1x128xi32, #tpu.memory_space<vmem>>
        %dma_wait3A_588 = tpu.memref_squeeze %dma_wait3A_587 : memref<1x1x128xi32, #tpu.memory_space<vmem>> -> memref<128xi32, #tpu.memory_space<vmem>>
        %dma_wait3A_589 = arith.constant 0 : i32
        %dma_wait3A_590 = arith.constant 0 : i32
        %dma_wait3A_591 = tpu.memref_slice %arg11[%dma_wait3A_589, %dma_wait3A_590] : memref<10000x128xf32, #tpu.memory_space<vmem_shared>> -> memref<10000x128xf32, #tpu.memory_space<vmem_shared>>
        tpu.wait_indirect_dma semaphore(%run_scoped3A_579 : memref<!tpu.dma_semaphore, #tpu.memory_space<semaphore_mem>>) src(%arg10 : memref<128x128xf32, #tpu.memory_space<vmem>>) dst(%dma_wait3A_591 : memref<10000x128xf32, #tpu.memory_space<vmem_shared>>)
        tpu.yield
      }) : () -> ()
      %dma_wait3A_515 = arith.constant 0 : i32
      %dma_wait3A_516 = arith.constant 0 : i32
      %dma_wait3A_517 = tpu.memref_slice %arg9[%dma_wait3A_515, %dma_wait3A_516] : memref<128x128xf32, #tpu.memory_space<vmem>> -> memref<64x128xf32, #tpu.memory_space<vmem>>
      %dma_wait3A_518 = arith.constant 256 : i32
      %dma_wait3A_519 = tpu.memref_slice %arg7[%dma_wait3A_518] : memref<512xi32, #tpu.memory_space<vmem>> -> memref<64xi32, #tpu.memory_space<vmem>>
      %dma_wait3A_520 = arith.constant 0 : i32
      %dma_wait3A_521 = arith.constant 0 : i32
      %dma_wait3A_522 = tpu.memref_slice %arg2[%dma_wait3A_520, %dma_wait3A_521] : memref<10000x128xf32, #tpu.memory_space<hbm>> -> memref<10000x128xf32, #tpu.memory_space<hbm>>
      tpu.wait_indirect_dma semaphore(%arg14 : memref<!tpu.dma_semaphore, #tpu.memory_space<semaphore_mem>>) src(%dma_wait3A_522 : memref<10000x128xf32, #tpu.memory_space<hbm>>) dst(%dma_wait3A_517 : memref<64x128xf32, #tpu.memory_space<vmem>>)
      %dma_wait3A_523 = arith.constant 64 : i32
      %dma_wait3A_524 = arith.constant 0 : i32
      %dma_wait3A_525 = tpu.memref_slice %arg9[%dma_wait3A_523, %dma_wait3A_524] : memref<128x128xf32, #tpu.memory_space<vmem>> -> memref<64x128xf32, #tpu.memory_space<vmem>>
      %dma_wait3A_526 = arith.constant 320 : i32
      %dma_wait3A_527 = tpu.memref_slice %arg7[%dma_wait3A_526] : memref<512xi32, #tpu.memory_space<vmem>> -> memref<64xi32, #tpu.memory_space<vmem>>
      %dma_wait3A_528 = arith.constant 0 : i32
      %dma_wait3A_529 = arith.constant 0 : i32
      %dma_wait3A_530 = tpu.memref_slice %arg2[%dma_wait3A_528, %dma_wait3A_529] : memref<10000x128xf32, #tpu.memory_space<hbm>> -> memref<10000x128xf32, #tpu.memory_space<hbm>>
      tpu.wait_indirect_dma semaphore(%arg16 : memref<!tpu.dma_semaphore, #tpu.memory_space<semaphore_mem>>) src(%dma_wait3A_530 : memref<10000x128xf32, #tpu.memory_space<hbm>>) dst(%dma_wait3A_525 : memref<64x128xf32, #tpu.memory_space<vmem>>)
      %dma_start3A_531 = arith.constant 0 : i32
      %dma_start3A_532 = arith.constant 0 : i32
      %dma_start3A_533 = tpu.memref_slice %arg10[%dma_start3A_531, %dma_start3A_532] : memref<128x128xf32, #tpu.memory_space<vmem>> -> memref<64x128xf32, #tpu.memory_space<vmem>>
      %dma_start3A_534 = arith.constant 384 : i32
      %dma_start3A_535 = tpu.memref_slice %arg7[%dma_start3A_534] : memref<512xi32, #tpu.memory_space<vmem>> -> memref<64xi32, #tpu.memory_space<vmem>>
      %dma_start3A_536 = arith.constant 0 : i32
      %dma_start3A_537 = arith.constant 0 : i32
      %dma_start3A_538 = tpu.memref_slice %arg2[%dma_start3A_536, %dma_start3A_537] : memref<10000x128xf32, #tpu.memory_space<hbm>> -> memref<10000x128xf32, #tpu.memory_space<hbm>>
      tpu.enqueue_indirect_dma source(%dma_start3A_538 : memref<10000x128xf32, #tpu.memory_space<hbm>>) target(%dma_start3A_533 : memref<64x128xf32, #tpu.memory_space<vmem>>) offsets(%dma_start3A_535 : memref<64xi32, #tpu.memory_space<vmem>>) semaphore(%arg15 : memref<!tpu.dma_semaphore, #tpu.memory_space<semaphore_mem>>)
      %dma_start3A_539 = arith.constant 64 : i32
      %dma_start3A_540 = arith.constant 0 : i32
      %dma_start3A_541 = tpu.memref_slice %arg10[%dma_start3A_539, %dma_start3A_540] : memref<128x128xf32, #tpu.memory_space<vmem>> -> memref<64x128xf32, #tpu.memory_space<vmem>>
      %dma_start3A_542 = arith.constant 448 : i32
      %dma_start3A_543 = tpu.memref_slice %arg7[%dma_start3A_542] : memref<512xi32, #tpu.memory_space<vmem>> -> memref<64xi32, #tpu.memory_space<vmem>>
      %dma_start3A_544 = arith.constant 0 : i32
      %dma_start3A_545 = arith.constant 0 : i32
      %dma_start3A_546 = tpu.memref_slice %arg2[%dma_start3A_544, %dma_start3A_545] : memref<10000x128xf32, #tpu.memory_space<hbm>> -> memref<10000x128xf32, #tpu.memory_space<hbm>>
      tpu.enqueue_indirect_dma source(%dma_start3A_546 : memref<10000x128xf32, #tpu.memory_space<hbm>>) target(%dma_start3A_541 : memref<64x128xf32, #tpu.memory_space<vmem>>) offsets(%dma_start3A_543 : memref<64xi32, #tpu.memory_space<vmem>>) semaphore(%arg17 : memref<!tpu.dma_semaphore, #tpu.memory_space<semaphore_mem>>)
      %add3A_547 = arith.constant 2 : i32
      %add3A_548 = arith.addi %add3A_430, %add3A_547 : i32
      %run_scoped3A_549 = arith.constant 0 : i32
      "tpu.region"() ({
        %run_scoped3A_579 = tpu.sem_alloc : memref<!tpu.dma_semaphore, #tpu.memory_space<semaphore_mem>>
        %dma_start3A_580 = arith.constant 0 : i32
        %dma_start3A_581 = tpu.memref_slice %arg8[%add3A_548, %run_scoped3A_549, %dma_start3A_580] : memref<79x1x128xi32, #tpu.memory_space<vmem>> -> memref<1x1x128xi32, #tpu.memory_space<vmem>>
        %dma_start3A_582 = tpu.memref_squeeze %dma_start3A_581 : memref<1x1x128xi32, #tpu.memory_space<vmem>> -> memref<128xi32, #tpu.memory_space<vmem>>
        %dma_start3A_583 = arith.constant 0 : i32
        %dma_start3A_584 = arith.constant 0 : i32
        %dma_start3A_585 = tpu.memref_slice %arg11[%dma_start3A_583, %dma_start3A_584] : memref<10000x128xf32, #tpu.memory_space<vmem_shared>> -> memref<10000x128xf32, #tpu.memory_space<vmem_shared>>
        tpu.enqueue_indirect_dma source(%arg9 : memref<128x128xf32, #tpu.memory_space<vmem>>) target(%dma_start3A_585 : memref<10000x128xf32, #tpu.memory_space<vmem_shared>>) offsets(%dma_start3A_582 : memref<128xi32, #tpu.memory_space<vmem>>) semaphore(%run_scoped3A_579 : memref<!tpu.dma_semaphore, #tpu.memory_space<semaphore_mem>>) {add = true}
        %dma_wait3A_586 = arith.constant 0 : i32
        %dma_wait3A_587 = tpu.memref_slice %arg8[%add3A_548, %run_scoped3A_549, %dma_wait3A_586] : memref<79x1x128xi32, #tpu.memory_space<vmem>> -> memref<1x1x128xi32, #tpu.memory_space<vmem>>
        %dma_wait3A_588 = tpu.memref_squeeze %dma_wait3A_587 : memref<1x1x128xi32, #tpu.memory_space<vmem>> -> memref<128xi32, #tpu.memory_space<vmem>>
        %dma_wait3A_589 = arith.constant 0 : i32
        %dma_wait3A_590 = arith.constant 0 : i32
        %dma_wait3A_591 = tpu.memref_slice %arg11[%dma_wait3A_589, %dma_wait3A_590] : memref<10000x128xf32, #tpu.memory_space<vmem_shared>> -> memref<10000x128xf32, #tpu.memory_space<vmem_shared>>
        tpu.wait_indirect_dma semaphore(%run_scoped3A_579 : memref<!tpu.dma_semaphore, #tpu.memory_space<semaphore_mem>>) src(%arg9 : memref<128x128xf32, #tpu.memory_space<vmem>>) dst(%dma_wait3A_591 : memref<10000x128xf32, #tpu.memory_space<vmem_shared>>)
        tpu.yield
      }) : () -> ()
      %dma_wait3A_550 = arith.constant 0 : i32
      %dma_wait3A_551 = arith.constant 0 : i32
      %dma_wait3A_552 = tpu.memref_slice %arg10[%dma_wait3A_550, %dma_wait3A_551] : memref<128x128xf32, #tpu.memory_space<vmem>> -> memref<64x128xf32, #tpu.memory_space<vmem>>
      %dma_wait3A_553 = arith.constant 384 : i32
      %dma_wait3A_554 = tpu.memref_slice %arg7[%dma_wait3A_553] : memref<512xi32, #tpu.memory_space<vmem>> -> memref<64xi32, #tpu.memory_space<vmem>>
      %dma_wait3A_555 = arith.constant 0 : i32
      %dma_wait3A_556 = arith.constant 0 : i32
      %dma_wait3A_557 = tpu.memref_slice %arg2[%dma_wait3A_555, %dma_wait3A_556] : memref<10000x128xf32, #tpu.memory_space<hbm>> -> memref<10000x128xf32, #tpu.memory_space<hbm>>
      tpu.wait_indirect_dma semaphore(%arg15 : memref<!tpu.dma_semaphore, #tpu.memory_space<semaphore_mem>>) src(%dma_wait3A_557 : memref<10000x128xf32, #tpu.memory_space<hbm>>) dst(%dma_wait3A_552 : memref<64x128xf32, #tpu.memory_space<vmem>>)
      %dma_wait3A_558 = arith.constant 64 : i32
      %dma_wait3A_559 = arith.constant 0 : i32
      %dma_wait3A_560 = tpu.memref_slice %arg10[%dma_wait3A_558, %dma_wait3A_559] : memref<128x128xf32, #tpu.memory_space<vmem>> -> memref<64x128xf32, #tpu.memory_space<vmem>>
      %dma_wait3A_561 = arith.constant 448 : i32
      %dma_wait3A_562 = tpu.memref_slice %arg7[%dma_wait3A_561] : memref<512xi32, #tpu.memory_space<vmem>> -> memref<64xi32, #tpu.memory_space<vmem>>
      %dma_wait3A_563 = arith.constant 0 : i32
      %dma_wait3A_564 = arith.constant 0 : i32
      %dma_wait3A_565 = tpu.memref_slice %arg2[%dma_wait3A_563, %dma_wait3A_564] : memref<10000x128xf32, #tpu.memory_space<hbm>> -> memref<10000x128xf32, #tpu.memory_space<hbm>>
      tpu.wait_indirect_dma semaphore(%arg17 : memref<!tpu.dma_semaphore, #tpu.memory_space<semaphore_mem>>) src(%dma_wait3A_565 : memref<10000x128xf32, #tpu.memory_space<hbm>>) dst(%dma_wait3A_560 : memref<64x128xf32, #tpu.memory_space<vmem>>)
      %add3A_566 = arith.constant 3 : i32
      %add3A_567 = arith.addi %add3A_430, %add3A_566 : i32
      %run_scoped3A_568 = arith.constant 0 : i32
      "tpu.region"() ({
        %run_scoped3A_579 = tpu.sem_alloc : memref<!tpu.dma_semaphore, #tpu.memory_space<semaphore_mem>>
        %dma_start3A_580 = arith.constant 0 : i32
        %dma_start3A_581 = tpu.memref_slice %arg8[%add3A_567, %run_scoped3A_568, %dma_start3A_580] : memref<79x1x128xi32, #tpu.memory_space<vmem>> -> memref<1x1x128xi32, #tpu.memory_space<vmem>>
        %dma_start3A_582 = tpu.memref_squeeze %dma_start3A_581 : memref<1x1x128xi32, #tpu.memory_space<vmem>> -> memref<128xi32, #tpu.memory_space<vmem>>
        %dma_start3A_583 = arith.constant 0 : i32
        %dma_start3A_584 = arith.constant 0 : i32
        %dma_start3A_585 = tpu.memref_slice %arg11[%dma_start3A_583, %dma_start3A_584] : memref<10000x128xf32, #tpu.memory_space<vmem_shared>> -> memref<10000x128xf32, #tpu.memory_space<vmem_shared>>
        tpu.enqueue_indirect_dma source(%arg10 : memref<128x128xf32, #tpu.memory_space<vmem>>) target(%dma_start3A_585 : memref<10000x128xf32, #tpu.memory_space<vmem_shared>>) offsets(%dma_start3A_582 : memref<128xi32, #tpu.memory_space<vmem>>) semaphore(%run_scoped3A_579 : memref<!tpu.dma_semaphore, #tpu.memory_space<semaphore_mem>>) {add = true}
        %dma_wait3A_586 = arith.constant 0 : i32
        %dma_wait3A_587 = tpu.memref_slice %arg8[%add3A_567, %run_scoped3A_568, %dma_wait3A_586] : memref<79x1x128xi32, #tpu.memory_space<vmem>> -> memref<1x1x128xi32, #tpu.memory_space<vmem>>
        %dma_wait3A_588 = tpu.memref_squeeze %dma_wait3A_587 : memref<1x1x128xi32, #tpu.memory_space<vmem>> -> memref<128xi32, #tpu.memory_space<vmem>>
        %dma_wait3A_589 = arith.constant 0 : i32
        %dma_wait3A_590 = arith.constant 0 : i32
        %dma_wait3A_591 = tpu.memref_slice %arg11[%dma_wait3A_589, %dma_wait3A_590] : memref<10000x128xf32, #tpu.memory_space<vmem_shared>> -> memref<10000x128xf32, #tpu.memory_space<vmem_shared>>
        tpu.wait_indirect_dma semaphore(%run_scoped3A_579 : memref<!tpu.dma_semaphore, #tpu.memory_space<semaphore_mem>>) src(%arg10 : memref<128x128xf32, #tpu.memory_space<vmem>>) dst(%dma_wait3A_591 : memref<10000x128xf32, #tpu.memory_space<vmem_shared>>)
        tpu.yield
      }) : () -> ()
      %add3A_569 = arith.constant 12 : i32
      %add3A_570 = arith.addi %add3A_275, %add3A_569 : i32
      %sub3A_571 = arith.constant 4 : i32
      %sub3A_572 = arith.subi %add3A_8, %sub3A_571 : i32
      %min3A_573 = arith.minsi %add3A_570, %sub3A_572 : i32
      %add3A_574 = arith.addi %add3A_4, %min3A_573 : i32
      %mul3A_575 = arith.constant 128 : i32
      %mul3A_576 = arith.muli %add3A_574, %mul3A_575 : i32
      %dma_start3A_577 = tpu.memref_slice %arg3[%mul3A_576] : memref<320000xi32, #tpu.memory_space<hbm>> -> memref<512xi32, #tpu.memory_space<hbm>>
      %dma_start3A_578 = tpu.memref_slice %arg3[%mul3A_576] : memref<320000xi32, #tpu.memory_space<hbm>> -> memref<512xi32, #tpu.memory_space<hbm>>
      tpu.enqueue_dma source(%dma_start3A_578 : memref<512xi32, #tpu.memory_space<hbm>>) target(%arg7 : memref<512xi32, #tpu.memory_space<vmem>>) target_semaphore(%arg13 : memref<!tpu.dma_semaphore, #tpu.memory_space<semaphore_mem>>)
    }
    %scan3A_73 = arith.constant 9 : i32
    %dma_wait3A_74 = arith.constant 0 : i32
    %dma_wait3A_75 = tpu.memref_slice %arg3[%dma_wait3A_74] : memref<320000xi32, #tpu.memory_space<hbm>> -> memref<512xi32, #tpu.memory_space<hbm>>
    %dma_wait3A_76 = arith.constant 0 : i32
    %dma_wait3A_77 = tpu.memref_slice %arg3[%dma_wait3A_76] : memref<320000xi32, #tpu.memory_space<hbm>> -> memref<512xi32, #tpu.memory_space<hbm>>
    tpu.wait_dma2 semaphore(%arg12 : memref<!tpu.dma_semaphore, #tpu.memory_space<semaphore_mem>>) src(%dma_wait3A_77 : memref<512xi32, #tpu.memory_space<hbm>>) dst(%arg6 : memref<512xi32, #tpu.memory_space<vmem>>)
    %dma_start3A_78 = arith.constant 0 : i32
    %dma_start3A_79 = arith.constant 0 : i32
    %dma_start3A_80 = tpu.memref_slice %arg9[%dma_start3A_78, %dma_start3A_79] : memref<128x128xf32, #tpu.memory_space<vmem>> -> memref<64x128xf32, #tpu.memory_space<vmem>>
    %dma_start3A_81 = arith.constant 0 : i32
    %dma_start3A_82 = tpu.memref_slice %arg6[%dma_start3A_81] : memref<512xi32, #tpu.memory_space<vmem>> -> memref<64xi32, #tpu.memory_space<vmem>>
    %dma_start3A_83 = arith.constant 0 : i32
    %dma_start3A_84 = arith.constant 0 : i32
    %dma_start3A_85 = tpu.memref_slice %arg2[%dma_start3A_83, %dma_start3A_84] : memref<10000x128xf32, #tpu.memory_space<hbm>> -> memref<10000x128xf32, #tpu.memory_space<hbm>>
    tpu.enqueue_indirect_dma source(%dma_start3A_85 : memref<10000x128xf32, #tpu.memory_space<hbm>>) target(%dma_start3A_80 : memref<64x128xf32, #tpu.memory_space<vmem>>) offsets(%dma_start3A_82 : memref<64xi32, #tpu.memory_space<vmem>>) semaphore(%arg14 : memref<!tpu.dma_semaphore, #tpu.memory_space<semaphore_mem>>)
    %dma_start3A_86 = arith.constant 64 : i32
    %dma_start3A_87 = arith.constant 0 : i32
    %dma_start3A_88 = tpu.memref_slice %arg9[%dma_start3A_86, %dma_start3A_87] : memref<128x128xf32, #tpu.memory_space<vmem>> -> memref<64x128xf32, #tpu.memory_space<vmem>>
    %dma_start3A_89 = arith.constant 64 : i32
    %dma_start3A_90 = tpu.memref_slice %arg6[%dma_start3A_89] : memref<512xi32, #tpu.memory_space<vmem>> -> memref<64xi32, #tpu.memory_space<vmem>>
    %dma_start3A_91 = arith.constant 0 : i32
    %dma_start3A_92 = arith.constant 0 : i32
    %dma_start3A_93 = tpu.memref_slice %arg2[%dma_start3A_91, %dma_start3A_92] : memref<10000x128xf32, #tpu.memory_space<hbm>> -> memref<10000x128xf32, #tpu.memory_space<hbm>>
    tpu.enqueue_indirect_dma source(%dma_start3A_93 : memref<10000x128xf32, #tpu.memory_space<hbm>>) target(%dma_start3A_88 : memref<64x128xf32, #tpu.memory_space<vmem>>) offsets(%dma_start3A_90 : memref<64xi32, #tpu.memory_space<vmem>>) semaphore(%arg16 : memref<!tpu.dma_semaphore, #tpu.memory_space<semaphore_mem>>)
    %dma_start3A_94 = arith.constant 0 : i32
    %dma_start3A_95 = arith.constant 0 : i32
    %dma_start3A_96 = tpu.memref_slice %arg10[%dma_start3A_94, %dma_start3A_95] : memref<128x128xf32, #tpu.memory_space<vmem>> -> memref<64x128xf32, #tpu.memory_space<vmem>>
    %dma_start3A_97 = arith.constant 128 : i32
    %dma_start3A_98 = tpu.memref_slice %arg6[%dma_start3A_97] : memref<512xi32, #tpu.memory_space<vmem>> -> memref<64xi32, #tpu.memory_space<vmem>>
    %dma_start3A_99 = arith.constant 0 : i32
    %dma_start3A_100 = arith.constant 0 : i32
    %dma_start3A_101 = tpu.memref_slice %arg2[%dma_start3A_99, %dma_start3A_100] : memref<10000x128xf32, #tpu.memory_space<hbm>> -> memref<10000x128xf32, #tpu.memory_space<hbm>>
    tpu.enqueue_indirect_dma source(%dma_start3A_101 : memref<10000x128xf32, #tpu.memory_space<hbm>>) target(%dma_start3A_96 : memref<64x128xf32, #tpu.memory_space<vmem>>) offsets(%dma_start3A_98 : memref<64xi32, #tpu.memory_space<vmem>>) semaphore(%arg15 : memref<!tpu.dma_semaphore, #tpu.memory_space<semaphore_mem>>)
    %dma_start3A_102 = arith.constant 64 : i32
    %dma_start3A_103 = arith.constant 0 : i32
    %dma_start3A_104 = tpu.memref_slice %arg10[%dma_start3A_102, %dma_start3A_103] : memref<128x128xf32, #tpu.memory_space<vmem>> -> memref<64x128xf32, #tpu.memory_space<vmem>>
    %dma_start3A_105 = arith.constant 192 : i32
    %dma_start3A_106 = tpu.memref_slice %arg6[%dma_start3A_105] : memref<512xi32, #tpu.memory_space<vmem>> -> memref<64xi32, #tpu.memory_space<vmem>>
    %dma_start3A_107 = arith.constant 0 : i32
    %dma_start3A_108 = arith.constant 0 : i32
    %dma_start3A_109 = tpu.memref_slice %arg2[%dma_start3A_107, %dma_start3A_108] : memref<10000x128xf32, #tpu.memory_space<hbm>> -> memref<10000x128xf32, #tpu.memory_space<hbm>>
    tpu.enqueue_indirect_dma source(%dma_start3A_109 : memref<10000x128xf32, #tpu.memory_space<hbm>>) target(%dma_start3A_104 : memref<64x128xf32, #tpu.memory_space<vmem>>) offsets(%dma_start3A_106 : memref<64xi32, #tpu.memory_space<vmem>>) semaphore(%arg17 : memref<!tpu.dma_semaphore, #tpu.memory_space<semaphore_mem>>)
    %dma_wait3A_110 = arith.constant 0 : i32
    %dma_wait3A_111 = arith.constant 0 : i32
    %dma_wait3A_112 = tpu.memref_slice %arg9[%dma_wait3A_110, %dma_wait3A_111] : memref<128x128xf32, #tpu.memory_space<vmem>> -> memref<64x128xf32, #tpu.memory_space<vmem>>
    %dma_wait3A_113 = arith.constant 0 : i32
    %dma_wait3A_114 = tpu.memref_slice %arg6[%dma_wait3A_113] : memref<512xi32, #tpu.memory_space<vmem>> -> memref<64xi32, #tpu.memory_space<vmem>>
    %dma_wait3A_115 = arith.constant 0 : i32
    %dma_wait3A_116 = arith.constant 0 : i32
    %dma_wait3A_117 = tpu.memref_slice %arg2[%dma_wait3A_115, %dma_wait3A_116] : memref<10000x128xf32, #tpu.memory_space<hbm>> -> memref<10000x128xf32, #tpu.memory_space<hbm>>
    tpu.wait_indirect_dma semaphore(%arg14 : memref<!tpu.dma_semaphore, #tpu.memory_space<semaphore_mem>>) src(%dma_wait3A_117 : memref<10000x128xf32, #tpu.memory_space<hbm>>) dst(%dma_wait3A_112 : memref<64x128xf32, #tpu.memory_space<vmem>>)
    %dma_wait3A_118 = arith.constant 64 : i32
    %dma_wait3A_119 = arith.constant 0 : i32
    %dma_wait3A_120 = tpu.memref_slice %arg9[%dma_wait3A_118, %dma_wait3A_119] : memref<128x128xf32, #tpu.memory_space<vmem>> -> memref<64x128xf32, #tpu.memory_space<vmem>>
    %dma_wait3A_121 = arith.constant 64 : i32
    %dma_wait3A_122 = tpu.memref_slice %arg6[%dma_wait3A_121] : memref<512xi32, #tpu.memory_space<vmem>> -> memref<64xi32, #tpu.memory_space<vmem>>
    %dma_wait3A_123 = arith.constant 0 : i32
    %dma_wait3A_124 = arith.constant 0 : i32
    %dma_wait3A_125 = tpu.memref_slice %arg2[%dma_wait3A_123, %dma_wait3A_124] : memref<10000x128xf32, #tpu.memory_space<hbm>> -> memref<10000x128xf32, #tpu.memory_space<hbm>>
    tpu.wait_indirect_dma semaphore(%arg16 : memref<!tpu.dma_semaphore, #tpu.memory_space<semaphore_mem>>) src(%dma_wait3A_125 : memref<10000x128xf32, #tpu.memory_space<hbm>>) dst(%dma_wait3A_120 : memref<64x128xf32, #tpu.memory_space<vmem>>)
    %run_scoped3A = arith.constant 72 : i32
    %run_scoped3A_126 = arith.constant 0 : i32
    "tpu.region"() ({
      %run_scoped3A_271 = tpu.sem_alloc : memref<!tpu.dma_semaphore, #tpu.memory_space<semaphore_mem>>
      %dma_start3A_272 = arith.constant 0 : i32
      %dma_start3A_273 = tpu.memref_slice %arg8[%run_scoped3A, %run_scoped3A_126, %dma_start3A_272] : memref<79x1x128xi32, #tpu.memory_space<vmem>> -> memref<1x1x128xi32, #tpu.memory_space<vmem>>
      %dma_start3A_274 = tpu.memref_squeeze %dma_start3A_273 : memref<1x1x128xi32, #tpu.memory_space<vmem>> -> memref<128xi32, #tpu.memory_space<vmem>>
      %dma_start3A_275 = arith.constant 0 : i32
      %dma_start3A_276 = arith.constant 0 : i32
      %dma_start3A_277 = tpu.memref_slice %arg11[%dma_start3A_275, %dma_start3A_276] : memref<10000x128xf32, #tpu.memory_space<vmem_shared>> -> memref<10000x128xf32, #tpu.memory_space<vmem_shared>>
      tpu.enqueue_indirect_dma source(%arg9 : memref<128x128xf32, #tpu.memory_space<vmem>>) target(%dma_start3A_277 : memref<10000x128xf32, #tpu.memory_space<vmem_shared>>) offsets(%dma_start3A_274 : memref<128xi32, #tpu.memory_space<vmem>>) semaphore(%run_scoped3A_271 : memref<!tpu.dma_semaphore, #tpu.memory_space<semaphore_mem>>) {add = true}
      %dma_wait3A_278 = arith.constant 0 : i32
      %dma_wait3A_279 = tpu.memref_slice %arg8[%run_scoped3A, %run_scoped3A_126, %dma_wait3A_278] : memref<79x1x128xi32, #tpu.memory_space<vmem>> -> memref<1x1x128xi32, #tpu.memory_space<vmem>>
      %dma_wait3A_280 = tpu.memref_squeeze %dma_wait3A_279 : memref<1x1x128xi32, #tpu.memory_space<vmem>> -> memref<128xi32, #tpu.memory_space<vmem>>
      %dma_wait3A_281 = arith.constant 0 : i32
      %dma_wait3A_282 = arith.constant 0 : i32
      %dma_wait3A_283 = tpu.memref_slice %arg11[%dma_wait3A_281, %dma_wait3A_282] : memref<10000x128xf32, #tpu.memory_space<vmem_shared>> -> memref<10000x128xf32, #tpu.memory_space<vmem_shared>>
      tpu.wait_indirect_dma semaphore(%run_scoped3A_271 : memref<!tpu.dma_semaphore, #tpu.memory_space<semaphore_mem>>) src(%arg9 : memref<128x128xf32, #tpu.memory_space<vmem>>) dst(%dma_wait3A_283 : memref<10000x128xf32, #tpu.memory_space<vmem_shared>>)
      tpu.yield
    }) : () -> ()
    %dma_wait3A_127 = arith.constant 0 : i32
    %dma_wait3A_128 = arith.constant 0 : i32
    %dma_wait3A_129 = tpu.memref_slice %arg10[%dma_wait3A_127, %dma_wait3A_128] : memref<128x128xf32, #tpu.memory_space<vmem>> -> memref<64x128xf32, #tpu.memory_space<vmem>>
    %dma_wait3A_130 = arith.constant 128 : i32
    %dma_wait3A_131 = tpu.memref_slice %arg6[%dma_wait3A_130] : memref<512xi32, #tpu.memory_space<vmem>> -> memref<64xi32, #tpu.memory_space<vmem>>
    %dma_wait3A_132 = arith.constant 0 : i32
    %dma_wait3A_133 = arith.constant 0 : i32
    %dma_wait3A_134 = tpu.memref_slice %arg2[%dma_wait3A_132, %dma_wait3A_133] : memref<10000x128xf32, #tpu.memory_space<hbm>> -> memref<10000x128xf32, #tpu.memory_space<hbm>>
    tpu.wait_indirect_dma semaphore(%arg15 : memref<!tpu.dma_semaphore, #tpu.memory_space<semaphore_mem>>) src(%dma_wait3A_134 : memref<10000x128xf32, #tpu.memory_space<hbm>>) dst(%dma_wait3A_129 : memref<64x128xf32, #tpu.memory_space<vmem>>)
    %dma_wait3A_135 = arith.constant 64 : i32
    %dma_wait3A_136 = arith.constant 0 : i32
    %dma_wait3A_137 = tpu.memref_slice %arg10[%dma_wait3A_135, %dma_wait3A_136] : memref<128x128xf32, #tpu.memory_space<vmem>> -> memref<64x128xf32, #tpu.memory_space<vmem>>
    %dma_wait3A_138 = arith.constant 192 : i32
    %dma_wait3A_139 = tpu.memref_slice %arg6[%dma_wait3A_138] : memref<512xi32, #tpu.memory_space<vmem>> -> memref<64xi32, #tpu.memory_space<vmem>>
    %dma_wait3A_140 = arith.constant 0 : i32
    %dma_wait3A_141 = arith.constant 0 : i32
    %dma_wait3A_142 = tpu.memref_slice %arg2[%dma_wait3A_140, %dma_wait3A_141] : memref<10000x128xf32, #tpu.memory_space<hbm>> -> memref<10000x128xf32, #tpu.memory_space<hbm>>
    tpu.wait_indirect_dma semaphore(%arg17 : memref<!tpu.dma_semaphore, #tpu.memory_space<semaphore_mem>>) src(%dma_wait3A_142 : memref<10000x128xf32, #tpu.memory_space<hbm>>) dst(%dma_wait3A_137 : memref<64x128xf32, #tpu.memory_space<vmem>>)
    %dma_start3A_143 = arith.constant 0 : i32
    %dma_start3A_144 = arith.constant 0 : i32
    %dma_start3A_145 = tpu.memref_slice %arg9[%dma_start3A_143, %dma_start3A_144] : memref<128x128xf32, #tpu.memory_space<vmem>> -> memref<64x128xf32, #tpu.memory_space<vmem>>
    %dma_start3A_146 = arith.constant 256 : i32
    %dma_start3A_147 = tpu.memref_slice %arg6[%dma_start3A_146] : memref<512xi32, #tpu.memory_space<vmem>> -> memref<64xi32, #tpu.memory_space<vmem>>
    %dma_start3A_148 = arith.constant 0 : i32
    %dma_start3A_149 = arith.constant 0 : i32
    %dma_start3A_150 = tpu.memref_slice %arg2[%dma_start3A_148, %dma_start3A_149] : memref<10000x128xf32, #tpu.memory_space<hbm>> -> memref<10000x128xf32, #tpu.memory_space<hbm>>
    tpu.enqueue_indirect_dma source(%dma_start3A_150 : memref<10000x128xf32, #tpu.memory_space<hbm>>) target(%dma_start3A_145 : memref<64x128xf32, #tpu.memory_space<vmem>>) offsets(%dma_start3A_147 : memref<64xi32, #tpu.memory_space<vmem>>) semaphore(%arg14 : memref<!tpu.dma_semaphore, #tpu.memory_space<semaphore_mem>>)
    %dma_start3A_151 = arith.constant 64 : i32
    %dma_start3A_152 = arith.constant 0 : i32
    %dma_start3A_153 = tpu.memref_slice %arg9[%dma_start3A_151, %dma_start3A_152] : memref<128x128xf32, #tpu.memory_space<vmem>> -> memref<64x128xf32, #tpu.memory_space<vmem>>
    %dma_start3A_154 = arith.constant 320 : i32
    %dma_start3A_155 = tpu.memref_slice %arg6[%dma_start3A_154] : memref<512xi32, #tpu.memory_space<vmem>> -> memref<64xi32, #tpu.memory_space<vmem>>
    %dma_start3A_156 = arith.constant 0 : i32
    %dma_start3A_157 = arith.constant 0 : i32
    %dma_start3A_158 = tpu.memref_slice %arg2[%dma_start3A_156, %dma_start3A_157] : memref<10000x128xf32, #tpu.memory_space<hbm>> -> memref<10000x128xf32, #tpu.memory_space<hbm>>
    tpu.enqueue_indirect_dma source(%dma_start3A_158 : memref<10000x128xf32, #tpu.memory_space<hbm>>) target(%dma_start3A_153 : memref<64x128xf32, #tpu.memory_space<vmem>>) offsets(%dma_start3A_155 : memref<64xi32, #tpu.memory_space<vmem>>) semaphore(%arg16 : memref<!tpu.dma_semaphore, #tpu.memory_space<semaphore_mem>>)
    %run_scoped3A_159 = arith.constant 73 : i32
    %run_scoped3A_160 = arith.constant 0 : i32
    "tpu.region"() ({
      %run_scoped3A_271 = tpu.sem_alloc : memref<!tpu.dma_semaphore, #tpu.memory_space<semaphore_mem>>
      %dma_start3A_272 = arith.constant 0 : i32
      %dma_start3A_273 = tpu.memref_slice %arg8[%run_scoped3A_159, %run_scoped3A_160, %dma_start3A_272] : memref<79x1x128xi32, #tpu.memory_space<vmem>> -> memref<1x1x128xi32, #tpu.memory_space<vmem>>
      %dma_start3A_274 = tpu.memref_squeeze %dma_start3A_273 : memref<1x1x128xi32, #tpu.memory_space<vmem>> -> memref<128xi32, #tpu.memory_space<vmem>>
      %dma_start3A_275 = arith.constant 0 : i32
      %dma_start3A_276 = arith.constant 0 : i32
      %dma_start3A_277 = tpu.memref_slice %arg11[%dma_start3A_275, %dma_start3A_276] : memref<10000x128xf32, #tpu.memory_space<vmem_shared>> -> memref<10000x128xf32, #tpu.memory_space<vmem_shared>>
      tpu.enqueue_indirect_dma source(%arg10 : memref<128x128xf32, #tpu.memory_space<vmem>>) target(%dma_start3A_277 : memref<10000x128xf32, #tpu.memory_space<vmem_shared>>) offsets(%dma_start3A_274 : memref<128xi32, #tpu.memory_space<vmem>>) semaphore(%run_scoped3A_271 : memref<!tpu.dma_semaphore, #tpu.memory_space<semaphore_mem>>) {add = true}
      %dma_wait3A_278 = arith.constant 0 : i32
      %dma_wait3A_279 = tpu.memref_slice %arg8[%run_scoped3A_159, %run_scoped3A_160, %dma_wait3A_278] : memref<79x1x128xi32, #tpu.memory_space<vmem>> -> memref<1x1x128xi32, #tpu.memory_space<vmem>>
      %dma_wait3A_280 = tpu.memref_squeeze %dma_wait3A_279 : memref<1x1x128xi32, #tpu.memory_space<vmem>> -> memref<128xi32, #tpu.memory_space<vmem>>
      %dma_wait3A_281 = arith.constant 0 : i32
      %dma_wait3A_282 = arith.constant 0 : i32
      %dma_wait3A_283 = tpu.memref_slice %arg11[%dma_wait3A_281, %dma_wait3A_282] : memref<10000x128xf32, #tpu.memory_space<vmem_shared>> -> memref<10000x128xf32, #tpu.memory_space<vmem_shared>>
      tpu.wait_indirect_dma semaphore(%run_scoped3A_271 : memref<!tpu.dma_semaphore, #tpu.memory_space<semaphore_mem>>) src(%arg10 : memref<128x128xf32, #tpu.memory_space<vmem>>) dst(%dma_wait3A_283 : memref<10000x128xf32, #tpu.memory_space<vmem_shared>>)
      tpu.yield
    }) : () -> ()
    %dma_wait3A_161 = arith.constant 0 : i32
    %dma_wait3A_162 = arith.constant 0 : i32
    %dma_wait3A_163 = tpu.memref_slice %arg9[%dma_wait3A_161, %dma_wait3A_162] : memref<128x128xf32, #tpu.memory_space<vmem>> -> memref<64x128xf32, #tpu.memory_space<vmem>>
    %dma_wait3A_164 = arith.constant 256 : i32
    %dma_wait3A_165 = tpu.memref_slice %arg6[%dma_wait3A_164] : memref<512xi32, #tpu.memory_space<vmem>> -> memref<64xi32, #tpu.memory_space<vmem>>
    %dma_wait3A_166 = arith.constant 0 : i32
    %dma_wait3A_167 = arith.constant 0 : i32
    %dma_wait3A_168 = tpu.memref_slice %arg2[%dma_wait3A_166, %dma_wait3A_167] : memref<10000x128xf32, #tpu.memory_space<hbm>> -> memref<10000x128xf32, #tpu.memory_space<hbm>>
    tpu.wait_indirect_dma semaphore(%arg14 : memref<!tpu.dma_semaphore, #tpu.memory_space<semaphore_mem>>) src(%dma_wait3A_168 : memref<10000x128xf32, #tpu.memory_space<hbm>>) dst(%dma_wait3A_163 : memref<64x128xf32, #tpu.memory_space<vmem>>)
    %dma_wait3A_169 = arith.constant 64 : i32
    %dma_wait3A_170 = arith.constant 0 : i32
    %dma_wait3A_171 = tpu.memref_slice %arg9[%dma_wait3A_169, %dma_wait3A_170] : memref<128x128xf32, #tpu.memory_space<vmem>> -> memref<64x128xf32, #tpu.memory_space<vmem>>
    %dma_wait3A_172 = arith.constant 320 : i32
    %dma_wait3A_173 = tpu.memref_slice %arg6[%dma_wait3A_172] : memref<512xi32, #tpu.memory_space<vmem>> -> memref<64xi32, #tpu.memory_space<vmem>>
    %dma_wait3A_174 = arith.constant 0 : i32
    %dma_wait3A_175 = arith.constant 0 : i32
    %dma_wait3A_176 = tpu.memref_slice %arg2[%dma_wait3A_174, %dma_wait3A_175] : memref<10000x128xf32, #tpu.memory_space<hbm>> -> memref<10000x128xf32, #tpu.memory_space<hbm>>
    tpu.wait_indirect_dma semaphore(%arg16 : memref<!tpu.dma_semaphore, #tpu.memory_space<semaphore_mem>>) src(%dma_wait3A_176 : memref<10000x128xf32, #tpu.memory_space<hbm>>) dst(%dma_wait3A_171 : memref<64x128xf32, #tpu.memory_space<vmem>>)
    %dma_start3A_177 = arith.constant 0 : i32
    %dma_start3A_178 = arith.constant 0 : i32
    %dma_start3A_179 = tpu.memref_slice %arg10[%dma_start3A_177, %dma_start3A_178] : memref<128x128xf32, #tpu.memory_space<vmem>> -> memref<64x128xf32, #tpu.memory_space<vmem>>
    %dma_start3A_180 = arith.constant 384 : i32
    %dma_start3A_181 = tpu.memref_slice %arg6[%dma_start3A_180] : memref<512xi32, #tpu.memory_space<vmem>> -> memref<64xi32, #tpu.memory_space<vmem>>
    %dma_start3A_182 = arith.constant 0 : i32
    %dma_start3A_183 = arith.constant 0 : i32
    %dma_start3A_184 = tpu.memref_slice %arg2[%dma_start3A_182, %dma_start3A_183] : memref<10000x128xf32, #tpu.memory_space<hbm>> -> memref<10000x128xf32, #tpu.memory_space<hbm>>
    tpu.enqueue_indirect_dma source(%dma_start3A_184 : memref<10000x128xf32, #tpu.memory_space<hbm>>) target(%dma_start3A_179 : memref<64x128xf32, #tpu.memory_space<vmem>>) offsets(%dma_start3A_181 : memref<64xi32, #tpu.memory_space<vmem>>) semaphore(%arg15 : memref<!tpu.dma_semaphore, #tpu.memory_space<semaphore_mem>>)
    %dma_start3A_185 = arith.constant 64 : i32
    %dma_start3A_186 = arith.constant 0 : i32
    %dma_start3A_187 = tpu.memref_slice %arg10[%dma_start3A_185, %dma_start3A_186] : memref<128x128xf32, #tpu.memory_space<vmem>> -> memref<64x128xf32, #tpu.memory_space<vmem>>
    %dma_start3A_188 = arith.constant 448 : i32
    %dma_start3A_189 = tpu.memref_slice %arg6[%dma_start3A_188] : memref<512xi32, #tpu.memory_space<vmem>> -> memref<64xi32, #tpu.memory_space<vmem>>
    %dma_start3A_190 = arith.constant 0 : i32
    %dma_start3A_191 = arith.constant 0 : i32
    %dma_start3A_192 = tpu.memref_slice %arg2[%dma_start3A_190, %dma_start3A_191] : memref<10000x128xf32, #tpu.memory_space<hbm>> -> memref<10000x128xf32, #tpu.memory_space<hbm>>
    tpu.enqueue_indirect_dma source(%dma_start3A_192 : memref<10000x128xf32, #tpu.memory_space<hbm>>) target(%dma_start3A_187 : memref<64x128xf32, #tpu.memory_space<vmem>>) offsets(%dma_start3A_189 : memref<64xi32, #tpu.memory_space<vmem>>) semaphore(%arg17 : memref<!tpu.dma_semaphore, #tpu.memory_space<semaphore_mem>>)
    %run_scoped3A_193 = arith.constant 74 : i32
    %run_scoped3A_194 = arith.constant 0 : i32
    "tpu.region"() ({
      %run_scoped3A_271 = tpu.sem_alloc : memref<!tpu.dma_semaphore, #tpu.memory_space<semaphore_mem>>
      %dma_start3A_272 = arith.constant 0 : i32
      %dma_start3A_273 = tpu.memref_slice %arg8[%run_scoped3A_193, %run_scoped3A_194, %dma_start3A_272] : memref<79x1x128xi32, #tpu.memory_space<vmem>> -> memref<1x1x128xi32, #tpu.memory_space<vmem>>
      %dma_start3A_274 = tpu.memref_squeeze %dma_start3A_273 : memref<1x1x128xi32, #tpu.memory_space<vmem>> -> memref<128xi32, #tpu.memory_space<vmem>>
      %dma_start3A_275 = arith.constant 0 : i32
      %dma_start3A_276 = arith.constant 0 : i32
      %dma_start3A_277 = tpu.memref_slice %arg11[%dma_start3A_275, %dma_start3A_276] : memref<10000x128xf32, #tpu.memory_space<vmem_shared>> -> memref<10000x128xf32, #tpu.memory_space<vmem_shared>>
      tpu.enqueue_indirect_dma source(%arg9 : memref<128x128xf32, #tpu.memory_space<vmem>>) target(%dma_start3A_277 : memref<10000x128xf32, #tpu.memory_space<vmem_shared>>) offsets(%dma_start3A_274 : memref<128xi32, #tpu.memory_space<vmem>>) semaphore(%run_scoped3A_271 : memref<!tpu.dma_semaphore, #tpu.memory_space<semaphore_mem>>) {add = true}
      %dma_wait3A_278 = arith.constant 0 : i32
      %dma_wait3A_279 = tpu.memref_slice %arg8[%run_scoped3A_193, %run_scoped3A_194, %dma_wait3A_278] : memref<79x1x128xi32, #tpu.memory_space<vmem>> -> memref<1x1x128xi32, #tpu.memory_space<vmem>>
      %dma_wait3A_280 = tpu.memref_squeeze %dma_wait3A_279 : memref<1x1x128xi32, #tpu.memory_space<vmem>> -> memref<128xi32, #tpu.memory_space<vmem>>
      %dma_wait3A_281 = arith.constant 0 : i32
      %dma_wait3A_282 = arith.constant 0 : i32
      %dma_wait3A_283 = tpu.memref_slice %arg11[%dma_wait3A_281, %dma_wait3A_282] : memref<10000x128xf32, #tpu.memory_space<vmem_shared>> -> memref<10000x128xf32, #tpu.memory_space<vmem_shared>>
      tpu.wait_indirect_dma semaphore(%run_scoped3A_271 : memref<!tpu.dma_semaphore, #tpu.memory_space<semaphore_mem>>) src(%arg9 : memref<128x128xf32, #tpu.memory_space<vmem>>) dst(%dma_wait3A_283 : memref<10000x128xf32, #tpu.memory_space<vmem_shared>>)
      tpu.yield
    }) : () -> ()
    %dma_wait3A_195 = arith.constant 0 : i32
    %dma_wait3A_196 = arith.constant 0 : i32
    %dma_wait3A_197 = tpu.memref_slice %arg10[%dma_wait3A_195, %dma_wait3A_196] : memref<128x128xf32, #tpu.memory_space<vmem>> -> memref<64x128xf32, #tpu.memory_space<vmem>>
    %dma_wait3A_198 = arith.constant 384 : i32
    %dma_wait3A_199 = tpu.memref_slice %arg6[%dma_wait3A_198] : memref<512xi32, #tpu.memory_space<vmem>> -> memref<64xi32, #tpu.memory_space<vmem>>
    %dma_wait3A_200 = arith.constant 0 : i32
    %dma_wait3A_201 = arith.constant 0 : i32
    %dma_wait3A_202 = tpu.memref_slice %arg2[%dma_wait3A_200, %dma_wait3A_201] : memref<10000x128xf32, #tpu.memory_space<hbm>> -> memref<10000x128xf32, #tpu.memory_space<hbm>>
    tpu.wait_indirect_dma semaphore(%arg15 : memref<!tpu.dma_semaphore, #tpu.memory_space<semaphore_mem>>) src(%dma_wait3A_202 : memref<10000x128xf32, #tpu.memory_space<hbm>>) dst(%dma_wait3A_197 : memref<64x128xf32, #tpu.memory_space<vmem>>)
    %dma_wait3A_203 = arith.constant 64 : i32
    %dma_wait3A_204 = arith.constant 0 : i32
    %dma_wait3A_205 = tpu.memref_slice %arg10[%dma_wait3A_203, %dma_wait3A_204] : memref<128x128xf32, #tpu.memory_space<vmem>> -> memref<64x128xf32, #tpu.memory_space<vmem>>
    %dma_wait3A_206 = arith.constant 448 : i32
    %dma_wait3A_207 = tpu.memref_slice %arg6[%dma_wait3A_206] : memref<512xi32, #tpu.memory_space<vmem>> -> memref<64xi32, #tpu.memory_space<vmem>>
    %dma_wait3A_208 = arith.constant 0 : i32
    %dma_wait3A_209 = arith.constant 0 : i32
    %dma_wait3A_210 = tpu.memref_slice %arg2[%dma_wait3A_208, %dma_wait3A_209] : memref<10000x128xf32, #tpu.memory_space<hbm>> -> memref<10000x128xf32, #tpu.memory_space<hbm>>
    tpu.wait_indirect_dma semaphore(%arg17 : memref<!tpu.dma_semaphore, #tpu.memory_space<semaphore_mem>>) src(%dma_wait3A_210 : memref<10000x128xf32, #tpu.memory_space<hbm>>) dst(%dma_wait3A_205 : memref<64x128xf32, #tpu.memory_space<vmem>>)
    %run_scoped3A_211 = arith.constant 75 : i32
    %run_scoped3A_212 = arith.constant 0 : i32
    "tpu.region"() ({
      %run_scoped3A_271 = tpu.sem_alloc : memref<!tpu.dma_semaphore, #tpu.memory_space<semaphore_mem>>
      %dma_start3A_272 = arith.constant 0 : i32
      %dma_start3A_273 = tpu.memref_slice %arg8[%run_scoped3A_211, %run_scoped3A_212, %dma_start3A_272] : memref<79x1x128xi32, #tpu.memory_space<vmem>> -> memref<1x1x128xi32, #tpu.memory_space<vmem>>
      %dma_start3A_274 = tpu.memref_squeeze %dma_start3A_273 : memref<1x1x128xi32, #tpu.memory_space<vmem>> -> memref<128xi32, #tpu.memory_space<vmem>>
      %dma_start3A_275 = arith.constant 0 : i32
      %dma_start3A_276 = arith.constant 0 : i32
      %dma_start3A_277 = tpu.memref_slice %arg11[%dma_start3A_275, %dma_start3A_276] : memref<10000x128xf32, #tpu.memory_space<vmem_shared>> -> memref<10000x128xf32, #tpu.memory_space<vmem_shared>>
      tpu.enqueue_indirect_dma source(%arg10 : memref<128x128xf32, #tpu.memory_space<vmem>>) target(%dma_start3A_277 : memref<10000x128xf32, #tpu.memory_space<vmem_shared>>) offsets(%dma_start3A_274 : memref<128xi32, #tpu.memory_space<vmem>>) semaphore(%run_scoped3A_271 : memref<!tpu.dma_semaphore, #tpu.memory_space<semaphore_mem>>) {add = true}
      %dma_wait3A_278 = arith.constant 0 : i32
      %dma_wait3A_279 = tpu.memref_slice %arg8[%run_scoped3A_211, %run_scoped3A_212, %dma_wait3A_278] : memref<79x1x128xi32, #tpu.memory_space<vmem>> -> memref<1x1x128xi32, #tpu.memory_space<vmem>>
      %dma_wait3A_280 = tpu.memref_squeeze %dma_wait3A_279 : memref<1x1x128xi32, #tpu.memory_space<vmem>> -> memref<128xi32, #tpu.memory_space<vmem>>
      %dma_wait3A_281 = arith.constant 0 : i32
      %dma_wait3A_282 = arith.constant 0 : i32
      %dma_wait3A_283 = tpu.memref_slice %arg11[%dma_wait3A_281, %dma_wait3A_282] : memref<10000x128xf32, #tpu.memory_space<vmem_shared>> -> memref<10000x128xf32, #tpu.memory_space<vmem_shared>>
      tpu.wait_indirect_dma semaphore(%run_scoped3A_271 : memref<!tpu.dma_semaphore, #tpu.memory_space<semaphore_mem>>) src(%arg10 : memref<128x128xf32, #tpu.memory_space<vmem>>) dst(%dma_wait3A_283 : memref<10000x128xf32, #tpu.memory_space<vmem_shared>>)
      tpu.yield
    }) : () -> ()
    %dma_wait3A_213 = arith.constant 0 : i32
    %dma_wait3A_214 = tpu.memref_slice %arg3[%dma_wait3A_213] : memref<320000xi32, #tpu.memory_space<hbm>> -> memref<512xi32, #tpu.memory_space<hbm>>
    %dma_wait3A_215 = arith.constant 0 : i32
    %dma_wait3A_216 = tpu.memref_slice %arg3[%dma_wait3A_215] : memref<320000xi32, #tpu.memory_space<hbm>> -> memref<512xi32, #tpu.memory_space<hbm>>
    tpu.wait_dma2 semaphore(%arg13 : memref<!tpu.dma_semaphore, #tpu.memory_space<semaphore_mem>>) src(%dma_wait3A_216 : memref<512xi32, #tpu.memory_space<hbm>>) dst(%arg7 : memref<512xi32, #tpu.memory_space<vmem>>)
    %sub3A_217 = arith.constant 4 : i32
    %sub3A_218 = arith.subi %add3A_8, %sub3A_217 : i32
    %sub3A_219 = arith.constant 76 : i32
    %sub3A_220 = arith.subi %sub3A_219, %sub3A_218 : i32
    %mul3A_221 = arith.constant 128 : i32
    %mul3A_222 = arith.muli %sub3A_220, %mul3A_221 : i32
    %dma_start3A_223 = tpu.memref_slice %arg7[%mul3A_222] : memref<512xi32, #tpu.memory_space<vmem>> -> memref<128xi32, #tpu.memory_space<vmem>>
    %dma_start3A_224 = arith.constant 0 : i32
    %dma_start3A_225 = arith.constant 0 : i32
    %dma_start3A_226 = tpu.memref_slice %arg2[%dma_start3A_224, %dma_start3A_225] : memref<10000x128xf32, #tpu.memory_space<hbm>> -> memref<10000x128xf32, #tpu.memory_space<hbm>>
    tpu.enqueue_indirect_dma source(%dma_start3A_226 : memref<10000x128xf32, #tpu.memory_space<hbm>>) target(%arg9 : memref<128x128xf32, #tpu.memory_space<vmem>>) offsets(%dma_start3A_223 : memref<128xi32, #tpu.memory_space<vmem>>) semaphore(%arg14 : memref<!tpu.dma_semaphore, #tpu.memory_space<semaphore_mem>>)
    %add3A_227 = arith.constant 1 : i32
    %add3A_228 = arith.addi %sub3A_220, %add3A_227 : i32
    %mul3A_229 = arith.constant 128 : i32
    %mul3A_230 = arith.muli %add3A_228, %mul3A_229 : i32
    %dma_start3A_231 = tpu.memref_slice %arg7[%mul3A_230] : memref<512xi32, #tpu.memory_space<vmem>> -> memref<128xi32, #tpu.memory_space<vmem>>
    %dma_start3A_232 = arith.constant 0 : i32
    %dma_start3A_233 = arith.constant 0 : i32
    %dma_start3A_234 = tpu.memref_slice %arg2[%dma_start3A_232, %dma_start3A_233] : memref<10000x128xf32, #tpu.memory_space<hbm>> -> memref<10000x128xf32, #tpu.memory_space<hbm>>
    tpu.enqueue_indirect_dma source(%dma_start3A_234 : memref<10000x128xf32, #tpu.memory_space<hbm>>) target(%arg10 : memref<128x128xf32, #tpu.memory_space<vmem>>) offsets(%dma_start3A_231 : memref<128xi32, #tpu.memory_space<vmem>>) semaphore(%arg15 : memref<!tpu.dma_semaphore, #tpu.memory_space<semaphore_mem>>)
    %dma_wait3A_235 = tpu.memref_slice %arg7[%mul3A_222] : memref<512xi32, #tpu.memory_space<vmem>> -> memref<128xi32, #tpu.memory_space<vmem>>
    %dma_wait3A_236 = arith.constant 0 : i32
    %dma_wait3A_237 = arith.constant 0 : i32
    %dma_wait3A_238 = tpu.memref_slice %arg2[%dma_wait3A_236, %dma_wait3A_237] : memref<10000x128xf32, #tpu.memory_space<hbm>> -> memref<10000x128xf32, #tpu.memory_space<hbm>>
    tpu.wait_indirect_dma semaphore(%arg14 : memref<!tpu.dma_semaphore, #tpu.memory_space<semaphore_mem>>) src(%dma_wait3A_238 : memref<10000x128xf32, #tpu.memory_space<hbm>>) dst(%arg9 : memref<128x128xf32, #tpu.memory_space<vmem>>)
    %run_scoped3A_239 = arith.constant 76 : i32
    %run_scoped3A_240 = arith.constant 0 : i32
    "tpu.region"() ({
      %run_scoped3A_271 = tpu.sem_alloc : memref<!tpu.dma_semaphore, #tpu.memory_space<semaphore_mem>>
      %dma_start3A_272 = arith.constant 0 : i32
      %dma_start3A_273 = tpu.memref_slice %arg8[%run_scoped3A_239, %run_scoped3A_240, %dma_start3A_272] : memref<79x1x128xi32, #tpu.memory_space<vmem>> -> memref<1x1x128xi32, #tpu.memory_space<vmem>>
      %dma_start3A_274 = tpu.memref_squeeze %dma_start3A_273 : memref<1x1x128xi32, #tpu.memory_space<vmem>> -> memref<128xi32, #tpu.memory_space<vmem>>
      %dma_start3A_275 = arith.constant 0 : i32
      %dma_start3A_276 = arith.constant 0 : i32
      %dma_start3A_277 = tpu.memref_slice %arg11[%dma_start3A_275, %dma_start3A_276] : memref<10000x128xf32, #tpu.memory_space<vmem_shared>> -> memref<10000x128xf32, #tpu.memory_space<vmem_shared>>
      tpu.enqueue_indirect_dma source(%arg9 : memref<128x128xf32, #tpu.memory_space<vmem>>) target(%dma_start3A_277 : memref<10000x128xf32, #tpu.memory_space<vmem_shared>>) offsets(%dma_start3A_274 : memref<128xi32, #tpu.memory_space<vmem>>) semaphore(%run_scoped3A_271 : memref<!tpu.dma_semaphore, #tpu.memory_space<semaphore_mem>>) {add = true}
      %dma_wait3A_278 = arith.constant 0 : i32
      %dma_wait3A_279 = tpu.memref_slice %arg8[%run_scoped3A_239, %run_scoped3A_240, %dma_wait3A_278] : memref<79x1x128xi32, #tpu.memory_space<vmem>> -> memref<1x1x128xi32, #tpu.memory_space<vmem>>
      %dma_wait3A_280 = tpu.memref_squeeze %dma_wait3A_279 : memref<1x1x128xi32, #tpu.memory_space<vmem>> -> memref<128xi32, #tpu.memory_space<vmem>>
      %dma_wait3A_281 = arith.constant 0 : i32
      %dma_wait3A_282 = arith.constant 0 : i32
      %dma_wait3A_283 = tpu.memref_slice %arg11[%dma_wait3A_281, %dma_wait3A_282] : memref<10000x128xf32, #tpu.memory_space<vmem_shared>> -> memref<10000x128xf32, #tpu.memory_space<vmem_shared>>
      tpu.wait_indirect_dma semaphore(%run_scoped3A_271 : memref<!tpu.dma_semaphore, #tpu.memory_space<semaphore_mem>>) src(%arg9 : memref<128x128xf32, #tpu.memory_space<vmem>>) dst(%dma_wait3A_283 : memref<10000x128xf32, #tpu.memory_space<vmem_shared>>)
      tpu.yield
    }) : () -> ()
    %dma_wait3A_241 = tpu.memref_slice %arg7[%mul3A_230] : memref<512xi32, #tpu.memory_space<vmem>> -> memref<128xi32, #tpu.memory_space<vmem>>
    %dma_wait3A_242 = arith.constant 0 : i32
    %dma_wait3A_243 = arith.constant 0 : i32
    %dma_wait3A_244 = tpu.memref_slice %arg2[%dma_wait3A_242, %dma_wait3A_243] : memref<10000x128xf32, #tpu.memory_space<hbm>> -> memref<10000x128xf32, #tpu.memory_space<hbm>>
    tpu.wait_indirect_dma semaphore(%arg15 : memref<!tpu.dma_semaphore, #tpu.memory_space<semaphore_mem>>) src(%dma_wait3A_244 : memref<10000x128xf32, #tpu.memory_space<hbm>>) dst(%arg10 : memref<128x128xf32, #tpu.memory_space<vmem>>)
    %run_scoped3A_245 = arith.constant 77 : i32
    %run_scoped3A_246 = arith.constant 0 : i32
    "tpu.region"() ({
      %run_scoped3A_271 = tpu.sem_alloc : memref<!tpu.dma_semaphore, #tpu.memory_space<semaphore_mem>>
      %dma_start3A_272 = arith.constant 0 : i32
      %dma_start3A_273 = tpu.memref_slice %arg8[%run_scoped3A_245, %run_scoped3A_246, %dma_start3A_272] : memref<79x1x128xi32, #tpu.memory_space<vmem>> -> memref<1x1x128xi32, #tpu.memory_space<vmem>>
      %dma_start3A_274 = tpu.memref_squeeze %dma_start3A_273 : memref<1x1x128xi32, #tpu.memory_space<vmem>> -> memref<128xi32, #tpu.memory_space<vmem>>
      %dma_start3A_275 = arith.constant 0 : i32
      %dma_start3A_276 = arith.constant 0 : i32
      %dma_start3A_277 = tpu.memref_slice %arg11[%dma_start3A_275, %dma_start3A_276] : memref<10000x128xf32, #tpu.memory_space<vmem_shared>> -> memref<10000x128xf32, #tpu.memory_space<vmem_shared>>
      tpu.enqueue_indirect_dma source(%arg10 : memref<128x128xf32, #tpu.memory_space<vmem>>) target(%dma_start3A_277 : memref<10000x128xf32, #tpu.memory_space<vmem_shared>>) offsets(%dma_start3A_274 : memref<128xi32, #tpu.memory_space<vmem>>) semaphore(%run_scoped3A_271 : memref<!tpu.dma_semaphore, #tpu.memory_space<semaphore_mem>>) {add = true}
      %dma_wait3A_278 = arith.constant 0 : i32
      %dma_wait3A_279 = tpu.memref_slice %arg8[%run_scoped3A_245, %run_scoped3A_246, %dma_wait3A_278] : memref<79x1x128xi32, #tpu.memory_space<vmem>> -> memref<1x1x128xi32, #tpu.memory_space<vmem>>
      %dma_wait3A_280 = tpu.memref_squeeze %dma_wait3A_279 : memref<1x1x128xi32, #tpu.memory_space<vmem>> -> memref<128xi32, #tpu.memory_space<vmem>>
      %dma_wait3A_281 = arith.constant 0 : i32
      %dma_wait3A_282 = arith.constant 0 : i32
      %dma_wait3A_283 = tpu.memref_slice %arg11[%dma_wait3A_281, %dma_wait3A_282] : memref<10000x128xf32, #tpu.memory_space<vmem_shared>> -> memref<10000x128xf32, #tpu.memory_space<vmem_shared>>
      tpu.wait_indirect_dma semaphore(%run_scoped3A_271 : memref<!tpu.dma_semaphore, #tpu.memory_space<semaphore_mem>>) src(%arg10 : memref<128x128xf32, #tpu.memory_space<vmem>>) dst(%dma_wait3A_283 : memref<10000x128xf32, #tpu.memory_space<vmem_shared>>)
      tpu.yield
    }) : () -> ()
    %lt3A_247 = arith.constant 4 : i32
    %lt3A_248 = arith.cmpi slt, %add3A, %lt3A_247 : i32
    %convert_element_type3A_249 = arith.extui %lt3A_248 : i1 to i32
    %cond3A_250 = arith.constant 0 : i32
    %cond3A_251 = arith.cmpi ne, %convert_element_type3A_249, %cond3A_250 : i32
    scf.if %cond3A_251 {
      %dma_start3A_271 = arith.constant 384 : i32
      %dma_start3A_272 = tpu.memref_slice %arg7[%dma_start3A_271] : memref<512xi32, #tpu.memory_space<vmem>> -> memref<128xi32, #tpu.memory_space<vmem>>
      %dma_start3A_273 = arith.constant 0 : i32
      %dma_start3A_274 = arith.constant 0 : i32
      %dma_start3A_275 = tpu.memref_slice %arg2[%dma_start3A_273, %dma_start3A_274] : memref<10000x128xf32, #tpu.memory_space<hbm>> -> memref<10000x128xf32, #tpu.memory_space<hbm>>
      tpu.enqueue_indirect_dma source(%dma_start3A_275 : memref<10000x128xf32, #tpu.memory_space<hbm>>) target(%arg9 : memref<128x128xf32, #tpu.memory_space<vmem>>) offsets(%dma_start3A_272 : memref<128xi32, #tpu.memory_space<vmem>>) semaphore(%arg14 : memref<!tpu.dma_semaphore, #tpu.memory_space<semaphore_mem>>)
      %dma_wait3A_276 = arith.constant 384 : i32
      %dma_wait3A_277 = tpu.memref_slice %arg7[%dma_wait3A_276] : memref<512xi32, #tpu.memory_space<vmem>> -> memref<128xi32, #tpu.memory_space<vmem>>
      %dma_wait3A_278 = arith.constant 0 : i32
      %dma_wait3A_279 = arith.constant 0 : i32
      %dma_wait3A_280 = tpu.memref_slice %arg2[%dma_wait3A_278, %dma_wait3A_279] : memref<10000x128xf32, #tpu.memory_space<hbm>> -> memref<10000x128xf32, #tpu.memory_space<hbm>>
      tpu.wait_indirect_dma semaphore(%arg14 : memref<!tpu.dma_semaphore, #tpu.memory_space<semaphore_mem>>) src(%dma_wait3A_280 : memref<10000x128xf32, #tpu.memory_space<hbm>>) dst(%arg9 : memref<128x128xf32, #tpu.memory_space<vmem>>)
      %run_scoped3A_281 = arith.constant 78 : i32
      %run_scoped3A_282 = arith.constant 0 : i32
      "tpu.region"() ({
        %run_scoped3A_283 = tpu.sem_alloc : memref<!tpu.dma_semaphore, #tpu.memory_space<semaphore_mem>>
        %dma_start3A_284 = arith.constant 0 : i32
        %dma_start3A_285 = tpu.memref_slice %arg8[%run_scoped3A_281, %run_scoped3A_282, %dma_start3A_284] : memref<79x1x128xi32, #tpu.memory_space<vmem>> -> memref<1x1x128xi32, #tpu.memory_space<vmem>>
        %dma_start3A_286 = tpu.memref_squeeze %dma_start3A_285 : memref<1x1x128xi32, #tpu.memory_space<vmem>> -> memref<128xi32, #tpu.memory_space<vmem>>
        %dma_start3A_287 = arith.constant 0 : i32
        %dma_start3A_288 = arith.constant 0 : i32
        %dma_start3A_289 = tpu.memref_slice %arg11[%dma_start3A_287, %dma_start3A_288] : memref<10000x128xf32, #tpu.memory_space<vmem_shared>> -> memref<10000x128xf32, #tpu.memory_space<vmem_shared>>
        tpu.enqueue_indirect_dma source(%arg9 : memref<128x128xf32, #tpu.memory_space<vmem>>) target(%dma_start3A_289 : memref<10000x128xf32, #tpu.memory_space<vmem_shared>>) offsets(%dma_start3A_286 : memref<128xi32, #tpu.memory_space<vmem>>) semaphore(%run_scoped3A_283 : memref<!tpu.dma_semaphore, #tpu.memory_space<semaphore_mem>>) {add = true}
        %dma_wait3A_290 = arith.constant 0 : i32
        %dma_wait3A_291 = tpu.memref_slice %arg8[%run_scoped3A_281, %run_scoped3A_282, %dma_wait3A_290] : memref<79x1x128xi32, #tpu.memory_space<vmem>> -> memref<1x1x128xi32, #tpu.memory_space<vmem>>
        %dma_wait3A_292 = tpu.memref_squeeze %dma_wait3A_291 : memref<1x1x128xi32, #tpu.memory_space<vmem>> -> memref<128xi32, #tpu.memory_space<vmem>>
        %dma_wait3A_293 = arith.constant 0 : i32
        %dma_wait3A_294 = arith.constant 0 : i32
        %dma_wait3A_295 = tpu.memref_slice %arg11[%dma_wait3A_293, %dma_wait3A_294] : memref<10000x128xf32, #tpu.memory_space<vmem_shared>> -> memref<10000x128xf32, #tpu.memory_space<vmem_shared>>
        tpu.wait_indirect_dma semaphore(%run_scoped3A_283 : memref<!tpu.dma_semaphore, #tpu.memory_space<semaphore_mem>>) src(%arg9 : memref<128x128xf32, #tpu.memory_space<vmem>>) dst(%dma_wait3A_295 : memref<10000x128xf32, #tpu.memory_space<vmem_shared>>)
        tpu.yield
      }) : () -> ()
    } else {
    }
    %barrier3A_252 = arith.constant 0 : index
    tpu.barrier barrier_id(%barrier3A_252)
    %sub3A_253 = arith.constant 125 : i32
    %sub3A_254 = arith.subi %sub3A_253, %arg1 : i32
    %sub3A_255 = arith.constant 16 : i32
    %sub3A_256 = arith.constant 1 : i32
    %sub3A_257 = arith.subi %sub3A_255, %sub3A_256 : i32
    %add3A_258 = arith.addi %sub3A_254, %sub3A_257 : i32
    %div3A_259 = arith.constant 16 : i32
    %div3A_260 = arith.divsi %add3A_258, %div3A_259 : i32
    %while3A_261 = arith.constant 16 : i32
    %while3A_262 = arith.constant 0 : i32
    %while3A_263 = arith.subi %div3A_260, %while3A_262 : i32
    %while3A_264 = arith.addi %while3A_262, %while3A_263 : i32
    %while3A_265 = arith.constant 1 : i32
    %while3A_266 = arith.divsi %while3A_263, %while3A_265 : i32
    %while3A_267 = arith.muli %while3A_266, %while3A_265 : i32
    %while3A_268 = arith.addi %while3A_262, %while3A_267 : i32
    %while3A_269 = arith.constant 1 : i32
    scf.for %while3A_271 = %while3A_262 to %while3A_268 step %while3A_269  : i32 {
      %mul3A_272 = arith.muli %while3A_271, %while3A_261 : i32
      %add3A_273 = arith.addi %arg1, %mul3A_272 : i32
      %mul3A_274 = arith.constant 80 : i32
      %mul3A_275 = arith.muli %add3A_273, %mul3A_274 : i32
      %mul3A_276 = arith.constant 80 : i32
      %mul3A_277 = arith.muli %add3A_273, %mul3A_276 : i32
      "tpu.region"() ({
        %run_scoped3A_278 = tpu.sem_alloc : memref<!tpu.dma_semaphore, #tpu.memory_space<semaphore_mem>>
        %dma_start3A_279 = arith.constant 0 : i32
        %dma_start3A_280 = tpu.memref_slice %arg5[%arg0, %mul3A_277, %dma_start3A_279] : memref<2x10000x128xf32, #tpu.memory_space<hbm>> -> memref<1x80x128xf32, #tpu.memory_space<hbm>>
        %dma_start3A_281 = tpu.memref_squeeze %dma_start3A_280 : memref<1x80x128xf32, #tpu.memory_space<hbm>> -> memref<80x128xf32, #tpu.memory_space<hbm>>
        %dma_start3A_282 = arith.constant 0 : i32
        %dma_start3A_283 = tpu.memref_slice %arg11[%mul3A_275, %dma_start3A_282] : memref<10000x128xf32, #tpu.memory_space<vmem_shared>> -> memref<80x128xf32, #tpu.memory_space<vmem_shared>>
        tpu.enqueue_dma source(%dma_start3A_283 : memref<80x128xf32, #tpu.memory_space<vmem_shared>>) target(%dma_start3A_281 : memref<80x128xf32, #tpu.memory_space<hbm>>) target_semaphore(%run_scoped3A_278 : memref<!tpu.dma_semaphore, #tpu.memory_space<semaphore_mem>>)
        %dma_wait3A_284 = arith.constant 0 : i32
        %dma_wait3A_285 = tpu.memref_slice %arg5[%arg0, %mul3A_277, %dma_wait3A_284] : memref<2x10000x128xf32, #tpu.memory_space<hbm>> -> memref<1x80x128xf32, #tpu.memory_space<hbm>>
        %dma_wait3A_286 = tpu.memref_squeeze %dma_wait3A_285 : memref<1x80x128xf32, #tpu.memory_space<hbm>> -> memref<80x128xf32, #tpu.memory_space<hbm>>
        %dma_wait3A_287 = arith.constant 0 : i32
        %dma_wait3A_288 = tpu.memref_slice %arg11[%mul3A_275, %dma_wait3A_287] : memref<10000x128xf32, #tpu.memory_space<vmem_shared>> -> memref<80x128xf32, #tpu.memory_space<vmem_shared>>
        tpu.wait_dma2 semaphore(%run_scoped3A_278 : memref<!tpu.dma_semaphore, #tpu.memory_space<semaphore_mem>>) src(%dma_wait3A_288 : memref<80x128xf32, #tpu.memory_space<vmem_shared>>) dst(%dma_wait3A_286 : memref<80x128xf32, #tpu.memory_space<hbm>>)
        tpu.yield
      }) : () -> ()
    }
    %while3A_270 = arith.constant 1 : i32
    scf.for %while3A_271 = %while3A_268 to %while3A_264 step %while3A_270  : i32 {
      %mul3A_272 = arith.muli %while3A_271, %while3A_261 : i32
      %add3A_273 = arith.addi %arg1, %mul3A_272 : i32
      %mul3A_274 = arith.constant 80 : i32
      %mul3A_275 = arith.muli %add3A_273, %mul3A_274 : i32
      %mul3A_276 = arith.constant 80 : i32
      %mul3A_277 = arith.muli %add3A_273, %mul3A_276 : i32
      "tpu.region"() ({
        %run_scoped3A_278 = tpu.sem_alloc : memref<!tpu.dma_semaphore, #tpu.memory_space<semaphore_mem>>
        %dma_start3A_279 = arith.constant 0 : i32
        %dma_start3A_280 = tpu.memref_slice %arg5[%arg0, %mul3A_277, %dma_start3A_279] : memref<2x10000x128xf32, #tpu.memory_space<hbm>> -> memref<1x80x128xf32, #tpu.memory_space<hbm>>
        %dma_start3A_281 = tpu.memref_squeeze %dma_start3A_280 : memref<1x80x128xf32, #tpu.memory_space<hbm>> -> memref<80x128xf32, #tpu.memory_space<hbm>>
        %dma_start3A_282 = arith.constant 0 : i32
        %dma_start3A_283 = tpu.memref_slice %arg11[%mul3A_275, %dma_start3A_282] : memref<10000x128xf32, #tpu.memory_space<vmem_shared>> -> memref<80x128xf32, #tpu.memory_space<vmem_shared>>
        tpu.enqueue_dma source(%dma_start3A_283 : memref<80x128xf32, #tpu.memory_space<vmem_shared>>) target(%dma_start3A_281 : memref<80x128xf32, #tpu.memory_space<hbm>>) target_semaphore(%run_scoped3A_278 : memref<!tpu.dma_semaphore, #tpu.memory_space<semaphore_mem>>)
        %dma_wait3A_284 = arith.constant 0 : i32
        %dma_wait3A_285 = tpu.memref_slice %arg5[%arg0, %mul3A_277, %dma_wait3A_284] : memref<2x10000x128xf32, #tpu.memory_space<hbm>> -> memref<1x80x128xf32, #tpu.memory_space<hbm>>
        %dma_wait3A_286 = tpu.memref_squeeze %dma_wait3A_285 : memref<1x80x128xf32, #tpu.memory_space<hbm>> -> memref<80x128xf32, #tpu.memory_space<hbm>>
        %dma_wait3A_287 = arith.constant 0 : i32
        %dma_wait3A_288 = tpu.memref_slice %arg11[%mul3A_275, %dma_wait3A_287] : memref<10000x128xf32, #tpu.memory_space<vmem_shared>> -> memref<80x128xf32, #tpu.memory_space<vmem_shared>>
        tpu.wait_dma2 semaphore(%run_scoped3A_278 : memref<!tpu.dma_semaphore, #tpu.memory_space<semaphore_mem>>) src(%dma_wait3A_288 : memref<80x128xf32, #tpu.memory_space<vmem_shared>>) dst(%dma_wait3A_286 : memref<80x128xf32, #tpu.memory_space<hbm>>)
        tpu.yield
      }) : () -> ()
    }
    return
  }
}

module attributes {stable_mosaic.version = 14 : i64} {
  func.func @_prep_body(%arg0: i32, %arg1: memref<2x2000x128xf32, #tpu.memory_space<vmem>>, %arg2: memref<2000x128xf32, #tpu.memory_space<vmem>>, %arg3: memref<2000x1xf32, #tpu.memory_space<vmem>>, %arg4: memref<2000x128xf32, #tpu.memory_space<vmem>>) attributes {dimension_semantics = [#tpu.dimension_semantics<arbitrary>], iteration_bounds = array<i64: 5>, scalar_prefetch = 0 : i64, scratch_operands = 0 : i64, tpu.core_type = #tpu.core_type<tc>, window_params = [{transform_indices = @transform_0, window_bounds = array<i64: 2, 2000, 128>}, {transform_indices = @transform_1, window_bounds = array<i64: 2000, 128>}, {transform_indices = @transform_2, window_bounds = array<i64: 2000, 1>}, {transform_indices = @transform_3, window_bounds = array<i64: 2000, 128>}]} {
    %get3A = arith.constant 0 : index
    %get3A_0 = arith.constant 0 : index
    %get3A_1 = arith.constant 0 : index
    %get3A_2 = vector.load %arg1[%get3A, %get3A_0, %get3A_1] : memref<2x2000x128xf32, #tpu.memory_space<vmem>>, vector<1x2000x128xf32>
    %get3A_3 = vector.shape_cast %get3A_2 : vector<1x2000x128xf32> to vector<2000x128xf32>
    %get3A_4 = arith.constant 1 : index
    %get3A_5 = arith.constant 0 : index
    %get3A_6 = arith.constant 0 : index
    %get3A_7 = vector.load %arg1[%get3A_4, %get3A_5, %get3A_6] : memref<2x2000x128xf32, #tpu.memory_space<vmem>>, vector<1x2000x128xf32>
    %get3A_8 = vector.shape_cast %get3A_7 : vector<1x2000x128xf32> to vector<2000x128xf32>
    %add3A = arith.addf %get3A_3, %get3A_8 : vector<2000x128xf32>
    %reduce_sum3A = arith.constant dense<0.000000e+00> : vector<2000xf32>
    %reduce_sum3A_9 = vector.multi_reduction <add>, %add3A, %reduce_sum3A [1] : vector<2000x128xf32> to vector<2000xf32>
    %broadcast_in_dim3A = vector.shape_cast %reduce_sum3A_9 : vector<2000xf32> to vector<2000x1xf32>
    %mul3A = arith.constant 7.812500e-03 : f32
    %mul3A_10 = vector.broadcast %mul3A : f32 to vector<2000x1xf32>
    %mul3A_11 = arith.mulf %broadcast_in_dim3A, %mul3A_10 : vector<2000x1xf32>
    %add3A_12 = arith.constant 1.000000e+00 : f32
    %add3A_13 = vector.broadcast %add3A_12 : f32 to vector<2000x1xf32>
    %add3A_14 = arith.addf %mul3A_11, %add3A_13 : vector<2000x1xf32>
    %rsqrt3A = math.rsqrt %add3A_14 : vector<2000x1xf32>
    %swap3A = arith.constant 0 : index
    %swap3A_15 = arith.constant 0 : index
    %swap3A_16 = vector.load %arg3[%swap3A, %swap3A_15] : memref<2000x1xf32, #tpu.memory_space<vmem>>, vector<2000x1xf32>
    tpu.vector_store %arg3[%swap3A, %swap3A_15], %rsqrt3A {strides = array<i32>} : memref<2000x1xf32, #tpu.memory_space<vmem>>, vector<2000x1xf32>,
    %get3A_17 = arith.constant 0 : index
    %get3A_18 = arith.constant 0 : index
    %get3A_19 = vector.load %arg2[%get3A_17, %get3A_18] : memref<2000x128xf32, #tpu.memory_space<vmem>>, vector<2000x128xf32>
    %mul3A_20 = vector.broadcast %rsqrt3A : vector<2000x1xf32> to vector<2000x128xf32>
    %mul3A_21 = arith.mulf %get3A_19, %mul3A_20 : vector<2000x128xf32>
    %swap3A_22 = arith.constant 0 : index
    %swap3A_23 = arith.constant 0 : index
    %swap3A_24 = vector.load %arg4[%swap3A_22, %swap3A_23] : memref<2000x128xf32, #tpu.memory_space<vmem>>, vector<2000x128xf32>
    tpu.vector_store %arg4[%swap3A_22, %swap3A_23], %mul3A_21 {strides = array<i32>} : memref<2000x128xf32, #tpu.memory_space<vmem>>, vector<2000x128xf32>,
    return
  }
  func.func @transform_0(%arg0: i32) -> (i32, i32, i32) {
    %c0_i32 = arith.constant 0 : i32
    %c0_i32_0 = arith.constant 0 : i32
    %c0_i32_1 = arith.constant 0 : i32
    return %c0_i32, %arg0, %c0_i32_0 : i32, i32, i32
  }
  func.func @transform_1(%arg0: i32) -> (i32, i32) {
    %c0_i32 = arith.constant 0 : i32
    %c0_i32_0 = arith.constant 0 : i32
    return %arg0, %c0_i32 : i32, i32
  }
  func.func @transform_2(%arg0: i32) -> (i32, i32) {
    %c0_i32 = arith.constant 0 : i32
    %c0_i32_0 = arith.constant 0 : i32
    return %arg0, %c0_i32 : i32, i32
  }
  func.func @transform_3(%arg0: i32) -> (i32, i32) {
    %c0_i32 = arith.constant 0 : i32
    %c0_i32_0 = arith.constant 0 : i32
    return %arg0, %c0_i32 : i32, i32
  }
}

module attributes {stable_mosaic.version = 14 : i64} {
  func.func @_layer_body(%arg0: i32, %arg1: memref<2x2000x128xf32, #tpu.memory_space<vmem>>, %arg2: memref<2000x128xf32, #tpu.memory_space<vmem>>, %arg3: memref<2000x1xf32, #tpu.memory_space<vmem>>, %arg4: memref<1x128xf32, #tpu.memory_space<vmem>>, %arg5: memref<1x128xf32, #tpu.memory_space<vmem>>, %arg6: memref<1x128xf32, #tpu.memory_space<vmem>>, %arg7: memref<128x128xf32, #tpu.memory_space<vmem>>, %arg8: memref<2000x128xf32, #tpu.memory_space<vmem>>) attributes {dimension_semantics = [#tpu.dimension_semantics<arbitrary>], iteration_bounds = array<i64: 5>, scalar_prefetch = 0 : i64, scratch_operands = 0 : i64, tpu.core_type = #tpu.core_type<tc>, window_params = [{transform_indices = @transform_0, window_bounds = array<i64: 2, 2000, 128>}, {transform_indices = @transform_1, window_bounds = array<i64: 2000, 128>}, {transform_indices = @transform_2, window_bounds = array<i64: 2000, 1>}, {pipeline_mode = #tpu.pipeline_mode<synchronous>, transform_indices = @transform_3, window_bounds = array<i64: 1, 128>}, {pipeline_mode = #tpu.pipeline_mode<synchronous>, transform_indices = @transform_4, window_bounds = array<i64: 1, 128>}, {pipeline_mode = #tpu.pipeline_mode<synchronous>, transform_indices = @transform_5, window_bounds = array<i64: 1, 128>}, {pipeline_mode = #tpu.pipeline_mode<synchronous>, transform_indices = @transform_6, window_bounds = array<i64: 128, 128>}, {transform_indices = @transform_7, window_bounds = array<i64: 2000, 128>}]} {
    %get3A = arith.constant 0 : index
    %get3A_0 = arith.constant 0 : index
    %get3A_1 = vector.load %arg3[%get3A, %get3A_0] : memref<2000x1xf32, #tpu.memory_space<vmem>>, vector<2000x1xf32>
    %get3A_2 = arith.constant 0 : index
    %get3A_3 = arith.constant 0 : index
    %get3A_4 = arith.constant 0 : index
    %get3A_5 = vector.load %arg1[%get3A_2, %get3A_3, %get3A_4] : memref<2x2000x128xf32, #tpu.memory_space<vmem>>, vector<1x2000x128xf32>
    %get3A_6 = vector.shape_cast %get3A_5 : vector<1x2000x128xf32> to vector<2000x128xf32>
    %get3A_7 = arith.constant 1 : index
    %get3A_8 = arith.constant 0 : index
    %get3A_9 = arith.constant 0 : index
    %get3A_10 = vector.load %arg1[%get3A_7, %get3A_8, %get3A_9] : memref<2x2000x128xf32, #tpu.memory_space<vmem>>, vector<1x2000x128xf32>
    %get3A_11 = vector.shape_cast %get3A_10 : vector<1x2000x128xf32> to vector<2000x128xf32>
    %add3A = arith.addf %get3A_6, %get3A_11 : vector<2000x128xf32>
    %get3A_12 = arith.constant 0 : index
    %get3A_13 = arith.constant 0 : index
    %get3A_14 = vector.load %arg2[%get3A_12, %get3A_13] : memref<2000x128xf32, #tpu.memory_space<vmem>>, vector<2000x128xf32>
    %add3A_15 = arith.addf %add3A, %get3A_14 : vector<2000x128xf32>
    %mul3A = vector.broadcast %get3A_1 : vector<2000x1xf32> to vector<2000x128xf32>
    %mul3A_16 = arith.mulf %add3A_15, %mul3A : vector<2000x128xf32>
    %get3A_17 = arith.constant 0 : index
    %get3A_18 = arith.constant 0 : index
    %get3A_19 = vector.load %arg4[%get3A_17, %get3A_18] : memref<1x128xf32, #tpu.memory_space<vmem>>, vector<1x128xf32>
    %add3A_20 = vector.broadcast %get3A_19 : vector<1x128xf32> to vector<2000x128xf32>
    %add3A_21 = arith.addf %mul3A_16, %add3A_20 : vector<2000x128xf32>
    %get3A_22 = arith.constant 0 : index
    %get3A_23 = arith.constant 0 : index
    %get3A_24 = vector.load %arg5[%get3A_22, %get3A_23] : memref<1x128xf32, #tpu.memory_space<vmem>>, vector<1x128xf32>
    %get3A_25 = arith.constant 0 : index
    %get3A_26 = arith.constant 0 : index
    %get3A_27 = vector.load %arg6[%get3A_25, %get3A_26] : memref<1x128xf32, #tpu.memory_space<vmem>>, vector<1x128xf32>
    %reduce_sum3A = arith.constant dense<0.000000e+00> : vector<2000xf32>
    %reduce_sum3A_28 = vector.multi_reduction <add>, %add3A_21, %reduce_sum3A [1] : vector<2000x128xf32> to vector<2000xf32>
    %broadcast_in_dim3A = vector.shape_cast %reduce_sum3A_28 : vector<2000xf32> to vector<2000x1xf32>
    %div3A = arith.constant 1.280000e+02 : f32
    %div3A_29 = vector.broadcast %div3A : f32 to vector<2000x1xf32>
    %div3A_30 = arith.divf %broadcast_in_dim3A, %div3A_29 : vector<2000x1xf32>
    %sub3A = vector.broadcast %div3A_30 : vector<2000x1xf32> to vector<2000x128xf32>
    %sub3A_31 = arith.subf %add3A_21, %sub3A : vector<2000x128xf32>
    %mul3A_32 = arith.mulf %sub3A_31, %sub3A_31 : vector<2000x128xf32>
    %reduce_sum3A_33 = arith.constant dense<0.000000e+00> : vector<2000xf32>
    %reduce_sum3A_34 = vector.multi_reduction <add>, %mul3A_32, %reduce_sum3A_33 [1] : vector<2000x128xf32> to vector<2000xf32>
    %broadcast_in_dim3A_35 = vector.shape_cast %reduce_sum3A_34 : vector<2000xf32> to vector<2000x1xf32>
    %div3A_36 = arith.constant 1.280000e+02 : f32
    %div3A_37 = vector.broadcast %div3A_36 : f32 to vector<2000x1xf32>
    %div3A_38 = arith.divf %broadcast_in_dim3A_35, %div3A_37 : vector<2000x1xf32>
    %add3A_39 = arith.constant 9.99999974E-6 : f32
    %add3A_40 = vector.broadcast %add3A_39 : f32 to vector<2000x1xf32>
    %add3A_41 = arith.addf %div3A_38, %add3A_40 : vector<2000x1xf32>
    %rsqrt3A = math.rsqrt %add3A_41 : vector<2000x1xf32>
    %mul3A_42 = vector.broadcast %rsqrt3A : vector<2000x1xf32> to vector<2000x128xf32>
    %mul3A_43 = arith.mulf %sub3A_31, %mul3A_42 : vector<2000x128xf32>
    %mul3A_44 = vector.broadcast %get3A_24 : vector<1x128xf32> to vector<2000x128xf32>
    %mul3A_45 = arith.mulf %mul3A_43, %mul3A_44 : vector<2000x128xf32>
    %add3A_46 = vector.broadcast %get3A_27 : vector<1x128xf32> to vector<2000x128xf32>
    %add3A_47 = arith.addf %mul3A_45, %add3A_46 : vector<2000x128xf32>
    %max3A = arith.constant 0.000000e+00 : f32
    %max3A_48 = vector.broadcast %max3A : f32 to vector<2000x128xf32>
    %max3A_49 = arith.maximumf %add3A_47, %max3A_48 : vector<2000x128xf32>
    %get3A_50 = arith.constant 0 : index
    %get3A_51 = arith.constant 0 : index
    %get3A_52 = vector.load %arg7[%get3A_50, %get3A_51] : memref<128x128xf32, #tpu.memory_space<vmem>>, vector<128x128xf32>
    %dot_general3A = arith.constant dense<0.000000e+00> : vector<2000x128xf32>
    %dot_general3A_53 = tpu.matmul %max3A_49, %get3A_52, %dot_general3A {dimension_numbers = #tpu.dot_dimension_numbers<[1], [0], [0], [1], [0, 0, 1, 1], [], []>, transpose_lhs_hint = false} : vector<2000x128xf32>, vector<128x128xf32>, vector<2000x128xf32> -> vector<2000x128xf32>
    %mul3A_54 = vector.broadcast %get3A_1 : vector<2000x1xf32> to vector<2000x128xf32>
    %mul3A_55 = arith.mulf %dot_general3A_53, %mul3A_54 : vector<2000x128xf32>
    %swap3A = arith.constant 0 : index
    %swap3A_56 = arith.constant 0 : index
    %swap3A_57 = vector.load %arg8[%swap3A, %swap3A_56] : memref<2000x128xf32, #tpu.memory_space<vmem>>, vector<2000x128xf32>
    tpu.vector_store %arg8[%swap3A, %swap3A_56], %mul3A_55 {strides = array<i32>} : memref<2000x128xf32, #tpu.memory_space<vmem>>, vector<2000x128xf32>,
    return
  }
  func.func @transform_0(%arg0: i32) -> (i32, i32, i32) {
    %c0_i32 = arith.constant 0 : i32
    %c0_i32_0 = arith.constant 0 : i32
    %c0_i32_1 = arith.constant 0 : i32
    return %c0_i32, %arg0, %c0_i32_0 : i32, i32, i32
  }
  func.func @transform_1(%arg0: i32) -> (i32, i32) {
    %c0_i32 = arith.constant 0 : i32
    %c0_i32_0 = arith.constant 0 : i32
    return %arg0, %c0_i32 : i32, i32
  }
  func.func @transform_2(%arg0: i32) -> (i32, i32) {
    %c0_i32 = arith.constant 0 : i32
    %c0_i32_0 = arith.constant 0 : i32
    return %arg0, %c0_i32 : i32, i32
  }
  func.func @transform_3(%arg0: i32) -> (i32, i32) {
    %c0_i32 = arith.constant 0 : i32
    %c0_i32_0 = arith.constant 0 : i32
    %c0_i32_1 = arith.constant 0 : i32
    return %c0_i32, %c0_i32_0 : i32, i32
  }
  func.func @transform_4(%arg0: i32) -> (i32, i32) {
    %c0_i32 = arith.constant 0 : i32
    %c0_i32_0 = arith.constant 0 : i32
    %c0_i32_1 = arith.constant 0 : i32
    return %c0_i32, %c0_i32_0 : i32, i32
  }
  func.func @transform_5(%arg0: i32) -> (i32, i32) {
    %c0_i32 = arith.constant 0 : i32
    %c0_i32_0 = arith.constant 0 : i32
    %c0_i32_1 = arith.constant 0 : i32
    return %c0_i32, %c0_i32_0 : i32, i32
  }
  func.func @transform_6(%arg0: i32) -> (i32, i32) {
    %c0_i32 = arith.constant 0 : i32
    %c0_i32_0 = arith.constant 0 : i32
    %c0_i32_1 = arith.constant 0 : i32
    return %c0_i32, %c0_i32_0 : i32, i32
  }
  func.func @transform_7(%arg0: i32) -> (i32, i32) {
    %c0_i32 = arith.constant 0 : i32
    %c0_i32_0 = arith.constant 0 : i32
    return %arg0, %c0_i32 : i32, i32
  }
}

module attributes {stable_mosaic.version = 14 : i64} {
  func.func @_mm_body(%arg0: i32, %arg1: memref<2000x128xf32, #tpu.memory_space<vmem>>, %arg2: memref<128x128xf32, #tpu.memory_space<vmem>>, %arg3: memref<2000x128xf32, #tpu.memory_space<vmem>>) attributes {dimension_semantics = [#tpu.dimension_semantics<arbitrary>], iteration_bounds = array<i64: 5>, scalar_prefetch = 0 : i64, scratch_operands = 0 : i64, tpu.core_type = #tpu.core_type<tc>, window_params = [{transform_indices = @transform_0, window_bounds = array<i64: 2000, 128>}, {pipeline_mode = #tpu.pipeline_mode<synchronous>, transform_indices = @transform_1, window_bounds = array<i64: 128, 128>}, {transform_indices = @transform_2, window_bounds = array<i64: 2000, 128>}]} {
    %get3A = arith.constant 0 : index
    %get3A_0 = arith.constant 0 : index
    %get3A_1 = vector.load %arg1[%get3A, %get3A_0] : memref<2000x128xf32, #tpu.memory_space<vmem>>, vector<2000x128xf32>
    %get3A_2 = arith.constant 0 : index
    %get3A_3 = arith.constant 0 : index
    %get3A_4 = vector.load %arg2[%get3A_2, %get3A_3] : memref<128x128xf32, #tpu.memory_space<vmem>>, vector<128x128xf32>
    %dot_general3A = arith.constant dense<0.000000e+00> : vector<2000x128xf32>
    %dot_general3A_5 = tpu.matmul %get3A_1, %get3A_4, %dot_general3A {dimension_numbers = #tpu.dot_dimension_numbers<[1], [0], [0], [1], [0, 0, 1, 1], [], []>, transpose_lhs_hint = false} : vector<2000x128xf32>, vector<128x128xf32>, vector<2000x128xf32> -> vector<2000x128xf32>
    %swap3A = arith.constant 0 : index
    %swap3A_6 = arith.constant 0 : index
    %swap3A_7 = vector.load %arg3[%swap3A, %swap3A_6] : memref<2000x128xf32, #tpu.memory_space<vmem>>, vector<2000x128xf32>
    tpu.vector_store %arg3[%swap3A, %swap3A_6], %dot_general3A_5 {strides = array<i32>} : memref<2000x128xf32, #tpu.memory_space<vmem>>, vector<2000x128xf32>,
    return
  }
  func.func @transform_0(%arg0: i32) -> (i32, i32) {
    %c0_i32 = arith.constant 0 : i32
    %c0_i32_0 = arith.constant 0 : i32
    return %arg0, %c0_i32 : i32, i32
  }
  func.func @transform_1(%arg0: i32) -> (i32, i32) {
    %c0_i32 = arith.constant 0 : i32
    %c0_i32_0 = arith.constant 0 : i32
    %c0_i32_1 = arith.constant 0 : i32
    return %c0_i32, %c0_i32_0 : i32, i32
  }
  func.func @transform_2(%arg0: i32) -> (i32, i32) {
    %c0_i32 = arith.constant 0 : i32
    %c0_i32_0 = arith.constant 0 : i32
    return %arg0, %c0_i32 : i32, i32
  }
}

module attributes {stable_mosaic.version = 14 : i64} {
  func.func @_final_body(%arg0: i32, %arg1: memref<2x2000x128xf32, #tpu.memory_space<vmem>>, %arg2: memref<2000x128xf32, #tpu.memory_space<vmem>>, %arg3: memref<2000x1xf32, #tpu.memory_space<vmem>>, %arg4: memref<1x128xf32, #tpu.memory_space<vmem>>, %arg5: memref<1x128xf32, #tpu.memory_space<vmem>>, %arg6: memref<1x128xf32, #tpu.memory_space<vmem>>, %arg7: memref<2000x1xi32, #tpu.memory_space<vmem>>, %arg8: memref<128x40xf32, #tpu.memory_space<vmem>>, %arg9: memref<1x40xf32, #tpu.memory_space<vmem>>, %arg10: memref<64x40xf32, #tpu.memory_space<vmem>>, %arg11: memref<64x128xf32, #tpu.memory_space<vmem>>, %arg12: memref<64x128xf32, #tpu.memory_space<vmem>>) attributes {dimension_semantics = [#tpu.dimension_semantics<arbitrary>], iteration_bounds = array<i64: 5>, scalar_prefetch = 0 : i64, scratch_operands = 2 : i64, tpu.core_type = #tpu.core_type<tc>, window_params = [{transform_indices = @transform_0, window_bounds = array<i64: 2, 2000, 128>}, {transform_indices = @transform_1, window_bounds = array<i64: 2000, 128>}, {transform_indices = @transform_2, window_bounds = array<i64: 2000, 1>}, {pipeline_mode = #tpu.pipeline_mode<synchronous>, transform_indices = @transform_3, window_bounds = array<i64: 1, 128>}, {pipeline_mode = #tpu.pipeline_mode<synchronous>, transform_indices = @transform_4, window_bounds = array<i64: 1, 128>}, {pipeline_mode = #tpu.pipeline_mode<synchronous>, transform_indices = @transform_5, window_bounds = array<i64: 1, 128>}, {transform_indices = @transform_6, window_bounds = array<i64: 2000, 1>}, {pipeline_mode = #tpu.pipeline_mode<synchronous>, transform_indices = @transform_7, window_bounds = array<i64: 128, 40>}, {pipeline_mode = #tpu.pipeline_mode<synchronous>, transform_indices = @transform_8, window_bounds = array<i64: 1, 40>}, {pipeline_mode = #tpu.pipeline_mode<synchronous>, transform_indices = @transform_9, window_bounds = array<i64: 64, 40>}]} {
    %eq3A = arith.constant 0 : i32
    %eq3A_0 = arith.cmpi eq, %arg0, %eq3A : i32
    %convert_element_type3A = arith.extui %eq3A_0 : i1 to i32
    %cond3A = arith.constant 0 : i32
    %cond3A_1 = arith.cmpi ne, %convert_element_type3A, %cond3A : i32
    scf.if %cond3A_1 {
      %broadcast_in_dim3A_82 = arith.constant 0.000000e+00 : f32
      %broadcast_in_dim3A_83 = vector.broadcast %broadcast_in_dim3A_82 : f32 to vector<64x128xf32>
      %swap3A_84 = arith.constant 0 : index
      %swap3A_85 = arith.constant 0 : index
      %swap3A_86 = vector.load %arg11[%swap3A_84, %swap3A_85] : memref<64x128xf32, #tpu.memory_space<vmem>>, vector<64x128xf32>
      tpu.vector_store %arg11[%swap3A_84, %swap3A_85], %broadcast_in_dim3A_83 {strides = array<i32>} : memref<64x128xf32, #tpu.memory_space<vmem>>, vector<64x128xf32>,
      %broadcast_in_dim3A_87 = arith.constant 0.000000e+00 : f32
      %broadcast_in_dim3A_88 = vector.broadcast %broadcast_in_dim3A_87 : f32 to vector<64x128xf32>
      %swap3A_89 = arith.constant 0 : index
      %swap3A_90 = arith.constant 0 : index
      %swap3A_91 = vector.load %arg12[%swap3A_89, %swap3A_90] : memref<64x128xf32, #tpu.memory_space<vmem>>, vector<64x128xf32>
      tpu.vector_store %arg12[%swap3A_89, %swap3A_90], %broadcast_in_dim3A_88 {strides = array<i32>} : memref<64x128xf32, #tpu.memory_space<vmem>>, vector<64x128xf32>,
    } else {
    }
    %get3A = arith.constant 0 : index
    %get3A_2 = arith.constant 0 : index
    %get3A_3 = vector.load %arg3[%get3A, %get3A_2] : memref<2000x1xf32, #tpu.memory_space<vmem>>, vector<2000x1xf32>
    %get3A_4 = arith.constant 0 : index
    %get3A_5 = arith.constant 0 : index
    %get3A_6 = arith.constant 0 : index
    %get3A_7 = vector.load %arg1[%get3A_4, %get3A_5, %get3A_6] : memref<2x2000x128xf32, #tpu.memory_space<vmem>>, vector<1x2000x128xf32>
    %get3A_8 = vector.shape_cast %get3A_7 : vector<1x2000x128xf32> to vector<2000x128xf32>
    %get3A_9 = arith.constant 1 : index
    %get3A_10 = arith.constant 0 : index
    %get3A_11 = arith.constant 0 : index
    %get3A_12 = vector.load %arg1[%get3A_9, %get3A_10, %get3A_11] : memref<2x2000x128xf32, #tpu.memory_space<vmem>>, vector<1x2000x128xf32>
    %get3A_13 = vector.shape_cast %get3A_12 : vector<1x2000x128xf32> to vector<2000x128xf32>
    %add3A = arith.addf %get3A_8, %get3A_13 : vector<2000x128xf32>
    %get3A_14 = arith.constant 0 : index
    %get3A_15 = arith.constant 0 : index
    %get3A_16 = vector.load %arg2[%get3A_14, %get3A_15] : memref<2000x128xf32, #tpu.memory_space<vmem>>, vector<2000x128xf32>
    %add3A_17 = arith.addf %add3A, %get3A_16 : vector<2000x128xf32>
    %mul3A = vector.broadcast %get3A_3 : vector<2000x1xf32> to vector<2000x128xf32>
    %mul3A_18 = arith.mulf %add3A_17, %mul3A : vector<2000x128xf32>
    %get3A_19 = arith.constant 0 : index
    %get3A_20 = arith.constant 0 : index
    %get3A_21 = vector.load %arg4[%get3A_19, %get3A_20] : memref<1x128xf32, #tpu.memory_space<vmem>>, vector<1x128xf32>
    %add3A_22 = vector.broadcast %get3A_21 : vector<1x128xf32> to vector<2000x128xf32>
    %add3A_23 = arith.addf %mul3A_18, %add3A_22 : vector<2000x128xf32>
    %get3A_24 = arith.constant 0 : index
    %get3A_25 = arith.constant 0 : index
    %get3A_26 = vector.load %arg5[%get3A_24, %get3A_25] : memref<1x128xf32, #tpu.memory_space<vmem>>, vector<1x128xf32>
    %get3A_27 = arith.constant 0 : index
    %get3A_28 = arith.constant 0 : index
    %get3A_29 = vector.load %arg6[%get3A_27, %get3A_28] : memref<1x128xf32, #tpu.memory_space<vmem>>, vector<1x128xf32>
    %reduce_sum3A = arith.constant dense<0.000000e+00> : vector<2000xf32>
    %reduce_sum3A_30 = vector.multi_reduction <add>, %add3A_23, %reduce_sum3A [1] : vector<2000x128xf32> to vector<2000xf32>
    %broadcast_in_dim3A = vector.shape_cast %reduce_sum3A_30 : vector<2000xf32> to vector<2000x1xf32>
    %div3A = arith.constant 1.280000e+02 : f32
    %div3A_31 = vector.broadcast %div3A : f32 to vector<2000x1xf32>
    %div3A_32 = arith.divf %broadcast_in_dim3A, %div3A_31 : vector<2000x1xf32>
    %sub3A = vector.broadcast %div3A_32 : vector<2000x1xf32> to vector<2000x128xf32>
    %sub3A_33 = arith.subf %add3A_23, %sub3A : vector<2000x128xf32>
    %mul3A_34 = arith.mulf %sub3A_33, %sub3A_33 : vector<2000x128xf32>
    %reduce_sum3A_35 = arith.constant dense<0.000000e+00> : vector<2000xf32>
    %reduce_sum3A_36 = vector.multi_reduction <add>, %mul3A_34, %reduce_sum3A_35 [1] : vector<2000x128xf32> to vector<2000xf32>
    %broadcast_in_dim3A_37 = vector.shape_cast %reduce_sum3A_36 : vector<2000xf32> to vector<2000x1xf32>
    %div3A_38 = arith.constant 1.280000e+02 : f32
    %div3A_39 = vector.broadcast %div3A_38 : f32 to vector<2000x1xf32>
    %div3A_40 = arith.divf %broadcast_in_dim3A_37, %div3A_39 : vector<2000x1xf32>
    %add3A_41 = arith.constant 9.99999974E-6 : f32
    %add3A_42 = vector.broadcast %add3A_41 : f32 to vector<2000x1xf32>
    %add3A_43 = arith.addf %div3A_40, %add3A_42 : vector<2000x1xf32>
    %rsqrt3A = math.rsqrt %add3A_43 : vector<2000x1xf32>
    %mul3A_44 = vector.broadcast %rsqrt3A : vector<2000x1xf32> to vector<2000x128xf32>
    %mul3A_45 = arith.mulf %sub3A_33, %mul3A_44 : vector<2000x128xf32>
    %mul3A_46 = vector.broadcast %get3A_26 : vector<1x128xf32> to vector<2000x128xf32>
    %mul3A_47 = arith.mulf %mul3A_45, %mul3A_46 : vector<2000x128xf32>
    %add3A_48 = vector.broadcast %get3A_29 : vector<1x128xf32> to vector<2000x128xf32>
    %add3A_49 = arith.addf %mul3A_47, %add3A_48 : vector<2000x128xf32>
    %max3A = arith.constant 0.000000e+00 : f32
    %max3A_50 = vector.broadcast %max3A : f32 to vector<2000x128xf32>
    %max3A_51 = arith.maximumf %add3A_49, %max3A_50 : vector<2000x128xf32>
    %iota3A = tpu.iota {dimensions = array<i32: 1>} : vector<2000x64xi32>
    %get3A_52 = arith.constant 0 : index
    %get3A_53 = arith.constant 0 : index
    %get3A_54 = vector.load %arg7[%get3A_52, %get3A_53] : memref<2000x1xi32, #tpu.memory_space<vmem>>, vector<2000x1xi32>
    %eq3A_55 = vector.broadcast %get3A_54 : vector<2000x1xi32> to vector<2000x64xi32>
    %eq3A_56 = arith.cmpi eq, %eq3A_55, %iota3A : vector<2000x64xi32>
    %convert_element_type3A_57 = arith.extui %eq3A_56 : vector<2000x64xi1> to vector<2000x64xi32>
    %convert_element_type3A_58 = arith.sitofp %convert_element_type3A_57 : vector<2000x64xi32> to vector<2000x64xf32>
    %get3A_59 = arith.constant 0 : index
    %get3A_60 = arith.constant 0 : index
    %get3A_61 = vector.load %arg11[%get3A_59, %get3A_60] : memref<64x128xf32, #tpu.memory_space<vmem>>, vector<64x128xf32>
    %dot_general3A = arith.constant dense<0.000000e+00> : vector<64x128xf32>
    %dot_general3A_62 = tpu.matmul %convert_element_type3A_58, %max3A_51, %dot_general3A {dimension_numbers = #tpu.dot_dimension_numbers<[0], [0], [1], [1], [0, 1, 1, 1], [], []>, transpose_lhs_hint = false} : vector<2000x64xf32>, vector<2000x128xf32>, vector<64x128xf32> -> vector<64x128xf32>
    %add3A_63 = arith.addf %get3A_61, %dot_general3A_62 : vector<64x128xf32>
    %swap3A = arith.constant 0 : index
    %swap3A_64 = arith.constant 0 : index
    %swap3A_65 = vector.load %arg11[%swap3A, %swap3A_64] : memref<64x128xf32, #tpu.memory_space<vmem>>, vector<64x128xf32>
    tpu.vector_store %arg11[%swap3A, %swap3A_64], %add3A_63 {strides = array<i32>} : memref<64x128xf32, #tpu.memory_space<vmem>>, vector<64x128xf32>,
    %get3A_66 = arith.constant 0 : index
    %get3A_67 = arith.constant 0 : index
    %get3A_68 = vector.load %arg12[%get3A_66, %get3A_67] : memref<64x128xf32, #tpu.memory_space<vmem>>, vector<64x128xf32>
    %broadcast_in_dim3A_69 = arith.constant 1.000000e+00 : f32
    %broadcast_in_dim3A_70 = vector.broadcast %broadcast_in_dim3A_69 : f32 to vector<2000x128xf32>
    %dot_general3A_71 = arith.constant dense<0.000000e+00> : vector<64x128xf32>
    %dot_general3A_72 = tpu.matmul %convert_element_type3A_58, %broadcast_in_dim3A_70, %dot_general3A_71 {dimension_numbers = #tpu.dot_dimension_numbers<[0], [0], [1], [1], [0, 1, 1, 1], [], []>, transpose_lhs_hint = false} : vector<2000x64xf32>, vector<2000x128xf32>, vector<64x128xf32> -> vector<64x128xf32>
    %add3A_73 = arith.addf %get3A_68, %dot_general3A_72 : vector<64x128xf32>
    %swap3A_74 = arith.constant 0 : index
    %swap3A_75 = arith.constant 0 : index
    %swap3A_76 = vector.load %arg12[%swap3A_74, %swap3A_75] : memref<64x128xf32, #tpu.memory_space<vmem>>, vector<64x128xf32>
    tpu.vector_store %arg12[%swap3A_74, %swap3A_75], %add3A_73 {strides = array<i32>} : memref<64x128xf32, #tpu.memory_space<vmem>>, vector<64x128xf32>,
    %eq3A_77 = arith.constant 4 : i32
    %eq3A_78 = arith.cmpi eq, %arg0, %eq3A_77 : i32
    %convert_element_type3A_79 = arith.extui %eq3A_78 : i1 to i32
    %cond3A_80 = arith.constant 0 : i32
    %cond3A_81 = arith.cmpi ne, %convert_element_type3A_79, %cond3A_80 : i32
    scf.if %cond3A_81 {
      %get3A_82 = arith.constant 0 : index
      %get3A_83 = arith.constant 0 : index
      %get3A_84 = vector.load %arg11[%get3A_82, %get3A_83] : memref<64x128xf32, #tpu.memory_space<vmem>>, vector<64x128xf32>
      %get3A_85 = arith.constant 0 : index
      %get3A_86 = arith.constant 0 : index
      %get3A_87 = vector.load %arg12[%get3A_85, %get3A_86] : memref<64x128xf32, #tpu.memory_space<vmem>>, vector<64x128xf32>
      %max3A_88 = arith.constant 1.000000e+00 : f32
      %max3A_89 = vector.broadcast %max3A_88 : f32 to vector<64x128xf32>
      %max3A_90 = arith.maximumf %get3A_87, %max3A_89 : vector<64x128xf32>
      %div3A_91 = arith.divf %get3A_84, %max3A_90 : vector<64x128xf32>
      %get3A_92 = arith.constant 0 : index
      %get3A_93 = arith.constant 0 : index
      %get3A_94 = vector.load %arg8[%get3A_92, %get3A_93] : memref<128x40xf32, #tpu.memory_space<vmem>>, vector<128x40xf32>
      %dot_general3A_95 = arith.constant dense<0.000000e+00> : vector<64x40xf32>
      %dot_general3A_96 = tpu.matmul %div3A_91, %get3A_94, %dot_general3A_95 {dimension_numbers = #tpu.dot_dimension_numbers<[1], [0], [0], [1], [0, 0, 1, 1], [], []>, transpose_lhs_hint = false} : vector<64x128xf32>, vector<128x40xf32>, vector<64x40xf32> -> vector<64x40xf32>
      %get3A_97 = arith.constant 0 : index
      %get3A_98 = arith.constant 0 : index
      %get3A_99 = vector.load %arg9[%get3A_97, %get3A_98] : memref<1x40xf32, #tpu.memory_space<vmem>>, vector<1x40xf32>
      %add3A_100 = vector.broadcast %get3A_99 : vector<1x40xf32> to vector<64x40xf32>
      %add3A_101 = arith.addf %dot_general3A_96, %add3A_100 : vector<64x40xf32>
      %swap3A_102 = arith.constant 0 : index
      %swap3A_103 = arith.constant 0 : index
      %swap3A_104 = vector.load %arg10[%swap3A_102, %swap3A_103] : memref<64x40xf32, #tpu.memory_space<vmem>>, vector<64x40xf32>
      tpu.vector_store %arg10[%swap3A_102, %swap3A_103], %add3A_101 {strides = array<i32>} : memref<64x40xf32, #tpu.memory_space<vmem>>, vector<64x40xf32>,
    } else {
    }
    return
  }
  func.func @transform_0(%arg0: i32) -> (i32, i32, i32) {
    %c0_i32 = arith.constant 0 : i32
    %c0_i32_0 = arith.constant 0 : i32
    %c0_i32_1 = arith.constant 0 : i32
    return %c0_i32, %arg0, %c0_i32_0 : i32, i32, i32
  }
  func.func @transform_1(%arg0: i32) -> (i32, i32) {
    %c0_i32 = arith.constant 0 : i32
    %c0_i32_0 = arith.constant 0 : i32
    return %arg0, %c0_i32 : i32, i32
  }
  func.func @transform_2(%arg0: i32) -> (i32, i32) {
    %c0_i32 = arith.constant 0 : i32
    %c0_i32_0 = arith.constant 0 : i32
    return %arg0, %c0_i32 : i32, i32
  }
  func.func @transform_3(%arg0: i32) -> (i32, i32) {
    %c0_i32 = arith.constant 0 : i32
    %c0_i32_0 = arith.constant 0 : i32
    %c0_i32_1 = arith.constant 0 : i32
    return %c0_i32, %c0_i32_0 : i32, i32
  }
  func.func @transform_4(%arg0: i32) -> (i32, i32) {
    %c0_i32 = arith.constant 0 : i32
    %c0_i32_0 = arith.constant 0 : i32
    %c0_i32_1 = arith.constant 0 : i32
    return %c0_i32, %c0_i32_0 : i32, i32
  }
  func.func @transform_5(%arg0: i32) -> (i32, i32) {
    %c0_i32 = arith.constant 0 : i32
    %c0_i32_0 = arith.constant 0 : i32
    %c0_i32_1 = arith.constant 0 : i32
    return %c0_i32, %c0_i32_0 : i32, i32
  }
  func.func @transform_6(%arg0: i32) -> (i32, i32) {
    %c0_i32 = arith.constant 0 : i32
    %c0_i32_0 = arith.constant 0 : i32
    return %arg0, %c0_i32 : i32, i32
  }
  func.func @transform_7(%arg0: i32) -> (i32, i32) {
    %c0_i32 = arith.constant 0 : i32
    %c0_i32_0 = arith.constant 0 : i32
    %c0_i32_1 = arith.constant 0 : i32
    return %c0_i32, %c0_i32_0 : i32, i32
  }
  func.func @transform_8(%arg0: i32) -> (i32, i32) {
    %c0_i32 = arith.constant 0 : i32
    %c0_i32_0 = arith.constant 0 : i32
    %c0_i32_1 = arith.constant 0 : i32
    return %c0_i32, %c0_i32_0 : i32, i32
  }
  func.func @transform_9(%arg0: i32) -> (i32, i32) {
    %c0_i32 = arith.constant 0 : i32
    %c0_i32_0 = arith.constant 0 : i32
    %c0_i32_1 = arith.constant 0 : i32
    return %c0_i32, %c0_i32_0 : i32, i32
  }
}

</mosaic_0001>

<sc_bundles>
// kernel: kernel.12.cloned.1.call-start
scs
__scs_entry_jumppad:
0x0: {  	(pc) =	sbr.rel $0x88, $3  }
0x1: {  	(tag) =	ssettag $0x0;
	lr =	simm.s32 $0x1  }
0x2: {  	[smem:$0x3F94] =	sst lr;
	_ =	strace $0xD0000000  }
0x3: {  	_ = 	snop  }
0x4: {  	_ = 	snop  }
0x5: {  	_ = 	snop  }
0x6: {  	_ = 	snop  }
0x7: {  	_ = 	snop  }
__scs_overlays_trampoline_lowered:
0x8: {  	[smem:$0x3FA3] =	sst s0  }
0x9: {  	[smem:$0x3FA4] =	sst s1  }
0xa: {  	[smem:$0x3FA5] =	sst s2  }
0xb: {  	[smem:$0x3FA6] =	sst s3  }
0xc: {  	[smem:$0x3FA7] =	sst s4  }
0xd: {  	[smem:$0x3FA8] =	sst s5  }
0xe: {  	[smem:$0x3FA9] =	sst s6  }
0xf: {  	[smem:$0x3FAA] =	sst s7  }
0x10: {  	[smem:$0x3FAB] =	sst s8  }
0x11: {  	[smem:$0x3FAC] =	sst s9;
	s0 =	simm.s32 @!p0 $0x0  }
0x12: {  	s1 =	sld [smem:$0x3F92];
	s0 =	simm.s32 @p0 $0x1  }
0x13: {  	[smem:$0x3FAD] =	sst s0;
	s0 =	simm.s32 @!p1 $0x0  }
0x14: {  	s2 =	sld [smem:$0x3F91];
	s0 =	simm.s32 @p1 $0x1  }
0x15: {  	[smem:$0x3FAE] =	sst s0;
	s0 =	simm.s32 @!p2 $0x0  }
0x16: {  	s3 =	sld [smem:$0x3FDB];
	s0 =	simm.s32 @p2 $0x1  }
0x17: {  	s4 =	simm.s32 $0x1BF5;
	[smem:$0x3FB0] =	sst s0  }
0x18: {  	s0 =	sld [smem:$0x3F93];
	_ =	swait.ge [sflag:s4], $0x0  }
0x19: {  	s7 =	sld [smem:$0x3F94]  }
0x1a: {  	s8 =	sadd.s32 $0xFFFFE003, lr  }
0x1b: {  	s9 =	sadd.s32 $0xFFFFFEF7, lr;
	s5 =	simm.s32 $0xFFFFFFFF;
	p2 =	slt.u32 s8, $0xFFFFF086  }
0x1c: {  	p1 =	slt.u32 s9, $0xF7A;
	s5 =	simm.s32 @!p2 $0x0  }
0x1d: {  	s5 =	simm.s32 @p1 $0x1;
	p0 =	seq.s32 s7, s2  }
0x1e: {  	s7 =	smul.u32 @!p0 $0xF7A, s2;
	p2 =	seq.s32 @!p0 s5, $0x0  }
0x1f: {  	s9 =	smul.u32 $0xF7A, s1;
	s8 =	simm.s32 @!p0 $0x1BF5;
	p2 =	por !p2, p0  }
0x20: {  	[sflag:s8] =	ssyncset.s32 @!p0 $0xFFFFF086;
	s6 =	sadd.s32 @!p0 s3, s7;
	s7 =	simm.s32 @!p0 $0x108  }
0x21: {  	s3 =	sadd.s32 s3, s9;
	s6 =	sadd.s32 @!p0 $0x88, s6;
	s7 =	simm.s32 @p2 $0x1082  }
0x22: {  	[simem:s7], [sflag:s8] =	dma.local @!p0 [hbm:s6], $0xF7A  }
0x23: {  	s9 =	sor.u32 $0xD0000000, s2;
	s6 =	simm.s32 $0x108;
	_ =	swait.ge @!p0 [sflag:s8], $0x0  }
0x24: {  	s3 =	sadd.s32 $0x88, s3;
	s6 =	simm.s32 @!p1 $0x1082;
	[sflag:s4] =	ssyncset.s32 $0xFFFFF086  }
0x25: {  	[simem:s6], [sflag:s4] =	dma.local [hbm:s3], $0xF7A  }
0x26: {  	[smem:$0x3F94] =	sst s1;
	(tag) =	ssettag s2;
	_ =	strace s9  }
0x27: {  	s1 =	sld [smem:$0x3FA4]  }
0x28: {  	s2 =	sld [smem:$0x3FA5]  }
0x29: {  	s4 =	sld [smem:$0x3FA7]  }
0x2a: {  	p0 =	seq.s32 s5, $0x0;
	s5 =	sld [smem:$0x3FA8]  }
0x2b: {  	s6 =	sld [smem:$0x3FA9]  }
0x2c: {  	s7 =	sld [smem:$0x3FAA]  }
0x2d: {  	s3 =	simm.s32 $0x108;
	s8 =	sld [smem:$0x3FAB]  }
0x2e: {  	s3 =	simm.s32 @!p0 $0x1082;
	s9 =	sld [smem:$0x3FAC]  }
0x2f: {  	lr =	sadd.s32 s0, s3;
	s0 =	sld [smem:$0x3FA3]  }
0x30: {  	s3 =	sld [smem:$0x3FA6]  }
0x31: {  	[smem:$0x3FAF] =	sst s10  }
0x32: {  	s10 =	sld [smem:$0x3FAD];
	_ =	sdelay $0x3  }
0x33: {  	p0 =	seq.s32 s10, $0x1;
	s10 =	sld [smem:$0x3FAF];
	_ =	sdelay $0x3  }
0x34: {  	[smem:$0x3FAF] =	sst s10  }
0x35: {  	s10 =	sld [smem:$0x3FAE];
	_ =	sdelay $0x3  }
0x36: {  	p1 =	seq.s32 s10, $0x1;
	s10 =	sld [smem:$0x3FAF];
	_ =	sdelay $0x3  }
0x37: {  	[smem:$0x3FAF] =	sst s10  }
0x38: {  	s10 =	sld [smem:$0x3FB0]  }
0x39: {  	_ = 	snop;
	(pc) =	sbr.ind lr, $3  }
0x3a: {  	_ = 	snop  }
0x3b: {  	_ = 	snop  }
0x3c: {  	p2 =	seq.s32 s10, $0x1;
	s10 =	sld [smem:$0x3FAF]  }
0x3d: {  	_ =	shalt  }
0x3e: {  	_ =	shalt  }
0x3f: {  	_ =	shalt  }
0x40: {  	_ =	shalt  }
0x41: {  	_ =	shalt  }
0x42: {  	_ =	shalt  }
0x43: {  	_ =	shalt  }
0x44: {  	_ =	shalt  }
0x45: {  	_ =	shalt  }
0x46: {  	_ =	shalt  }
0x47: {  	_ =	shalt  }
0x48: {  	_ =	shalt  }
0x49: {  	_ =	shalt  }
0x4a: {  	_ =	shalt  }
0x4b: {  	_ =	shalt  }
0x4c: {  	_ =	shalt  }
0x4d: {  	_ =	shalt  }
0x4e: {  	_ =	shalt  }
0x4f: {  	_ =	shalt  }
0x50: {  	_ =	shalt  }
0x51: {  	_ =	shalt  }
0x52: {  	_ =	shalt  }
0x53: {  	_ =	shalt  }
0x54: {  	_ =	shalt  }
0x55: {  	_ =	shalt  }
0x56: {  	_ =	shalt  }
0x57: {  	_ =	shalt  }
0x58: {  	_ =	shalt  }
0x59: {  	_ =	shalt  }
0x5a: {  	_ =	shalt  }
0x5b: {  	_ =	shalt  }
0x5c: {  	_ =	shalt  }
0x5d: {  	_ =	shalt  }
0x5e: {  	_ =	shalt  }
0x5f: {  	_ =	shalt  }
0x60: {  	_ =	shalt  }
0x61: {  	_ =	shalt  }
0x62: {  	_ =	shalt  }
0x63: {  	_ =	shalt  }
0x64: {  	_ =	shalt  }
0x65: {  	_ =	shalt  }
0x66: {  	_ =	shalt  }
0x67: {  	_ =	shalt  }
0x68: {  	_ =	shalt  }
0x69: {  	_ =	shalt  }
0x6a: {  	_ =	shalt  }
0x6b: {  	_ =	shalt  }
0x6c: {  	_ =	shalt  }
0x6d: {  	_ =	shalt  }
0x6e: {  	_ =	shalt  }
0x6f: {  	_ =	shalt  }
0x70: {  	_ =	shalt  }
0x71: {  	_ =	shalt  }
0x72: {  	_ =	shalt  }
0x73: {  	_ =	shalt  }
0x74: {  	_ =	shalt  }
0x75: {  	_ =	shalt  }
0x76: {  	_ =	shalt  }
0x77: {  	_ =	shalt  }
0x78: {  	_ =	shalt  }
0x79: {  	_ =	shalt  }
0x7a: {  	_ =	shalt  }
0x7b: {  	_ =	shalt  }
0x7c: {  	_ =	shalt  }
0x7d: {  	_ =	shalt  }
0x7e: {  	_ =	shalt  }
0x7f: {  	_ =	shalt  }
0x80: {  	_ =	shalt  }
0x81: {  	_ =	shalt  }
0x82: {  	_ =	shalt  }
0x83: {  	_ =	shalt  }
0x84: {  	_ =	shalt  }
0x85: {  	_ =	shalt  }
0x86: {  	_ =	shalt  }
0x87: {  	_ =	shalt  }
.Lfunc_end0:
.L_simem_size_0:
called_computation.1_lowered:
.L_overlay_start_0:
0x88: {  	s2 =	sld [smem:$0x3FD9]  }
0x89: {  	s3 =	sld [smem:$0x3FFE];
	_ =	sdelay $0x1  }
0x8a: {  	s1 =	srdreg.scid  }
0x8b: {  	s0 =	sand.u32 $0x1, s1  }
0x8c: {  	s16 =	sshll.u32 s0, $0xA;
	s2 =	sadd.s32 s3, s2  }
0x8d: {  	s2 =	sadd.s32 s2, s16  }
0x8e: {  	[smem:$0x3FBB] =	sst s2  }
0x8f: {  	_ = 	snop  }
0x90: {  	(tm) =	ssettm $0x1  }
0x91: {  	s17 =	sld [smem:$0x3FFB];
	_ =	sdelay $0x3  }
0x92: {  	_ =	strace s17  }
0x93: {  	s2 =	sld [smem:$0x3FFC];
	_ =	sdelay $0x3  }
0x94: {  	_ =	strace s2  }
0x95: {  	s2 =	sld [smem:$0x3FFD];
	_ =	sdelay $0x3  }
0x96: {  	_ =	strace s2  }
0x97: {  	_ =	strace $0x8FFFFFFF  }
0x98: {  	s18 =	sld [smem:$0x3FDB];
	_ =	sdelay $0x1  }
0x99: {  	s19 =	simm.s32 $_scs_section_size  }
0x9a: {  	s4 =	simm.s32 $_size__tile_overlayer_lowered;
	s5 =	simm.s32 $_tile_overlayer_lowered  }
0x9b: {  	s22 =	simm.s32 $0x1BFF;
	s21 =	sshll.u32 s5, $0x1;
	s2 =	sadd.s32 s19, s18  }
0x9c: {  	s6 =	simm.s32 $0x0;
	s20 =	sshll.u32 s4, $0x1;
	s4 =	sadd.s32 s21, s2  }
0x9d: {  	[timem:s6], [sflag:s22] =	dma.local [hbm:s4], s20  }
0x9e: {  	_ =	swait.ge [sflag:s22], s20  }
0x9f: {  	s3 =	ssub.s32 $0x0, s20;
	[sflag:s22] =	ssyncset.done $0x0  }
0xa0: {  	[sflag:s22] =	ssyncadd.s32 s3;
	_ =	sdelay $0x1  }
0xa1: {  	s23 =	simm.s32 $0x1B8B  }
0xa2: {  	_ =	swait.ge [sflag:s23], $0x1  }
0xa3: {  	[sflag:s23] =	ssyncset.done $0x0  }
0xa4: {  	s25 =	simm.s32 $0x1B8E;
	s24 =	sld [smem:$0x3FFE];
	[sflag:s23] =	ssyncadd.s32 $0xFFFFFFFF  }
0xa5: {  	s26 =	simm.s32 $execute0_lowered;
	[smem:$0x3FD2] =	sst s25  }
0xa6: {  	s4 =	sshll.u32 s26, $0x1;
	_ =	strace $0x80000049;
	[dreg:$0x1] =	wrdreg $0xFFFFFFFF  }
0xa7: {  	s28 =	simm.s32 $_size_execute0_lowered;
	s2 =	sadd.s32 s2, s4;
	[dreg:$0x0] =	wrdreg $0x0  }
0xa8: {  	s4 =	sshll.u32 s28, $0x1;
	[dreg:$0x2] =	wrdreg s2  }
0xa9: {  	[dreg:$0x3] =	wrdreg s4  }
0xaa: {  	[dreg:$0x4] =	wrdreg $0xC0  }
0xab: {  	_ =	task [dreg:s6], $0x5FFFF  }
0xac: {  	[dreg:$0x1] =	wrdreg $0xFFFFFFFF  }
0xad: {  	[dreg:$0x0] =	wrdreg $0x60  }
0xae: {  	[dreg:$0x2] =	wrdreg s24  }
0xaf: {  	[dreg:$0x3] =	wrdreg $0xAB800  }
0xb0: {  	[dreg:$0x4] =	wrdreg $0x9  }
0xb1: {  	_ =	task.clear_ibuf [dreg:s6], $0x5FFFF;
	_ =	strace $0x90000049  }
0xb2: {  	s29 =	simm.s32 $0x9;
	_ =	strace $0x8000004B  }
0xb3: {  	_ =	swait.ge [sflag:s29], $0x1  }
0xb4: {  	[sflag:s29] =	ssyncadd.s32 $0xFFFFFFFF  }
0xb5: {  	_ =	strace $0x9000004B  }
0xb6: {  	_ =	sfence  }
0xb7: {  	s30 =	sld [smem:$0x0];
	_ =	sdelay $0x2  }
0xb8: {  	s31 =	sshll.u32 s1, $0xD;
	s1 =	sshrl.u32 s1, $0x2  }
0xb9: {  	s3 =	sand.u32 $0x4000, s31;
	s1 =	sadd.s32 s1, s30  }
0xba: {  	s0 =	sor.u32 s3, s0;
	s1 =	sshll.u32 s1, $0x11  }
0xbb: {  	s0 =	sor.u32 s1, s0  }
0xbc: {  	s0 =	sadd.s32 $0x8F2B, s0  }
0xbd: {  	[sflag:s0] =	ssyncadd.remote.s32 $0x1  }
0xbe: {  	_ =	sfence.sel $0xFFFF  }
0xbf: {  	[dreg:$0x0] =	wrdreg $0xFFFFFFFF;
	(pc) =	sbr.abs _section_cstart, $3  }
0xc0: {  	[dreg:$0x1] =	wrdreg $0xFFFFFFFF  }
0xc1: {  	_ =	task.clear_ibuf [dreg:s6], $0x2FFFF;
	_ =	strace $0x9FFFFFFF  }
0xc2: {  	(tm) =	ssettm $0x7FFFFFFF  }
0xc3: {  	_ =	shalt  }
tec
execute0_lowered:
.L_overlay_start_1:
0x0: {  	(tag) =	ssettag $0x1  }
0x1: {  	s0 =	srdreg.scid;
	s1 =	rddreg [dreg:$0x0]  }
0x2: {  	s15 =	stileid.u32;
	s2 =	rddreg [dreg:$0x1];
	s14 =	simm.s32 $0x280  }
0x3: {  	s22 =	simm.s32 $0x240;
	s28 =	simm.s32 $0x4B80;
	s29 =	simm.s32 $0x80  }
0x4: {  	s30 =	simm.s32 $0x6B80;
	s0 =	sand.u32 $0x1, s0;
	s9 =	smul.u32 $0x2800, s15  }
0x5: {  	s3 =	sshll.u32 s15, $0x1;
	s4 =	sadd.s32 $0x16E00, s1;
	s13 =	smul.u32 $0x9C, s15  }
0x6: {  	s5 =	sadd.s32 $0x3200, s1;
	p0 =	slt.u32 s15, $0x2;
	s20 =	smul.u32 $0xA000, s15  }
0x7: {  	s18 =	ssub.s32 $0x8C, s15;
	s6 =	sor.u32 s0, s3;
	s8 =	smul.u32 $0x138800, s0  }
0x8: {  	s3 =	simm.s32 $0x0;
	s24 =	ssub.s32 $0x2, s0;
	s0 =	smul.u32 $0x4E, s0  }
0x9: {  	s7 =	smul.u32 $0x4E, s6;
	[smem:$0x7FF] =	sst s3;
	s10 =	smin.u32 s6, $0x4  }
0xa: {  	s11 =	sshrl.u32 s24, $0x1;
	_ =	strace $0x8000004A;
	s23 =	sadd.s32 s9, s8  }
0xb: {  	s26 =	ssub.s32 s24, s11;
	s11 =	simm.s32 $0x4B;
	s8 =	sshrl.u32 s18, $0x4  }
0xc: {  	s0 =	sadd.s32 s0, s13;
	s18 =	simm.s32 $0x300;
	[dreg:$0x4] =	wrdreg s22  }
0xd: {  	s24 =	simm.s32 $0x340;
	s22 =	simm.s32 $0x7;
	s13 =	simm.s32 $0x2  }
0xe: {  	s6 =	sadd.s32 s10, s7;
	s7 =	sshrl.u32 s23, $0x3;
	s11 =	simm.s32 @!p0 $0x4A  }
0xf: {  	[dreg:$0xc] =	wrdreg s8;
	s8 =	simm.s32 $0x280;
	s0 =	sadd.s32 s10, s0  }
0x10: {  	s23 =	simm.s32 $0x2C0;
	[dreg:$0x6] =	wrdreg s24;
	s24 =	simm.s32 $0x200  }
0x11: {  	s25 =	sshll.u32 s6, $0x4;
	[dreg:$0x3] =	wrdreg s11;
	s8 =	simm.s32 @!p0 $0x300  }
0x12: {  	s0 =	sshll.u32 s0, $0x4;
	[dreg:$0x5] =	wrdreg s23;
	s23 =	simm.s32 $0x3  }
0x13: {  	s11 =	simm.s32 $0x140;
	s12 =	sadd.s32 s25, s1;
	s1 =	sadd.s32 s7, s1  }
0x14: {  	s9 =	sadd.s32 s5, s25;
	[dreg:$0xe] =	wrdreg s8;
	s8 =	sshrl.u32 s20, $0x2  }
0x15: {  	s0 =	sadd.s32 s0, s5;
	s7 =	smax.u32 s26, $0x1;
	s25 =	simm.s32 $0x380  }
0x16: {  	s26 =	simm.s32 $0x3C0;
	s20 =	simm.s32 $0x5;
	[dreg:$0xb] =	wrdreg s9  }
0x17: {  	s16 =	sadd.s32 $0xD000, s12;
	s17 =	sadd.s32 $0xD4E0, s12;
	[dreg:$0x10] =	wrdreg s7  }
0x18: {  	s19 =	sadd.s32 $0x40, s9;
	s9 =	simm.s32 $0x300;
	[dreg:$0x7] =	wrdreg s25  }
0x19: {  	s31 =	sadd.s32 s8, s2;
	s0 =	sadd.s32 $0x80, s0;
	[dreg:$0x8] =	wrdreg s26  }
0x1a: {  	s21 =	sadd.s32 $0x3E000, s1;
	s25 =	simm.s32 $0x1;
	[dreg:$0x9] =	wrdreg s16  }
0x1b: {  	s26 =	simm.s32 $0x40;
	s1 =	simm.s32 $0x8B80;
	[dreg:$0xa] =	wrdreg s17  }
0x1c: {  	s7 =	simm.s32 $0x6;
	s8 =	simm.s32 $0x100;
	[dreg:$0xd] =	wrdreg s19  }
0x1d: {  	s12 =	simm.s32 $0x0;
	s9 =	simm.s32 @!p0 $0x380;
	[dreg:$0x12] =	wrdreg s0  }
0x1e: {  	[dreg:$0x13] =	wrdreg s21;
	p0 =	sgt.u32 s15, $0x1;
	s21 =	simm.s32 $0x2B80  }
0x1f: {  	s15 =	simm.s32 $0xC0;
	s0 =	simm.s32 $0x4;
	[dreg:$0x11] =	wrdreg s31  }
0x20: {  	v0 =	vimm.f32 $0.0e+00;
	s16 =	simm.s32 $0x180;
	[dreg:$0xf] =	wrdreg s9;
	s9 =	simm.s32 $0x1C0  }
.LBB2_1:
0x21: {  	[dreg:$0x14] =	wrdreg s12  }
0x22: {  	s10 =	rddreg [dreg:$0x9];
	s19 =	simm.s32 $0x400  }
0x23: {  	[tilespmem:s19], [sflag:$0x3] =	stream.linear.gather [hbm4b:s10+s3], $0x2700, $0x38;
	[tilespmem:$0x1E400] =	vst v63  }
0x24: {  	s17 =	simm.s32 @!p0 $0x2B00;
	s12 =	rddreg [dreg:$0xa];
	s10 =	simm.s32 @!p0 $0x0  }
0x25: {  	[tilespmem:s17], [sflag:$0x7] =	stream.linear.gather @!p0 [hbm4b:s12+s10], $0x80, $0x38;
	[tilespmem:$0x1E400] =	vst v63  }
0x26: {  	s10 =	simm.s32 @!p0 $0x7  }
0x27: {  	_ =	swait.ge @!p0 [sflag:s10], $0x80  }
0x28: {  	[sflag:s10] =	ssyncset.done @!p0 $0x0  }
0x29: {  	s17 =	simm.s32 $0x3C0;
	[sflag:s10] =	ssyncadd.s32 @!p0 $0xFFFFFF80;
	s10 =	simm.s32 $0x70  }
.LBB2_2:
0x2a: {  	p1 =	sne.s32 s17, $0x9FC0;
	[tilespmem:s10+$0x2B80] =	vst v0  }
0x2b: {  	[tilespmem:s10+$0x2B10] =	vst v0  }
0x2c: {  	[tilespmem:s10+$0x2B20] =	vst v0  }
.Ltmp0:
0x2d: {  	[tilespmem:s10+$0x2B30] =	vst v0;
	(pc) =	sbr.rel @p1 .LBB2_2-.Ltmp0, $4  }
0x2e: {  	[tilespmem:s10+$0x2B40] =	vst v0  }
0x2f: {  	[tilespmem:s10+$0x2B50] =	vst v0  }
0x30: {  	[tilespmem:s10+$0x2B60] =	vst v0  }
0x31: {  	[tilespmem:s10+$0x2B70] =	vst v0;
	s10 =	sshra.s32 s17, $0x2;
	s17 =	sadd.s32 $0x200, s17  }
0x32: {  	[tilespmem:s10+$0x2B80] =	vst v0  }
0x33: {  	[tilespmem:s10+$0x2B10] =	vst v0  }
0x34: {  	[tilespmem:s10+$0x2B20] =	vst v0  }
0x35: {  	[tilespmem:s10+$0x2B30] =	vst v0  }
0x36: {  	[tilespmem:s10+$0x2B40] =	vst v0;
	s19 =	rddreg [dreg:$0xc]  }
0x37: {  	[tilespmem:s10+$0x2B50] =	vst v0;
	p1 =	sne.s32 s19, $0x1  }
.Ltmp1:
0x38: {  	[tilespmem:s10+$0x2B60] =	vst v0;
	(pc) =	sbr.rel @!p1 .LBB2_5-.Ltmp1, $4  }
0x39: {  	[tilespmem:s10+$0x2B70] =	vst v0  }
0x3a: {  	[spmem:s31] =	stream.linear.scatter [tilespmem:s21], [sflag:$0x7], $0x2800, $0x38;
	[tilespmem:$0x1E400] =	vst v63  }
0x3b: {  	_ =	swait.ge [sflag:s22], $0x2800  }
0x3c: {  	s17 =	smov.u32 s31;
	s10 =	sadd.s32 $0xFFFFFFFF, s19;
	[sflag:s22] =	ssyncset.done $0x0  }
.LBB2_4:
0x3d: {  	p2 =	sne.s32 s10, $0x1;
	[sflag:s22] =	ssyncadd.s32 $0xFFFFD800;
	s17 =	sadd.s32 $0x28000, s17  }
.Ltmp2:
0x3e: {  	s10 =	sadd.s32 $0xFFFFFFFF, s10;
	(pc) =	sbr.rel @p2 .LBB2_4-.Ltmp2, $4  }
0x3f: {  	_ = 	snop  }
0x40: {  	[spmem:s17] =	stream.linear.scatter [tilespmem:s21], [sflag:$0x7], $0x2800, $0x38;
	[tilespmem:$0x1E400] =	vst v63  }
0x41: {  	_ =	swait.ge [sflag:s22], $0x2800  }
0x42: {  	[sflag:s22] =	ssyncset.done $0x0  }
.LBB2_5:
0x43: {  	[sflag:s22] =	ssyncadd.s32 $0xFFFFD800  }
0x44: {  	_ =	swait.ge [sflag:s23], $0x2700  }
0x45: {  	[sflag:s23] =	ssyncset.done $0x0  }
0x46: {  	[sflag:s23] =	ssyncadd.s32 $0xFFFFD900  }
0x47: {  	[bflag:$0x0] =	sbarrier.arrive $0xFFFF  }
0x48: {  	s10 =	simm.s32 $0x0;
	s12 =	rddreg [dreg:$0xb]  }
0x49: {  	[tilespmem:s10], [sflag:$0x1] =	stream.linear.gather [hbm4b:s12+s10], $0x200, $0x38;
	[tilespmem:$0x1E400] =	vst v63  }
0x4a: {  	s19 =	rddreg [dreg:$0xd]  }
0x4b: {  	[tilespmem:s24], [sflag:$0x2] =	stream.linear.gather [hbm4b:s19+s10], $0x200, $0x38;
	[tilespmem:$0x1E400] =	vst v63  }
0x4c: {  	_ =	swait.ge [sflag:s25], $0x200  }
0x4d: {  	[sflag:s25] =	ssyncset.done $0x0  }
0x4e: {  	[sflag:s25] =	ssyncadd.s32 $0xFFFFFE00  }
0x4f: {  	[tilespmem:s21], [sflag:$0x3] =	stream.indirect.gather [hbm4b:s4+s26], $0x80, s3, s26, $0xb8;
	[tilespmem:$0x1E400] =	vst v63  }
0x50: {  	_ = 	snop  }
0x51: {  	[tilespmem:s28], [sflag:$0x5] =	stream.indirect.gather [hbm4b:s4+s26], $0x80, s26, s26, $0xb8;
	[tilespmem:$0x1E400] =	vst v63  }
0x52: {  	_ = 	snop  }
0x53: {  	[tilespmem:s30], [sflag:$0x4] =	stream.indirect.gather [hbm4b:s4+s26], $0x80, s29, s26, $0xb8;
	[tilespmem:$0x1E400] =	vst v63  }
0x54: {  	_ = 	snop  }
0x55: {  	[tilespmem:s1], [sflag:$0x6] =	stream.indirect.gather [hbm4b:s4+s26], $0x80, s15, s26, $0xb8;
	[tilespmem:$0x1E400] =	vst v63  }
0x56: {  	_ =	swait.ge [sflag:s23], $0x2000  }
0x57: {  	[sflag:s23] =	ssyncset.done $0x0  }
0x58: {  	[sflag:s23] =	ssyncadd.s32 $0xFFFFE000  }
0x59: {  	_ =	swait.ge [sflag:s20], $0x2000  }
0x5a: {  	[sflag:s20] =	ssyncset.done $0x0  }
0x5b: {  	s12 =	simm.s32 $0x400;
	[sflag:s20] =	ssyncadd.s32 $0xFFFFE000  }
0x5c: {  	[spmem:s2] =	stream.indirect.scatter.add.f32 [tilespmem:s21], [sflag:$0x7], $0x80, s12, s29, $0xb8;
	[tilespmem:$0x1E400] =	vst v63  }
0x5d: {  	_ =	swait.ge [sflag:s22], $0x4000  }
0x5e: {  	[sflag:s22] =	ssyncset.done $0x0  }
0x5f: {  	[sflag:s22] =	ssyncadd.s32 $0xFFFFC000  }
0x60: {  	_ =	swait.ge [sflag:s0], $0x2000  }
0x61: {  	[sflag:s0] =	ssyncset.done $0x0  }
0x62: {  	[sflag:s0] =	ssyncadd.s32 $0xFFFFE000  }
0x63: {  	_ =	swait.ge [sflag:s7], $0x2000  }
0x64: {  	[sflag:s7] =	ssyncset.done $0x0  }
0x65: {  	[sflag:s7] =	ssyncadd.s32 $0xFFFFE000  }
0x66: {  	[tilespmem:s21], [sflag:$0x3] =	stream.indirect.gather [hbm4b:s4+s26], $0x80, s8, s26, $0xb8;
	[tilespmem:$0x1E400] =	vst v63  }
0x67: {  	_ = 	snop  }
0x68: {  	[tilespmem:s28], [sflag:$0x5] =	stream.indirect.gather [hbm4b:s4+s26], $0x80, s11, s26, $0xb8;
	[tilespmem:$0x1E400] =	vst v63  }
0x69: {  	s17 =	simm.s32 $0x480  }
0x6a: {  	[spmem:s2] =	stream.indirect.scatter.add.f32 [tilespmem:s30], [sflag:$0x7], $0x80, s17, s29, $0xb8;
	[tilespmem:$0x1E400] =	vst v63  }
0x6b: {  	_ =	swait.ge [sflag:s22], $0x4000  }
0x6c: {  	[sflag:s22] =	ssyncset.done $0x0  }
0x6d: {  	[sflag:s22] =	ssyncadd.s32 $0xFFFFC000  }
0x6e: {  	_ =	swait.ge [sflag:s23], $0x2000  }
0x6f: {  	[sflag:s23] =	ssyncset.done $0x0  }
0x70: {  	[sflag:s23] =	ssyncadd.s32 $0xFFFFE000  }
0x71: {  	_ =	swait.ge [sflag:s20], $0x2000  }
0x72: {  	[sflag:s20] =	ssyncset.done $0x0  }
0x73: {  	[sflag:s20] =	ssyncadd.s32 $0xFFFFE000  }
0x74: {  	[tilespmem:s30], [sflag:$0x4] =	stream.indirect.gather [hbm4b:s4+s26], $0x80, s16, s26, $0xb8;
	[tilespmem:$0x1E400] =	vst v63  }
0x75: {  	_ = 	snop  }
0x76: {  	[tilespmem:s1], [sflag:$0x6] =	stream.indirect.gather [hbm4b:s4+s26], $0x80, s9, s26, $0xb8;
	[tilespmem:$0x1E400] =	vst v63  }
0x77: {  	s19 =	simm.s32 $0x500  }
0x78: {  	[spmem:s2] =	stream.indirect.scatter.add.f32 [tilespmem:s21], [sflag:$0x7], $0x80, s19, s29, $0xb8;
	[tilespmem:$0x1E400] =	vst v63  }
0x79: {  	_ =	swait.ge [sflag:s22], $0x4000  }
0x7a: {  	[sflag:s22] =	ssyncset.done $0x0  }
0x7b: {  	[sflag:s22] =	ssyncadd.s32 $0xFFFFC000  }
0x7c: {  	_ =	swait.ge [sflag:s0], $0x2000  }
0x7d: {  	[sflag:s0] =	ssyncset.done $0x0  }
0x7e: {  	[sflag:s0] =	ssyncadd.s32 $0xFFFFE000  }
0x7f: {  	_ =	swait.ge [sflag:s7], $0x2000  }
0x80: {  	[sflag:s7] =	ssyncset.done $0x0  }
0x81: {  	s12 =	simm.s32 $0x580;
	[sflag:s7] =	ssyncadd.s32 $0xFFFFE000  }
0x82: {  	[spmem:s2] =	stream.indirect.scatter.add.f32 [tilespmem:s30], [sflag:$0x7], $0x80, s12, s29, $0xb8;
	[tilespmem:$0x1E400] =	vst v63  }
0x83: {  	_ =	swait.ge [sflag:s22], $0x4000  }
0x84: {  	[sflag:s22] =	ssyncset.done $0x0  }
0x85: {  	s12 =	rddreg [dreg:$0x12];
	[sflag:s22] =	ssyncadd.s32 $0xFFFFC000  }
0x86: {  	[tilespmem:s3], [sflag:$0x1] =	stream.linear.gather [hbm4b:s12+s3], $0x200, $0x38;
	[tilespmem:$0x1E400] =	vst v63  }
0x87: {  	_ =	swait.ge [sflag:s13], $0x200  }
0x88: {  	[sflag:s13] =	ssyncset.done $0x0  }
0x89: {  	[sflag:s13] =	ssyncadd.s32 $0xFFFFFE00  }
0x8a: {  	[tilespmem:s21], [sflag:$0x3] =	stream.indirect.gather [hbm4b:s4+s26], $0x80, s24, s26, $0xb8;
	[tilespmem:$0x1E400] =	vst v63  }
0x8b: {  	s17 =	rddreg [dreg:$0x4]  }
0x8c: {  	[tilespmem:s28], [sflag:$0x5] =	stream.indirect.gather [hbm4b:s4+s26], $0x80, s17, s26, $0xb8;
	[tilespmem:$0x1E400] =	vst v63  }
0x8d: {  	_ = 	snop  }
0x8e: {  	[tilespmem:s30], [sflag:$0x4] =	stream.indirect.gather [hbm4b:s4+s26], $0x80, s14, s26, $0xb8;
	[tilespmem:$0x1E400] =	vst v63  }
0x8f: {  	s19 =	rddreg [dreg:$0x5]  }
0x90: {  	[tilespmem:s1], [sflag:$0x6] =	stream.indirect.gather [hbm4b:s4+s26], $0x80, s19, s26, $0xb8;
	[tilespmem:$0x1E400] =	vst v63  }
0x91: {  	_ =	swait.ge [sflag:s23], $0x2000  }
0x92: {  	[sflag:s23] =	ssyncset.done $0x0  }
0x93: {  	[sflag:s23] =	ssyncadd.s32 $0xFFFFE000  }
0x94: {  	_ =	swait.ge [sflag:s20], $0x2000  }
0x95: {  	[sflag:s20] =	ssyncset.done $0x0  }
0x96: {  	s14 =	simm.s32 $0x600;
	[sflag:s20] =	ssyncadd.s32 $0xFFFFE000  }
0x97: {  	[spmem:s2] =	stream.indirect.scatter.add.f32 [tilespmem:s21], [sflag:$0x7], $0x80, s14, s29, $0xb8;
	[tilespmem:$0x1E400] =	vst v63  }
0x98: {  	_ =	swait.ge [sflag:s22], $0x4000  }
0x99: {  	[sflag:s22] =	ssyncset.done $0x0  }
0x9a: {  	[sflag:s22] =	ssyncadd.s32 $0xFFFFC000  }
0x9b: {  	_ =	swait.ge [sflag:s0], $0x2000  }
0x9c: {  	[sflag:s0] =	ssyncset.done $0x0  }
0x9d: {  	[sflag:s0] =	ssyncadd.s32 $0xFFFFE000  }
0x9e: {  	_ =	swait.ge [sflag:s7], $0x2000  }
0x9f: {  	[sflag:s7] =	ssyncset.done $0x0  }
0xa0: {  	[sflag:s7] =	ssyncadd.s32 $0xFFFFE000  }
0xa1: {  	[tilespmem:s21], [sflag:$0x3] =	stream.indirect.gather [hbm4b:s4+s26], $0x80, s18, s26, $0xb8;
	[tilespmem:$0x1E400] =	vst v63  }
0xa2: {  	s17 =	rddreg [dreg:$0x6]  }
0xa3: {  	[tilespmem:s28], [sflag:$0x5] =	stream.indirect.gather [hbm4b:s4+s26], $0x80, s17, s26, $0xb8;
	[tilespmem:$0x1E400] =	vst v63  }
0xa4: {  	s18 =	simm.s32 $0x680  }
0xa5: {  	[spmem:s2] =	stream.indirect.scatter.add.f32 [tilespmem:s30], [sflag:$0x7], $0x80, s18, s29, $0xb8;
	[tilespmem:$0x1E400] =	vst v63  }
0xa6: {  	_ =	swait.ge [sflag:s22], $0x4000  }
0xa7: {  	[sflag:s22] =	ssyncset.done $0x0  }
0xa8: {  	[sflag:s22] =	ssyncadd.s32 $0xFFFFC000  }
0xa9: {  	_ =	swait.ge [sflag:s23], $0x2000  }
0xaa: {  	[sflag:s23] =	ssyncset.done $0x0  }
0xab: {  	[sflag:s23] =	ssyncadd.s32 $0xFFFFE000  }
0xac: {  	_ =	swait.ge [sflag:s20], $0x2000  }
0xad: {  	[sflag:s20] =	ssyncset.done $0x0  }
0xae: {  	s19 =	rddreg [dreg:$0x7];
	[sflag:s20] =	ssyncadd.s32 $0xFFFFE000  }
0xaf: {  	[tilespmem:s30], [sflag:$0x4] =	stream.indirect.gather [hbm4b:s4+s26], $0x80, s19, s26, $0xb8;
	[tilespmem:$0x1E400] =	vst v63  }
0xb0: {  	s17 =	rddreg [dreg:$0x8]  }
0xb1: {  	[tilespmem:s1], [sflag:$0x6] =	stream.indirect.gather [hbm4b:s4+s26], $0x80, s17, s26, $0xb8;
	[tilespmem:$0x1E400] =	vst v63  }
0xb2: {  	s14 =	simm.s32 $0x700  }
0xb3: {  	[spmem:s2] =	stream.indirect.scatter.add.f32 [tilespmem:s21], [sflag:$0x7], $0x80, s14, s29, $0xb8;
	[tilespmem:$0x1E400] =	vst v63  }
0xb4: {  	_ =	swait.ge [sflag:s22], $0x4000  }
0xb5: {  	[sflag:s22] =	ssyncset.done $0x0  }
0xb6: {  	[sflag:s22] =	ssyncadd.s32 $0xFFFFC000  }
0xb7: {  	_ =	swait.ge [sflag:s0], $0x2000  }
0xb8: {  	[sflag:s0] =	ssyncset.done $0x0  }
0xb9: {  	[sflag:s0] =	ssyncadd.s32 $0xFFFFE000  }
0xba: {  	_ =	swait.ge [sflag:s7], $0x2000  }
0xbb: {  	[sflag:s7] =	ssyncset.done $0x0  }
0xbc: {  	s17 =	simm.s32 $0x780;
	[sflag:s7] =	ssyncadd.s32 $0xFFFFE000  }
0xbd: {  	[spmem:s2] =	stream.indirect.scatter.add.f32 [tilespmem:s30], [sflag:$0x7], $0x80, s17, s29, $0xb8;
	[tilespmem:$0x1E400] =	vst v63  }
0xbe: {  	_ =	swait.ge [sflag:s22], $0x4000  }
0xbf: {  	s19 =	simm.s32 $0xC;
	s18 =	rddreg [dreg:$0x3]  }
0xc0: {  	s31 =	simm.s32 $0x300;
	s10 =	smin.u32 s19, s18  }
0xc1: {  	s14 =	simm.s32 $0x280;
	[sflag:s22] =	ssyncset.done $0x0;
	s10 =	sadd.s32 s6, s10  }
0xc2: {  	s18 =	simm.s32 $0x1000;
	[sflag:s22] =	ssyncadd.s32 $0xFFFFC000;
	s10 =	sshll.u32 s10, $0x4  }
0xc3: {  	s19 =	sadd.s32 $0x80, s12;
	s17 =	sadd.s32 s5, s10;
	s10 =	simm.s32 $0x14  }
.LBB2_6:
0xc4: {  	[tilespmem:s24], [sflag:$0x2] =	stream.linear.gather [hbm4b:s17+s3], $0x200, $0x38;
	[tilespmem:$0x1E400] =	vst v63  }
0xc5: {  	_ =	swait.ge [sflag:s25], $0x200  }
0xc6: {  	[sflag:s25] =	ssyncset.done $0x0  }
0xc7: {  	[sflag:s25] =	ssyncadd.s32 $0xFFFFFE00  }
0xc8: {  	[tilespmem:s21], [sflag:$0x3] =	stream.indirect.gather [hbm4b:s4+s26], $0x80, s3, s26, $0xb8;
	[tilespmem:$0x1E400] =	vst v63  }
0xc9: {  	_ = 	snop  }
0xca: {  	[tilespmem:s28], [sflag:$0x5] =	stream.indirect.gather [hbm4b:s4+s26], $0x80, s26, s26, $0xb8;
	[tilespmem:$0x1E400] =	vst v63  }
0xcb: {  	_ = 	snop  }
0xcc: {  	[tilespmem:s30], [sflag:$0x4] =	stream.indirect.gather [hbm4b:s4+s26], $0x80, s29, s26, $0xb8;
	[tilespmem:$0x1E400] =	vst v63  }
0xcd: {  	_ = 	snop  }
0xce: {  	[tilespmem:s1], [sflag:$0x6] =	stream.indirect.gather [hbm4b:s4+s26], $0x80, s15, s26, $0xb8;
	[tilespmem:$0x1E400] =	vst v63  }
0xcf: {  	_ =	swait.ge [sflag:s23], $0x2000  }
0xd0: {  	[sflag:s23] =	ssyncset.done $0x0  }
0xd1: {  	[sflag:s23] =	ssyncadd.s32 $0xFFFFE000  }
0xd2: {  	s12 =	smov.u32 s18;
	_ =	swait.ge [sflag:s20], $0x2000  }
0xd3: {  	s17 =	sshra.s32 s12, $0x2;
	[sflag:s20] =	ssyncset.done $0x0  }
0xd4: {  	s12 =	sadd.s32 $0x400, s17;
	[sflag:s20] =	ssyncadd.s32 $0xFFFFE000  }
0xd5: {  	[spmem:s2] =	stream.indirect.scatter.add.f32 [tilespmem:s21], [sflag:$0x7], $0x80, s12, s29, $0xb8;
	[tilespmem:$0x1E400] =	vst v63  }
0xd6: {  	_ =	swait.ge [sflag:s22], $0x4000  }
0xd7: {  	[sflag:s22] =	ssyncset.done $0x0  }
0xd8: {  	[sflag:s22] =	ssyncadd.s32 $0xFFFFC000  }
0xd9: {  	_ =	swait.ge [sflag:s0], $0x2000  }
0xda: {  	[sflag:s0] =	ssyncset.done $0x0  }
0xdb: {  	[sflag:s0] =	ssyncadd.s32 $0xFFFFE000  }
0xdc: {  	_ =	swait.ge [sflag:s7], $0x2000  }
0xdd: {  	[sflag:s7] =	ssyncset.done $0x0  }
0xde: {  	[sflag:s7] =	ssyncadd.s32 $0xFFFFE000  }
0xdf: {  	[tilespmem:s21], [sflag:$0x3] =	stream.indirect.gather [hbm4b:s4+s26], $0x80, s8, s26, $0xb8;
	[tilespmem:$0x1E400] =	vst v63  }
0xe0: {  	_ = 	snop  }
0xe1: {  	[tilespmem:s28], [sflag:$0x5] =	stream.indirect.gather [hbm4b:s4+s26], $0x80, s11, s26, $0xb8;
	[tilespmem:$0x1E400] =	vst v63  }
0xe2: {  	s12 =	sadd.s32 $0x480, s17  }
0xe3: {  	[spmem:s2] =	stream.indirect.scatter.add.f32 [tilespmem:s30], [sflag:$0x7], $0x80, s12, s29, $0xb8;
	[tilespmem:$0x1E400] =	vst v63  }
0xe4: {  	_ =	swait.ge [sflag:s22], $0x4000  }
0xe5: {  	[sflag:s22] =	ssyncset.done $0x0  }
0xe6: {  	[sflag:s22] =	ssyncadd.s32 $0xFFFFC000  }
0xe7: {  	_ =	swait.ge [sflag:s23], $0x2000  }
0xe8: {  	[sflag:s23] =	ssyncset.done $0x0  }
0xe9: {  	[sflag:s23] =	ssyncadd.s32 $0xFFFFE000  }
0xea: {  	_ =	swait.ge [sflag:s20], $0x2000  }
0xeb: {  	[sflag:s20] =	ssyncset.done $0x0  }
0xec: {  	[sflag:s20] =	ssyncadd.s32 $0xFFFFE000  }
0xed: {  	[tilespmem:s30], [sflag:$0x4] =	stream.indirect.gather [hbm4b:s4+s26], $0x80, s16, s26, $0xb8;
	[tilespmem:$0x1E400] =	vst v63  }
0xee: {  	_ = 	snop  }
0xef: {  	[tilespmem:s1], [sflag:$0x6] =	stream.indirect.gather [hbm4b:s4+s26], $0x80, s9, s26, $0xb8;
	[tilespmem:$0x1E400] =	vst v63  }
0xf0: {  	s12 =	sadd.s32 $0x500, s17  }
0xf1: {  	[spmem:s2] =	stream.indirect.scatter.add.f32 [tilespmem:s21], [sflag:$0x7], $0x80, s12, s29, $0xb8;
	[tilespmem:$0x1E400] =	vst v63  }
0xf2: {  	_ =	swait.ge [sflag:s22], $0x4000  }
0xf3: {  	[sflag:s22] =	ssyncset.done $0x0  }
0xf4: {  	[sflag:s22] =	ssyncadd.s32 $0xFFFFC000  }
0xf5: {  	_ =	swait.ge [sflag:s0], $0x2000  }
0xf6: {  	[sflag:s0] =	ssyncset.done $0x0  }
0xf7: {  	[sflag:s0] =	ssyncadd.s32 $0xFFFFE000  }
0xf8: {  	_ =	swait.ge [sflag:s7], $0x2000  }
0xf9: {  	[sflag:s7] =	ssyncset.done $0x0  }
0xfa: {  	s12 =	sadd.s32 $0x580, s17;
	[sflag:s7] =	ssyncadd.s32 $0xFFFFE000  }
0xfb: {  	[spmem:s2] =	stream.indirect.scatter.add.f32 [tilespmem:s30], [sflag:$0x7], $0x80, s12, s29, $0xb8;
	[tilespmem:$0x1E400] =	vst v63  }
0xfc: {  	_ =	swait.ge [sflag:s22], $0x4000  }
0xfd: {  	[sflag:s22] =	ssyncset.done $0x0  }
0xfe: {  	[sflag:s22] =	ssyncadd.s32 $0xFFFFC000  }
0xff: {  	[tilespmem:s3], [sflag:$0x1] =	stream.linear.gather [hbm4b:s19+s3], $0x200, $0x38;
	[tilespmem:$0x1E400] =	vst v63  }
0x100: {  	_ =	swait.ge [sflag:s13], $0x200  }
0x101: {  	[sflag:s13] =	ssyncset.done $0x0  }
0x102: {  	[sflag:s13] =	ssyncadd.s32 $0xFFFFFE00  }
0x103: {  	[tilespmem:s21], [sflag:$0x3] =	stream.indirect.gather [hbm4b:s4+s26], $0x80, s24, s26, $0xb8;
	[tilespmem:$0x1E400] =	vst v63  }
0x104: {  	s12 =	rddreg [dreg:$0x4]  }
0x105: {  	[tilespmem:s28], [sflag:$0x5] =	stream.indirect.gather [hbm4b:s4+s26], $0x80, s12, s26, $0xb8;
	[tilespmem:$0x1E400] =	vst v63  }
0x106: {  	_ = 	snop  }
0x107: {  	[tilespmem:s30], [sflag:$0x4] =	stream.indirect.gather [hbm4b:s4+s26], $0x80, s14, s26, $0xb8;
	[tilespmem:$0x1E400] =	vst v63  }
0x108: {  	s12 =	rddreg [dreg:$0x5]  }
0x109: {  	[tilespmem:s1], [sflag:$0x6] =	stream.indirect.gather [hbm4b:s4+s26], $0x80, s12, s26, $0xb8;
	[tilespmem:$0x1E400] =	vst v63  }
0x10a: {  	_ =	swait.ge [sflag:s23], $0x2000  }
0x10b: {  	[sflag:s23] =	ssyncset.done $0x0  }
0x10c: {  	[sflag:s23] =	ssyncadd.s32 $0xFFFFE000  }
0x10d: {  	_ =	swait.ge [sflag:s20], $0x2000  }
0x10e: {  	[sflag:s20] =	ssyncset.done $0x0  }
0x10f: {  	s12 =	sadd.s32 $0x600, s17;
	[sflag:s20] =	ssyncadd.s32 $0xFFFFE000  }
0x110: {  	[spmem:s2] =	stream.indirect.scatter.add.f32 [tilespmem:s21], [sflag:$0x7], $0x80, s12, s29, $0xb8;
	[tilespmem:$0x1E400] =	vst v63  }
0x111: {  	_ =	swait.ge [sflag:s22], $0x4000  }
0x112: {  	[sflag:s22] =	ssyncset.done $0x0  }
0x113: {  	[sflag:s22] =	ssyncadd.s32 $0xFFFFC000  }
0x114: {  	_ =	swait.ge [sflag:s0], $0x2000  }
0x115: {  	[sflag:s0] =	ssyncset.done $0x0  }
0x116: {  	[sflag:s0] =	ssyncadd.s32 $0xFFFFE000  }
0x117: {  	_ =	swait.ge [sflag:s7], $0x2000  }
0x118: {  	[sflag:s7] =	ssyncset.done $0x0  }
0x119: {  	[sflag:s7] =	ssyncadd.s32 $0xFFFFE000  }
0x11a: {  	[tilespmem:s21], [sflag:$0x3] =	stream.indirect.gather [hbm4b:s4+s26], $0x80, s31, s26, $0xb8;
	[tilespmem:$0x1E400] =	vst v63  }
0x11b: {  	s12 =	rddreg [dreg:$0x6]  }
0x11c: {  	[tilespmem:s28], [sflag:$0x5] =	stream.indirect.gather [hbm4b:s4+s26], $0x80, s12, s26, $0xb8;
	[tilespmem:$0x1E400] =	vst v63  }
0x11d: {  	s12 =	sadd.s32 $0x680, s17  }
0x11e: {  	[spmem:s2] =	stream.indirect.scatter.add.f32 [tilespmem:s30], [sflag:$0x7], $0x80, s12, s29, $0xb8;
	[tilespmem:$0x1E400] =	vst v63  }
0x11f: {  	_ =	swait.ge [sflag:s22], $0x4000  }
0x120: {  	[sflag:s22] =	ssyncset.done $0x0  }
0x121: {  	[sflag:s22] =	ssyncadd.s32 $0xFFFFC000  }
0x122: {  	_ =	swait.ge [sflag:s23], $0x2000  }
0x123: {  	[sflag:s23] =	ssyncset.done $0x0  }
0x124: {  	[sflag:s23] =	ssyncadd.s32 $0xFFFFE000  }
0x125: {  	_ =	swait.ge [sflag:s20], $0x2000  }
0x126: {  	[sflag:s20] =	ssyncset.done $0x0  }
0x127: {  	s15 =	rddreg [dreg:$0x7];
	[sflag:s20] =	ssyncadd.s32 $0xFFFFE000  }
0x128: {  	[tilespmem:s30], [sflag:$0x4] =	stream.indirect.gather [hbm4b:s4+s26], $0x80, s15, s26, $0xb8;
	[tilespmem:$0x1E400] =	vst v63  }
0x129: {  	s12 =	rddreg [dreg:$0x8]  }
0x12a: {  	[tilespmem:s1], [sflag:$0x6] =	stream.indirect.gather [hbm4b:s4+s26], $0x80, s12, s26, $0xb8;
	[tilespmem:$0x1E400] =	vst v63  }
0x12b: {  	s12 =	sadd.s32 $0x700, s17  }
0x12c: {  	[spmem:s2] =	stream.indirect.scatter.add.f32 [tilespmem:s21], [sflag:$0x7], $0x80, s12, s29, $0xb8;
	[tilespmem:$0x1E400] =	vst v63  }
0x12d: {  	_ =	swait.ge [sflag:s22], $0x4000  }
0x12e: {  	[sflag:s22] =	ssyncset.done $0x0  }
0x12f: {  	[sflag:s22] =	ssyncadd.s32 $0xFFFFC000  }
0x130: {  	_ =	swait.ge [sflag:s0], $0x2000  }
0x131: {  	[sflag:s0] =	ssyncset.done $0x0  }
0x132: {  	[sflag:s0] =	ssyncadd.s32 $0xFFFFE000  }
0x133: {  	_ =	swait.ge [sflag:s7], $0x2000  }
0x134: {  	[sflag:s7] =	ssyncset.done $0x0  }
0x135: {  	s17 =	sadd.s32 $0x780, s17;
	[sflag:s7] =	ssyncadd.s32 $0xFFFFE000  }
0x136: {  	[spmem:s2] =	stream.indirect.scatter.add.f32 [tilespmem:s30], [sflag:$0x7], $0x80, s17, s29, $0xb8;
	[tilespmem:$0x1E400] =	vst v63  }
0x137: {  	p2 =	sne.s32 s18, $0x8000;
	_ =	swait.ge [sflag:s22], $0x4000  }
.Ltmp3:
0x138: {  	s17 =	rddreg [dreg:$0x3];
	(pc) =	sbr.rel @p2 .LBB2_6-.Ltmp3, $4  }
0x139: {  	s12 =	smin.u32 s10, s17  }
0x13a: {  	s18 =	sadd.s32 $0x1000, s18;
	s19 =	sadd.s32 $0x80, s19;
	s12 =	sadd.s32 s6, s12  }
0x13b: {  	s15 =	simm.s32 $0xC0;
	[sflag:s22] =	ssyncset.done $0x0;
	s12 =	sshll.u32 s12, $0x4  }
0x13c: {  	[sflag:s22] =	ssyncadd.s32 $0xFFFFC000;
	s10 =	sadd.s32 $0x8, s10;
	s17 =	sadd.s32 s5, s12  }
0x13d: {  	[tilespmem:s24], [sflag:$0x2] =	stream.linear.gather [hbm4b:s17+s3], $0x200, $0x38;
	[tilespmem:$0x1E400] =	vst v63  }
0x13e: {  	_ =	swait.ge [sflag:s25], $0x200  }
0x13f: {  	[sflag:s25] =	ssyncset.done $0x0  }
0x140: {  	[sflag:s25] =	ssyncadd.s32 $0xFFFFFE00  }
0x141: {  	[tilespmem:s21], [sflag:$0x3] =	stream.indirect.gather [hbm4b:s4+s26], $0x80, s3, s26, $0xb8;
	[tilespmem:$0x1E400] =	vst v63  }
0x142: {  	_ = 	snop  }
0x143: {  	[tilespmem:s28], [sflag:$0x5] =	stream.indirect.gather [hbm4b:s4+s26], $0x80, s26, s26, $0xb8;
	[tilespmem:$0x1E400] =	vst v63  }
0x144: {  	_ = 	snop  }
0x145: {  	[tilespmem:s30], [sflag:$0x4] =	stream.indirect.gather [hbm4b:s4+s26], $0x80, s29, s26, $0xb8;
	[tilespmem:$0x1E400] =	vst v63  }
0x146: {  	_ = 	snop  }
0x147: {  	[tilespmem:s1], [sflag:$0x6] =	stream.indirect.gather [hbm4b:s4+s26], $0x80, s15, s26, $0xb8;
	[tilespmem:$0x1E400] =	vst v63  }
0x148: {  	_ =	swait.ge [sflag:s23], $0x2000  }
0x149: {  	[sflag:s23] =	ssyncset.done $0x0  }
0x14a: {  	[sflag:s23] =	ssyncadd.s32 $0xFFFFE000  }
0x14b: {  	_ =	swait.ge [sflag:s20], $0x2000  }
0x14c: {  	[sflag:s20] =	ssyncset.done $0x0  }
0x14d: {  	s10 =	simm.s32 $0x2800;
	[sflag:s20] =	ssyncadd.s32 $0xFFFFE000  }
0x14e: {  	[spmem:s2] =	stream.indirect.scatter.add.f32 [tilespmem:s21], [sflag:$0x7], $0x80, s10, s29, $0xb8;
	[tilespmem:$0x1E400] =	vst v63  }
0x14f: {  	_ =	swait.ge [sflag:s22], $0x4000  }
0x150: {  	[sflag:s22] =	ssyncset.done $0x0  }
0x151: {  	[sflag:s22] =	ssyncadd.s32 $0xFFFFC000  }
0x152: {  	_ =	swait.ge [sflag:s0], $0x2000  }
0x153: {  	[sflag:s0] =	ssyncset.done $0x0  }
0x154: {  	[sflag:s0] =	ssyncadd.s32 $0xFFFFE000  }
0x155: {  	_ =	swait.ge [sflag:s7], $0x2000  }
0x156: {  	[sflag:s7] =	ssyncset.done $0x0  }
0x157: {  	[sflag:s7] =	ssyncadd.s32 $0xFFFFE000  }
0x158: {  	[tilespmem:s21], [sflag:$0x3] =	stream.indirect.gather [hbm4b:s4+s26], $0x80, s8, s26, $0xb8;
	[tilespmem:$0x1E400] =	vst v63  }
0x159: {  	_ = 	snop  }
0x15a: {  	[tilespmem:s28], [sflag:$0x5] =	stream.indirect.gather [hbm4b:s4+s26], $0x80, s11, s26, $0xb8;
	[tilespmem:$0x1E400] =	vst v63  }
0x15b: {  	s17 =	simm.s32 $0x2880  }
0x15c: {  	[spmem:s2] =	stream.indirect.scatter.add.f32 [tilespmem:s30], [sflag:$0x7], $0x80, s17, s29, $0xb8;
	[tilespmem:$0x1E400] =	vst v63  }
0x15d: {  	_ =	swait.ge [sflag:s22], $0x4000  }
0x15e: {  	[sflag:s22] =	ssyncset.done $0x0  }
0x15f: {  	[sflag:s22] =	ssyncadd.s32 $0xFFFFC000  }
0x160: {  	_ =	swait.ge [sflag:s23], $0x2000  }
0x161: {  	[sflag:s23] =	ssyncset.done $0x0  }
0x162: {  	[sflag:s23] =	ssyncadd.s32 $0xFFFFE000  }
0x163: {  	_ =	swait.ge [sflag:s20], $0x2000  }
0x164: {  	[sflag:s20] =	ssyncset.done $0x0  }
0x165: {  	[sflag:s20] =	ssyncadd.s32 $0xFFFFE000  }
0x166: {  	[tilespmem:s30], [sflag:$0x4] =	stream.indirect.gather [hbm4b:s4+s26], $0x80, s16, s26, $0xb8;
	[tilespmem:$0x1E400] =	vst v63  }
0x167: {  	_ = 	snop  }
0x168: {  	[tilespmem:s1], [sflag:$0x6] =	stream.indirect.gather [hbm4b:s4+s26], $0x80, s9, s26, $0xb8;
	[tilespmem:$0x1E400] =	vst v63  }
0x169: {  	s18 =	simm.s32 $0x2900  }
0x16a: {  	[spmem:s2] =	stream.indirect.scatter.add.f32 [tilespmem:s21], [sflag:$0x7], $0x80, s18, s29, $0xb8;
	[tilespmem:$0x1E400] =	vst v63  }
0x16b: {  	_ =	swait.ge [sflag:s22], $0x4000  }
0x16c: {  	[sflag:s22] =	ssyncset.done $0x0  }
0x16d: {  	[sflag:s22] =	ssyncadd.s32 $0xFFFFC000  }
0x16e: {  	_ =	swait.ge [sflag:s0], $0x2000  }
0x16f: {  	[sflag:s0] =	ssyncset.done $0x0  }
0x170: {  	[sflag:s0] =	ssyncadd.s32 $0xFFFFE000  }
0x171: {  	_ =	swait.ge [sflag:s7], $0x2000  }
0x172: {  	[sflag:s7] =	ssyncset.done $0x0  }
0x173: {  	s19 =	simm.s32 $0x2980;
	[sflag:s7] =	ssyncadd.s32 $0xFFFFE000  }
0x174: {  	[spmem:s2] =	stream.indirect.scatter.add.f32 [tilespmem:s30], [sflag:$0x7], $0x80, s19, s29, $0xb8;
	[tilespmem:$0x1E400] =	vst v63  }
0x175: {  	_ =	swait.ge [sflag:s22], $0x4000  }
0x176: {  	[sflag:s22] =	ssyncset.done $0x0  }
0x177: {  	[sflag:s22] =	ssyncadd.s32 $0xFFFFC000  }
0x178: {  	_ =	swait.ge [sflag:s13], $0x200  }
0x179: {  	[sflag:s13] =	ssyncset.done $0x0  }
0x17a: {  	s12 =	rddreg [dreg:$0xe];
	[sflag:s13] =	ssyncadd.s32 $0xFFFFFE00  }
0x17b: {  	[tilespmem:s21], [sflag:$0x3] =	stream.indirect.gather [hbm4b:s4+s29], $0x80, s12, s29, $0xb8;
	[tilespmem:$0x1E400] =	vst v63  }
0x17c: {  	s14 =	rddreg [dreg:$0xf]  }
0x17d: {  	[tilespmem:s30], [sflag:$0x4] =	stream.indirect.gather [hbm4b:s4+s29], $0x80, s14, s29, $0xb8;
	[tilespmem:$0x1E400] =	vst v63  }
0x17e: {  	_ =	swait.ge [sflag:s23], $0x4000  }
0x17f: {  	[sflag:s23] =	ssyncset.done $0x0  }
0x180: {  	s15 =	simm.s32 $0x2A00;
	[sflag:s23] =	ssyncadd.s32 $0xFFFFC000  }
0x181: {  	[spmem:s2] =	stream.indirect.scatter.add.f32 [tilespmem:s21], [sflag:$0x7], $0x80, s15, s29, $0xb8;
	[tilespmem:$0x1E400] =	vst v63  }
0x182: {  	_ =	swait.ge [sflag:s22], $0x4000  }
0x183: {  	[sflag:s22] =	ssyncset.done $0x0  }
0x184: {  	[sflag:s22] =	ssyncadd.s32 $0xFFFFC000  }
0x185: {  	_ =	swait.ge [sflag:s0], $0x4000  }
0x186: {  	[sflag:s0] =	ssyncset.done $0x0  }
0x187: {  	s17 =	simm.s32 $0x2A80;
	[sflag:s0] =	ssyncadd.s32 $0xFFFFC000  }
0x188: {  	[spmem:s2] =	stream.indirect.scatter.add.f32 [tilespmem:s30], [sflag:$0x7], $0x80, s17, s29, $0xb8;
	[tilespmem:$0x1E400] =	vst v63  }
0x189: {  	_ =	swait.ge [sflag:s22], $0x4000  }
0x18a: {  	s10 =	simm.s32 @!p0 $0x80;
	[sflag:s22] =	ssyncset.done $0x0  }
0x18b: {  	s12 =	simm.s32 @!p0 $0x380;
	s15 =	simm.s32 @!p0 $0x2B80;
	[sflag:s22] =	ssyncadd.s32 $0xFFFFC000  }
0x18c: {  	[tilespmem:s15], [sflag:$0x3] =	stream.indirect.gather @!p0 [hbm4b:s4+s10], $0x80, s12, s10, $0xb8;
	[tilespmem:$0x1E400] =	vst v63  }
0x18d: {  	s12 =	simm.s32 @!p0 $0x3  }
0x18e: {  	_ =	swait.ge @!p0 [sflag:s12], $0x4000  }
0x18f: {  	[sflag:s12] =	ssyncset.done @!p0 $0x0  }
0x190: {  	[sflag:s12] =	ssyncadd.s32 @!p0 $0xFFFFC000;
	s12 =	simm.s32 @!p0 $0x2B00  }
0x191: {  	[spmem:s2] =	stream.indirect.scatter.add.f32 @!p0 [tilespmem:s15], [sflag:$0x7], $0x80, s12, s10, $0xb8;
	[tilespmem:$0x1E400] =	vst v63  }
0x192: {  	s10 =	simm.s32 @!p0 $0x7  }
0x193: {  	_ =	swait.ge @!p0 [sflag:s10], $0x4000  }
0x194: {  	[sflag:s10] =	ssyncset.done @!p0 $0x0  }
0x195: {  	[sflag:s10] =	ssyncadd.s32 @!p0 $0xFFFFC000  }
0x196: {  	s18 =	stileid.u32;
	[bflag:$0x0] =	sbarrier.arrive $0xFFFF  }
.Ltmp4:
0x197: {  	s10 =	sshll.u32 s18, $0x6;
	s31 =	rddreg [dreg:$0x11];
	(pc) =	sbr.rel @!p1 .LBB2_9-.Ltmp4, $4  }
0x198: {  	s10 =	sor.u32 $0x1C07, s10;
	s14 =	rddreg [dreg:$0x13];
	s19 =	sshrl.u32 s31, $0x3  }
0x199: {  	[hbm:s14], [sflag:s10] =	dma.local [spmem:s19], $0x500  }
0x19a: {  	s18 =	sadd.s32 $0x5000, s14;
	s12 =	rddreg [dreg:$0xc]  }
0x19b: {  	s19 =	smov.u32 s31;
	_ =	swait.ge [sflag:s22], $0x500;
	s17 =	sadd.s32 $0xFFFFFFFF, s12  }
.LBB2_8:
0x19c: {  	[sflag:s22] =	ssyncset.done $0x0;
	s19 =	sadd.s32 $0x28000, s19;
	p1 =	sne.s32 s17, $0x1  }
.Ltmp5:
0x19d: {  	s12 =	sshrl.u32 s19, $0x3;
	[sflag:s22] =	ssyncadd.s32 $0xFFFFFB00;
	(pc) =	sbr.rel @p1 .LBB2_8-.Ltmp5, $3  }
0x19e: {  	[hbm:s18], [sflag:s10] =	dma.local [spmem:s12], $0x500  }
0x19f: {  	s17 =	sadd.s32 $0xFFFFFFFF, s17;
	_ =	sdelay $0x1  }
0x1a0: {  	s18 =	sadd.s32 $0x5000, s18;
	_ =	swait.ge [sflag:s22], $0x500  }
.LBB2_9:
0x1a1: {  	s12 =	rddreg [dreg:$0x14]  }
0x1a2: {  	s10 =	rddreg [dreg:$0x10];
	s12 =	sadd.s32 $0x1, s12  }
0x1a3: {  	p1 =	sne.s32 s12, s10  }
.Ltmp6:
0x1a4: {  	_ = 	snop;
	(pc) =	sbr.rel @p1 .LBB2_1-.Ltmp6, $3  }
0x1a5: {  	_ =	sdelay $0x1  }
0x1a6: {  	[sflag:s22] =	ssyncset.done $0x0;
	s14 =	simm.s32 $0x280  }
0x1a7: {  	s18 =	simm.s32 $0x300;
	s15 =	simm.s32 $0xC0;
	[sflag:s22] =	ssyncadd.s32 $0xFFFFFB00  }
0x1a8: {  	_ =	sfence.sel $0x180000  }
0x1a9: {  	[bflag:$0x0] =	sbarrier.arrive $0xFFFF  }
0x1aa: {  	_ =	strace $0x9000004A  }
0x1ab: {  	s0 =	stileid.u32;
	[bflag:$0x2] =	sbarrier.arrive $0xFFFF  }
0x1ac: {  	p0 =	sne.s32 s0, $0x0;
	s0 =	rddreg [dreg:$0x2]  }
0x1ad: {  	s0 =	sadd.s32 @!p0 $0x100000, s0  }
0x1ae: {  	[sflag:s0] =	ssyncadd.tile.s32 @!p0 $0x1;
	_ =	shalt  }
.Lfunc_end2:
_tile_overlayer_lowered:
.L_overlay_start_2:
0x1af: {  	(tag) =	ssettag $0x2  }
0x1b0: {  	s0 =	rddreg [dreg:$0x0];
	s2 =	stileid.u32  }
0x1b1: {  	s1 =	rddreg [dreg:$0x1];
	p0 =	sne.s32 s2, $0x0  }
0x1b2: {  	s3 =	rddreg [dreg:$0x2];
	[bflag:$0x3] =	sbarrier.arrive $0xFFFF;
	s2 =	simm.s32 @!p0 $0x1C07  }
0x1b3: {  	[timem:s3], [sflag:s2] =	dma.local @!p0 [hbm:s0], s1  }
0x1b4: {  	s0 =	simm.s32 @!p0 $0x7  }
0x1b5: {  	_ =	swait.ge @!p0 [sflag:s0], s1  }
0x1b6: {  	s1 =	ssub.s32 @!p0 $0x0, s1;
	[sflag:s0] =	ssyncset.done @!p0 $0x0  }
0x1b7: {  	[sflag:s0] =	ssyncadd.s32 @!p0 s1  }
0x1b8: {  	[bflag:$0x3] =	sbarrier.arrive $0xFFFF  }
0x1b9: {  	_ =	shalt  }

// kernel: kernel.15.cloned.1.call-start
scs
__scs_entry_jumppad:
0x0: {  	(pc) =	sbr.rel $0x88, $3  }
0x1: {  	(tag) =	ssettag $0x0;
	lr =	simm.s32 $0x1  }
0x2: {  	[smem:$0x3F94] =	sst lr;
	_ =	strace $0xD0000000  }
0x3: {  	_ = 	snop  }
0x4: {  	_ = 	snop  }
0x5: {  	_ = 	snop  }
0x6: {  	_ = 	snop  }
0x7: {  	_ = 	snop  }
__scs_overlays_trampoline_lowered:
0x8: {  	[smem:$0x3FA3] =	sst s0  }
0x9: {  	[smem:$0x3FA4] =	sst s1  }
0xa: {  	[smem:$0x3FA5] =	sst s2  }
0xb: {  	[smem:$0x3FA6] =	sst s3  }
0xc: {  	[smem:$0x3FA7] =	sst s4  }
0xd: {  	[smem:$0x3FA8] =	sst s5  }
0xe: {  	[smem:$0x3FA9] =	sst s6  }
0xf: {  	[smem:$0x3FAA] =	sst s7  }
0x10: {  	[smem:$0x3FAB] =	sst s8  }
0x11: {  	[smem:$0x3FAC] =	sst s9;
	s0 =	simm.s32 @!p0 $0x0  }
0x12: {  	s1 =	sld [smem:$0x3F92];
	s0 =	simm.s32 @p0 $0x1  }
0x13: {  	[smem:$0x3FAD] =	sst s0;
	s0 =	simm.s32 @!p1 $0x0  }
0x14: {  	s2 =	sld [smem:$0x3F91];
	s0 =	simm.s32 @p1 $0x1  }
0x15: {  	[smem:$0x3FAE] =	sst s0;
	s0 =	simm.s32 @!p2 $0x0  }
0x16: {  	s3 =	sld [smem:$0x3FDB];
	s0 =	simm.s32 @p2 $0x1  }
0x17: {  	s4 =	simm.s32 $0x1BF5;
	[smem:$0x3FB0] =	sst s0  }
0x18: {  	s0 =	sld [smem:$0x3F93];
	_ =	swait.ge [sflag:s4], $0x0  }
0x19: {  	s7 =	sld [smem:$0x3F94]  }
0x1a: {  	s8 =	sadd.s32 $0xFFFFE003, lr  }
0x1b: {  	s9 =	sadd.s32 $0xFFFFFEF7, lr;
	s5 =	simm.s32 $0xFFFFFFFF;
	p2 =	slt.u32 s8, $0xFFFFF086  }
0x1c: {  	p1 =	slt.u32 s9, $0xF7A;
	s5 =	simm.s32 @!p2 $0x0  }
0x1d: {  	s5 =	simm.s32 @p1 $0x1;
	p0 =	seq.s32 s7, s2  }
0x1e: {  	s7 =	smul.u32 @!p0 $0xF7A, s2;
	p2 =	seq.s32 @!p0 s5, $0x0  }
0x1f: {  	s9 =	smul.u32 $0xF7A, s1;
	s8 =	simm.s32 @!p0 $0x1BF5;
	p2 =	por !p2, p0  }
0x20: {  	[sflag:s8] =	ssyncset.s32 @!p0 $0xFFFFF086;
	s6 =	sadd.s32 @!p0 s3, s7;
	s7 =	simm.s32 @!p0 $0x108  }
0x21: {  	s3 =	sadd.s32 s3, s9;
	s6 =	sadd.s32 @!p0 $0x88, s6;
	s7 =	simm.s32 @p2 $0x1082  }
0x22: {  	[simem:s7], [sflag:s8] =	dma.local @!p0 [hbm:s6], $0xF7A  }
0x23: {  	s9 =	sor.u32 $0xD0000000, s2;
	s6 =	simm.s32 $0x108;
	_ =	swait.ge @!p0 [sflag:s8], $0x0  }
0x24: {  	s3 =	sadd.s32 $0x88, s3;
	s6 =	simm.s32 @!p1 $0x1082;
	[sflag:s4] =	ssyncset.s32 $0xFFFFF086  }
0x25: {  	[simem:s6], [sflag:s4] =	dma.local [hbm:s3], $0xF7A  }
0x26: {  	[smem:$0x3F94] =	sst s1;
	(tag) =	ssettag s2;
	_ =	strace s9  }
0x27: {  	s1 =	sld [smem:$0x3FA4]  }
0x28: {  	s2 =	sld [smem:$0x3FA5]  }
0x29: {  	s4 =	sld [smem:$0x3FA7]  }
0x2a: {  	p0 =	seq.s32 s5, $0x0;
	s5 =	sld [smem:$0x3FA8]  }
0x2b: {  	s6 =	sld [smem:$0x3FA9]  }
0x2c: {  	s7 =	sld [smem:$0x3FAA]  }
0x2d: {  	s3 =	simm.s32 $0x108;
	s8 =	sld [smem:$0x3FAB]  }
0x2e: {  	s3 =	simm.s32 @!p0 $0x1082;
	s9 =	sld [smem:$0x3FAC]  }
0x2f: {  	lr =	sadd.s32 s0, s3;
	s0 =	sld [smem:$0x3FA3]  }
0x30: {  	s3 =	sld [smem:$0x3FA6]  }
0x31: {  	[smem:$0x3FAF] =	sst s10  }
0x32: {  	s10 =	sld [smem:$0x3FAD];
	_ =	sdelay $0x3  }
0x33: {  	p0 =	seq.s32 s10, $0x1;
	s10 =	sld [smem:$0x3FAF];
	_ =	sdelay $0x3  }
0x34: {  	[smem:$0x3FAF] =	sst s10  }
0x35: {  	s10 =	sld [smem:$0x3FAE];
	_ =	sdelay $0x3  }
0x36: {  	p1 =	seq.s32 s10, $0x1;
	s10 =	sld [smem:$0x3FAF];
	_ =	sdelay $0x3  }
0x37: {  	[smem:$0x3FAF] =	sst s10  }
0x38: {  	s10 =	sld [smem:$0x3FB0]  }
0x39: {  	_ = 	snop;
	(pc) =	sbr.ind lr, $3  }
0x3a: {  	_ = 	snop  }
0x3b: {  	_ = 	snop  }
0x3c: {  	p2 =	seq.s32 s10, $0x1;
	s10 =	sld [smem:$0x3FAF]  }
0x3d: {  	_ =	shalt  }
0x3e: {  	_ =	shalt  }
0x3f: {  	_ =	shalt  }
0x40: {  	_ =	shalt  }
0x41: {  	_ =	shalt  }
0x42: {  	_ =	shalt  }
0x43: {  	_ =	shalt  }
0x44: {  	_ =	shalt  }
0x45: {  	_ =	shalt  }
0x46: {  	_ =	shalt  }
0x47: {  	_ =	shalt  }
0x48: {  	_ =	shalt  }
0x49: {  	_ =	shalt  }
0x4a: {  	_ =	shalt  }
0x4b: {  	_ =	shalt  }
0x4c: {  	_ =	shalt  }
0x4d: {  	_ =	shalt  }
0x4e: {  	_ =	shalt  }
0x4f: {  	_ =	shalt  }
0x50: {  	_ =	shalt  }
0x51: {  	_ =	shalt  }
0x52: {  	_ =	shalt  }
0x53: {  	_ =	shalt  }
0x54: {  	_ =	shalt  }
0x55: {  	_ =	shalt  }
0x56: {  	_ =	shalt  }
0x57: {  	_ =	shalt  }
0x58: {  	_ =	shalt  }
0x59: {  	_ =	shalt  }
0x5a: {  	_ =	shalt  }
0x5b: {  	_ =	shalt  }
0x5c: {  	_ =	shalt  }
0x5d: {  	_ =	shalt  }
0x5e: {  	_ =	shalt  }
0x5f: {  	_ =	shalt  }
0x60: {  	_ =	shalt  }
0x61: {  	_ =	shalt  }
0x62: {  	_ =	shalt  }
0x63: {  	_ =	shalt  }
0x64: {  	_ =	shalt  }
0x65: {  	_ =	shalt  }
0x66: {  	_ =	shalt  }
0x67: {  	_ =	shalt  }
0x68: {  	_ =	shalt  }
0x69: {  	_ =	shalt  }
0x6a: {  	_ =	shalt  }
0x6b: {  	_ =	shalt  }
0x6c: {  	_ =	shalt  }
0x6d: {  	_ =	shalt  }
0x6e: {  	_ =	shalt  }
0x6f: {  	_ =	shalt  }
0x70: {  	_ =	shalt  }
0x71: {  	_ =	shalt  }
0x72: {  	_ =	shalt  }
0x73: {  	_ =	shalt  }
0x74: {  	_ =	shalt  }
0x75: {  	_ =	shalt  }
0x76: {  	_ =	shalt  }
0x77: {  	_ =	shalt  }
0x78: {  	_ =	shalt  }
0x79: {  	_ =	shalt  }
0x7a: {  	_ =	shalt  }
0x7b: {  	_ =	shalt  }
0x7c: {  	_ =	shalt  }
0x7d: {  	_ =	shalt  }
0x7e: {  	_ =	shalt  }
0x7f: {  	_ =	shalt  }
0x80: {  	_ =	shalt  }
0x81: {  	_ =	shalt  }
0x82: {  	_ =	shalt  }
0x83: {  	_ =	shalt  }
0x84: {  	_ =	shalt  }
0x85: {  	_ =	shalt  }
0x86: {  	_ =	shalt  }
0x87: {  	_ =	shalt  }
.Lfunc_end0:
.L_simem_size_0:
called_computation.2_lowered:
.L_overlay_start_0:
0x88: {  	s2 =	sld [smem:$0x3FD9]  }
0x89: {  	s3 =	sld [smem:$0x3FFE];
	_ =	sdelay $0x1  }
0x8a: {  	s1 =	srdreg.scid  }
0x8b: {  	s0 =	sand.u32 $0x1, s1  }
0x8c: {  	s16 =	sshll.u32 s0, $0xA;
	s2 =	sadd.s32 s3, s2  }
0x8d: {  	s2 =	sadd.s32 s2, s16  }
0x8e: {  	[smem:$0x3FBB] =	sst s2  }
0x8f: {  	_ = 	snop  }
0x90: {  	(tm) =	ssettm $0x1  }
0x91: {  	s17 =	sld [smem:$0x3FFB];
	_ =	sdelay $0x3  }
0x92: {  	_ =	strace s17  }
0x93: {  	s2 =	sld [smem:$0x3FFC];
	_ =	sdelay $0x3  }
0x94: {  	_ =	strace s2  }
0x95: {  	s2 =	sld [smem:$0x3FFD];
	_ =	sdelay $0x3  }
0x96: {  	_ =	strace s2  }
0x97: {  	_ =	strace $0x8FFFFFFF  }
0x98: {  	s18 =	sld [smem:$0x3FDB];
	_ =	sdelay $0x1  }
0x99: {  	s19 =	simm.s32 $_scs_section_size  }
0x9a: {  	s4 =	simm.s32 $_size__tile_overlayer_lowered;
	s5 =	simm.s32 $_tile_overlayer_lowered  }
0x9b: {  	s22 =	simm.s32 $0x1BFF;
	s21 =	sshll.u32 s5, $0x1;
	s2 =	sadd.s32 s19, s18  }
0x9c: {  	s6 =	simm.s32 $0x0;
	s20 =	sshll.u32 s4, $0x1;
	s4 =	sadd.s32 s21, s2  }
0x9d: {  	[timem:s6], [sflag:s22] =	dma.local [hbm:s4], s20  }
0x9e: {  	_ =	swait.ge [sflag:s22], s20  }
0x9f: {  	s3 =	ssub.s32 $0x0, s20;
	[sflag:s22] =	ssyncset.done $0x0  }
0xa0: {  	[sflag:s22] =	ssyncadd.s32 s3;
	_ =	sdelay $0x1  }
0xa1: {  	s23 =	simm.s32 $0x1B8B  }
0xa2: {  	_ =	swait.ge [sflag:s23], $0x1  }
0xa3: {  	[sflag:s23] =	ssyncset.done $0x0  }
0xa4: {  	s25 =	simm.s32 $0x1B8E;
	s24 =	sld [smem:$0x3FFE];
	[sflag:s23] =	ssyncadd.s32 $0xFFFFFFFF  }
0xa5: {  	s26 =	simm.s32 $execute0_lowered;
	[smem:$0x3FD2] =	sst s25  }
0xa6: {  	s4 =	sshll.u32 s26, $0x1;
	_ =	strace $0x8000004C;
	[dreg:$0x1] =	wrdreg $0xFFFFFFFF  }
0xa7: {  	s28 =	simm.s32 $_size_execute0_lowered;
	s2 =	sadd.s32 s2, s4;
	[dreg:$0x0] =	wrdreg $0x0  }
0xa8: {  	s4 =	sshll.u32 s28, $0x1;
	[dreg:$0x2] =	wrdreg s2  }
0xa9: {  	[dreg:$0x3] =	wrdreg s4  }
0xaa: {  	[dreg:$0x4] =	wrdreg $0xC0  }
0xab: {  	_ =	task [dreg:s6], $0x5FFFF  }
0xac: {  	[dreg:$0x1] =	wrdreg $0xFFFFFFFF  }
0xad: {  	[dreg:$0x0] =	wrdreg $0x60  }
0xae: {  	[dreg:$0x2] =	wrdreg s24  }
0xaf: {  	[dreg:$0x3] =	wrdreg $0xAB800  }
0xb0: {  	[dreg:$0x4] =	wrdreg $0x9  }
0xb1: {  	_ =	task.clear_ibuf [dreg:s6], $0x5FFFF;
	_ =	strace $0x9000004C  }
0xb2: {  	s29 =	simm.s32 $0x9;
	_ =	strace $0x8000004E  }
0xb3: {  	_ =	swait.ge [sflag:s29], $0x1  }
0xb4: {  	[sflag:s29] =	ssyncadd.s32 $0xFFFFFFFF  }
0xb5: {  	_ =	strace $0x9000004E  }
0xb6: {  	_ =	sfence  }
0xb7: {  	s30 =	sld [smem:$0x0];
	_ =	sdelay $0x2  }
0xb8: {  	s31 =	sshll.u32 s1, $0xD;
	s1 =	sshrl.u32 s1, $0x2  }
0xb9: {  	s3 =	sand.u32 $0x4000, s31;
	s1 =	sadd.s32 s1, s30  }
0xba: {  	s0 =	sor.u32 s3, s0;
	s1 =	sshll.u32 s1, $0x11  }
0xbb: {  	s0 =	sor.u32 s1, s0  }
0xbc: {  	s0 =	sadd.s32 $0x8F2B, s0  }
0xbd: {  	[sflag:s0] =	ssyncadd.remote.s32 $0x1  }
0xbe: {  	_ =	sfence.sel $0xFFFF  }
0xbf: {  	[dreg:$0x0] =	wrdreg $0xFFFFFFFF;
	(pc) =	sbr.abs _section_cstart, $3  }
0xc0: {  	[dreg:$0x1] =	wrdreg $0xFFFFFFFF  }
0xc1: {  	_ =	task.clear_ibuf [dreg:s6], $0x2FFFF;
	_ =	strace $0x9FFFFFFF  }
0xc2: {  	(tm) =	ssettm $0x7FFFFFFF  }
0xc3: {  	_ =	shalt  }
tec
execute0_lowered:
.L_overlay_start_1:
0x0: {  	(tag) =	ssettag $0x1  }
0x1: {  	s0 =	srdreg.scid;
	s1 =	rddreg [dreg:$0x0]  }
0x2: {  	s15 =	stileid.u32;
	s2 =	rddreg [dreg:$0x1];
	s14 =	simm.s32 $0x280  }
0x3: {  	s22 =	simm.s32 $0x240;
	s28 =	simm.s32 $0x4B80;
	s29 =	simm.s32 $0x80  }
0x4: {  	s30 =	simm.s32 $0x6B80;
	s0 =	sand.u32 $0x1, s0;
	s9 =	smul.u32 $0x2800, s15  }
0x5: {  	s3 =	sshll.u32 s15, $0x1;
	s4 =	sadd.s32 $0x16E00, s1;
	s13 =	smul.u32 $0x9C, s15  }
0x6: {  	s5 =	sadd.s32 $0x3200, s1;
	p0 =	slt.u32 s15, $0x2;
	s20 =	smul.u32 $0xA000, s15  }
0x7: {  	s18 =	ssub.s32 $0x8C, s15;
	s6 =	sor.u32 s0, s3;
	s8 =	smul.u32 $0x138800, s0  }
0x8: {  	s3 =	simm.s32 $0x0;
	s24 =	ssub.s32 $0x2, s0;
	s0 =	smul.u32 $0x4E, s0  }
0x9: {  	s7 =	smul.u32 $0x4E, s6;
	[smem:$0x7FF] =	sst s3;
	s10 =	smin.u32 s6, $0x4  }
0xa: {  	s11 =	sshrl.u32 s24, $0x1;
	_ =	strace $0x8000004D;
	s23 =	sadd.s32 s9, s8  }
0xb: {  	s26 =	ssub.s32 s24, s11;
	s11 =	simm.s32 $0x4B;
	s8 =	sshrl.u32 s18, $0x4  }
0xc: {  	s0 =	sadd.s32 s0, s13;
	s18 =	simm.s32 $0x300;
	[dreg:$0x4] =	wrdreg s22  }
0xd: {  	s24 =	simm.s32 $0x340;
	s22 =	simm.s32 $0x7;
	s13 =	simm.s32 $0x2  }
0xe: {  	s6 =	sadd.s32 s10, s7;
	s7 =	sshrl.u32 s23, $0x3;
	s11 =	simm.s32 @!p0 $0x4A  }
0xf: {  	[dreg:$0xc] =	wrdreg s8;
	s8 =	simm.s32 $0x280;
	s0 =	sadd.s32 s10, s0  }
0x10: {  	s23 =	simm.s32 $0x2C0;
	[dreg:$0x6] =	wrdreg s24;
	s24 =	simm.s32 $0x200  }
0x11: {  	s25 =	sshll.u32 s6, $0x4;
	[dreg:$0x3] =	wrdreg s11;
	s8 =	simm.s32 @!p0 $0x300  }
0x12: {  	s0 =	sshll.u32 s0, $0x4;
	[dreg:$0x5] =	wrdreg s23;
	s23 =	simm.s32 $0x3  }
0x13: {  	s11 =	simm.s32 $0x140;
	s12 =	sadd.s32 s25, s1;
	s1 =	sadd.s32 s7, s1  }
0x14: {  	s9 =	sadd.s32 s5, s25;
	[dreg:$0xe] =	wrdreg s8;
	s8 =	sshrl.u32 s20, $0x2  }
0x15: {  	s0 =	sadd.s32 s0, s5;
	s7 =	smax.u32 s26, $0x1;
	s25 =	simm.s32 $0x380  }
0x16: {  	s26 =	simm.s32 $0x3C0;
	s20 =	simm.s32 $0x5;
	[dreg:$0xb] =	wrdreg s9  }
0x17: {  	s16 =	sadd.s32 $0xD000, s12;
	s17 =	sadd.s32 $0xD4E0, s12;
	[dreg:$0x10] =	wrdreg s7  }
0x18: {  	s19 =	sadd.s32 $0x40, s9;
	s9 =	simm.s32 $0x300;
	[dreg:$0x7] =	wrdreg s25  }
0x19: {  	s31 =	sadd.s32 s8, s2;
	s0 =	sadd.s32 $0x80, s0;
	[dreg:$0x8] =	wrdreg s26  }
0x1a: {  	s21 =	sadd.s32 $0x3E000, s1;
	s25 =	simm.s32 $0x1;
	[dreg:$0x9] =	wrdreg s16  }
0x1b: {  	s26 =	simm.s32 $0x40;
	s1 =	simm.s32 $0x8B80;
	[dreg:$0xa] =	wrdreg s17  }
0x1c: {  	s7 =	simm.s32 $0x6;
	s8 =	simm.s32 $0x100;
	[dreg:$0xd] =	wrdreg s19  }
0x1d: {  	s12 =	simm.s32 $0x0;
	s9 =	simm.s32 @!p0 $0x380;
	[dreg:$0x12] =	wrdreg s0  }
0x1e: {  	[dreg:$0x13] =	wrdreg s21;
	p0 =	sgt.u32 s15, $0x1;
	s21 =	simm.s32 $0x2B80  }
0x1f: {  	s15 =	simm.s32 $0xC0;
	s0 =	simm.s32 $0x4;
	[dreg:$0x11] =	wrdreg s31  }
0x20: {  	v0 =	vimm.f32 $0.0e+00;
	s16 =	simm.s32 $0x180;
	[dreg:$0xf] =	wrdreg s9;
	s9 =	simm.s32 $0x1C0  }
.LBB2_1:
0x21: {  	[dreg:$0x14] =	wrdreg s12  }
0x22: {  	s10 =	rddreg [dreg:$0x9];
	s19 =	simm.s32 $0x400  }
0x23: {  	[tilespmem:s19], [sflag:$0x3] =	stream.linear.gather [hbm4b:s10+s3], $0x2700, $0x38;
	[tilespmem:$0x1E400] =	vst v63  }
0x24: {  	s17 =	simm.s32 @!p0 $0x2B00;
	s12 =	rddreg [dreg:$0xa];
	s10 =	simm.s32 @!p0 $0x0  }
0x25: {  	[tilespmem:s17], [sflag:$0x7] =	stream.linear.gather @!p0 [hbm4b:s12+s10], $0x80, $0x38;
	[tilespmem:$0x1E400] =	vst v63  }
0x26: {  	s10 =	simm.s32 @!p0 $0x7  }
0x27: {  	_ =	swait.ge @!p0 [sflag:s10], $0x80  }
0x28: {  	[sflag:s10] =	ssyncset.done @!p0 $0x0  }
0x29: {  	s17 =	simm.s32 $0x3C0;
	[sflag:s10] =	ssyncadd.s32 @!p0 $0xFFFFFF80;
	s10 =	simm.s32 $0x70  }
.LBB2_2:
0x2a: {  	p1 =	sne.s32 s17, $0x9FC0;
	[tilespmem:s10+$0x2B80] =	vst v0  }
0x2b: {  	[tilespmem:s10+$0x2B10] =	vst v0  }
0x2c: {  	[tilespmem:s10+$0x2B20] =	vst v0  }
.Ltmp0:
0x2d: {  	[tilespmem:s10+$0x2B30] =	vst v0;
	(pc) =	sbr.rel @p1 .LBB2_2-.Ltmp0, $4  }
0x2e: {  	[tilespmem:s10+$0x2B40] =	vst v0  }
0x2f: {  	[tilespmem:s10+$0x2B50] =	vst v0  }
0x30: {  	[tilespmem:s10+$0x2B60] =	vst v0  }
0x31: {  	[tilespmem:s10+$0x2B70] =	vst v0;
	s10 =	sshra.s32 s17, $0x2;
	s17 =	sadd.s32 $0x200, s17  }
0x32: {  	[tilespmem:s10+$0x2B80] =	vst v0  }
0x33: {  	[tilespmem:s10+$0x2B10] =	vst v0  }
0x34: {  	[tilespmem:s10+$0x2B20] =	vst v0  }
0x35: {  	[tilespmem:s10+$0x2B30] =	vst v0  }
0x36: {  	[tilespmem:s10+$0x2B40] =	vst v0;
	s19 =	rddreg [dreg:$0xc]  }
0x37: {  	[tilespmem:s10+$0x2B50] =	vst v0;
	p1 =	sne.s32 s19, $0x1  }
.Ltmp1:
0x38: {  	[tilespmem:s10+$0x2B60] =	vst v0;
	(pc) =	sbr.rel @!p1 .LBB2_5-.Ltmp1, $4  }
0x39: {  	[tilespmem:s10+$0x2B70] =	vst v0  }
0x3a: {  	[spmem:s31] =	stream.linear.scatter [tilespmem:s21], [sflag:$0x7], $0x2800, $0x38;
	[tilespmem:$0x1E400] =	vst v63  }
0x3b: {  	_ =	swait.ge [sflag:s22], $0x2800  }
0x3c: {  	s17 =	smov.u32 s31;
	s10 =	sadd.s32 $0xFFFFFFFF, s19;
	[sflag:s22] =	ssyncset.done $0x0  }
.LBB2_4:
0x3d: {  	p2 =	sne.s32 s10, $0x1;
	[sflag:s22] =	ssyncadd.s32 $0xFFFFD800;
	s17 =	sadd.s32 $0x28000, s17  }
.Ltmp2:
0x3e: {  	s10 =	sadd.s32 $0xFFFFFFFF, s10;
	(pc) =	sbr.rel @p2 .LBB2_4-.Ltmp2, $4  }
0x3f: {  	_ = 	snop  }
0x40: {  	[spmem:s17] =	stream.linear.scatter [tilespmem:s21], [sflag:$0x7], $0x2800, $0x38;
	[tilespmem:$0x1E400] =	vst v63  }
0x41: {  	_ =	swait.ge [sflag:s22], $0x2800  }
0x42: {  	[sflag:s22] =	ssyncset.done $0x0  }
.LBB2_5:
0x43: {  	[sflag:s22] =	ssyncadd.s32 $0xFFFFD800  }
0x44: {  	_ =	swait.ge [sflag:s23], $0x2700  }
0x45: {  	[sflag:s23] =	ssyncset.done $0x0  }
0x46: {  	[sflag:s23] =	ssyncadd.s32 $0xFFFFD900  }
0x47: {  	[bflag:$0x0] =	sbarrier.arrive $0xFFFF  }
0x48: {  	s10 =	simm.s32 $0x0;
	s12 =	rddreg [dreg:$0xb]  }
0x49: {  	[tilespmem:s10], [sflag:$0x1] =	stream.linear.gather [hbm4b:s12+s10], $0x200, $0x38;
	[tilespmem:$0x1E400] =	vst v63  }
0x4a: {  	s19 =	rddreg [dreg:$0xd]  }
0x4b: {  	[tilespmem:s24], [sflag:$0x2] =	stream.linear.gather [hbm4b:s19+s10], $0x200, $0x38;
	[tilespmem:$0x1E400] =	vst v63  }
0x4c: {  	_ =	swait.ge [sflag:s25], $0x200  }
0x4d: {  	[sflag:s25] =	ssyncset.done $0x0  }
0x4e: {  	[sflag:s25] =	ssyncadd.s32 $0xFFFFFE00  }
0x4f: {  	[tilespmem:s21], [sflag:$0x3] =	stream.indirect.gather [hbm4b:s4+s26], $0x80, s3, s26, $0xb8;
	[tilespmem:$0x1E400] =	vst v63  }
0x50: {  	_ = 	snop  }
0x51: {  	[tilespmem:s28], [sflag:$0x5] =	stream.indirect.gather [hbm4b:s4+s26], $0x80, s26, s26, $0xb8;
	[tilespmem:$0x1E400] =	vst v63  }
0x52: {  	_ = 	snop  }
0x53: {  	[tilespmem:s30], [sflag:$0x4] =	stream.indirect.gather [hbm4b:s4+s26], $0x80, s29, s26, $0xb8;
	[tilespmem:$0x1E400] =	vst v63  }
0x54: {  	_ = 	snop  }
0x55: {  	[tilespmem:s1], [sflag:$0x6] =	stream.indirect.gather [hbm4b:s4+s26], $0x80, s15, s26, $0xb8;
	[tilespmem:$0x1E400] =	vst v63  }
0x56: {  	_ =	swait.ge [sflag:s23], $0x2000  }
0x57: {  	[sflag:s23] =	ssyncset.done $0x0  }
0x58: {  	[sflag:s23] =	ssyncadd.s32 $0xFFFFE000  }
0x59: {  	_ =	swait.ge [sflag:s20], $0x2000  }
0x5a: {  	[sflag:s20] =	ssyncset.done $0x0  }
0x5b: {  	s12 =	simm.s32 $0x400;
	[sflag:s20] =	ssyncadd.s32 $0xFFFFE000  }
0x5c: {  	[spmem:s2] =	stream.indirect.scatter.add.f32 [tilespmem:s21], [sflag:$0x7], $0x80, s12, s29, $0xb8;
	[tilespmem:$0x1E400] =	vst v63  }
0x5d: {  	_ =	swait.ge [sflag:s22], $0x4000  }
0x5e: {  	[sflag:s22] =	ssyncset.done $0x0  }
0x5f: {  	[sflag:s22] =	ssyncadd.s32 $0xFFFFC000  }
0x60: {  	_ =	swait.ge [sflag:s0], $0x2000  }
0x61: {  	[sflag:s0] =	ssyncset.done $0x0  }
0x62: {  	[sflag:s0] =	ssyncadd.s32 $0xFFFFE000  }
0x63: {  	_ =	swait.ge [sflag:s7], $0x2000  }
0x64: {  	[sflag:s7] =	ssyncset.done $0x0  }
0x65: {  	[sflag:s7] =	ssyncadd.s32 $0xFFFFE000  }
0x66: {  	[tilespmem:s21], [sflag:$0x3] =	stream.indirect.gather [hbm4b:s4+s26], $0x80, s8, s26, $0xb8;
	[tilespmem:$0x1E400] =	vst v63  }
0x67: {  	_ = 	snop  }
0x68: {  	[tilespmem:s28], [sflag:$0x5] =	stream.indirect.gather [hbm4b:s4+s26], $0x80, s11, s26, $0xb8;
	[tilespmem:$0x1E400] =	vst v63  }
0x69: {  	s17 =	simm.s32 $0x480  }
0x6a: {  	[spmem:s2] =	stream.indirect.scatter.add.f32 [tilespmem:s30], [sflag:$0x7], $0x80, s17, s29, $0xb8;
	[tilespmem:$0x1E400] =	vst v63  }
0x6b: {  	_ =	swait.ge [sflag:s22], $0x4000  }
0x6c: {  	[sflag:s22] =	ssyncset.done $0x0  }
0x6d: {  	[sflag:s22] =	ssyncadd.s32 $0xFFFFC000  }
0x6e: {  	_ =	swait.ge [sflag:s23], $0x2000  }
0x6f: {  	[sflag:s23] =	ssyncset.done $0x0  }
0x70: {  	[sflag:s23] =	ssyncadd.s32 $0xFFFFE000  }
0x71: {  	_ =	swait.ge [sflag:s20], $0x2000  }
0x72: {  	[sflag:s20] =	ssyncset.done $0x0  }
0x73: {  	[sflag:s20] =	ssyncadd.s32 $0xFFFFE000  }
0x74: {  	[tilespmem:s30], [sflag:$0x4] =	stream.indirect.gather [hbm4b:s4+s26], $0x80, s16, s26, $0xb8;
	[tilespmem:$0x1E400] =	vst v63  }
0x75: {  	_ = 	snop  }
0x76: {  	[tilespmem:s1], [sflag:$0x6] =	stream.indirect.gather [hbm4b:s4+s26], $0x80, s9, s26, $0xb8;
	[tilespmem:$0x1E400] =	vst v63  }
0x77: {  	s19 =	simm.s32 $0x500  }
0x78: {  	[spmem:s2] =	stream.indirect.scatter.add.f32 [tilespmem:s21], [sflag:$0x7], $0x80, s19, s29, $0xb8;
	[tilespmem:$0x1E400] =	vst v63  }
0x79: {  	_ =	swait.ge [sflag:s22], $0x4000  }
0x7a: {  	[sflag:s22] =	ssyncset.done $0x0  }
0x7b: {  	[sflag:s22] =	ssyncadd.s32 $0xFFFFC000  }
0x7c: {  	_ =	swait.ge [sflag:s0], $0x2000  }
0x7d: {  	[sflag:s0] =	ssyncset.done $0x0  }
0x7e: {  	[sflag:s0] =	ssyncadd.s32 $0xFFFFE000  }
0x7f: {  	_ =	swait.ge [sflag:s7], $0x2000  }
0x80: {  	[sflag:s7] =	ssyncset.done $0x0  }
0x81: {  	s12 =	simm.s32 $0x580;
	[sflag:s7] =	ssyncadd.s32 $0xFFFFE000  }
0x82: {  	[spmem:s2] =	stream.indirect.scatter.add.f32 [tilespmem:s30], [sflag:$0x7], $0x80, s12, s29, $0xb8;
	[tilespmem:$0x1E400] =	vst v63  }
0x83: {  	_ =	swait.ge [sflag:s22], $0x4000  }
0x84: {  	[sflag:s22] =	ssyncset.done $0x0  }
0x85: {  	s12 =	rddreg [dreg:$0x12];
	[sflag:s22] =	ssyncadd.s32 $0xFFFFC000  }
0x86: {  	[tilespmem:s3], [sflag:$0x1] =	stream.linear.gather [hbm4b:s12+s3], $0x200, $0x38;
	[tilespmem:$0x1E400] =	vst v63  }
0x87: {  	_ =	swait.ge [sflag:s13], $0x200  }
0x88: {  	[sflag:s13] =	ssyncset.done $0x0  }
0x89: {  	[sflag:s13] =	ssyncadd.s32 $0xFFFFFE00  }
0x8a: {  	[tilespmem:s21], [sflag:$0x3] =	stream.indirect.gather [hbm4b:s4+s26], $0x80, s24, s26, $0xb8;
	[tilespmem:$0x1E400] =	vst v63  }
0x8b: {  	s17 =	rddreg [dreg:$0x4]  }
0x8c: {  	[tilespmem:s28], [sflag:$0x5] =	stream.indirect.gather [hbm4b:s4+s26], $0x80, s17, s26, $0xb8;
	[tilespmem:$0x1E400] =	vst v63  }
0x8d: {  	_ = 	snop  }
0x8e: {  	[tilespmem:s30], [sflag:$0x4] =	stream.indirect.gather [hbm4b:s4+s26], $0x80, s14, s26, $0xb8;
	[tilespmem:$0x1E400] =	vst v63  }
0x8f: {  	s19 =	rddreg [dreg:$0x5]  }
0x90: {  	[tilespmem:s1], [sflag:$0x6] =	stream.indirect.gather [hbm4b:s4+s26], $0x80, s19, s26, $0xb8;
	[tilespmem:$0x1E400] =	vst v63  }
0x91: {  	_ =	swait.ge [sflag:s23], $0x2000  }
0x92: {  	[sflag:s23] =	ssyncset.done $0x0  }
0x93: {  	[sflag:s23] =	ssyncadd.s32 $0xFFFFE000  }
0x94: {  	_ =	swait.ge [sflag:s20], $0x2000  }
0x95: {  	[sflag:s20] =	ssyncset.done $0x0  }
0x96: {  	s14 =	simm.s32 $0x600;
	[sflag:s20] =	ssyncadd.s32 $0xFFFFE000  }
0x97: {  	[spmem:s2] =	stream.indirect.scatter.add.f32 [tilespmem:s21], [sflag:$0x7], $0x80, s14, s29, $0xb8;
	[tilespmem:$0x1E400] =	vst v63  }
0x98: {  	_ =	swait.ge [sflag:s22], $0x4000  }
0x99: {  	[sflag:s22] =	ssyncset.done $0x0  }
0x9a: {  	[sflag:s22] =	ssyncadd.s32 $0xFFFFC000  }
0x9b: {  	_ =	swait.ge [sflag:s0], $0x2000  }
0x9c: {  	[sflag:s0] =	ssyncset.done $0x0  }
0x9d: {  	[sflag:s0] =	ssyncadd.s32 $0xFFFFE000  }
0x9e: {  	_ =	swait.ge [sflag:s7], $0x2000  }
0x9f: {  	[sflag:s7] =	ssyncset.done $0x0  }
0xa0: {  	[sflag:s7] =	ssyncadd.s32 $0xFFFFE000  }
0xa1: {  	[tilespmem:s21], [sflag:$0x3] =	stream.indirect.gather [hbm4b:s4+s26], $0x80, s18, s26, $0xb8;
	[tilespmem:$0x1E400] =	vst v63  }
0xa2: {  	s17 =	rddreg [dreg:$0x6]  }
0xa3: {  	[tilespmem:s28], [sflag:$0x5] =	stream.indirect.gather [hbm4b:s4+s26], $0x80, s17, s26, $0xb8;
	[tilespmem:$0x1E400] =	vst v63  }
0xa4: {  	s18 =	simm.s32 $0x680  }
0xa5: {  	[spmem:s2] =	stream.indirect.scatter.add.f32 [tilespmem:s30], [sflag:$0x7], $0x80, s18, s29, $0xb8;
	[tilespmem:$0x1E400] =	vst v63  }
0xa6: {  	_ =	swait.ge [sflag:s22], $0x4000  }
0xa7: {  	[sflag:s22] =	ssyncset.done $0x0  }
0xa8: {  	[sflag:s22] =	ssyncadd.s32 $0xFFFFC000  }
0xa9: {  	_ =	swait.ge [sflag:s23], $0x2000  }
0xaa: {  	[sflag:s23] =	ssyncset.done $0x0  }
0xab: {  	[sflag:s23] =	ssyncadd.s32 $0xFFFFE000  }
0xac: {  	_ =	swait.ge [sflag:s20], $0x2000  }
0xad: {  	[sflag:s20] =	ssyncset.done $0x0  }
0xae: {  	s19 =	rddreg [dreg:$0x7];
	[sflag:s20] =	ssyncadd.s32 $0xFFFFE000  }
0xaf: {  	[tilespmem:s30], [sflag:$0x4] =	stream.indirect.gather [hbm4b:s4+s26], $0x80, s19, s26, $0xb8;
	[tilespmem:$0x1E400] =	vst v63  }
0xb0: {  	s17 =	rddreg [dreg:$0x8]  }
0xb1: {  	[tilespmem:s1], [sflag:$0x6] =	stream.indirect.gather [hbm4b:s4+s26], $0x80, s17, s26, $0xb8;
	[tilespmem:$0x1E400] =	vst v63  }
0xb2: {  	s14 =	simm.s32 $0x700  }
0xb3: {  	[spmem:s2] =	stream.indirect.scatter.add.f32 [tilespmem:s21], [sflag:$0x7], $0x80, s14, s29, $0xb8;
	[tilespmem:$0x1E400] =	vst v63  }
0xb4: {  	_ =	swait.ge [sflag:s22], $0x4000  }
0xb5: {  	[sflag:s22] =	ssyncset.done $0x0  }
0xb6: {  	[sflag:s22] =	ssyncadd.s32 $0xFFFFC000  }
0xb7: {  	_ =	swait.ge [sflag:s0], $0x2000  }
0xb8: {  	[sflag:s0] =	ssyncset.done $0x0  }
0xb9: {  	[sflag:s0] =	ssyncadd.s32 $0xFFFFE000  }
0xba: {  	_ =	swait.ge [sflag:s7], $0x2000  }
0xbb: {  	[sflag:s7] =	ssyncset.done $0x0  }
0xbc: {  	s17 =	simm.s32 $0x780;
	[sflag:s7] =	ssyncadd.s32 $0xFFFFE000  }
0xbd: {  	[spmem:s2] =	stream.indirect.scatter.add.f32 [tilespmem:s30], [sflag:$0x7], $0x80, s17, s29, $0xb8;
	[tilespmem:$0x1E400] =	vst v63  }
0xbe: {  	_ =	swait.ge [sflag:s22], $0x4000  }
0xbf: {  	s19 =	simm.s32 $0xC;
	s18 =	rddreg [dreg:$0x3]  }
0xc0: {  	s31 =	simm.s32 $0x300;
	s10 =	smin.u32 s19, s18  }
0xc1: {  	s14 =	simm.s32 $0x280;
	[sflag:s22] =	ssyncset.done $0x0;
	s10 =	sadd.s32 s6, s10  }
0xc2: {  	s18 =	simm.s32 $0x1000;
	[sflag:s22] =	ssyncadd.s32 $0xFFFFC000;
	s10 =	sshll.u32 s10, $0x4  }
0xc3: {  	s19 =	sadd.s32 $0x80, s12;
	s17 =	sadd.s32 s5, s10;
	s10 =	simm.s32 $0x14  }
.LBB2_6:
0xc4: {  	[tilespmem:s24], [sflag:$0x2] =	stream.linear.gather [hbm4b:s17+s3], $0x200, $0x38;
	[tilespmem:$0x1E400] =	vst v63  }
0xc5: {  	_ =	swait.ge [sflag:s25], $0x200  }
0xc6: {  	[sflag:s25] =	ssyncset.done $0x0  }
0xc7: {  	[sflag:s25] =	ssyncadd.s32 $0xFFFFFE00  }
0xc8: {  	[tilespmem:s21], [sflag:$0x3] =	stream.indirect.gather [hbm4b:s4+s26], $0x80, s3, s26, $0xb8;
	[tilespmem:$0x1E400] =	vst v63  }
0xc9: {  	_ = 	snop  }
0xca: {  	[tilespmem:s28], [sflag:$0x5] =	stream.indirect.gather [hbm4b:s4+s26], $0x80, s26, s26, $0xb8;
	[tilespmem:$0x1E400] =	vst v63  }
0xcb: {  	_ = 	snop  }
0xcc: {  	[tilespmem:s30], [sflag:$0x4] =	stream.indirect.gather [hbm4b:s4+s26], $0x80, s29, s26, $0xb8;
	[tilespmem:$0x1E400] =	vst v63  }
0xcd: {  	_ = 	snop  }
0xce: {  	[tilespmem:s1], [sflag:$0x6] =	stream.indirect.gather [hbm4b:s4+s26], $0x80, s15, s26, $0xb8;
	[tilespmem:$0x1E400] =	vst v63  }
0xcf: {  	_ =	swait.ge [sflag:s23], $0x2000  }
0xd0: {  	[sflag:s23] =	ssyncset.done $0x0  }
0xd1: {  	[sflag:s23] =	ssyncadd.s32 $0xFFFFE000  }
0xd2: {  	s12 =	smov.u32 s18;
	_ =	swait.ge [sflag:s20], $0x2000  }
0xd3: {  	s17 =	sshra.s32 s12, $0x2;
	[sflag:s20] =	ssyncset.done $0x0  }
0xd4: {  	s12 =	sadd.s32 $0x400, s17;
	[sflag:s20] =	ssyncadd.s32 $0xFFFFE000  }
0xd5: {  	[spmem:s2] =	stream.indirect.scatter.add.f32 [tilespmem:s21], [sflag:$0x7], $0x80, s12, s29, $0xb8;
	[tilespmem:$0x1E400] =	vst v63  }
0xd6: {  	_ =	swait.ge [sflag:s22], $0x4000  }
0xd7: {  	[sflag:s22] =	ssyncset.done $0x0  }
0xd8: {  	[sflag:s22] =	ssyncadd.s32 $0xFFFFC000  }
0xd9: {  	_ =	swait.ge [sflag:s0], $0x2000  }
0xda: {  	[sflag:s0] =	ssyncset.done $0x0  }
0xdb: {  	[sflag:s0] =	ssyncadd.s32 $0xFFFFE000  }
0xdc: {  	_ =	swait.ge [sflag:s7], $0x2000  }
0xdd: {  	[sflag:s7] =	ssyncset.done $0x0  }
0xde: {  	[sflag:s7] =	ssyncadd.s32 $0xFFFFE000  }
0xdf: {  	[tilespmem:s21], [sflag:$0x3] =	stream.indirect.gather [hbm4b:s4+s26], $0x80, s8, s26, $0xb8;
	[tilespmem:$0x1E400] =	vst v63  }
0xe0: {  	_ = 	snop  }
0xe1: {  	[tilespmem:s28], [sflag:$0x5] =	stream.indirect.gather [hbm4b:s4+s26], $0x80, s11, s26, $0xb8;
	[tilespmem:$0x1E400] =	vst v63  }
0xe2: {  	s12 =	sadd.s32 $0x480, s17  }
0xe3: {  	[spmem:s2] =	stream.indirect.scatter.add.f32 [tilespmem:s30], [sflag:$0x7], $0x80, s12, s29, $0xb8;
	[tilespmem:$0x1E400] =	vst v63  }
0xe4: {  	_ =	swait.ge [sflag:s22], $0x4000  }
0xe5: {  	[sflag:s22] =	ssyncset.done $0x0  }
0xe6: {  	[sflag:s22] =	ssyncadd.s32 $0xFFFFC000  }
0xe7: {  	_ =	swait.ge [sflag:s23], $0x2000  }
0xe8: {  	[sflag:s23] =	ssyncset.done $0x0  }
0xe9: {  	[sflag:s23] =	ssyncadd.s32 $0xFFFFE000  }
0xea: {  	_ =	swait.ge [sflag:s20], $0x2000  }
0xeb: {  	[sflag:s20] =	ssyncset.done $0x0  }
0xec: {  	[sflag:s20] =	ssyncadd.s32 $0xFFFFE000  }
0xed: {  	[tilespmem:s30], [sflag:$0x4] =	stream.indirect.gather [hbm4b:s4+s26], $0x80, s16, s26, $0xb8;
	[tilespmem:$0x1E400] =	vst v63  }
0xee: {  	_ = 	snop  }
0xef: {  	[tilespmem:s1], [sflag:$0x6] =	stream.indirect.gather [hbm4b:s4+s26], $0x80, s9, s26, $0xb8;
	[tilespmem:$0x1E400] =	vst v63  }
0xf0: {  	s12 =	sadd.s32 $0x500, s17  }
0xf1: {  	[spmem:s2] =	stream.indirect.scatter.add.f32 [tilespmem:s21], [sflag:$0x7], $0x80, s12, s29, $0xb8;
	[tilespmem:$0x1E400] =	vst v63  }
0xf2: {  	_ =	swait.ge [sflag:s22], $0x4000  }
0xf3: {  	[sflag:s22] =	ssyncset.done $0x0  }
0xf4: {  	[sflag:s22] =	ssyncadd.s32 $0xFFFFC000  }
0xf5: {  	_ =	swait.ge [sflag:s0], $0x2000  }
0xf6: {  	[sflag:s0] =	ssyncset.done $0x0  }
0xf7: {  	[sflag:s0] =	ssyncadd.s32 $0xFFFFE000  }
0xf8: {  	_ =	swait.ge [sflag:s7], $0x2000  }
0xf9: {  	[sflag:s7] =	ssyncset.done $0x0  }
0xfa: {  	s12 =	sadd.s32 $0x580, s17;
	[sflag:s7] =	ssyncadd.s32 $0xFFFFE000  }
0xfb: {  	[spmem:s2] =	stream.indirect.scatter.add.f32 [tilespmem:s30], [sflag:$0x7], $0x80, s12, s29, $0xb8;
	[tilespmem:$0x1E400] =	vst v63  }
0xfc: {  	_ =	swait.ge [sflag:s22], $0x4000  }
0xfd: {  	[sflag:s22] =	ssyncset.done $0x0  }
0xfe: {  	[sflag:s22] =	ssyncadd.s32 $0xFFFFC000  }
0xff: {  	[tilespmem:s3], [sflag:$0x1] =	stream.linear.gather [hbm4b:s19+s3], $0x200, $0x38;
	[tilespmem:$0x1E400] =	vst v63  }
0x100: {  	_ =	swait.ge [sflag:s13], $0x200  }
0x101: {  	[sflag:s13] =	ssyncset.done $0x0  }
0x102: {  	[sflag:s13] =	ssyncadd.s32 $0xFFFFFE00  }
0x103: {  	[tilespmem:s21], [sflag:$0x3] =	stream.indirect.gather [hbm4b:s4+s26], $0x80, s24, s26, $0xb8;
	[tilespmem:$0x1E400] =	vst v63  }
0x104: {  	s12 =	rddreg [dreg:$0x4]  }
0x105: {  	[tilespmem:s28], [sflag:$0x5] =	stream.indirect.gather [hbm4b:s4+s26], $0x80, s12, s26, $0xb8;
	[tilespmem:$0x1E400] =	vst v63  }
0x106: {  	_ = 	snop  }
0x107: {  	[tilespmem:s30], [sflag:$0x4] =	stream.indirect.gather [hbm4b:s4+s26], $0x80, s14, s26, $0xb8;
	[tilespmem:$0x1E400] =	vst v63  }
0x108: {  	s12 =	rddreg [dreg:$0x5]  }
0x109: {  	[tilespmem:s1], [sflag:$0x6] =	stream.indirect.gather [hbm4b:s4+s26], $0x80, s12, s26, $0xb8;
	[tilespmem:$0x1E400] =	vst v63  }
0x10a: {  	_ =	swait.ge [sflag:s23], $0x2000  }
0x10b: {  	[sflag:s23] =	ssyncset.done $0x0  }
0x10c: {  	[sflag:s23] =	ssyncadd.s32 $0xFFFFE000  }
0x10d: {  	_ =	swait.ge [sflag:s20], $0x2000  }
0x10e: {  	[sflag:s20] =	ssyncset.done $0x0  }
0x10f: {  	s12 =	sadd.s32 $0x600, s17;
	[sflag:s20] =	ssyncadd.s32 $0xFFFFE000  }
0x110: {  	[spmem:s2] =	stream.indirect.scatter.add.f32 [tilespmem:s21], [sflag:$0x7], $0x80, s12, s29, $0xb8;
	[tilespmem:$0x1E400] =	vst v63  }
0x111: {  	_ =	swait.ge [sflag:s22], $0x4000  }
0x112: {  	[sflag:s22] =	ssyncset.done $0x0  }
0x113: {  	[sflag:s22] =	ssyncadd.s32 $0xFFFFC000  }
0x114: {  	_ =	swait.ge [sflag:s0], $0x2000  }
0x115: {  	[sflag:s0] =	ssyncset.done $0x0  }
0x116: {  	[sflag:s0] =	ssyncadd.s32 $0xFFFFE000  }
0x117: {  	_ =	swait.ge [sflag:s7], $0x2000  }
0x118: {  	[sflag:s7] =	ssyncset.done $0x0  }
0x119: {  	[sflag:s7] =	ssyncadd.s32 $0xFFFFE000  }
0x11a: {  	[tilespmem:s21], [sflag:$0x3] =	stream.indirect.gather [hbm4b:s4+s26], $0x80, s31, s26, $0xb8;
	[tilespmem:$0x1E400] =	vst v63  }
0x11b: {  	s12 =	rddreg [dreg:$0x6]  }
0x11c: {  	[tilespmem:s28], [sflag:$0x5] =	stream.indirect.gather [hbm4b:s4+s26], $0x80, s12, s26, $0xb8;
	[tilespmem:$0x1E400] =	vst v63  }
0x11d: {  	s12 =	sadd.s32 $0x680, s17  }
0x11e: {  	[spmem:s2] =	stream.indirect.scatter.add.f32 [tilespmem:s30], [sflag:$0x7], $0x80, s12, s29, $0xb8;
	[tilespmem:$0x1E400] =	vst v63  }
0x11f: {  	_ =	swait.ge [sflag:s22], $0x4000  }
0x120: {  	[sflag:s22] =	ssyncset.done $0x0  }
0x121: {  	[sflag:s22] =	ssyncadd.s32 $0xFFFFC000  }
0x122: {  	_ =	swait.ge [sflag:s23], $0x2000  }
0x123: {  	[sflag:s23] =	ssyncset.done $0x0  }
0x124: {  	[sflag:s23] =	ssyncadd.s32 $0xFFFFE000  }
0x125: {  	_ =	swait.ge [sflag:s20], $0x2000  }
0x126: {  	[sflag:s20] =	ssyncset.done $0x0  }
0x127: {  	s15 =	rddreg [dreg:$0x7];
	[sflag:s20] =	ssyncadd.s32 $0xFFFFE000  }
0x128: {  	[tilespmem:s30], [sflag:$0x4] =	stream.indirect.gather [hbm4b:s4+s26], $0x80, s15, s26, $0xb8;
	[tilespmem:$0x1E400] =	vst v63  }
0x129: {  	s12 =	rddreg [dreg:$0x8]  }
0x12a: {  	[tilespmem:s1], [sflag:$0x6] =	stream.indirect.gather [hbm4b:s4+s26], $0x80, s12, s26, $0xb8;
	[tilespmem:$0x1E400] =	vst v63  }
0x12b: {  	s12 =	sadd.s32 $0x700, s17  }
0x12c: {  	[spmem:s2] =	stream.indirect.scatter.add.f32 [tilespmem:s21], [sflag:$0x7], $0x80, s12, s29, $0xb8;
	[tilespmem:$0x1E400] =	vst v63  }
0x12d: {  	_ =	swait.ge [sflag:s22], $0x4000  }
0x12e: {  	[sflag:s22] =	ssyncset.done $0x0  }
0x12f: {  	[sflag:s22] =	ssyncadd.s32 $0xFFFFC000  }
0x130: {  	_ =	swait.ge [sflag:s0], $0x2000  }
0x131: {  	[sflag:s0] =	ssyncset.done $0x0  }
0x132: {  	[sflag:s0] =	ssyncadd.s32 $0xFFFFE000  }
0x133: {  	_ =	swait.ge [sflag:s7], $0x2000  }
0x134: {  	[sflag:s7] =	ssyncset.done $0x0  }
0x135: {  	s17 =	sadd.s32 $0x780, s17;
	[sflag:s7] =	ssyncadd.s32 $0xFFFFE000  }
0x136: {  	[spmem:s2] =	stream.indirect.scatter.add.f32 [tilespmem:s30], [sflag:$0x7], $0x80, s17, s29, $0xb8;
	[tilespmem:$0x1E400] =	vst v63  }
0x137: {  	p2 =	sne.s32 s18, $0x8000;
	_ =	swait.ge [sflag:s22], $0x4000  }
.Ltmp3:
0x138: {  	s17 =	rddreg [dreg:$0x3];
	(pc) =	sbr.rel @p2 .LBB2_6-.Ltmp3, $4  }
0x139: {  	s12 =	smin.u32 s10, s17  }
0x13a: {  	s18 =	sadd.s32 $0x1000, s18;
	s19 =	sadd.s32 $0x80, s19;
	s12 =	sadd.s32 s6, s12  }
0x13b: {  	s15 =	simm.s32 $0xC0;
	[sflag:s22] =	ssyncset.done $0x0;
	s12 =	sshll.u32 s12, $0x4  }
0x13c: {  	[sflag:s22] =	ssyncadd.s32 $0xFFFFC000;
	s10 =	sadd.s32 $0x8, s10;
	s17 =	sadd.s32 s5, s12  }
0x13d: {  	[tilespmem:s24], [sflag:$0x2] =	stream.linear.gather [hbm4b:s17+s3], $0x200, $0x38;
	[tilespmem:$0x1E400] =	vst v63  }
0x13e: {  	_ =	swait.ge [sflag:s25], $0x200  }
0x13f: {  	[sflag:s25] =	ssyncset.done $0x0  }
0x140: {  	[sflag:s25] =	ssyncadd.s32 $0xFFFFFE00  }
0x141: {  	[tilespmem:s21], [sflag:$0x3] =	stream.indirect.gather [hbm4b:s4+s26], $0x80, s3, s26, $0xb8;
	[tilespmem:$0x1E400] =	vst v63  }
0x142: {  	_ = 	snop  }
0x143: {  	[tilespmem:s28], [sflag:$0x5] =	stream.indirect.gather [hbm4b:s4+s26], $0x80, s26, s26, $0xb8;
	[tilespmem:$0x1E400] =	vst v63  }
0x144: {  	_ = 	snop  }
0x145: {  	[tilespmem:s30], [sflag:$0x4] =	stream.indirect.gather [hbm4b:s4+s26], $0x80, s29, s26, $0xb8;
	[tilespmem:$0x1E400] =	vst v63  }
0x146: {  	_ = 	snop  }
0x147: {  	[tilespmem:s1], [sflag:$0x6] =	stream.indirect.gather [hbm4b:s4+s26], $0x80, s15, s26, $0xb8;
	[tilespmem:$0x1E400] =	vst v63  }
0x148: {  	_ =	swait.ge [sflag:s23], $0x2000  }
0x149: {  	[sflag:s23] =	ssyncset.done $0x0  }
0x14a: {  	[sflag:s23] =	ssyncadd.s32 $0xFFFFE000  }
0x14b: {  	_ =	swait.ge [sflag:s20], $0x2000  }
0x14c: {  	[sflag:s20] =	ssyncset.done $0x0  }
0x14d: {  	s10 =	simm.s32 $0x2800;
	[sflag:s20] =	ssyncadd.s32 $0xFFFFE000  }
0x14e: {  	[spmem:s2] =	stream.indirect.scatter.add.f32 [tilespmem:s21], [sflag:$0x7], $0x80, s10, s29, $0xb8;
	[tilespmem:$0x1E400] =	vst v63  }
0x14f: {  	_ =	swait.ge [sflag:s22], $0x4000  }
0x150: {  	[sflag:s22] =	ssyncset.done $0x0  }
0x151: {  	[sflag:s22] =	ssyncadd.s32 $0xFFFFC000  }
0x152: {  	_ =	swait.ge [sflag:s0], $0x2000  }
0x153: {  	[sflag:s0] =	ssyncset.done $0x0  }
0x154: {  	[sflag:s0] =	ssyncadd.s32 $0xFFFFE000  }
0x155: {  	_ =	swait.ge [sflag:s7], $0x2000  }
0x156: {  	[sflag:s7] =	ssyncset.done $0x0  }
0x157: {  	[sflag:s7] =	ssyncadd.s32 $0xFFFFE000  }
0x158: {  	[tilespmem:s21], [sflag:$0x3] =	stream.indirect.gather [hbm4b:s4+s26], $0x80, s8, s26, $0xb8;
	[tilespmem:$0x1E400] =	vst v63  }
0x159: {  	_ = 	snop  }
0x15a: {  	[tilespmem:s28], [sflag:$0x5] =	stream.indirect.gather [hbm4b:s4+s26], $0x80, s11, s26, $0xb8;
	[tilespmem:$0x1E400] =	vst v63  }
0x15b: {  	s17 =	simm.s32 $0x2880  }
0x15c: {  	[spmem:s2] =	stream.indirect.scatter.add.f32 [tilespmem:s30], [sflag:$0x7], $0x80, s17, s29, $0xb8;
	[tilespmem:$0x1E400] =	vst v63  }
0x15d: {  	_ =	swait.ge [sflag:s22], $0x4000  }
0x15e: {  	[sflag:s22] =	ssyncset.done $0x0  }
0x15f: {  	[sflag:s22] =	ssyncadd.s32 $0xFFFFC000  }
0x160: {  	_ =	swait.ge [sflag:s23], $0x2000  }
0x161: {  	[sflag:s23] =	ssyncset.done $0x0  }
0x162: {  	[sflag:s23] =	ssyncadd.s32 $0xFFFFE000  }
0x163: {  	_ =	swait.ge [sflag:s20], $0x2000  }
0x164: {  	[sflag:s20] =	ssyncset.done $0x0  }
0x165: {  	[sflag:s20] =	ssyncadd.s32 $0xFFFFE000  }
0x166: {  	[tilespmem:s30], [sflag:$0x4] =	stream.indirect.gather [hbm4b:s4+s26], $0x80, s16, s26, $0xb8;
	[tilespmem:$0x1E400] =	vst v63  }
0x167: {  	_ = 	snop  }
0x168: {  	[tilespmem:s1], [sflag:$0x6] =	stream.indirect.gather [hbm4b:s4+s26], $0x80, s9, s26, $0xb8;
	[tilespmem:$0x1E400] =	vst v63  }
0x169: {  	s18 =	simm.s32 $0x2900  }
0x16a: {  	[spmem:s2] =	stream.indirect.scatter.add.f32 [tilespmem:s21], [sflag:$0x7], $0x80, s18, s29, $0xb8;
	[tilespmem:$0x1E400] =	vst v63  }
0x16b: {  	_ =	swait.ge [sflag:s22], $0x4000  }
0x16c: {  	[sflag:s22] =	ssyncset.done $0x0  }
0x16d: {  	[sflag:s22] =	ssyncadd.s32 $0xFFFFC000  }
0x16e: {  	_ =	swait.ge [sflag:s0], $0x2000  }
0x16f: {  	[sflag:s0] =	ssyncset.done $0x0  }
0x170: {  	[sflag:s0] =	ssyncadd.s32 $0xFFFFE000  }
0x171: {  	_ =	swait.ge [sflag:s7], $0x2000  }
0x172: {  	[sflag:s7] =	ssyncset.done $0x0  }
0x173: {  	s19 =	simm.s32 $0x2980;
	[sflag:s7] =	ssyncadd.s32 $0xFFFFE000  }
0x174: {  	[spmem:s2] =	stream.indirect.scatter.add.f32 [tilespmem:s30], [sflag:$0x7], $0x80, s19, s29, $0xb8;
	[tilespmem:$0x1E400] =	vst v63  }
0x175: {  	_ =	swait.ge [sflag:s22], $0x4000  }
0x176: {  	[sflag:s22] =	ssyncset.done $0x0  }
0x177: {  	[sflag:s22] =	ssyncadd.s32 $0xFFFFC000  }
0x178: {  	_ =	swait.ge [sflag:s13], $0x200  }
0x179: {  	[sflag:s13] =	ssyncset.done $0x0  }
0x17a: {  	s12 =	rddreg [dreg:$0xe];
	[sflag:s13] =	ssyncadd.s32 $0xFFFFFE00  }
0x17b: {  	[tilespmem:s21], [sflag:$0x3] =	stream.indirect.gather [hbm4b:s4+s29], $0x80, s12, s29, $0xb8;
	[tilespmem:$0x1E400] =	vst v63  }
0x17c: {  	s14 =	rddreg [dreg:$0xf]  }
0x17d: {  	[tilespmem:s30], [sflag:$0x4] =	stream.indirect.gather [hbm4b:s4+s29], $0x80, s14, s29, $0xb8;
	[tilespmem:$0x1E400] =	vst v63  }
0x17e: {  	_ =	swait.ge [sflag:s23], $0x4000  }
0x17f: {  	[sflag:s23] =	ssyncset.done $0x0  }
0x180: {  	s15 =	simm.s32 $0x2A00;
	[sflag:s23] =	ssyncadd.s32 $0xFFFFC000  }
0x181: {  	[spmem:s2] =	stream.indirect.scatter.add.f32 [tilespmem:s21], [sflag:$0x7], $0x80, s15, s29, $0xb8;
	[tilespmem:$0x1E400] =	vst v63  }
0x182: {  	_ =	swait.ge [sflag:s22], $0x4000  }
0x183: {  	[sflag:s22] =	ssyncset.done $0x0  }
0x184: {  	[sflag:s22] =	ssyncadd.s32 $0xFFFFC000  }
0x185: {  	_ =	swait.ge [sflag:s0], $0x4000  }
0x186: {  	[sflag:s0] =	ssyncset.done $0x0  }
0x187: {  	s17 =	simm.s32 $0x2A80;
	[sflag:s0] =	ssyncadd.s32 $0xFFFFC000  }
0x188: {  	[spmem:s2] =	stream.indirect.scatter.add.f32 [tilespmem:s30], [sflag:$0x7], $0x80, s17, s29, $0xb8;
	[tilespmem:$0x1E400] =	vst v63  }
0x189: {  	_ =	swait.ge [sflag:s22], $0x4000  }
0x18a: {  	s10 =	simm.s32 @!p0 $0x80;
	[sflag:s22] =	ssyncset.done $0x0  }
0x18b: {  	s12 =	simm.s32 @!p0 $0x380;
	s15 =	simm.s32 @!p0 $0x2B80;
	[sflag:s22] =	ssyncadd.s32 $0xFFFFC000  }
0x18c: {  	[tilespmem:s15], [sflag:$0x3] =	stream.indirect.gather @!p0 [hbm4b:s4+s10], $0x80, s12, s10, $0xb8;
	[tilespmem:$0x1E400] =	vst v63  }
0x18d: {  	s12 =	simm.s32 @!p0 $0x3  }
0x18e: {  	_ =	swait.ge @!p0 [sflag:s12], $0x4000  }
0x18f: {  	[sflag:s12] =	ssyncset.done @!p0 $0x0  }
0x190: {  	[sflag:s12] =	ssyncadd.s32 @!p0 $0xFFFFC000;
	s12 =	simm.s32 @!p0 $0x2B00  }
0x191: {  	[spmem:s2] =	stream.indirect.scatter.add.f32 @!p0 [tilespmem:s15], [sflag:$0x7], $0x80, s12, s10, $0xb8;
	[tilespmem:$0x1E400] =	vst v63  }
0x192: {  	s10 =	simm.s32 @!p0 $0x7  }
0x193: {  	_ =	swait.ge @!p0 [sflag:s10], $0x4000  }
0x194: {  	[sflag:s10] =	ssyncset.done @!p0 $0x0  }
0x195: {  	[sflag:s10] =	ssyncadd.s32 @!p0 $0xFFFFC000  }
0x196: {  	s18 =	stileid.u32;
	[bflag:$0x0] =	sbarrier.arrive $0xFFFF  }
.Ltmp4:
0x197: {  	s10 =	sshll.u32 s18, $0x6;
	s31 =	rddreg [dreg:$0x11];
	(pc) =	sbr.rel @!p1 .LBB2_9-.Ltmp4, $4  }
0x198: {  	s10 =	sor.u32 $0x1C07, s10;
	s14 =	rddreg [dreg:$0x13];
	s19 =	sshrl.u32 s31, $0x3  }
0x199: {  	[hbm:s14], [sflag:s10] =	dma.local [spmem:s19], $0x500  }
0x19a: {  	s18 =	sadd.s32 $0x5000, s14;
	s12 =	rddreg [dreg:$0xc]  }
0x19b: {  	s19 =	smov.u32 s31;
	_ =	swait.ge [sflag:s22], $0x500;
	s17 =	sadd.s32 $0xFFFFFFFF, s12  }
.LBB2_8:
0x19c: {  	[sflag:s22] =	ssyncset.done $0x0;
	s19 =	sadd.s32 $0x28000, s19;
	p1 =	sne.s32 s17, $0x1  }
.Ltmp5:
0x19d: {  	s12 =	sshrl.u32 s19, $0x3;
	[sflag:s22] =	ssyncadd.s32 $0xFFFFFB00;
	(pc) =	sbr.rel @p1 .LBB2_8-.Ltmp5, $3  }
0x19e: {  	[hbm:s18], [sflag:s10] =	dma.local [spmem:s12], $0x500  }
0x19f: {  	s17 =	sadd.s32 $0xFFFFFFFF, s17;
	_ =	sdelay $0x1  }
0x1a0: {  	s18 =	sadd.s32 $0x5000, s18;
	_ =	swait.ge [sflag:s22], $0x500  }
.LBB2_9:
0x1a1: {  	s12 =	rddreg [dreg:$0x14]  }
0x1a2: {  	s10 =	rddreg [dreg:$0x10];
	s12 =	sadd.s32 $0x1, s12  }
0x1a3: {  	p1 =	sne.s32 s12, s10  }
.Ltmp6:
0x1a4: {  	_ = 	snop;
	(pc) =	sbr.rel @p1 .LBB2_1-.Ltmp6, $3  }
0x1a5: {  	_ =	sdelay $0x1  }
0x1a6: {  	[sflag:s22] =	ssyncset.done $0x0;
	s14 =	simm.s32 $0x280  }
0x1a7: {  	s18 =	simm.s32 $0x300;
	s15 =	simm.s32 $0xC0;
	[sflag:s22] =	ssyncadd.s32 $0xFFFFFB00  }
0x1a8: {  	_ =	sfence.sel $0x180000  }
0x1a9: {  	[bflag:$0x0] =	sbarrier.arrive $0xFFFF  }
0x1aa: {  	_ =	strace $0x9000004D  }
0x1ab: {  	s0 =	stileid.u32;
	[bflag:$0x2] =	sbarrier.arrive $0xFFFF  }
0x1ac: {  	p0 =	sne.s32 s0, $0x0;
	s0 =	rddreg [dreg:$0x2]  }
0x1ad: {  	s0 =	sadd.s32 @!p0 $0x100000, s0  }
0x1ae: {  	[sflag:s0] =	ssyncadd.tile.s32 @!p0 $0x1;
	_ =	shalt  }
.Lfunc_end2:
_tile_overlayer_lowered:
.L_overlay_start_2:
0x1af: {  	(tag) =	ssettag $0x2  }
0x1b0: {  	s0 =	rddreg [dreg:$0x0];
	s2 =	stileid.u32  }
0x1b1: {  	s1 =	rddreg [dreg:$0x1];
	p0 =	sne.s32 s2, $0x0  }
0x1b2: {  	s3 =	rddreg [dreg:$0x2];
	[bflag:$0x3] =	sbarrier.arrive $0xFFFF;
	s2 =	simm.s32 @!p0 $0x1C07  }
0x1b3: {  	[timem:s3], [sflag:s2] =	dma.local @!p0 [hbm:s0], s1  }
0x1b4: {  	s0 =	simm.s32 @!p0 $0x7  }
0x1b5: {  	_ =	swait.ge @!p0 [sflag:s0], s1  }
0x1b6: {  	s1 =	ssub.s32 @!p0 $0x0, s1;
	[sflag:s0] =	ssyncset.done @!p0 $0x0  }
0x1b7: {  	[sflag:s0] =	ssyncadd.s32 @!p0 s1  }
0x1b8: {  	[bflag:$0x3] =	sbarrier.arrive $0xFFFF  }
0x1b9: {  	_ =	shalt  }

// kernel: kernel.9.cloned.1.call-start
scs
__scs_entry_jumppad:
0x0: {  	(pc) =	sbr.rel $0x88, $3  }
0x1: {  	(tag) =	ssettag $0x0;
	lr =	simm.s32 $0x1  }
0x2: {  	[smem:$0x3F94] =	sst lr;
	_ =	strace $0xD0000000  }
0x3: {  	_ = 	snop  }
0x4: {  	_ = 	snop  }
0x5: {  	_ = 	snop  }
0x6: {  	_ = 	snop  }
0x7: {  	_ = 	snop  }
__scs_overlays_trampoline_lowered:
0x8: {  	[smem:$0x3FA3] =	sst s0  }
0x9: {  	[smem:$0x3FA4] =	sst s1  }
0xa: {  	[smem:$0x3FA5] =	sst s2  }
0xb: {  	[smem:$0x3FA6] =	sst s3  }
0xc: {  	[smem:$0x3FA7] =	sst s4  }
0xd: {  	[smem:$0x3FA8] =	sst s5  }
0xe: {  	[smem:$0x3FA9] =	sst s6  }
0xf: {  	[smem:$0x3FAA] =	sst s7  }
0x10: {  	[smem:$0x3FAB] =	sst s8  }
0x11: {  	[smem:$0x3FAC] =	sst s9;
	s0 =	simm.s32 @!p0 $0x0  }
0x12: {  	s1 =	sld [smem:$0x3F92];
	s0 =	simm.s32 @p0 $0x1  }
0x13: {  	[smem:$0x3FAD] =	sst s0;
	s0 =	simm.s32 @!p1 $0x0  }
0x14: {  	s2 =	sld [smem:$0x3F91];
	s0 =	simm.s32 @p1 $0x1  }
0x15: {  	[smem:$0x3FAE] =	sst s0;
	s0 =	simm.s32 @!p2 $0x0  }
0x16: {  	s3 =	sld [smem:$0x3FDB];
	s0 =	simm.s32 @p2 $0x1  }
0x17: {  	s4 =	simm.s32 $0x1BF5;
	[smem:$0x3FB0] =	sst s0  }
0x18: {  	s0 =	sld [smem:$0x3F93];
	_ =	swait.ge [sflag:s4], $0x0  }
0x19: {  	s7 =	sld [smem:$0x3F94]  }
0x1a: {  	s8 =	sadd.s32 $0xFFFFE003, lr  }
0x1b: {  	s9 =	sadd.s32 $0xFFFFFEF7, lr;
	s5 =	simm.s32 $0xFFFFFFFF;
	p2 =	slt.u32 s8, $0xFFFFF086  }
0x1c: {  	p1 =	slt.u32 s9, $0xF7A;
	s5 =	simm.s32 @!p2 $0x0  }
0x1d: {  	s5 =	simm.s32 @p1 $0x1;
	p0 =	seq.s32 s7, s2  }
0x1e: {  	s7 =	smul.u32 @!p0 $0xF7A, s2;
	p2 =	seq.s32 @!p0 s5, $0x0  }
0x1f: {  	s9 =	smul.u32 $0xF7A, s1;
	s8 =	simm.s32 @!p0 $0x1BF5;
	p2 =	por !p2, p0  }
0x20: {  	[sflag:s8] =	ssyncset.s32 @!p0 $0xFFFFF086;
	s6 =	sadd.s32 @!p0 s3, s7;
	s7 =	simm.s32 @!p0 $0x108  }
0x21: {  	s3 =	sadd.s32 s3, s9;
	s6 =	sadd.s32 @!p0 $0x88, s6;
	s7 =	simm.s32 @p2 $0x1082  }
0x22: {  	[simem:s7], [sflag:s8] =	dma.local @!p0 [hbm:s6], $0xF7A  }
0x23: {  	s9 =	sor.u32 $0xD0000000, s2;
	s6 =	simm.s32 $0x108;
	_ =	swait.ge @!p0 [sflag:s8], $0x0  }
0x24: {  	s3 =	sadd.s32 $0x88, s3;
	s6 =	simm.s32 @!p1 $0x1082;
	[sflag:s4] =	ssyncset.s32 $0xFFFFF086  }
0x25: {  	[simem:s6], [sflag:s4] =	dma.local [hbm:s3], $0xF7A  }
0x26: {  	[smem:$0x3F94] =	sst s1;
	(tag) =	ssettag s2;
	_ =	strace s9  }
0x27: {  	s1 =	sld [smem:$0x3FA4]  }
0x28: {  	s2 =	sld [smem:$0x3FA5]  }
0x29: {  	s4 =	sld [smem:$0x3FA7]  }
0x2a: {  	p0 =	seq.s32 s5, $0x0;
	s5 =	sld [smem:$0x3FA8]  }
0x2b: {  	s6 =	sld [smem:$0x3FA9]  }
0x2c: {  	s7 =	sld [smem:$0x3FAA]  }
0x2d: {  	s3 =	simm.s32 $0x108;
	s8 =	sld [smem:$0x3FAB]  }
0x2e: {  	s3 =	simm.s32 @!p0 $0x1082;
	s9 =	sld [smem:$0x3FAC]  }
0x2f: {  	lr =	sadd.s32 s0, s3;
	s0 =	sld [smem:$0x3FA3]  }
0x30: {  	s3 =	sld [smem:$0x3FA6]  }
0x31: {  	[smem:$0x3FAF] =	sst s10  }
0x32: {  	s10 =	sld [smem:$0x3FAD];
	_ =	sdelay $0x3  }
0x33: {  	p0 =	seq.s32 s10, $0x1;
	s10 =	sld [smem:$0x3FAF];
	_ =	sdelay $0x3  }
0x34: {  	[smem:$0x3FAF] =	sst s10  }
0x35: {  	s10 =	sld [smem:$0x3FAE];
	_ =	sdelay $0x3  }
0x36: {  	p1 =	seq.s32 s10, $0x1;
	s10 =	sld [smem:$0x3FAF];
	_ =	sdelay $0x3  }
0x37: {  	[smem:$0x3FAF] =	sst s10  }
0x38: {  	s10 =	sld [smem:$0x3FB0]  }
0x39: {  	_ = 	snop;
	(pc) =	sbr.ind lr, $3  }
0x3a: {  	_ = 	snop  }
0x3b: {  	_ = 	snop  }
0x3c: {  	p2 =	seq.s32 s10, $0x1;
	s10 =	sld [smem:$0x3FAF]  }
0x3d: {  	_ =	shalt  }
0x3e: {  	_ =	shalt  }
0x3f: {  	_ =	shalt  }
0x40: {  	_ =	shalt  }
0x41: {  	_ =	shalt  }
0x42: {  	_ =	shalt  }
0x43: {  	_ =	shalt  }
0x44: {  	_ =	shalt  }
0x45: {  	_ =	shalt  }
0x46: {  	_ =	shalt  }
0x47: {  	_ =	shalt  }
0x48: {  	_ =	shalt  }
0x49: {  	_ =	shalt  }
0x4a: {  	_ =	shalt  }
0x4b: {  	_ =	shalt  }
0x4c: {  	_ =	shalt  }
0x4d: {  	_ =	shalt  }
0x4e: {  	_ =	shalt  }
0x4f: {  	_ =	shalt  }
0x50: {  	_ =	shalt  }
0x51: {  	_ =	shalt  }
0x52: {  	_ =	shalt  }
0x53: {  	_ =	shalt  }
0x54: {  	_ =	shalt  }
0x55: {  	_ =	shalt  }
0x56: {  	_ =	shalt  }
0x57: {  	_ =	shalt  }
0x58: {  	_ =	shalt  }
0x59: {  	_ =	shalt  }
0x5a: {  	_ =	shalt  }
0x5b: {  	_ =	shalt  }
0x5c: {  	_ =	shalt  }
0x5d: {  	_ =	shalt  }
0x5e: {  	_ =	shalt  }
0x5f: {  	_ =	shalt  }
0x60: {  	_ =	shalt  }
0x61: {  	_ =	shalt  }
0x62: {  	_ =	shalt  }
0x63: {  	_ =	shalt  }
0x64: {  	_ =	shalt  }
0x65: {  	_ =	shalt  }
0x66: {  	_ =	shalt  }
0x67: {  	_ =	shalt  }
0x68: {  	_ =	shalt  }
0x69: {  	_ =	shalt  }
0x6a: {  	_ =	shalt  }
0x6b: {  	_ =	shalt  }
0x6c: {  	_ =	shalt  }
0x6d: {  	_ =	shalt  }
0x6e: {  	_ =	shalt  }
0x6f: {  	_ =	shalt  }
0x70: {  	_ =	shalt  }
0x71: {  	_ =	shalt  }
0x72: {  	_ =	shalt  }
0x73: {  	_ =	shalt  }
0x74: {  	_ =	shalt  }
0x75: {  	_ =	shalt  }
0x76: {  	_ =	shalt  }
0x77: {  	_ =	shalt  }
0x78: {  	_ =	shalt  }
0x79: {  	_ =	shalt  }
0x7a: {  	_ =	shalt  }
0x7b: {  	_ =	shalt  }
0x7c: {  	_ =	shalt  }
0x7d: {  	_ =	shalt  }
0x7e: {  	_ =	shalt  }
0x7f: {  	_ =	shalt  }
0x80: {  	_ =	shalt  }
0x81: {  	_ =	shalt  }
0x82: {  	_ =	shalt  }
0x83: {  	_ =	shalt  }
0x84: {  	_ =	shalt  }
0x85: {  	_ =	shalt  }
0x86: {  	_ =	shalt  }
0x87: {  	_ =	shalt  }
.Lfunc_end0:
.L_simem_size_0:
called_computation_lowered:
.L_overlay_start_0:
0x88: {  	s2 =	sld [smem:$0x3FD9]  }
0x89: {  	s3 =	sld [smem:$0x3FFE];
	_ =	sdelay $0x1  }
0x8a: {  	s1 =	srdreg.scid  }
0x8b: {  	s0 =	sand.u32 $0x1, s1  }
0x8c: {  	s16 =	sshll.u32 s0, $0xA;
	s2 =	sadd.s32 s3, s2  }
0x8d: {  	s2 =	sadd.s32 s2, s16  }
0x8e: {  	[smem:$0x3FBB] =	sst s2  }
0x8f: {  	_ = 	snop  }
0x90: {  	(tm) =	ssettm $0x1  }
0x91: {  	s17 =	sld [smem:$0x3FFB];
	_ =	sdelay $0x3  }
0x92: {  	_ =	strace s17  }
0x93: {  	s2 =	sld [smem:$0x3FFC];
	_ =	sdelay $0x3  }
0x94: {  	_ =	strace s2  }
0x95: {  	s2 =	sld [smem:$0x3FFD];
	_ =	sdelay $0x3  }
0x96: {  	_ =	strace s2  }
0x97: {  	_ =	strace $0x8FFFFFFF  }
0x98: {  	s18 =	sld [smem:$0x3FDB];
	_ =	sdelay $0x1  }
0x99: {  	s19 =	simm.s32 $_scs_section_size  }
0x9a: {  	s4 =	simm.s32 $_size__tile_overlayer_lowered;
	s5 =	simm.s32 $_tile_overlayer_lowered  }
0x9b: {  	s22 =	simm.s32 $0x1BFF;
	s21 =	sshll.u32 s5, $0x1;
	s2 =	sadd.s32 s19, s18  }
0x9c: {  	s6 =	simm.s32 $0x0;
	s20 =	sshll.u32 s4, $0x1;
	s4 =	sadd.s32 s21, s2  }
0x9d: {  	[timem:s6], [sflag:s22] =	dma.local [hbm:s4], s20  }
0x9e: {  	_ =	swait.ge [sflag:s22], s20  }
0x9f: {  	s3 =	ssub.s32 $0x0, s20;
	[sflag:s22] =	ssyncset.done $0x0  }
0xa0: {  	[sflag:s22] =	ssyncadd.s32 s3;
	_ =	sdelay $0x1  }
0xa1: {  	s23 =	simm.s32 $0x1B8B  }
0xa2: {  	_ =	swait.ge [sflag:s23], $0x1  }
0xa3: {  	[sflag:s23] =	ssyncset.done $0x0  }
0xa4: {  	s25 =	simm.s32 $0x1B8E;
	s24 =	sld [smem:$0x3FFE];
	[sflag:s23] =	ssyncadd.s32 $0xFFFFFFFF  }
0xa5: {  	s26 =	simm.s32 $execute0_lowered;
	[smem:$0x3FD2] =	sst s25  }
0xa6: {  	s4 =	sshll.u32 s26, $0x1;
	_ =	strace $0x80000046;
	[dreg:$0x1] =	wrdreg $0xFFFFFFFF  }
0xa7: {  	s28 =	simm.s32 $_size_execute0_lowered;
	s2 =	sadd.s32 s2, s4;
	[dreg:$0x0] =	wrdreg $0x0  }
0xa8: {  	s4 =	sshll.u32 s28, $0x1;
	[dreg:$0x2] =	wrdreg s2  }
0xa9: {  	[dreg:$0x3] =	wrdreg s4  }
0xaa: {  	[dreg:$0x4] =	wrdreg $0xC0  }
0xab: {  	_ =	task [dreg:s6], $0x5FFFF  }
0xac: {  	[dreg:$0x1] =	wrdreg $0xFFFFFFFF  }
0xad: {  	[dreg:$0x0] =	wrdreg $0x60  }
0xae: {  	[dreg:$0x2] =	wrdreg s24  }
0xaf: {  	[dreg:$0x3] =	wrdreg $0x8F800  }
0xb0: {  	[dreg:$0x4] =	wrdreg $0x9  }
0xb1: {  	_ =	task.clear_ibuf [dreg:s6], $0x5FFFF;
	_ =	strace $0x90000046  }
0xb2: {  	s29 =	simm.s32 $0x9;
	_ =	strace $0x80000048  }
0xb3: {  	_ =	swait.ge [sflag:s29], $0x1  }
0xb4: {  	[sflag:s29] =	ssyncadd.s32 $0xFFFFFFFF  }
0xb5: {  	_ =	strace $0x90000048  }
0xb6: {  	_ =	sfence  }
0xb7: {  	s30 =	sld [smem:$0x0];
	_ =	sdelay $0x2  }
0xb8: {  	s31 =	sshll.u32 s1, $0xD;
	s1 =	sshrl.u32 s1, $0x2  }
0xb9: {  	s3 =	sand.u32 $0x4000, s31;
	s1 =	sadd.s32 s1, s30  }
0xba: {  	s0 =	sor.u32 s3, s0;
	s1 =	sshll.u32 s1, $0x11  }
0xbb: {  	s0 =	sor.u32 s1, s0  }
0xbc: {  	s0 =	sadd.s32 $0x8F2B, s0  }
0xbd: {  	[sflag:s0] =	ssyncadd.remote.s32 $0x1  }
0xbe: {  	_ =	sfence.sel $0xFFFF  }
0xbf: {  	[dreg:$0x0] =	wrdreg $0xFFFFFFFF;
	(pc) =	sbr.abs _section_cstart, $3  }
0xc0: {  	[dreg:$0x1] =	wrdreg $0xFFFFFFFF  }
0xc1: {  	_ =	task.clear_ibuf [dreg:s6], $0x2FFFF;
	_ =	strace $0x9FFFFFFF  }
0xc2: {  	(tm) =	ssettm $0x7FFFFFFF  }
0xc3: {  	_ =	shalt  }
tec
execute0_lowered:
.L_overlay_start_1:
0x0: {  	(tag) =	ssettag $0x1  }
0x1: {  	s1 =	srdreg.scid;
	s5 =	rddreg [dreg:$0x0]  }
0x2: {  	s0 =	stileid.u32;
	s2 =	rddreg [dreg:$0x1]  }
0x3: {  	s3 =	simm.s32 $0x0;
	s10 =	simm.s32 $0x6780;
	s11 =	simm.s32 $0x2  }
0x4: {  	s12 =	simm.s32 $0x1;
	s13 =	simm.s32 $0x80;
	s14 =	simm.s32 $0x2780  }
0x5: {  	s15 =	simm.s32 $0x0;
	s4 =	sand.u32 $0x1, s1;
	s1 =	rddreg [dreg:$0x2]  }
0x6: {  	s24 =	sshll.u32 s0, $0x1;
	[smem:$0x7FF] =	sst s3;
	s9 =	smul.u32 $0x2800, s0  }
0x7: {  	s30 =	smul.u32 $0xA000, s0;
	s31 =	ssub.s32 $0x8C, s0;
	p0 =	sgt.u32 s0, $0x1  }
0x8: {  	s6 =	sor.u32 s4, s24;
	s8 =	smul.u32 $0x138800, s4;
	s4 =	ssub.s32 $0x2, s4  }
0x9: {  	_ =	strace $0x80000047;
	s7 =	smul.u32 $0x4E, s6;
	s26 =	sshrl.u32 s4, $0x1  }
0xa: {  	s6 =	smin.u32 s6, $0x4;
	s25 =	sadd.s32 s9, s8;
	s29 =	ssub.s32 s4, s26  }
0xb: {  	s8 =	sshrl.u32 s30, $0x2;
	s6 =	sadd.s32 s6, s7;
	s7 =	sshrl.u32 s25, $0x3  }
0xc: {  	s8 =	sadd.s32 s8, s2;
	s6 =	sshll.u32 s6, $0x4;
	s28 =	sadd.s32 s7, s5  }
0xd: {  	s7 =	smax.u32 s29, $0x1;
	s6 =	sadd.s32 s6, s5;
	s9 =	sadd.s32 $0x16E00, s28  }
0xe: {  	v0 =	vimm.f32 $1.000000000e+00;
	v1 =	vimm.f32 $0.0e+00;
	s4 =	sadd.s32 $0xD000, s6;
	s5 =	sadd.s32 $0xD4E0, s6;
	s6 =	sshrl.u32 s31, $0x4  }
.LBB2_1:
0xf: {  	[tilespmem:s3], [sflag:$0x1] =	stream.linear.gather [hbm4b:s4+s3], $0x2700, $0x38;
	[tilespmem:$0x1C800] =	vst v63  }
0x10: {  	s16 =	simm.s32 @!p0 $0x0;
	s17 =	simm.s32 @!p0 $0x2700  }
0x11: {  	[tilespmem:s17], [sflag:$0x2] =	stream.linear.gather @!p0 [hbm4b:s5+s16], $0x80, $0x38;
	[tilespmem:$0x1C800] =	vst v63  }
0x12: {  	s16 =	simm.s32 @!p0 $0x2  }
0x13: {  	_ =	swait.ge @!p0 [sflag:s16], $0x80  }
0x14: {  	[sflag:s16] =	ssyncset.done @!p0 $0x0  }
0x15: {  	s17 =	simm.s32 $0x200;
	[sflag:s16] =	ssyncadd.s32 @!p0 $0xFFFFFF80;
	s16 =	simm.s32 $0x0  }
.LBB2_2:
0x16: {  	p1 =	sne.s32 s17, $0xFE00;
	[tilespmem:s16+$0x27F0] =	vst v0  }
0x17: {  	[tilespmem:s16+$0x2780] =	vst v0  }
0x18: {  	[tilespmem:s16+$0x2790] =	vst v0  }
.Ltmp0:
0x19: {  	[tilespmem:s16+$0x27A0] =	vst v0;
	(pc) =	sbr.rel @p1 .LBB2_2-.Ltmp0, $4  }
0x1a: {  	[tilespmem:s16+$0x27B0] =	vst v0  }
0x1b: {  	[tilespmem:s16+$0x27C0] =	vst v0  }
0x1c: {  	[tilespmem:s16+$0x27D0] =	vst v0  }
0x1d: {  	[tilespmem:s16+$0x27E0] =	vst v0;
	s16 =	sshra.s32 s17, $0x2;
	s17 =	sadd.s32 $0x200, s17  }
0x1e: {  	[tilespmem:s16+$0x27F0] =	vst v0  }
0x1f: {  	[tilespmem:s16+$0x2780] =	vst v0  }
0x20: {  	[tilespmem:s16+$0x2790] =	vst v0  }
0x21: {  	[tilespmem:s16+$0x27A0] =	vst v0  }
0x22: {  	[tilespmem:s16+$0x27B0] =	vst v0  }
0x23: {  	[tilespmem:s16+$0x27C0] =	vst v0  }
0x24: {  	[tilespmem:s16+$0x27D0] =	vst v0  }
0x25: {  	[tilespmem:s16+$0x27E0] =	vst v0;
	s16 =	simm.s32 $0x70;
	s17 =	simm.s32 $0x3C0  }
.LBB2_4:
0x26: {  	p1 =	sne.s32 s17, $0x9FC0;
	[tilespmem:s16+$0x6780] =	vst v1  }
0x27: {  	[tilespmem:s16+$0x6710] =	vst v1  }
0x28: {  	[tilespmem:s16+$0x6720] =	vst v1  }
.Ltmp1:
0x29: {  	[tilespmem:s16+$0x6730] =	vst v1;
	(pc) =	sbr.rel @p1 .LBB2_4-.Ltmp1, $4  }
0x2a: {  	[tilespmem:s16+$0x6740] =	vst v1  }
0x2b: {  	[tilespmem:s16+$0x6750] =	vst v1  }
0x2c: {  	[tilespmem:s16+$0x6760] =	vst v1  }
0x2d: {  	[tilespmem:s16+$0x6770] =	vst v1;
	s16 =	sshra.s32 s17, $0x2;
	s17 =	sadd.s32 $0x200, s17  }
0x2e: {  	[tilespmem:s16+$0x6780] =	vst v1  }
0x2f: {  	[tilespmem:s16+$0x6710] =	vst v1  }
0x30: {  	[tilespmem:s16+$0x6720] =	vst v1  }
0x31: {  	[tilespmem:s16+$0x6730] =	vst v1  }
0x32: {  	[tilespmem:s16+$0x6740] =	vst v1  }
0x33: {  	[tilespmem:s16+$0x6750] =	vst v1;
	p1 =	sne.s32 s6, $0x1  }
.Ltmp2:
0x34: {  	[tilespmem:s16+$0x6760] =	vst v1;
	(pc) =	sbr.rel @!p1 .LBB2_7-.Ltmp2, $4  }
0x35: {  	[tilespmem:s16+$0x6770] =	vst v1  }
0x36: {  	[spmem:s8] =	stream.linear.scatter [tilespmem:s10], [sflag:$0x2], $0x2800, $0x38;
	[tilespmem:$0x1C800] =	vst v63  }
0x37: {  	_ =	swait.ge [sflag:s11], $0x2800  }
0x38: {  	s16 =	sadd.s32 $0xFFFFFFFF, s6;
	s17 =	smov.u32 s8;
	[sflag:s11] =	ssyncset.done $0x0  }
.LBB2_6:
0x39: {  	p2 =	sne.s32 s16, $0x1;
	[sflag:s11] =	ssyncadd.s32 $0xFFFFD800;
	s17 =	sadd.s32 $0x28000, s17  }
.Ltmp3:
0x3a: {  	s16 =	sadd.s32 $0xFFFFFFFF, s16;
	(pc) =	sbr.rel @p2 .LBB2_6-.Ltmp3, $4  }
0x3b: {  	_ = 	snop  }
0x3c: {  	[spmem:s17] =	stream.linear.scatter [tilespmem:s10], [sflag:$0x2], $0x2800, $0x38;
	[tilespmem:$0x1C800] =	vst v63  }
0x3d: {  	_ =	swait.ge [sflag:s11], $0x2800  }
0x3e: {  	[sflag:s11] =	ssyncset.done $0x0  }
.LBB2_7:
0x3f: {  	[sflag:s11] =	ssyncadd.s32 $0xFFFFD800  }
0x40: {  	_ =	swait.ge [sflag:s12], $0x2700  }
0x41: {  	[sflag:s12] =	ssyncset.done $0x0  }
0x42: {  	[sflag:s12] =	ssyncadd.s32 $0xFFFFD900  }
0x43: {  	s16 =	simm.s32 $0x0;
	[bflag:$0x0] =	sbarrier.arrive $0xFFFF  }
0x44: {  	[spmem:s2] =	stream.indirect.scatter.add.f32 [tilespmem:s14], [sflag:$0x2], $0x80, s16, s13, $0xb8;
	[tilespmem:$0x1C800] =	vst v63  }
0x45: {  	_ =	swait.ge [sflag:s11], $0x4000  }
0x46: {  	s16 =	simm.s32 $0x200;
	[sflag:s11] =	ssyncset.done $0x0  }
.LBB2_8:
0x47: {  	s17 =	sshra.s32 s16, $0x2;
	[sflag:s11] =	ssyncadd.s32 $0xFFFFC000;
	p2 =	sne.s32 s16, $0x9A00  }
0x48: {  	[spmem:s2] =	stream.indirect.scatter.add.f32 [tilespmem:s14], [sflag:$0x2], $0x80, s17, s13, $0xb8;
	[tilespmem:$0x1C800] =	vst v63  }
.Ltmp4:
0x49: {  	_ = 	snop;
	(pc) =	sbr.rel @p2 .LBB2_8-.Ltmp4, $4  }
0x4a: {  	_ = 	snop  }
0x4b: {  	s16 =	sadd.s32 $0x200, s16  }
0x4c: {  	_ =	swait.ge [sflag:s11], $0x4000  }
0x4d: {  	[sflag:s11] =	ssyncset.done $0x0  }
0x4e: {  	[sflag:s11] =	ssyncadd.s32 $0xFFFFC000  }
0x4f: {  	s16 =	simm.s32 @!p0 $0x80;
	s17 =	simm.s32 @!p0 $0x2700;
	s18 =	simm.s32 @!p0 $0x2780  }
0x50: {  	[spmem:s2] =	stream.indirect.scatter.add.f32 @!p0 [tilespmem:s18], [sflag:$0x2], $0x80, s17, s16, $0xb8;
	[tilespmem:$0x1C800] =	vst v63  }
0x51: {  	s16 =	simm.s32 @!p0 $0x2  }
0x52: {  	_ =	swait.ge @!p0 [sflag:s16], $0x4000  }
.Ltmp5:
0x53: {  	[sflag:s16] =	ssyncset.done @!p0 $0x0;
	(pc) =	sbr.rel @!p1 .LBB2_11-.Ltmp5, $4  }
0x54: {  	s30 =	sshll.u32 s0, $0x6;
	s31 =	sshrl.u32 s8, $0x3;
	[sflag:s16] =	ssyncadd.s32 @!p0 $0xFFFFC000  }
0x55: {  	s19 =	smov.u32 s8;
	s16 =	sor.u32 $0x1C02, s30;
	[bflag:$0x0] =	sbarrier.arrive $0xFFFF  }
0x56: {  	[hbm:s9], [sflag:s16] =	dma.local [spmem:s31], $0x500  }
0x57: {  	s17 =	sadd.s32 $0xFFFFFFFF, s6;
	s18 =	sadd.s32 $0x5000, s9;
	_ =	swait.ge [sflag:s11], $0x500  }
.LBB2_10:
0x58: {  	[sflag:s11] =	ssyncset.done $0x0;
	s19 =	sadd.s32 $0x28000, s19;
	p1 =	sne.s32 s17, $0x1  }
.Ltmp6:
0x59: {  	s20 =	sshrl.u32 s19, $0x3;
	[sflag:s11] =	ssyncadd.s32 $0xFFFFFB00;
	(pc) =	sbr.rel @p1 .LBB2_10-.Ltmp6, $3  }
0x5a: {  	[hbm:s18], [sflag:s16] =	dma.local [spmem:s20], $0x500  }
0x5b: {  	s17 =	sadd.s32 $0xFFFFFFFF, s17;
	_ =	sdelay $0x1  }
0x5c: {  	s18 =	sadd.s32 $0x5000, s18;
	_ =	swait.ge [sflag:s11], $0x500  }
.LBB2_11:
0x5d: {  	s15 =	sadd.s32 $0x1, s15  }
0x5e: {  	p1 =	sne.s32 s15, s7  }
.Ltmp7:
0x5f: {  	_ = 	snop;
	(pc) =	sbr.rel @p1 .LBB2_1-.Ltmp7, $3  }
0x60: {  	_ =	sdelay $0x1  }
0x61: {  	[sflag:s11] =	ssyncset.done $0x0  }
0x62: {  	[sflag:s11] =	ssyncadd.s32 $0xFFFFFB00  }
0x63: {  	_ =	sfence.sel $0x180000  }
0x64: {  	[bflag:$0x0] =	sbarrier.arrive $0xFFFF  }
0x65: {  	p0 =	sne.s32 s0, $0x0;
	_ =	strace $0x90000047  }
0x66: {  	s0 =	sadd.s32 @!p0 $0x100000, s1;
	[bflag:$0x2] =	sbarrier.arrive $0xFFFF  }
0x67: {  	[sflag:s0] =	ssyncadd.tile.s32 @!p0 $0x1;
	_ =	shalt  }
.Lfunc_end2:
_tile_overlayer_lowered:
.L_overlay_start_2:
0x68: {  	(tag) =	ssettag $0x2  }
0x69: {  	s0 =	rddreg [dreg:$0x0];
	s2 =	stileid.u32  }
0x6a: {  	s1 =	rddreg [dreg:$0x1];
	p0 =	sne.s32 s2, $0x0  }
0x6b: {  	s3 =	rddreg [dreg:$0x2];
	[bflag:$0x3] =	sbarrier.arrive $0xFFFF;
	s2 =	simm.s32 @!p0 $0x1C02  }
0x6c: {  	[timem:s3], [sflag:s2] =	dma.local @!p0 [hbm:s0], s1  }
0x6d: {  	s0 =	simm.s32 @!p0 $0x2  }
0x6e: {  	_ =	swait.ge @!p0 [sflag:s0], s1  }
0x6f: {  	s1 =	ssub.s32 @!p0 $0x0, s1;
	[sflag:s0] =	ssyncset.done @!p0 $0x0  }
0x70: {  	[sflag:s0] =	ssyncadd.s32 @!p0 s1  }
0x71: {  	[bflag:$0x3] =	sbarrier.arrive $0xFFFF  }
0x72: {  	_ =	shalt  }

</sc_bundles>
